<compile_context>
chip_gen: v7x
topology: tpu7x:2x2x1
jax: 0.10.2.dev20260603
libtpu: 0.0.44.dev20260713+nightly
codegen_flags: <defaults>
</compile_context>

<pallas_src>
import functools

import jax
import jax.numpy as jnp
from jax import lax
from jax.experimental import pallas as pl
from jax.experimental.pallas import tpu as pltpu
from jax.experimental.pallas import tpu_sc as plsc

_H = 200
_BATCH = 4096
_D = 64
_BB = 128
_NH = 2
_STEPS = _H // _NH


@functools.lru_cache(maxsize=None)
def _make():
    info = plsc.get_sparse_core_info()
    nw = info.num_cores * info.num_subcores
    assert nw * _BB == _BATCH

    mesh = plsc.VectorSubcoreMesh(core_axis_name="c", subcore_axis_name="s")

    @functools.partial(
        pl.kernel,
        mesh=mesh,
        out_type=jax.ShapeDtypeStruct((_H, 8, 32, 8, 128), jnp.float32),
        scratch_types=(
            [pltpu.VMEM((_H, _BB), jnp.int32)]
            + [pltpu.VMEM((_NH, _BB, _D), jnp.float32) for _ in range(2)]
            + [pltpu.VMEM((_NH, 8, 8, 128), jnp.float32) for _ in range(2)]
            + [pltpu.SemaphoreType.DMA for _ in range(4)]
        ),
        compiler_params=pltpu.CompilerParams(
            use_tc_tiling_on_sc=False, needs_layout_passes=False,
            disable_bounds_checks=True),
    )
    def k(xst_hbm, table_hbm, out_hbm, idxt, g0, g1, o0, o1, sg0, sg1, sw0, sw1):
        grows = (g0, g1)
        ot = (o0, o1)
        sg = (sg0, sg1)
        sw = (sw0, sw1)
        wid = lax.axis_index("s") * info.num_cores + lax.axis_index("c")
        col = wid * _BB

        iota = lax.iota(jnp.int32, 16)
        zero16 = jnp.zeros((16,), jnp.int32)

        pltpu.sync_copy(xst_hbm.at[:, pl.ds(col, _BB)], idxt)

        def g_start(s, b):
            for hh in range(_NH):
                pltpu.async_copy(
                    table_hbm.at[idxt.at[_NH * s + hh]], grows[b].at[hh],
                    sg[b])

        def g_wait(b):
            for hh in range(_NH):
                pltpu.make_async_copy(
                    table_hbm.at[idxt.at[0]], grows[b].at[hh], sg[b]).wait()

        def w_start(s, b):
            pltpu.async_copy(
                ot[b], out_hbm.at[pl.ds(_NH * s, _NH), :, wid, :, :], sw[b])

        def w_wait(b):
            pltpu.make_async_copy(
                ot[b], out_hbm.at[pl.ds(0, _NH), :, wid, :, :], sw[b]).wait()

        def extract(b):
            def blk(t, carry):
                hh = t >> 5
                tt = t & 31
                rowv = iota + (tt % 8) * 16
                src0 = rowv * 64 + hh * (_BB * _D)
                f0 = (tt // 8) * 16
                for l in range(16):
                    fl = f0 + l
                    off = hh * 8192 + (fl >> 3) * 1024 + (fl & 7) * 128
                    val = plsc.load_gather(
                        grows[b], [zero16, zero16, src0 + fl])
                    plsc.store_scatter(
                        ot[b], [zero16, zero16, zero16, rowv + off], val)
                return carry

            lax.fori_loop(0, 32 * _NH, blk, 0)

        for s in range(2):
            g_start(s, s)
        for s in range(2):
            g_wait(s)
            extract(s)
            w_start(s, s)
            g_start(s + 2, s)

        def body(g, carry):
            for b in range(2):
                s = 2 * g + b
                g_wait(b)
                w_wait(b)
                extract(b)
                w_start(s, b)
                g_start(s + 2, b)
            return carry

        lax.fori_loop(1, _STEPS // 2 - 1, body, 0)

        for s in (_STEPS - 2, _STEPS - 1):
            b = s % 2
            g_wait(b)
            w_wait(b)
            extract(b)
            w_start(s, b)
        w_wait(0)
        w_wait(1)

    return k


def kernel(xs, table):
    out5 = _make()(xs.T, table)
    return out5.transpose(2, 4, 0, 1, 3).reshape(_BATCH, _H, _D)

# --- scband reference (transcript-rebuilt; emitter-appended) ---
"""Pipeline reference for scband-embed-layer-30459908063428 (READ-ONLY COPY).

The authoritative reference and input builder live on the scoring server;
editing this copy changes nothing except your own understanding.
"""

import jax, jax.numpy as jnp
import numpy as np

NUM_EMBEDDINGS = 1000000
EMBEDDING_DIM = 64
BATCH = 4096
HIST_LEN = 200


def setup_inputs(seed: int = 0) -> dict:
    key = jax.random.key(seed)
    k1, k2 = jax.random.split(key)
    xs = jax.random.randint(k1, (BATCH, HIST_LEN), 0, NUM_EMBEDDINGS, dtype=jnp.int64 if jax.config.jax_enable_x64 else jnp.int32)
    table = jax.random.normal(k2, (NUM_EMBEDDINGS, EMBEDDING_DIM), dtype=jnp.float32)
    return {"xs": xs, "table": table}


def reference(xs, table):
    # EmbedLayer.forward: embeds = self.embedding(xs); dropout p=0.0 -> no-op
    embeds = jnp.take(table, xs, axis=0)
    return embeds

if __name__ == "__main__":
    import jax
    _d = setup_inputs()
    print(jax.jit(kernel)(*tuple(_d.values())))

</pallas_src>

<mosaic_0001>
#map = affine_map<(d0, d1) -> (0, 0)>
#map1 = affine_map<(d0, d1) -> (0, 0, 0, 0, 0)>
module attributes {stable_mosaic.version = 14 : i64} {
  func.func @k(%arg0: i32, %arg1: i32, %arg2: memref<200x4096xi32, #tpu.memory_space<hbm>>, %arg3: memref<1000000x64xf32, #tpu.memory_space<hbm>>, %arg4: memref<200x8x32x8x128xf32, #tpu.memory_space<hbm>>, %arg5: memref<200x128xi32, #tpu.memory_space<vmem>>, %arg6: memref<2x128x64xf32, #tpu.memory_space<vmem>>, %arg7: memref<2x128x64xf32, #tpu.memory_space<vmem>>, %arg8: memref<2x8x8x128xf32, #tpu.memory_space<vmem>>, %arg9: memref<2x8x8x128xf32, #tpu.memory_space<vmem>>, %arg10: memref<!tpu.dma_semaphore, #tpu.memory_space<semaphore_mem>>, %arg11: memref<!tpu.dma_semaphore, #tpu.memory_space<semaphore_mem>>, %arg12: memref<!tpu.dma_semaphore, #tpu.memory_space<semaphore_mem>>, %arg13: memref<!tpu.dma_semaphore, #tpu.memory_space<semaphore_mem>>) attributes {dimension_semantics = [#tpu.dimension_semantics<core_parallel>, #tpu.dimension_semantics<subcore_parallel>], iteration_bounds = array<i64: 2, 16>, scalar_prefetch = 0 : i64, scratch_operands = 9 : i64, tpu.core_type = #tpu.core_type<sc_vector_subcore>, window_params = [{transform_indices = #map}, {transform_indices = #map}, {transform_indices = #map1}]} {
    %mul3A = arith.constant 2 : i32
    %mul3A_0 = arith.muli %arg1, %mul3A : i32
    %add3A = arith.addi %mul3A_0, %arg0 : i32
    %mul3A_1 = arith.constant 128 : i32
    %mul3A_2 = arith.muli %add3A, %mul3A_1 : i32
    %iota3A = tpu.iota {dimensions = array<i32: 0>} : vector<16xi32>
    %broadcast_in_dim3A = arith.constant 0 : i32
    %broadcast_in_dim3A_3 = vector.broadcast %broadcast_in_dim3A : i32 to vector<16xi32>
    "tpu.region"() ({
      %run_scoped3A = tpu.sem_alloc : memref<!tpu.dma_semaphore, #tpu.memory_space<semaphore_mem>>
      %dma_start3A_319 = arith.constant 0 : i32
      %dma_start3A_320 = tpu.memref_slice %arg2[%dma_start3A_319, %mul3A_2] : memref<200x4096xi32, #tpu.memory_space<hbm>> -> memref<200x128xi32, #tpu.memory_space<hbm>>
      %dma_start3A_321 = arith.constant 0 : i32
      %dma_start3A_322 = tpu.memref_slice %arg2[%dma_start3A_321, %mul3A_2] : memref<200x4096xi32, #tpu.memory_space<hbm>> -> memref<200x128xi32, #tpu.memory_space<hbm>>
      tpu.enqueue_dma source(%dma_start3A_322 : memref<200x128xi32, #tpu.memory_space<hbm>>) target(%arg5 : memref<200x128xi32, #tpu.memory_space<vmem>>) target_semaphore(%run_scoped3A : memref<!tpu.dma_semaphore, #tpu.memory_space<semaphore_mem>>)
      %dma_wait3A_323 = arith.constant 0 : i32
      %dma_wait3A_324 = tpu.memref_slice %arg2[%dma_wait3A_323, %mul3A_2] : memref<200x4096xi32, #tpu.memory_space<hbm>> -> memref<200x128xi32, #tpu.memory_space<hbm>>
      %dma_wait3A_325 = arith.constant 0 : i32
      %dma_wait3A_326 = tpu.memref_slice %arg2[%dma_wait3A_325, %mul3A_2] : memref<200x4096xi32, #tpu.memory_space<hbm>> -> memref<200x128xi32, #tpu.memory_space<hbm>>
      tpu.wait_dma2 semaphore(%run_scoped3A : memref<!tpu.dma_semaphore, #tpu.memory_space<semaphore_mem>>) src(%dma_wait3A_326 : memref<200x128xi32, #tpu.memory_space<hbm>>) dst(%arg5 : memref<200x128xi32, #tpu.memory_space<vmem>>)
      tpu.yield
    }) : () -> ()
    %dma_start3A = arith.constant 0 : i32
    %dma_start3A_4 = arith.constant 0 : i32
    %dma_start3A_5 = arith.constant 0 : i32
    %dma_start3A_6 = arith.constant 0 : i32
    %dma_start3A_7 = tpu.memref_slice %arg6[%dma_start3A_4, %dma_start3A_5, %dma_start3A_6] : memref<2x128x64xf32, #tpu.memory_space<vmem>> -> memref<1x128x64xf32, #tpu.memory_space<vmem>>
    %dma_start3A_8 = tpu.memref_squeeze %dma_start3A_7 : memref<1x128x64xf32, #tpu.memory_space<vmem>> -> memref<128x64xf32, #tpu.memory_space<vmem>>
    %dma_start3A_9 = arith.constant 0 : i32
    %dma_start3A_10 = tpu.memref_slice %arg5[%dma_start3A, %dma_start3A_9] : memref<200x128xi32, #tpu.memory_space<vmem>> -> memref<1x128xi32, #tpu.memory_space<vmem>>
    %dma_start3A_11 = tpu.memref_squeeze %dma_start3A_10 : memref<1x128xi32, #tpu.memory_space<vmem>> -> memref<128xi32, #tpu.memory_space<vmem>>
    %dma_start3A_12 = arith.constant 0 : i32
    %dma_start3A_13 = arith.constant 0 : i32
    %dma_start3A_14 = tpu.memref_slice %arg3[%dma_start3A_12, %dma_start3A_13] : memref<1000000x64xf32, #tpu.memory_space<hbm>> -> memref<1000000x64xf32, #tpu.memory_space<hbm>>
    tpu.enqueue_indirect_dma source(%dma_start3A_14 : memref<1000000x64xf32, #tpu.memory_space<hbm>>) target(%dma_start3A_8 : memref<128x64xf32, #tpu.memory_space<vmem>>) offsets(%dma_start3A_11 : memref<128xi32, #tpu.memory_space<vmem>>) semaphore(%arg10 : memref<!tpu.dma_semaphore, #tpu.memory_space<semaphore_mem>>)
    %dma_start3A_15 = arith.constant 1 : i32
    %dma_start3A_16 = arith.constant 1 : i32
    %dma_start3A_17 = arith.constant 0 : i32
    %dma_start3A_18 = arith.constant 0 : i32
    %dma_start3A_19 = tpu.memref_slice %arg6[%dma_start3A_16, %dma_start3A_17, %dma_start3A_18] : memref<2x128x64xf32, #tpu.memory_space<vmem>> -> memref<1x128x64xf32, #tpu.memory_space<vmem>>
    %dma_start3A_20 = tpu.memref_squeeze %dma_start3A_19 : memref<1x128x64xf32, #tpu.memory_space<vmem>> -> memref<128x64xf32, #tpu.memory_space<vmem>>
    %dma_start3A_21 = arith.constant 0 : i32
    %dma_start3A_22 = tpu.memref_slice %arg5[%dma_start3A_15, %dma_start3A_21] : memref<200x128xi32, #tpu.memory_space<vmem>> -> memref<1x128xi32, #tpu.memory_space<vmem>>
    %dma_start3A_23 = tpu.memref_squeeze %dma_start3A_22 : memref<1x128xi32, #tpu.memory_space<vmem>> -> memref<128xi32, #tpu.memory_space<vmem>>
    %dma_start3A_24 = arith.constant 0 : i32
    %dma_start3A_25 = arith.constant 0 : i32
    %dma_start3A_26 = tpu.memref_slice %arg3[%dma_start3A_24, %dma_start3A_25] : memref<1000000x64xf32, #tpu.memory_space<hbm>> -> memref<1000000x64xf32, #tpu.memory_space<hbm>>
    tpu.enqueue_indirect_dma source(%dma_start3A_26 : memref<1000000x64xf32, #tpu.memory_space<hbm>>) target(%dma_start3A_20 : memref<128x64xf32, #tpu.memory_space<vmem>>) offsets(%dma_start3A_23 : memref<128xi32, #tpu.memory_space<vmem>>) semaphore(%arg10 : memref<!tpu.dma_semaphore, #tpu.memory_space<semaphore_mem>>)
    %dma_start3A_27 = arith.constant 2 : i32
    %dma_start3A_28 = arith.constant 0 : i32
    %dma_start3A_29 = arith.constant 0 : i32
    %dma_start3A_30 = arith.constant 0 : i32
    %dma_start3A_31 = tpu.memref_slice %arg7[%dma_start3A_28, %dma_start3A_29, %dma_start3A_30] : memref<2x128x64xf32, #tpu.memory_space<vmem>> -> memref<1x128x64xf32, #tpu.memory_space<vmem>>
    %dma_start3A_32 = tpu.memref_squeeze %dma_start3A_31 : memref<1x128x64xf32, #tpu.memory_space<vmem>> -> memref<128x64xf32, #tpu.memory_space<vmem>>
    %dma_start3A_33 = arith.constant 0 : i32
    %dma_start3A_34 = tpu.memref_slice %arg5[%dma_start3A_27, %dma_start3A_33] : memref<200x128xi32, #tpu.memory_space<vmem>> -> memref<1x128xi32, #tpu.memory_space<vmem>>
    %dma_start3A_35 = tpu.memref_squeeze %dma_start3A_34 : memref<1x128xi32, #tpu.memory_space<vmem>> -> memref<128xi32, #tpu.memory_space<vmem>>
    %dma_start3A_36 = arith.constant 0 : i32
    %dma_start3A_37 = arith.constant 0 : i32
    %dma_start3A_38 = tpu.memref_slice %arg3[%dma_start3A_36, %dma_start3A_37] : memref<1000000x64xf32, #tpu.memory_space<hbm>> -> memref<1000000x64xf32, #tpu.memory_space<hbm>>
    tpu.enqueue_indirect_dma source(%dma_start3A_38 : memref<1000000x64xf32, #tpu.memory_space<hbm>>) target(%dma_start3A_32 : memref<128x64xf32, #tpu.memory_space<vmem>>) offsets(%dma_start3A_35 : memref<128xi32, #tpu.memory_space<vmem>>) semaphore(%arg11 : memref<!tpu.dma_semaphore, #tpu.memory_space<semaphore_mem>>)
    %dma_start3A_39 = arith.constant 3 : i32
    %dma_start3A_40 = arith.constant 1 : i32
    %dma_start3A_41 = arith.constant 0 : i32
    %dma_start3A_42 = arith.constant 0 : i32
    %dma_start3A_43 = tpu.memref_slice %arg7[%dma_start3A_40, %dma_start3A_41, %dma_start3A_42] : memref<2x128x64xf32, #tpu.memory_space<vmem>> -> memref<1x128x64xf32, #tpu.memory_space<vmem>>
    %dma_start3A_44 = tpu.memref_squeeze %dma_start3A_43 : memref<1x128x64xf32, #tpu.memory_space<vmem>> -> memref<128x64xf32, #tpu.memory_space<vmem>>
    %dma_start3A_45 = arith.constant 0 : i32
    %dma_start3A_46 = tpu.memref_slice %arg5[%dma_start3A_39, %dma_start3A_45] : memref<200x128xi32, #tpu.memory_space<vmem>> -> memref<1x128xi32, #tpu.memory_space<vmem>>
    %dma_start3A_47 = tpu.memref_squeeze %dma_start3A_46 : memref<1x128xi32, #tpu.memory_space<vmem>> -> memref<128xi32, #tpu.memory_space<vmem>>
    %dma_start3A_48 = arith.constant 0 : i32
    %dma_start3A_49 = arith.constant 0 : i32
    %dma_start3A_50 = tpu.memref_slice %arg3[%dma_start3A_48, %dma_start3A_49] : memref<1000000x64xf32, #tpu.memory_space<hbm>> -> memref<1000000x64xf32, #tpu.memory_space<hbm>>
    tpu.enqueue_indirect_dma source(%dma_start3A_50 : memref<1000000x64xf32, #tpu.memory_space<hbm>>) target(%dma_start3A_44 : memref<128x64xf32, #tpu.memory_space<vmem>>) offsets(%dma_start3A_47 : memref<128xi32, #tpu.memory_space<vmem>>) semaphore(%arg11 : memref<!tpu.dma_semaphore, #tpu.memory_space<semaphore_mem>>)
    %dma_wait3A = arith.constant 0 : i32
    %dma_wait3A_51 = arith.constant 0 : i32
    %dma_wait3A_52 = arith.constant 0 : i32
    %dma_wait3A_53 = arith.constant 0 : i32
    %dma_wait3A_54 = tpu.memref_slice %arg6[%dma_wait3A_51, %dma_wait3A_52, %dma_wait3A_53] : memref<2x128x64xf32, #tpu.memory_space<vmem>> -> memref<1x128x64xf32, #tpu.memory_space<vmem>>
    %dma_wait3A_55 = tpu.memref_squeeze %dma_wait3A_54 : memref<1x128x64xf32, #tpu.memory_space<vmem>> -> memref<128x64xf32, #tpu.memory_space<vmem>>
    %dma_wait3A_56 = arith.constant 0 : i32
    %dma_wait3A_57 = tpu.memref_slice %arg5[%dma_wait3A, %dma_wait3A_56] : memref<200x128xi32, #tpu.memory_space<vmem>> -> memref<1x128xi32, #tpu.memory_space<vmem>>
    %dma_wait3A_58 = tpu.memref_squeeze %dma_wait3A_57 : memref<1x128xi32, #tpu.memory_space<vmem>> -> memref<128xi32, #tpu.memory_space<vmem>>
    %dma_wait3A_59 = arith.constant 0 : i32
    %dma_wait3A_60 = arith.constant 0 : i32
    %dma_wait3A_61 = tpu.memref_slice %arg3[%dma_wait3A_59, %dma_wait3A_60] : memref<1000000x64xf32, #tpu.memory_space<hbm>> -> memref<1000000x64xf32, #tpu.memory_space<hbm>>
    tpu.wait_indirect_dma semaphore(%arg10 : memref<!tpu.dma_semaphore, #tpu.memory_space<semaphore_mem>>) src(%dma_wait3A_61 : memref<1000000x64xf32, #tpu.memory_space<hbm>>) dst(%dma_wait3A_55 : memref<128x64xf32, #tpu.memory_space<vmem>>)
    %dma_wait3A_62 = arith.constant 0 : i32
    %dma_wait3A_63 = arith.constant 1 : i32
    %dma_wait3A_64 = arith.constant 0 : i32
    %dma_wait3A_65 = arith.constant 0 : i32
    %dma_wait3A_66 = tpu.memref_slice %arg6[%dma_wait3A_63, %dma_wait3A_64, %dma_wait3A_65] : memref<2x128x64xf32, #tpu.memory_space<vmem>> -> memref<1x128x64xf32, #tpu.memory_space<vmem>>
    %dma_wait3A_67 = tpu.memref_squeeze %dma_wait3A_66 : memref<1x128x64xf32, #tpu.memory_space<vmem>> -> memref<128x64xf32, #tpu.memory_space<vmem>>
    %dma_wait3A_68 = arith.constant 0 : i32
    %dma_wait3A_69 = tpu.memref_slice %arg5[%dma_wait3A_62, %dma_wait3A_68] : memref<200x128xi32, #tpu.memory_space<vmem>> -> memref<1x128xi32, #tpu.memory_space<vmem>>
    %dma_wait3A_70 = tpu.memref_squeeze %dma_wait3A_69 : memref<1x128xi32, #tpu.memory_space<vmem>> -> memref<128xi32, #tpu.memory_space<vmem>>
    %dma_wait3A_71 = arith.constant 0 : i32
    %dma_wait3A_72 = arith.constant 0 : i32
    %dma_wait3A_73 = tpu.memref_slice %arg3[%dma_wait3A_71, %dma_wait3A_72] : memref<1000000x64xf32, #tpu.memory_space<hbm>> -> memref<1000000x64xf32, #tpu.memory_space<hbm>>
    tpu.wait_indirect_dma semaphore(%arg10 : memref<!tpu.dma_semaphore, #tpu.memory_space<semaphore_mem>>) src(%dma_wait3A_73 : memref<1000000x64xf32, #tpu.memory_space<hbm>>) dst(%dma_wait3A_67 : memref<128x64xf32, #tpu.memory_space<vmem>>)
    %scan3A = arith.constant 0 : i32
    %scan3A_74 = arith.constant 0 : i32
    %scan3A_75 = arith.constant 64 : i32
    %scan3A_76 = arith.addi %scan3A_74, %scan3A_75 : i32
    %scan3A_77 = arith.constant 1 : i32
    scf.for %scan3A_319 = %scan3A_74 to %scan3A_76 step %scan3A_77  : i32 {
      %shift_right_arithmetic3A = arith.constant 5 : i32
      %shift_right_arithmetic3A_320 = arith.shrsi %scan3A_319, %shift_right_arithmetic3A : i32
      %and3A = arith.constant 31 : i32
      %and3A_321 = arith.andi %scan3A_319, %and3A : i32
      %jit3A = arith.constant 8 : i32
      %eq3A = arith.constant 0 : i32
      %eq3A_322 = arith.cmpi eq, %jit3A, %eq3A : i32
      %jit3A_323 = arith.constant 1 : i32
      %select_n3A = arith.select %eq3A_322, %jit3A_323, %jit3A : i32
      %rem3A = arith.remsi %and3A_321, %select_n3A : i32
      %ne3A = arith.constant 0 : i32
      %ne3A_324 = arith.cmpi ne, %rem3A, %ne3A : i32
      %lt3A = arith.constant 0 : i32
      %lt3A_325 = arith.cmpi slt, %rem3A, %lt3A : i32
      %lt3A_326 = arith.constant 0 : i32
      %lt3A_327 = arith.cmpi slt, %select_n3A, %lt3A_326 : i32
      %ne3A_328 = arith.xori %lt3A_325, %lt3A_327 : i1
      %and3A_329 = arith.andi %ne3A_328, %ne3A_324 : i1
      %add3A_330 = arith.addi %rem3A, %select_n3A : i32
      %select_n3A_331 = arith.select %and3A_329, %add3A_330, %rem3A : i32
      %mul3A_332 = arith.constant 16 : i32
      %mul3A_333 = arith.muli %select_n3A_331, %mul3A_332 : i32
      %add3A_334 = vector.broadcast %mul3A_333 : i32 to vector<16xi32>
      %add3A_335 = arith.addi %iota3A, %add3A_334 : vector<16xi32>
      %mul3A_336 = arith.constant 64 : i32
      %mul3A_337 = vector.broadcast %mul3A_336 : i32 to vector<16xi32>
      %mul3A_338 = arith.muli %add3A_335, %mul3A_337 : vector<16xi32>
      %mul3A_339 = arith.constant 8192 : i32
      %mul3A_340 = arith.muli %shift_right_arithmetic3A_320, %mul3A_339 : i32
      %add3A_341 = vector.broadcast %mul3A_340 : i32 to vector<16xi32>
      %add3A_342 = arith.addi %mul3A_338, %add3A_341 : vector<16xi32>
      %jit3A_343 = arith.constant 8 : i32
      %div3A = arith.divsi %and3A_321, %jit3A_343 : i32
      %sign3A = arith.constant 0 : i32
      %sign3A_344 = arith.cmpi sgt, %and3A_321, %sign3A : i32
      %sign3A_345 = arith.extui %sign3A_344 : i1 to i32
      %sign3A_346 = arith.constant 0 : i32
      %sign3A_347 = arith.cmpi slt, %and3A_321, %sign3A_346 : i32
      %sign3A_348 = arith.extui %sign3A_347 : i1 to i32
      %sign3A_349 = arith.subi %sign3A_345, %sign3A_348 : i32
      %sign3A_350 = arith.constant 0 : i32
      %sign3A_351 = arith.cmpi sgt, %jit3A_343, %sign3A_350 : i32
      %sign3A_352 = arith.extui %sign3A_351 : i1 to i32
      %sign3A_353 = arith.constant 0 : i32
      %sign3A_354 = arith.cmpi slt, %jit3A_343, %sign3A_353 : i32
      %sign3A_355 = arith.extui %sign3A_354 : i1 to i32
      %sign3A_356 = arith.subi %sign3A_352, %sign3A_355 : i32
      %ne3A_357 = arith.cmpi ne, %sign3A_349, %sign3A_356 : i32
      %rem3A_358 = arith.remsi %and3A_321, %jit3A_343 : i32
      %ne3A_359 = arith.constant 0 : i32
      %ne3A_360 = arith.cmpi ne, %rem3A_358, %ne3A_359 : i32
      %and3A_361 = arith.andi %ne3A_357, %ne3A_360 : i1
      %sub3A = arith.constant 1 : i32
      %sub3A_362 = arith.subi %div3A, %sub3A : i32
      %select_n3A_363 = arith.select %and3A_361, %sub3A_362, %div3A : i32
      %mul3A_364 = arith.constant 16 : i32
      %mul3A_365 = arith.muli %select_n3A_363, %mul3A_364 : i32
      %add3A_366 = arith.constant 0 : i32
      %add3A_367 = arith.addi %mul3A_365, %add3A_366 : i32
      %mul3A_368 = arith.constant 8192 : i32
      %mul3A_369 = arith.muli %shift_right_arithmetic3A_320, %mul3A_368 : i32
      %shift_right_arithmetic3A_370 = arith.constant 3 : i32
      %shift_right_arithmetic3A_371 = arith.shrsi %add3A_367, %shift_right_arithmetic3A_370 : i32
      %mul3A_372 = arith.constant 1024 : i32
      %mul3A_373 = arith.muli %shift_right_arithmetic3A_371, %mul3A_372 : i32
      %add3A_374 = arith.addi %mul3A_369, %mul3A_373 : i32
      %and3A_375 = arith.constant 7 : i32
      %and3A_376 = arith.andi %add3A_367, %and3A_375 : i32
      %mul3A_377 = arith.constant 128 : i32
      %mul3A_378 = arith.muli %and3A_376, %mul3A_377 : i32
      %add3A_379 = arith.addi %add3A_374, %mul3A_378 : i32
      %add3A_380 = vector.broadcast %add3A_367 : i32 to vector<16xi32>
      %add3A_381 = arith.addi %add3A_342, %add3A_380 : vector<16xi32>
      %gather3A = tpu.vector_load_idx %arg6[%broadcast_in_dim3A_3, %broadcast_in_dim3A_3, %add3A_381] : memref<2x128x64xf32, #tpu.memory_space<vmem>>[vector<16xi32>, vector<16xi32>, vector<16xi32>], vector<16xf32>,
      %add3A_382 = vector.broadcast %add3A_379 : i32 to vector<16xi32>
      %add3A_383 = arith.addi %add3A_335, %add3A_382 : vector<16xi32>
      tpu.vector_store_idx %arg8[%broadcast_in_dim3A_3, %broadcast_in_dim3A_3, %broadcast_in_dim3A_3, %add3A_383], %gather3A : memref<2x8x8x128xf32, #tpu.memory_space<vmem>>[vector<16xi32>, vector<16xi32>, vector<16xi32>, vector<16xi32>], vector<16xf32>,
      %add3A_384 = arith.constant 1 : i32
      %add3A_385 = arith.addi %mul3A_365, %add3A_384 : i32
      %mul3A_386 = arith.constant 8192 : i32
      %mul3A_387 = arith.muli %shift_right_arithmetic3A_320, %mul3A_386 : i32
      %shift_right_arithmetic3A_388 = arith.constant 3 : i32
      %shift_right_arithmetic3A_389 = arith.shrsi %add3A_385, %shift_right_arithmetic3A_388 : i32
      %mul3A_390 = arith.constant 1024 : i32
      %mul3A_391 = arith.muli %shift_right_arithmetic3A_389, %mul3A_390 : i32
      %add3A_392 = arith.addi %mul3A_387, %mul3A_391 : i32
      %and3A_393 = arith.constant 7 : i32
      %and3A_394 = arith.andi %add3A_385, %and3A_393 : i32
      %mul3A_395 = arith.constant 128 : i32
      %mul3A_396 = arith.muli %and3A_394, %mul3A_395 : i32
      %add3A_397 = arith.addi %add3A_392, %mul3A_396 : i32
      %add3A_398 = vector.broadcast %add3A_385 : i32 to vector<16xi32>
      %add3A_399 = arith.addi %add3A_342, %add3A_398 : vector<16xi32>
      %gather3A_400 = tpu.vector_load_idx %arg6[%broadcast_in_dim3A_3, %broadcast_in_dim3A_3, %add3A_399] : memref<2x128x64xf32, #tpu.memory_space<vmem>>[vector<16xi32>, vector<16xi32>, vector<16xi32>], vector<16xf32>,
      %add3A_401 = vector.broadcast %add3A_397 : i32 to vector<16xi32>
      %add3A_402 = arith.addi %add3A_335, %add3A_401 : vector<16xi32>
      tpu.vector_store_idx %arg8[%broadcast_in_dim3A_3, %broadcast_in_dim3A_3, %broadcast_in_dim3A_3, %add3A_402], %gather3A_400 : memref<2x8x8x128xf32, #tpu.memory_space<vmem>>[vector<16xi32>, vector<16xi32>, vector<16xi32>, vector<16xi32>], vector<16xf32>,
      %add3A_403 = arith.constant 2 : i32
      %add3A_404 = arith.addi %mul3A_365, %add3A_403 : i32
      %mul3A_405 = arith.constant 8192 : i32
      %mul3A_406 = arith.muli %shift_right_arithmetic3A_320, %mul3A_405 : i32
      %shift_right_arithmetic3A_407 = arith.constant 3 : i32
      %shift_right_arithmetic3A_408 = arith.shrsi %add3A_404, %shift_right_arithmetic3A_407 : i32
      %mul3A_409 = arith.constant 1024 : i32
      %mul3A_410 = arith.muli %shift_right_arithmetic3A_408, %mul3A_409 : i32
      %add3A_411 = arith.addi %mul3A_406, %mul3A_410 : i32
      %and3A_412 = arith.constant 7 : i32
      %and3A_413 = arith.andi %add3A_404, %and3A_412 : i32
      %mul3A_414 = arith.constant 128 : i32
      %mul3A_415 = arith.muli %and3A_413, %mul3A_414 : i32
      %add3A_416 = arith.addi %add3A_411, %mul3A_415 : i32
      %add3A_417 = vector.broadcast %add3A_404 : i32 to vector<16xi32>
      %add3A_418 = arith.addi %add3A_342, %add3A_417 : vector<16xi32>
      %gather3A_419 = tpu.vector_load_idx %arg6[%broadcast_in_dim3A_3, %broadcast_in_dim3A_3, %add3A_418] : memref<2x128x64xf32, #tpu.memory_space<vmem>>[vector<16xi32>, vector<16xi32>, vector<16xi32>], vector<16xf32>,
      %add3A_420 = vector.broadcast %add3A_416 : i32 to vector<16xi32>
      %add3A_421 = arith.addi %add3A_335, %add3A_420 : vector<16xi32>
      tpu.vector_store_idx %arg8[%broadcast_in_dim3A_3, %broadcast_in_dim3A_3, %broadcast_in_dim3A_3, %add3A_421], %gather3A_419 : memref<2x8x8x128xf32, #tpu.memory_space<vmem>>[vector<16xi32>, vector<16xi32>, vector<16xi32>, vector<16xi32>], vector<16xf32>,
      %add3A_422 = arith.constant 3 : i32
      %add3A_423 = arith.addi %mul3A_365, %add3A_422 : i32
      %mul3A_424 = arith.constant 8192 : i32
      %mul3A_425 = arith.muli %shift_right_arithmetic3A_320, %mul3A_424 : i32
      %shift_right_arithmetic3A_426 = arith.constant 3 : i32
      %shift_right_arithmetic3A_427 = arith.shrsi %add3A_423, %shift_right_arithmetic3A_426 : i32
      %mul3A_428 = arith.constant 1024 : i32
      %mul3A_429 = arith.muli %shift_right_arithmetic3A_427, %mul3A_428 : i32
      %add3A_430 = arith.addi %mul3A_425, %mul3A_429 : i32
      %and3A_431 = arith.constant 7 : i32
      %and3A_432 = arith.andi %add3A_423, %and3A_431 : i32
      %mul3A_433 = arith.constant 128 : i32
      %mul3A_434 = arith.muli %and3A_432, %mul3A_433 : i32
      %add3A_435 = arith.addi %add3A_430, %mul3A_434 : i32
      %add3A_436 = vector.broadcast %add3A_423 : i32 to vector<16xi32>
      %add3A_437 = arith.addi %add3A_342, %add3A_436 : vector<16xi32>
      %gather3A_438 = tpu.vector_load_idx %arg6[%broadcast_in_dim3A_3, %broadcast_in_dim3A_3, %add3A_437] : memref<2x128x64xf32, #tpu.memory_space<vmem>>[vector<16xi32>, vector<16xi32>, vector<16xi32>], vector<16xf32>,
      %add3A_439 = vector.broadcast %add3A_435 : i32 to vector<16xi32>
      %add3A_440 = arith.addi %add3A_335, %add3A_439 : vector<16xi32>
      tpu.vector_store_idx %arg8[%broadcast_in_dim3A_3, %broadcast_in_dim3A_3, %broadcast_in_dim3A_3, %add3A_440], %gather3A_438 : memref<2x8x8x128xf32, #tpu.memory_space<vmem>>[vector<16xi32>, vector<16xi32>, vector<16xi32>, vector<16xi32>], vector<16xf32>,
      %add3A_441 = arith.constant 4 : i32
      %add3A_442 = arith.addi %mul3A_365, %add3A_441 : i32
      %mul3A_443 = arith.constant 8192 : i32
      %mul3A_444 = arith.muli %shift_right_arithmetic3A_320, %mul3A_443 : i32
      %shift_right_arithmetic3A_445 = arith.constant 3 : i32
      %shift_right_arithmetic3A_446 = arith.shrsi %add3A_442, %shift_right_arithmetic3A_445 : i32
      %mul3A_447 = arith.constant 1024 : i32
      %mul3A_448 = arith.muli %shift_right_arithmetic3A_446, %mul3A_447 : i32
      %add3A_449 = arith.addi %mul3A_444, %mul3A_448 : i32
      %and3A_450 = arith.constant 7 : i32
      %and3A_451 = arith.andi %add3A_442, %and3A_450 : i32
      %mul3A_452 = arith.constant 128 : i32
      %mul3A_453 = arith.muli %and3A_451, %mul3A_452 : i32
      %add3A_454 = arith.addi %add3A_449, %mul3A_453 : i32
      %add3A_455 = vector.broadcast %add3A_442 : i32 to vector<16xi32>
      %add3A_456 = arith.addi %add3A_342, %add3A_455 : vector<16xi32>
      %gather3A_457 = tpu.vector_load_idx %arg6[%broadcast_in_dim3A_3, %broadcast_in_dim3A_3, %add3A_456] : memref<2x128x64xf32, #tpu.memory_space<vmem>>[vector<16xi32>, vector<16xi32>, vector<16xi32>], vector<16xf32>,
      %add3A_458 = vector.broadcast %add3A_454 : i32 to vector<16xi32>
      %add3A_459 = arith.addi %add3A_335, %add3A_458 : vector<16xi32>
      tpu.vector_store_idx %arg8[%broadcast_in_dim3A_3, %broadcast_in_dim3A_3, %broadcast_in_dim3A_3, %add3A_459], %gather3A_457 : memref<2x8x8x128xf32, #tpu.memory_space<vmem>>[vector<16xi32>, vector<16xi32>, vector<16xi32>, vector<16xi32>], vector<16xf32>,
      %add3A_460 = arith.constant 5 : i32
      %add3A_461 = arith.addi %mul3A_365, %add3A_460 : i32
      %mul3A_462 = arith.constant 8192 : i32
      %mul3A_463 = arith.muli %shift_right_arithmetic3A_320, %mul3A_462 : i32
      %shift_right_arithmetic3A_464 = arith.constant 3 : i32
      %shift_right_arithmetic3A_465 = arith.shrsi %add3A_461, %shift_right_arithmetic3A_464 : i32
      %mul3A_466 = arith.constant 1024 : i32
      %mul3A_467 = arith.muli %shift_right_arithmetic3A_465, %mul3A_466 : i32
      %add3A_468 = arith.addi %mul3A_463, %mul3A_467 : i32
      %and3A_469 = arith.constant 7 : i32
      %and3A_470 = arith.andi %add3A_461, %and3A_469 : i32
      %mul3A_471 = arith.constant 128 : i32
      %mul3A_472 = arith.muli %and3A_470, %mul3A_471 : i32
      %add3A_473 = arith.addi %add3A_468, %mul3A_472 : i32
      %add3A_474 = vector.broadcast %add3A_461 : i32 to vector<16xi32>
      %add3A_475 = arith.addi %add3A_342, %add3A_474 : vector<16xi32>
      %gather3A_476 = tpu.vector_load_idx %arg6[%broadcast_in_dim3A_3, %broadcast_in_dim3A_3, %add3A_475] : memref<2x128x64xf32, #tpu.memory_space<vmem>>[vector<16xi32>, vector<16xi32>, vector<16xi32>], vector<16xf32>,
      %add3A_477 = vector.broadcast %add3A_473 : i32 to vector<16xi32>
      %add3A_478 = arith.addi %add3A_335, %add3A_477 : vector<16xi32>
      tpu.vector_store_idx %arg8[%broadcast_in_dim3A_3, %broadcast_in_dim3A_3, %broadcast_in_dim3A_3, %add3A_478], %gather3A_476 : memref<2x8x8x128xf32, #tpu.memory_space<vmem>>[vector<16xi32>, vector<16xi32>, vector<16xi32>, vector<16xi32>], vector<16xf32>,
      %add3A_479 = arith.constant 6 : i32
      %add3A_480 = arith.addi %mul3A_365, %add3A_479 : i32
      %mul3A_481 = arith.constant 8192 : i32
      %mul3A_482 = arith.muli %shift_right_arithmetic3A_320, %mul3A_481 : i32
      %shift_right_arithmetic3A_483 = arith.constant 3 : i32
      %shift_right_arithmetic3A_484 = arith.shrsi %add3A_480, %shift_right_arithmetic3A_483 : i32
      %mul3A_485 = arith.constant 1024 : i32
      %mul3A_486 = arith.muli %shift_right_arithmetic3A_484, %mul3A_485 : i32
      %add3A_487 = arith.addi %mul3A_482, %mul3A_486 : i32
      %and3A_488 = arith.constant 7 : i32
      %and3A_489 = arith.andi %add3A_480, %and3A_488 : i32
      %mul3A_490 = arith.constant 128 : i32
      %mul3A_491 = arith.muli %and3A_489, %mul3A_490 : i32
      %add3A_492 = arith.addi %add3A_487, %mul3A_491 : i32
      %add3A_493 = vector.broadcast %add3A_480 : i32 to vector<16xi32>
      %add3A_494 = arith.addi %add3A_342, %add3A_493 : vector<16xi32>
      %gather3A_495 = tpu.vector_load_idx %arg6[%broadcast_in_dim3A_3, %broadcast_in_dim3A_3, %add3A_494] : memref<2x128x64xf32, #tpu.memory_space<vmem>>[vector<16xi32>, vector<16xi32>, vector<16xi32>], vector<16xf32>,
      %add3A_496 = vector.broadcast %add3A_492 : i32 to vector<16xi32>
      %add3A_497 = arith.addi %add3A_335, %add3A_496 : vector<16xi32>
      tpu.vector_store_idx %arg8[%broadcast_in_dim3A_3, %broadcast_in_dim3A_3, %broadcast_in_dim3A_3, %add3A_497], %gather3A_495 : memref<2x8x8x128xf32, #tpu.memory_space<vmem>>[vector<16xi32>, vector<16xi32>, vector<16xi32>, vector<16xi32>], vector<16xf32>,
      %add3A_498 = arith.constant 7 : i32
      %add3A_499 = arith.addi %mul3A_365, %add3A_498 : i32
      %mul3A_500 = arith.constant 8192 : i32
      %mul3A_501 = arith.muli %shift_right_arithmetic3A_320, %mul3A_500 : i32
      %shift_right_arithmetic3A_502 = arith.constant 3 : i32
      %shift_right_arithmetic3A_503 = arith.shrsi %add3A_499, %shift_right_arithmetic3A_502 : i32
      %mul3A_504 = arith.constant 1024 : i32
      %mul3A_505 = arith.muli %shift_right_arithmetic3A_503, %mul3A_504 : i32
      %add3A_506 = arith.addi %mul3A_501, %mul3A_505 : i32
      %and3A_507 = arith.constant 7 : i32
      %and3A_508 = arith.andi %add3A_499, %and3A_507 : i32
      %mul3A_509 = arith.constant 128 : i32
      %mul3A_510 = arith.muli %and3A_508, %mul3A_509 : i32
      %add3A_511 = arith.addi %add3A_506, %mul3A_510 : i32
      %add3A_512 = vector.broadcast %add3A_499 : i32 to vector<16xi32>
      %add3A_513 = arith.addi %add3A_342, %add3A_512 : vector<16xi32>
      %gather3A_514 = tpu.vector_load_idx %arg6[%broadcast_in_dim3A_3, %broadcast_in_dim3A_3, %add3A_513] : memref<2x128x64xf32, #tpu.memory_space<vmem>>[vector<16xi32>, vector<16xi32>, vector<16xi32>], vector<16xf32>,
      %add3A_515 = vector.broadcast %add3A_511 : i32 to vector<16xi32>
      %add3A_516 = arith.addi %add3A_335, %add3A_515 : vector<16xi32>
      tpu.vector_store_idx %arg8[%broadcast_in_dim3A_3, %broadcast_in_dim3A_3, %broadcast_in_dim3A_3, %add3A_516], %gather3A_514 : memref<2x8x8x128xf32, #tpu.memory_space<vmem>>[vector<16xi32>, vector<16xi32>, vector<16xi32>, vector<16xi32>], vector<16xf32>,
      %add3A_517 = arith.constant 8 : i32
      %add3A_518 = arith.addi %mul3A_365, %add3A_517 : i32
      %mul3A_519 = arith.constant 8192 : i32
      %mul3A_520 = arith.muli %shift_right_arithmetic3A_320, %mul3A_519 : i32
      %shift_right_arithmetic3A_521 = arith.constant 3 : i32
      %shift_right_arithmetic3A_522 = arith.shrsi %add3A_518, %shift_right_arithmetic3A_521 : i32
      %mul3A_523 = arith.constant 1024 : i32
      %mul3A_524 = arith.muli %shift_right_arithmetic3A_522, %mul3A_523 : i32
      %add3A_525 = arith.addi %mul3A_520, %mul3A_524 : i32
      %and3A_526 = arith.constant 7 : i32
      %and3A_527 = arith.andi %add3A_518, %and3A_526 : i32
      %mul3A_528 = arith.constant 128 : i32
      %mul3A_529 = arith.muli %and3A_527, %mul3A_528 : i32
      %add3A_530 = arith.addi %add3A_525, %mul3A_529 : i32
      %add3A_531 = vector.broadcast %add3A_518 : i32 to vector<16xi32>
      %add3A_532 = arith.addi %add3A_342, %add3A_531 : vector<16xi32>
      %gather3A_533 = tpu.vector_load_idx %arg6[%broadcast_in_dim3A_3, %broadcast_in_dim3A_3, %add3A_532] : memref<2x128x64xf32, #tpu.memory_space<vmem>>[vector<16xi32>, vector<16xi32>, vector<16xi32>], vector<16xf32>,
      %add3A_534 = vector.broadcast %add3A_530 : i32 to vector<16xi32>
      %add3A_535 = arith.addi %add3A_335, %add3A_534 : vector<16xi32>
      tpu.vector_store_idx %arg8[%broadcast_in_dim3A_3, %broadcast_in_dim3A_3, %broadcast_in_dim3A_3, %add3A_535], %gather3A_533 : memref<2x8x8x128xf32, #tpu.memory_space<vmem>>[vector<16xi32>, vector<16xi32>, vector<16xi32>, vector<16xi32>], vector<16xf32>,
      %add3A_536 = arith.constant 9 : i32
      %add3A_537 = arith.addi %mul3A_365, %add3A_536 : i32
      %mul3A_538 = arith.constant 8192 : i32
      %mul3A_539 = arith.muli %shift_right_arithmetic3A_320, %mul3A_538 : i32
      %shift_right_arithmetic3A_540 = arith.constant 3 : i32
      %shift_right_arithmetic3A_541 = arith.shrsi %add3A_537, %shift_right_arithmetic3A_540 : i32
      %mul3A_542 = arith.constant 1024 : i32
      %mul3A_543 = arith.muli %shift_right_arithmetic3A_541, %mul3A_542 : i32
      %add3A_544 = arith.addi %mul3A_539, %mul3A_543 : i32
      %and3A_545 = arith.constant 7 : i32
      %and3A_546 = arith.andi %add3A_537, %and3A_545 : i32
      %mul3A_547 = arith.constant 128 : i32
      %mul3A_548 = arith.muli %and3A_546, %mul3A_547 : i32
      %add3A_549 = arith.addi %add3A_544, %mul3A_548 : i32
      %add3A_550 = vector.broadcast %add3A_537 : i32 to vector<16xi32>
      %add3A_551 = arith.addi %add3A_342, %add3A_550 : vector<16xi32>
      %gather3A_552 = tpu.vector_load_idx %arg6[%broadcast_in_dim3A_3, %broadcast_in_dim3A_3, %add3A_551] : memref<2x128x64xf32, #tpu.memory_space<vmem>>[vector<16xi32>, vector<16xi32>, vector<16xi32>], vector<16xf32>,
      %add3A_553 = vector.broadcast %add3A_549 : i32 to vector<16xi32>
      %add3A_554 = arith.addi %add3A_335, %add3A_553 : vector<16xi32>
      tpu.vector_store_idx %arg8[%broadcast_in_dim3A_3, %broadcast_in_dim3A_3, %broadcast_in_dim3A_3, %add3A_554], %gather3A_552 : memref<2x8x8x128xf32, #tpu.memory_space<vmem>>[vector<16xi32>, vector<16xi32>, vector<16xi32>, vector<16xi32>], vector<16xf32>,
      %add3A_555 = arith.constant 10 : i32
      %add3A_556 = arith.addi %mul3A_365, %add3A_555 : i32
      %mul3A_557 = arith.constant 8192 : i32
      %mul3A_558 = arith.muli %shift_right_arithmetic3A_320, %mul3A_557 : i32
      %shift_right_arithmetic3A_559 = arith.constant 3 : i32
      %shift_right_arithmetic3A_560 = arith.shrsi %add3A_556, %shift_right_arithmetic3A_559 : i32
      %mul3A_561 = arith.constant 1024 : i32
      %mul3A_562 = arith.muli %shift_right_arithmetic3A_560, %mul3A_561 : i32
      %add3A_563 = arith.addi %mul3A_558, %mul3A_562 : i32
      %and3A_564 = arith.constant 7 : i32
      %and3A_565 = arith.andi %add3A_556, %and3A_564 : i32
      %mul3A_566 = arith.constant 128 : i32
      %mul3A_567 = arith.muli %and3A_565, %mul3A_566 : i32
      %add3A_568 = arith.addi %add3A_563, %mul3A_567 : i32
      %add3A_569 = vector.broadcast %add3A_556 : i32 to vector<16xi32>
      %add3A_570 = arith.addi %add3A_342, %add3A_569 : vector<16xi32>
      %gather3A_571 = tpu.vector_load_idx %arg6[%broadcast_in_dim3A_3, %broadcast_in_dim3A_3, %add3A_570] : memref<2x128x64xf32, #tpu.memory_space<vmem>>[vector<16xi32>, vector<16xi32>, vector<16xi32>], vector<16xf32>,
      %add3A_572 = vector.broadcast %add3A_568 : i32 to vector<16xi32>
      %add3A_573 = arith.addi %add3A_335, %add3A_572 : vector<16xi32>
      tpu.vector_store_idx %arg8[%broadcast_in_dim3A_3, %broadcast_in_dim3A_3, %broadcast_in_dim3A_3, %add3A_573], %gather3A_571 : memref<2x8x8x128xf32, #tpu.memory_space<vmem>>[vector<16xi32>, vector<16xi32>, vector<16xi32>, vector<16xi32>], vector<16xf32>,
      %add3A_574 = arith.constant 11 : i32
      %add3A_575 = arith.addi %mul3A_365, %add3A_574 : i32
      %mul3A_576 = arith.constant 8192 : i32
      %mul3A_577 = arith.muli %shift_right_arithmetic3A_320, %mul3A_576 : i32
      %shift_right_arithmetic3A_578 = arith.constant 3 : i32
      %shift_right_arithmetic3A_579 = arith.shrsi %add3A_575, %shift_right_arithmetic3A_578 : i32
      %mul3A_580 = arith.constant 1024 : i32
      %mul3A_581 = arith.muli %shift_right_arithmetic3A_579, %mul3A_580 : i32
      %add3A_582 = arith.addi %mul3A_577, %mul3A_581 : i32
      %and3A_583 = arith.constant 7 : i32
      %and3A_584 = arith.andi %add3A_575, %and3A_583 : i32
      %mul3A_585 = arith.constant 128 : i32
      %mul3A_586 = arith.muli %and3A_584, %mul3A_585 : i32
      %add3A_587 = arith.addi %add3A_582, %mul3A_586 : i32
      %add3A_588 = vector.broadcast %add3A_575 : i32 to vector<16xi32>
      %add3A_589 = arith.addi %add3A_342, %add3A_588 : vector<16xi32>
      %gather3A_590 = tpu.vector_load_idx %arg6[%broadcast_in_dim3A_3, %broadcast_in_dim3A_3, %add3A_589] : memref<2x128x64xf32, #tpu.memory_space<vmem>>[vector<16xi32>, vector<16xi32>, vector<16xi32>], vector<16xf32>,
      %add3A_591 = vector.broadcast %add3A_587 : i32 to vector<16xi32>
      %add3A_592 = arith.addi %add3A_335, %add3A_591 : vector<16xi32>
      tpu.vector_store_idx %arg8[%broadcast_in_dim3A_3, %broadcast_in_dim3A_3, %broadcast_in_dim3A_3, %add3A_592], %gather3A_590 : memref<2x8x8x128xf32, #tpu.memory_space<vmem>>[vector<16xi32>, vector<16xi32>, vector<16xi32>, vector<16xi32>], vector<16xf32>,
      %add3A_593 = arith.constant 12 : i32
      %add3A_594 = arith.addi %mul3A_365, %add3A_593 : i32
      %mul3A_595 = arith.constant 8192 : i32
      %mul3A_596 = arith.muli %shift_right_arithmetic3A_320, %mul3A_595 : i32
      %shift_right_arithmetic3A_597 = arith.constant 3 : i32
      %shift_right_arithmetic3A_598 = arith.shrsi %add3A_594, %shift_right_arithmetic3A_597 : i32
      %mul3A_599 = arith.constant 1024 : i32
      %mul3A_600 = arith.muli %shift_right_arithmetic3A_598, %mul3A_599 : i32
      %add3A_601 = arith.addi %mul3A_596, %mul3A_600 : i32
      %and3A_602 = arith.constant 7 : i32
      %and3A_603 = arith.andi %add3A_594, %and3A_602 : i32
      %mul3A_604 = arith.constant 128 : i32
      %mul3A_605 = arith.muli %and3A_603, %mul3A_604 : i32
      %add3A_606 = arith.addi %add3A_601, %mul3A_605 : i32
      %add3A_607 = vector.broadcast %add3A_594 : i32 to vector<16xi32>
      %add3A_608 = arith.addi %add3A_342, %add3A_607 : vector<16xi32>
      %gather3A_609 = tpu.vector_load_idx %arg6[%broadcast_in_dim3A_3, %broadcast_in_dim3A_3, %add3A_608] : memref<2x128x64xf32, #tpu.memory_space<vmem>>[vector<16xi32>, vector<16xi32>, vector<16xi32>], vector<16xf32>,
      %add3A_610 = vector.broadcast %add3A_606 : i32 to vector<16xi32>
      %add3A_611 = arith.addi %add3A_335, %add3A_610 : vector<16xi32>
      tpu.vector_store_idx %arg8[%broadcast_in_dim3A_3, %broadcast_in_dim3A_3, %broadcast_in_dim3A_3, %add3A_611], %gather3A_609 : memref<2x8x8x128xf32, #tpu.memory_space<vmem>>[vector<16xi32>, vector<16xi32>, vector<16xi32>, vector<16xi32>], vector<16xf32>,
      %add3A_612 = arith.constant 13 : i32
      %add3A_613 = arith.addi %mul3A_365, %add3A_612 : i32
      %mul3A_614 = arith.constant 8192 : i32
      %mul3A_615 = arith.muli %shift_right_arithmetic3A_320, %mul3A_614 : i32
      %shift_right_arithmetic3A_616 = arith.constant 3 : i32
      %shift_right_arithmetic3A_617 = arith.shrsi %add3A_613, %shift_right_arithmetic3A_616 : i32
      %mul3A_618 = arith.constant 1024 : i32
      %mul3A_619 = arith.muli %shift_right_arithmetic3A_617, %mul3A_618 : i32
      %add3A_620 = arith.addi %mul3A_615, %mul3A_619 : i32
      %and3A_621 = arith.constant 7 : i32
      %and3A_622 = arith.andi %add3A_613, %and3A_621 : i32
      %mul3A_623 = arith.constant 128 : i32
      %mul3A_624 = arith.muli %and3A_622, %mul3A_623 : i32
      %add3A_625 = arith.addi %add3A_620, %mul3A_624 : i32
      %add3A_626 = vector.broadcast %add3A_613 : i32 to vector<16xi32>
      %add3A_627 = arith.addi %add3A_342, %add3A_626 : vector<16xi32>
      %gather3A_628 = tpu.vector_load_idx %arg6[%broadcast_in_dim3A_3, %broadcast_in_dim3A_3, %add3A_627] : memref<2x128x64xf32, #tpu.memory_space<vmem>>[vector<16xi32>, vector<16xi32>, vector<16xi32>], vector<16xf32>,
      %add3A_629 = vector.broadcast %add3A_625 : i32 to vector<16xi32>
      %add3A_630 = arith.addi %add3A_335, %add3A_629 : vector<16xi32>
      tpu.vector_store_idx %arg8[%broadcast_in_dim3A_3, %broadcast_in_dim3A_3, %broadcast_in_dim3A_3, %add3A_630], %gather3A_628 : memref<2x8x8x128xf32, #tpu.memory_space<vmem>>[vector<16xi32>, vector<16xi32>, vector<16xi32>, vector<16xi32>], vector<16xf32>,
      %add3A_631 = arith.constant 14 : i32
      %add3A_632 = arith.addi %mul3A_365, %add3A_631 : i32
      %mul3A_633 = arith.constant 8192 : i32
      %mul3A_634 = arith.muli %shift_right_arithmetic3A_320, %mul3A_633 : i32
      %shift_right_arithmetic3A_635 = arith.constant 3 : i32
      %shift_right_arithmetic3A_636 = arith.shrsi %add3A_632, %shift_right_arithmetic3A_635 : i32
      %mul3A_637 = arith.constant 1024 : i32
      %mul3A_638 = arith.muli %shift_right_arithmetic3A_636, %mul3A_637 : i32
      %add3A_639 = arith.addi %mul3A_634, %mul3A_638 : i32
      %and3A_640 = arith.constant 7 : i32
      %and3A_641 = arith.andi %add3A_632, %and3A_640 : i32
      %mul3A_642 = arith.constant 128 : i32
      %mul3A_643 = arith.muli %and3A_641, %mul3A_642 : i32
      %add3A_644 = arith.addi %add3A_639, %mul3A_643 : i32
      %add3A_645 = vector.broadcast %add3A_632 : i32 to vector<16xi32>
      %add3A_646 = arith.addi %add3A_342, %add3A_645 : vector<16xi32>
      %gather3A_647 = tpu.vector_load_idx %arg6[%broadcast_in_dim3A_3, %broadcast_in_dim3A_3, %add3A_646] : memref<2x128x64xf32, #tpu.memory_space<vmem>>[vector<16xi32>, vector<16xi32>, vector<16xi32>], vector<16xf32>,
      %add3A_648 = vector.broadcast %add3A_644 : i32 to vector<16xi32>
      %add3A_649 = arith.addi %add3A_335, %add3A_648 : vector<16xi32>
      tpu.vector_store_idx %arg8[%broadcast_in_dim3A_3, %broadcast_in_dim3A_3, %broadcast_in_dim3A_3, %add3A_649], %gather3A_647 : memref<2x8x8x128xf32, #tpu.memory_space<vmem>>[vector<16xi32>, vector<16xi32>, vector<16xi32>, vector<16xi32>], vector<16xf32>,
      %add3A_650 = arith.constant 15 : i32
      %add3A_651 = arith.addi %mul3A_365, %add3A_650 : i32
      %mul3A_652 = arith.constant 8192 : i32
      %mul3A_653 = arith.muli %shift_right_arithmetic3A_320, %mul3A_652 : i32
      %shift_right_arithmetic3A_654 = arith.constant 3 : i32
      %shift_right_arithmetic3A_655 = arith.shrsi %add3A_651, %shift_right_arithmetic3A_654 : i32
      %mul3A_656 = arith.constant 1024 : i32
      %mul3A_657 = arith.muli %shift_right_arithmetic3A_655, %mul3A_656 : i32
      %add3A_658 = arith.addi %mul3A_653, %mul3A_657 : i32
      %and3A_659 = arith.constant 7 : i32
      %and3A_660 = arith.andi %add3A_651, %and3A_659 : i32
      %mul3A_661 = arith.constant 128 : i32
      %mul3A_662 = arith.muli %and3A_660, %mul3A_661 : i32
      %add3A_663 = arith.addi %add3A_658, %mul3A_662 : i32
      %add3A_664 = vector.broadcast %add3A_651 : i32 to vector<16xi32>
      %add3A_665 = arith.addi %add3A_342, %add3A_664 : vector<16xi32>
      %gather3A_666 = tpu.vector_load_idx %arg6[%broadcast_in_dim3A_3, %broadcast_in_dim3A_3, %add3A_665] : memref<2x128x64xf32, #tpu.memory_space<vmem>>[vector<16xi32>, vector<16xi32>, vector<16xi32>], vector<16xf32>,
      %add3A_667 = vector.broadcast %add3A_663 : i32 to vector<16xi32>
      %add3A_668 = arith.addi %add3A_335, %add3A_667 : vector<16xi32>
      tpu.vector_store_idx %arg8[%broadcast_in_dim3A_3, %broadcast_in_dim3A_3, %broadcast_in_dim3A_3, %add3A_668], %gather3A_666 : memref<2x8x8x128xf32, #tpu.memory_space<vmem>>[vector<16xi32>, vector<16xi32>, vector<16xi32>, vector<16xi32>], vector<16xf32>,
    }
    %scan3A_78 = arith.constant 64 : i32
    %dma_start3A_79 = arith.constant 0 : i32
    %dma_start3A_80 = arith.constant 0 : i32
    %dma_start3A_81 = arith.constant 0 : i32
    %dma_start3A_82 = arith.constant 0 : i32
    %dma_start3A_83 = tpu.memref_slice %arg4[%dma_start3A_79, %dma_start3A_80, %add3A, %dma_start3A_81, %dma_start3A_82] : memref<200x8x32x8x128xf32, #tpu.memory_space<hbm>> -> memref<2x8x1x8x128xf32, #tpu.memory_space<hbm>>
    %dma_start3A_84 = tpu.memref_squeeze %dma_start3A_83 : memref<2x8x1x8x128xf32, #tpu.memory_space<hbm>> -> memref<2x8x8x128xf32, #tpu.memory_space<hbm>>
    %dma_start3A_85 = arith.constant 0 : i32
    %dma_start3A_86 = arith.constant 0 : i32
    %dma_start3A_87 = arith.constant 0 : i32
    %dma_start3A_88 = arith.constant 0 : i32
    %dma_start3A_89 = tpu.memref_slice %arg4[%dma_start3A_85, %dma_start3A_86, %add3A, %dma_start3A_87, %dma_start3A_88] : memref<200x8x32x8x128xf32, #tpu.memory_space<hbm>> -> memref<2x8x1x8x128xf32, #tpu.memory_space<hbm>>
    %dma_start3A_90 = tpu.memref_squeeze %dma_start3A_89 : memref<2x8x1x8x128xf32, #tpu.memory_space<hbm>> -> memref<2x8x8x128xf32, #tpu.memory_space<hbm>>
    tpu.enqueue_dma source(%arg8 : memref<2x8x8x128xf32, #tpu.memory_space<vmem>>) target(%dma_start3A_90 : memref<2x8x8x128xf32, #tpu.memory_space<hbm>>) target_semaphore(%arg12 : memref<!tpu.dma_semaphore, #tpu.memory_space<semaphore_mem>>)
    %dma_start3A_91 = arith.constant 4 : i32
    %dma_start3A_92 = arith.constant 0 : i32
    %dma_start3A_93 = arith.constant 0 : i32
    %dma_start3A_94 = arith.constant 0 : i32
    %dma_start3A_95 = tpu.memref_slice %arg6[%dma_start3A_92, %dma_start3A_93, %dma_start3A_94] : memref<2x128x64xf32, #tpu.memory_space<vmem>> -> memref<1x128x64xf32, #tpu.memory_space<vmem>>
    %dma_start3A_96 = tpu.memref_squeeze %dma_start3A_95 : memref<1x128x64xf32, #tpu.memory_space<vmem>> -> memref<128x64xf32, #tpu.memory_space<vmem>>
    %dma_start3A_97 = arith.constant 0 : i32
    %dma_start3A_98 = tpu.memref_slice %arg5[%dma_start3A_91, %dma_start3A_97] : memref<200x128xi32, #tpu.memory_space<vmem>> -> memref<1x128xi32, #tpu.memory_space<vmem>>
    %dma_start3A_99 = tpu.memref_squeeze %dma_start3A_98 : memref<1x128xi32, #tpu.memory_space<vmem>> -> memref<128xi32, #tpu.memory_space<vmem>>
    %dma_start3A_100 = arith.constant 0 : i32
    %dma_start3A_101 = arith.constant 0 : i32
    %dma_start3A_102 = tpu.memref_slice %arg3[%dma_start3A_100, %dma_start3A_101] : memref<1000000x64xf32, #tpu.memory_space<hbm>> -> memref<1000000x64xf32, #tpu.memory_space<hbm>>
    tpu.enqueue_indirect_dma source(%dma_start3A_102 : memref<1000000x64xf32, #tpu.memory_space<hbm>>) target(%dma_start3A_96 : memref<128x64xf32, #tpu.memory_space<vmem>>) offsets(%dma_start3A_99 : memref<128xi32, #tpu.memory_space<vmem>>) semaphore(%arg10 : memref<!tpu.dma_semaphore, #tpu.memory_space<semaphore_mem>>)
    %dma_start3A_103 = arith.constant 5 : i32
    %dma_start3A_104 = arith.constant 1 : i32
    %dma_start3A_105 = arith.constant 0 : i32
    %dma_start3A_106 = arith.constant 0 : i32
    %dma_start3A_107 = tpu.memref_slice %arg6[%dma_start3A_104, %dma_start3A_105, %dma_start3A_106] : memref<2x128x64xf32, #tpu.memory_space<vmem>> -> memref<1x128x64xf32, #tpu.memory_space<vmem>>
    %dma_start3A_108 = tpu.memref_squeeze %dma_start3A_107 : memref<1x128x64xf32, #tpu.memory_space<vmem>> -> memref<128x64xf32, #tpu.memory_space<vmem>>
    %dma_start3A_109 = arith.constant 0 : i32
    %dma_start3A_110 = tpu.memref_slice %arg5[%dma_start3A_103, %dma_start3A_109] : memref<200x128xi32, #tpu.memory_space<vmem>> -> memref<1x128xi32, #tpu.memory_space<vmem>>
    %dma_start3A_111 = tpu.memref_squeeze %dma_start3A_110 : memref<1x128xi32, #tpu.memory_space<vmem>> -> memref<128xi32, #tpu.memory_space<vmem>>
    %dma_start3A_112 = arith.constant 0 : i32
    %dma_start3A_113 = arith.constant 0 : i32
    %dma_start3A_114 = tpu.memref_slice %arg3[%dma_start3A_112, %dma_start3A_113] : memref<1000000x64xf32, #tpu.memory_space<hbm>> -> memref<1000000x64xf32, #tpu.memory_space<hbm>>
    tpu.enqueue_indirect_dma source(%dma_start3A_114 : memref<1000000x64xf32, #tpu.memory_space<hbm>>) target(%dma_start3A_108 : memref<128x64xf32, #tpu.memory_space<vmem>>) offsets(%dma_start3A_111 : memref<128xi32, #tpu.memory_space<vmem>>) semaphore(%arg10 : memref<!tpu.dma_semaphore, #tpu.memory_space<semaphore_mem>>)
    %dma_wait3A_115 = arith.constant 0 : i32
    %dma_wait3A_116 = arith.constant 0 : i32
    %dma_wait3A_117 = arith.constant 0 : i32
    %dma_wait3A_118 = arith.constant 0 : i32
    %dma_wait3A_119 = tpu.memref_slice %arg7[%dma_wait3A_116, %dma_wait3A_117, %dma_wait3A_118] : memref<2x128x64xf32, #tpu.memory_space<vmem>> -> memref<1x128x64xf32, #tpu.memory_space<vmem>>
    %dma_wait3A_120 = tpu.memref_squeeze %dma_wait3A_119 : memref<1x128x64xf32, #tpu.memory_space<vmem>> -> memref<128x64xf32, #tpu.memory_space<vmem>>
    %dma_wait3A_121 = arith.constant 0 : i32
    %dma_wait3A_122 = tpu.memref_slice %arg5[%dma_wait3A_115, %dma_wait3A_121] : memref<200x128xi32, #tpu.memory_space<vmem>> -> memref<1x128xi32, #tpu.memory_space<vmem>>
    %dma_wait3A_123 = tpu.memref_squeeze %dma_wait3A_122 : memref<1x128xi32, #tpu.memory_space<vmem>> -> memref<128xi32, #tpu.memory_space<vmem>>
    %dma_wait3A_124 = arith.constant 0 : i32
    %dma_wait3A_125 = arith.constant 0 : i32
    %dma_wait3A_126 = tpu.memref_slice %arg3[%dma_wait3A_124, %dma_wait3A_125] : memref<1000000x64xf32, #tpu.memory_space<hbm>> -> memref<1000000x64xf32, #tpu.memory_space<hbm>>
    tpu.wait_indirect_dma semaphore(%arg11 : memref<!tpu.dma_semaphore, #tpu.memory_space<semaphore_mem>>) src(%dma_wait3A_126 : memref<1000000x64xf32, #tpu.memory_space<hbm>>) dst(%dma_wait3A_120 : memref<128x64xf32, #tpu.memory_space<vmem>>)
    %dma_wait3A_127 = arith.constant 0 : i32
    %dma_wait3A_128 = arith.constant 1 : i32
    %dma_wait3A_129 = arith.constant 0 : i32
    %dma_wait3A_130 = arith.constant 0 : i32
    %dma_wait3A_131 = tpu.memref_slice %arg7[%dma_wait3A_128, %dma_wait3A_129, %dma_wait3A_130] : memref<2x128x64xf32, #tpu.memory_space<vmem>> -> memref<1x128x64xf32, #tpu.memory_space<vmem>>
    %dma_wait3A_132 = tpu.memref_squeeze %dma_wait3A_131 : memref<1x128x64xf32, #tpu.memory_space<vmem>> -> memref<128x64xf32, #tpu.memory_space<vmem>>
    %dma_wait3A_133 = arith.constant 0 : i32
    %dma_wait3A_134 = tpu.memref_slice %arg5[%dma_wait3A_127, %dma_wait3A_133] : memref<200x128xi32, #tpu.memory_space<vmem>> -> memref<1x128xi32, #tpu.memory_space<vmem>>
    %dma_wait3A_135 = tpu.memref_squeeze %dma_wait3A_134 : memref<1x128xi32, #tpu.memory_space<vmem>> -> memref<128xi32, #tpu.memory_space<vmem>>
    %dma_wait3A_136 = arith.constant 0 : i32
    %dma_wait3A_137 = arith.constant 0 : i32
    %dma_wait3A_138 = tpu.memref_slice %arg3[%dma_wait3A_136, %dma_wait3A_137] : memref<1000000x64xf32, #tpu.memory_space<hbm>> -> memref<1000000x64xf32, #tpu.memory_space<hbm>>
    tpu.wait_indirect_dma semaphore(%arg11 : memref<!tpu.dma_semaphore, #tpu.memory_space<semaphore_mem>>) src(%dma_wait3A_138 : memref<1000000x64xf32, #tpu.memory_space<hbm>>) dst(%dma_wait3A_132 : memref<128x64xf32, #tpu.memory_space<vmem>>)
    %scan3A_139 = arith.constant 0 : i32
    %scan3A_140 = arith.constant 0 : i32
    %scan3A_141 = arith.constant 64 : i32
    %scan3A_142 = arith.addi %scan3A_140, %scan3A_141 : i32
    %scan3A_143 = arith.constant 1 : i32
    scf.for %scan3A_319 = %scan3A_140 to %scan3A_142 step %scan3A_143  : i32 {
      %shift_right_arithmetic3A = arith.constant 5 : i32
      %shift_right_arithmetic3A_320 = arith.shrsi %scan3A_319, %shift_right_arithmetic3A : i32
      %and3A = arith.constant 31 : i32
      %and3A_321 = arith.andi %scan3A_319, %and3A : i32
      %jit3A = arith.constant 8 : i32
      %eq3A = arith.constant 0 : i32
      %eq3A_322 = arith.cmpi eq, %jit3A, %eq3A : i32
      %jit3A_323 = arith.constant 1 : i32
      %select_n3A = arith.select %eq3A_322, %jit3A_323, %jit3A : i32
      %rem3A = arith.remsi %and3A_321, %select_n3A : i32
      %ne3A = arith.constant 0 : i32
      %ne3A_324 = arith.cmpi ne, %rem3A, %ne3A : i32
      %lt3A = arith.constant 0 : i32
      %lt3A_325 = arith.cmpi slt, %rem3A, %lt3A : i32
      %lt3A_326 = arith.constant 0 : i32
      %lt3A_327 = arith.cmpi slt, %select_n3A, %lt3A_326 : i32
      %ne3A_328 = arith.xori %lt3A_325, %lt3A_327 : i1
      %and3A_329 = arith.andi %ne3A_328, %ne3A_324 : i1
      %add3A_330 = arith.addi %rem3A, %select_n3A : i32
      %select_n3A_331 = arith.select %and3A_329, %add3A_330, %rem3A : i32
      %mul3A_332 = arith.constant 16 : i32
      %mul3A_333 = arith.muli %select_n3A_331, %mul3A_332 : i32
      %add3A_334 = vector.broadcast %mul3A_333 : i32 to vector<16xi32>
      %add3A_335 = arith.addi %iota3A, %add3A_334 : vector<16xi32>
      %mul3A_336 = arith.constant 64 : i32
      %mul3A_337 = vector.broadcast %mul3A_336 : i32 to vector<16xi32>
      %mul3A_338 = arith.muli %add3A_335, %mul3A_337 : vector<16xi32>
      %mul3A_339 = arith.constant 8192 : i32
      %mul3A_340 = arith.muli %shift_right_arithmetic3A_320, %mul3A_339 : i32
      %add3A_341 = vector.broadcast %mul3A_340 : i32 to vector<16xi32>
      %add3A_342 = arith.addi %mul3A_338, %add3A_341 : vector<16xi32>
      %jit3A_343 = arith.constant 8 : i32
      %div3A = arith.divsi %and3A_321, %jit3A_343 : i32
      %sign3A = arith.constant 0 : i32
      %sign3A_344 = arith.cmpi sgt, %and3A_321, %sign3A : i32
      %sign3A_345 = arith.extui %sign3A_344 : i1 to i32
      %sign3A_346 = arith.constant 0 : i32
      %sign3A_347 = arith.cmpi slt, %and3A_321, %sign3A_346 : i32
      %sign3A_348 = arith.extui %sign3A_347 : i1 to i32
      %sign3A_349 = arith.subi %sign3A_345, %sign3A_348 : i32
      %sign3A_350 = arith.constant 0 : i32
      %sign3A_351 = arith.cmpi sgt, %jit3A_343, %sign3A_350 : i32
      %sign3A_352 = arith.extui %sign3A_351 : i1 to i32
      %sign3A_353 = arith.constant 0 : i32
      %sign3A_354 = arith.cmpi slt, %jit3A_343, %sign3A_353 : i32
      %sign3A_355 = arith.extui %sign3A_354 : i1 to i32
      %sign3A_356 = arith.subi %sign3A_352, %sign3A_355 : i32
      %ne3A_357 = arith.cmpi ne, %sign3A_349, %sign3A_356 : i32
      %rem3A_358 = arith.remsi %and3A_321, %jit3A_343 : i32
      %ne3A_359 = arith.constant 0 : i32
      %ne3A_360 = arith.cmpi ne, %rem3A_358, %ne3A_359 : i32
      %and3A_361 = arith.andi %ne3A_357, %ne3A_360 : i1
      %sub3A = arith.constant 1 : i32
      %sub3A_362 = arith.subi %div3A, %sub3A : i32
      %select_n3A_363 = arith.select %and3A_361, %sub3A_362, %div3A : i32
      %mul3A_364 = arith.constant 16 : i32
      %mul3A_365 = arith.muli %select_n3A_363, %mul3A_364 : i32
      %add3A_366 = arith.constant 0 : i32
      %add3A_367 = arith.addi %mul3A_365, %add3A_366 : i32
      %mul3A_368 = arith.constant 8192 : i32
      %mul3A_369 = arith.muli %shift_right_arithmetic3A_320, %mul3A_368 : i32
      %shift_right_arithmetic3A_370 = arith.constant 3 : i32
      %shift_right_arithmetic3A_371 = arith.shrsi %add3A_367, %shift_right_arithmetic3A_370 : i32
      %mul3A_372 = arith.constant 1024 : i32
      %mul3A_373 = arith.muli %shift_right_arithmetic3A_371, %mul3A_372 : i32
      %add3A_374 = arith.addi %mul3A_369, %mul3A_373 : i32
      %and3A_375 = arith.constant 7 : i32
      %and3A_376 = arith.andi %add3A_367, %and3A_375 : i32
      %mul3A_377 = arith.constant 128 : i32
      %mul3A_378 = arith.muli %and3A_376, %mul3A_377 : i32
      %add3A_379 = arith.addi %add3A_374, %mul3A_378 : i32
      %add3A_380 = vector.broadcast %add3A_367 : i32 to vector<16xi32>
      %add3A_381 = arith.addi %add3A_342, %add3A_380 : vector<16xi32>
      %gather3A = tpu.vector_load_idx %arg7[%broadcast_in_dim3A_3, %broadcast_in_dim3A_3, %add3A_381] : memref<2x128x64xf32, #tpu.memory_space<vmem>>[vector<16xi32>, vector<16xi32>, vector<16xi32>], vector<16xf32>,
      %add3A_382 = vector.broadcast %add3A_379 : i32 to vector<16xi32>
      %add3A_383 = arith.addi %add3A_335, %add3A_382 : vector<16xi32>
      tpu.vector_store_idx %arg9[%broadcast_in_dim3A_3, %broadcast_in_dim3A_3, %broadcast_in_dim3A_3, %add3A_383], %gather3A : memref<2x8x8x128xf32, #tpu.memory_space<vmem>>[vector<16xi32>, vector<16xi32>, vector<16xi32>, vector<16xi32>], vector<16xf32>,
      %add3A_384 = arith.constant 1 : i32
      %add3A_385 = arith.addi %mul3A_365, %add3A_384 : i32
      %mul3A_386 = arith.constant 8192 : i32
      %mul3A_387 = arith.muli %shift_right_arithmetic3A_320, %mul3A_386 : i32
      %shift_right_arithmetic3A_388 = arith.constant 3 : i32
      %shift_right_arithmetic3A_389 = arith.shrsi %add3A_385, %shift_right_arithmetic3A_388 : i32
      %mul3A_390 = arith.constant 1024 : i32
      %mul3A_391 = arith.muli %shift_right_arithmetic3A_389, %mul3A_390 : i32
      %add3A_392 = arith.addi %mul3A_387, %mul3A_391 : i32
      %and3A_393 = arith.constant 7 : i32
      %and3A_394 = arith.andi %add3A_385, %and3A_393 : i32
      %mul3A_395 = arith.constant 128 : i32
      %mul3A_396 = arith.muli %and3A_394, %mul3A_395 : i32
      %add3A_397 = arith.addi %add3A_392, %mul3A_396 : i32
      %add3A_398 = vector.broadcast %add3A_385 : i32 to vector<16xi32>
      %add3A_399 = arith.addi %add3A_342, %add3A_398 : vector<16xi32>
      %gather3A_400 = tpu.vector_load_idx %arg7[%broadcast_in_dim3A_3, %broadcast_in_dim3A_3, %add3A_399] : memref<2x128x64xf32, #tpu.memory_space<vmem>>[vector<16xi32>, vector<16xi32>, vector<16xi32>], vector<16xf32>,
      %add3A_401 = vector.broadcast %add3A_397 : i32 to vector<16xi32>
      %add3A_402 = arith.addi %add3A_335, %add3A_401 : vector<16xi32>
      tpu.vector_store_idx %arg9[%broadcast_in_dim3A_3, %broadcast_in_dim3A_3, %broadcast_in_dim3A_3, %add3A_402], %gather3A_400 : memref<2x8x8x128xf32, #tpu.memory_space<vmem>>[vector<16xi32>, vector<16xi32>, vector<16xi32>, vector<16xi32>], vector<16xf32>,
      %add3A_403 = arith.constant 2 : i32
      %add3A_404 = arith.addi %mul3A_365, %add3A_403 : i32
      %mul3A_405 = arith.constant 8192 : i32
      %mul3A_406 = arith.muli %shift_right_arithmetic3A_320, %mul3A_405 : i32
      %shift_right_arithmetic3A_407 = arith.constant 3 : i32
      %shift_right_arithmetic3A_408 = arith.shrsi %add3A_404, %shift_right_arithmetic3A_407 : i32
      %mul3A_409 = arith.constant 1024 : i32
      %mul3A_410 = arith.muli %shift_right_arithmetic3A_408, %mul3A_409 : i32
      %add3A_411 = arith.addi %mul3A_406, %mul3A_410 : i32
      %and3A_412 = arith.constant 7 : i32
      %and3A_413 = arith.andi %add3A_404, %and3A_412 : i32
      %mul3A_414 = arith.constant 128 : i32
      %mul3A_415 = arith.muli %and3A_413, %mul3A_414 : i32
      %add3A_416 = arith.addi %add3A_411, %mul3A_415 : i32
      %add3A_417 = vector.broadcast %add3A_404 : i32 to vector<16xi32>
      %add3A_418 = arith.addi %add3A_342, %add3A_417 : vector<16xi32>
      %gather3A_419 = tpu.vector_load_idx %arg7[%broadcast_in_dim3A_3, %broadcast_in_dim3A_3, %add3A_418] : memref<2x128x64xf32, #tpu.memory_space<vmem>>[vector<16xi32>, vector<16xi32>, vector<16xi32>], vector<16xf32>,
      %add3A_420 = vector.broadcast %add3A_416 : i32 to vector<16xi32>
      %add3A_421 = arith.addi %add3A_335, %add3A_420 : vector<16xi32>
      tpu.vector_store_idx %arg9[%broadcast_in_dim3A_3, %broadcast_in_dim3A_3, %broadcast_in_dim3A_3, %add3A_421], %gather3A_419 : memref<2x8x8x128xf32, #tpu.memory_space<vmem>>[vector<16xi32>, vector<16xi32>, vector<16xi32>, vector<16xi32>], vector<16xf32>,
      %add3A_422 = arith.constant 3 : i32
      %add3A_423 = arith.addi %mul3A_365, %add3A_422 : i32
      %mul3A_424 = arith.constant 8192 : i32
      %mul3A_425 = arith.muli %shift_right_arithmetic3A_320, %mul3A_424 : i32
      %shift_right_arithmetic3A_426 = arith.constant 3 : i32
      %shift_right_arithmetic3A_427 = arith.shrsi %add3A_423, %shift_right_arithmetic3A_426 : i32
      %mul3A_428 = arith.constant 1024 : i32
      %mul3A_429 = arith.muli %shift_right_arithmetic3A_427, %mul3A_428 : i32
      %add3A_430 = arith.addi %mul3A_425, %mul3A_429 : i32
      %and3A_431 = arith.constant 7 : i32
      %and3A_432 = arith.andi %add3A_423, %and3A_431 : i32
      %mul3A_433 = arith.constant 128 : i32
      %mul3A_434 = arith.muli %and3A_432, %mul3A_433 : i32
      %add3A_435 = arith.addi %add3A_430, %mul3A_434 : i32
      %add3A_436 = vector.broadcast %add3A_423 : i32 to vector<16xi32>
      %add3A_437 = arith.addi %add3A_342, %add3A_436 : vector<16xi32>
      %gather3A_438 = tpu.vector_load_idx %arg7[%broadcast_in_dim3A_3, %broadcast_in_dim3A_3, %add3A_437] : memref<2x128x64xf32, #tpu.memory_space<vmem>>[vector<16xi32>, vector<16xi32>, vector<16xi32>], vector<16xf32>,
      %add3A_439 = vector.broadcast %add3A_435 : i32 to vector<16xi32>
      %add3A_440 = arith.addi %add3A_335, %add3A_439 : vector<16xi32>
      tpu.vector_store_idx %arg9[%broadcast_in_dim3A_3, %broadcast_in_dim3A_3, %broadcast_in_dim3A_3, %add3A_440], %gather3A_438 : memref<2x8x8x128xf32, #tpu.memory_space<vmem>>[vector<16xi32>, vector<16xi32>, vector<16xi32>, vector<16xi32>], vector<16xf32>,
      %add3A_441 = arith.constant 4 : i32
      %add3A_442 = arith.addi %mul3A_365, %add3A_441 : i32
      %mul3A_443 = arith.constant 8192 : i32
      %mul3A_444 = arith.muli %shift_right_arithmetic3A_320, %mul3A_443 : i32
      %shift_right_arithmetic3A_445 = arith.constant 3 : i32
      %shift_right_arithmetic3A_446 = arith.shrsi %add3A_442, %shift_right_arithmetic3A_445 : i32
      %mul3A_447 = arith.constant 1024 : i32
      %mul3A_448 = arith.muli %shift_right_arithmetic3A_446, %mul3A_447 : i32
      %add3A_449 = arith.addi %mul3A_444, %mul3A_448 : i32
      %and3A_450 = arith.constant 7 : i32
      %and3A_451 = arith.andi %add3A_442, %and3A_450 : i32
      %mul3A_452 = arith.constant 128 : i32
      %mul3A_453 = arith.muli %and3A_451, %mul3A_452 : i32
      %add3A_454 = arith.addi %add3A_449, %mul3A_453 : i32
      %add3A_455 = vector.broadcast %add3A_442 : i32 to vector<16xi32>
      %add3A_456 = arith.addi %add3A_342, %add3A_455 : vector<16xi32>
      %gather3A_457 = tpu.vector_load_idx %arg7[%broadcast_in_dim3A_3, %broadcast_in_dim3A_3, %add3A_456] : memref<2x128x64xf32, #tpu.memory_space<vmem>>[vector<16xi32>, vector<16xi32>, vector<16xi32>], vector<16xf32>,
      %add3A_458 = vector.broadcast %add3A_454 : i32 to vector<16xi32>
      %add3A_459 = arith.addi %add3A_335, %add3A_458 : vector<16xi32>
      tpu.vector_store_idx %arg9[%broadcast_in_dim3A_3, %broadcast_in_dim3A_3, %broadcast_in_dim3A_3, %add3A_459], %gather3A_457 : memref<2x8x8x128xf32, #tpu.memory_space<vmem>>[vector<16xi32>, vector<16xi32>, vector<16xi32>, vector<16xi32>], vector<16xf32>,
      %add3A_460 = arith.constant 5 : i32
      %add3A_461 = arith.addi %mul3A_365, %add3A_460 : i32
      %mul3A_462 = arith.constant 8192 : i32
      %mul3A_463 = arith.muli %shift_right_arithmetic3A_320, %mul3A_462 : i32
      %shift_right_arithmetic3A_464 = arith.constant 3 : i32
      %shift_right_arithmetic3A_465 = arith.shrsi %add3A_461, %shift_right_arithmetic3A_464 : i32
      %mul3A_466 = arith.constant 1024 : i32
      %mul3A_467 = arith.muli %shift_right_arithmetic3A_465, %mul3A_466 : i32
      %add3A_468 = arith.addi %mul3A_463, %mul3A_467 : i32
      %and3A_469 = arith.constant 7 : i32
      %and3A_470 = arith.andi %add3A_461, %and3A_469 : i32
      %mul3A_471 = arith.constant 128 : i32
      %mul3A_472 = arith.muli %and3A_470, %mul3A_471 : i32
      %add3A_473 = arith.addi %add3A_468, %mul3A_472 : i32
      %add3A_474 = vector.broadcast %add3A_461 : i32 to vector<16xi32>
      %add3A_475 = arith.addi %add3A_342, %add3A_474 : vector<16xi32>
      %gather3A_476 = tpu.vector_load_idx %arg7[%broadcast_in_dim3A_3, %broadcast_in_dim3A_3, %add3A_475] : memref<2x128x64xf32, #tpu.memory_space<vmem>>[vector<16xi32>, vector<16xi32>, vector<16xi32>], vector<16xf32>,
      %add3A_477 = vector.broadcast %add3A_473 : i32 to vector<16xi32>
      %add3A_478 = arith.addi %add3A_335, %add3A_477 : vector<16xi32>
      tpu.vector_store_idx %arg9[%broadcast_in_dim3A_3, %broadcast_in_dim3A_3, %broadcast_in_dim3A_3, %add3A_478], %gather3A_476 : memref<2x8x8x128xf32, #tpu.memory_space<vmem>>[vector<16xi32>, vector<16xi32>, vector<16xi32>, vector<16xi32>], vector<16xf32>,
      %add3A_479 = arith.constant 6 : i32
      %add3A_480 = arith.addi %mul3A_365, %add3A_479 : i32
      %mul3A_481 = arith.constant 8192 : i32
      %mul3A_482 = arith.muli %shift_right_arithmetic3A_320, %mul3A_481 : i32
      %shift_right_arithmetic3A_483 = arith.constant 3 : i32
      %shift_right_arithmetic3A_484 = arith.shrsi %add3A_480, %shift_right_arithmetic3A_483 : i32
      %mul3A_485 = arith.constant 1024 : i32
      %mul3A_486 = arith.muli %shift_right_arithmetic3A_484, %mul3A_485 : i32
      %add3A_487 = arith.addi %mul3A_482, %mul3A_486 : i32
      %and3A_488 = arith.constant 7 : i32
      %and3A_489 = arith.andi %add3A_480, %and3A_488 : i32
      %mul3A_490 = arith.constant 128 : i32
      %mul3A_491 = arith.muli %and3A_489, %mul3A_490 : i32
      %add3A_492 = arith.addi %add3A_487, %mul3A_491 : i32
      %add3A_493 = vector.broadcast %add3A_480 : i32 to vector<16xi32>
      %add3A_494 = arith.addi %add3A_342, %add3A_493 : vector<16xi32>
      %gather3A_495 = tpu.vector_load_idx %arg7[%broadcast_in_dim3A_3, %broadcast_in_dim3A_3, %add3A_494] : memref<2x128x64xf32, #tpu.memory_space<vmem>>[vector<16xi32>, vector<16xi32>, vector<16xi32>], vector<16xf32>,
      %add3A_496 = vector.broadcast %add3A_492 : i32 to vector<16xi32>
      %add3A_497 = arith.addi %add3A_335, %add3A_496 : vector<16xi32>
      tpu.vector_store_idx %arg9[%broadcast_in_dim3A_3, %broadcast_in_dim3A_3, %broadcast_in_dim3A_3, %add3A_497], %gather3A_495 : memref<2x8x8x128xf32, #tpu.memory_space<vmem>>[vector<16xi32>, vector<16xi32>, vector<16xi32>, vector<16xi32>], vector<16xf32>,
      %add3A_498 = arith.constant 7 : i32
      %add3A_499 = arith.addi %mul3A_365, %add3A_498 : i32
      %mul3A_500 = arith.constant 8192 : i32
      %mul3A_501 = arith.muli %shift_right_arithmetic3A_320, %mul3A_500 : i32
      %shift_right_arithmetic3A_502 = arith.constant 3 : i32
      %shift_right_arithmetic3A_503 = arith.shrsi %add3A_499, %shift_right_arithmetic3A_502 : i32
      %mul3A_504 = arith.constant 1024 : i32
      %mul3A_505 = arith.muli %shift_right_arithmetic3A_503, %mul3A_504 : i32
      %add3A_506 = arith.addi %mul3A_501, %mul3A_505 : i32
      %and3A_507 = arith.constant 7 : i32
      %and3A_508 = arith.andi %add3A_499, %and3A_507 : i32
      %mul3A_509 = arith.constant 128 : i32
      %mul3A_510 = arith.muli %and3A_508, %mul3A_509 : i32
      %add3A_511 = arith.addi %add3A_506, %mul3A_510 : i32
      %add3A_512 = vector.broadcast %add3A_499 : i32 to vector<16xi32>
      %add3A_513 = arith.addi %add3A_342, %add3A_512 : vector<16xi32>
      %gather3A_514 = tpu.vector_load_idx %arg7[%broadcast_in_dim3A_3, %broadcast_in_dim3A_3, %add3A_513] : memref<2x128x64xf32, #tpu.memory_space<vmem>>[vector<16xi32>, vector<16xi32>, vector<16xi32>], vector<16xf32>,
      %add3A_515 = vector.broadcast %add3A_511 : i32 to vector<16xi32>
      %add3A_516 = arith.addi %add3A_335, %add3A_515 : vector<16xi32>
      tpu.vector_store_idx %arg9[%broadcast_in_dim3A_3, %broadcast_in_dim3A_3, %broadcast_in_dim3A_3, %add3A_516], %gather3A_514 : memref<2x8x8x128xf32, #tpu.memory_space<vmem>>[vector<16xi32>, vector<16xi32>, vector<16xi32>, vector<16xi32>], vector<16xf32>,
      %add3A_517 = arith.constant 8 : i32
      %add3A_518 = arith.addi %mul3A_365, %add3A_517 : i32
      %mul3A_519 = arith.constant 8192 : i32
      %mul3A_520 = arith.muli %shift_right_arithmetic3A_320, %mul3A_519 : i32
      %shift_right_arithmetic3A_521 = arith.constant 3 : i32
      %shift_right_arithmetic3A_522 = arith.shrsi %add3A_518, %shift_right_arithmetic3A_521 : i32
      %mul3A_523 = arith.constant 1024 : i32
      %mul3A_524 = arith.muli %shift_right_arithmetic3A_522, %mul3A_523 : i32
      %add3A_525 = arith.addi %mul3A_520, %mul3A_524 : i32
      %and3A_526 = arith.constant 7 : i32
      %and3A_527 = arith.andi %add3A_518, %and3A_526 : i32
      %mul3A_528 = arith.constant 128 : i32
      %mul3A_529 = arith.muli %and3A_527, %mul3A_528 : i32
      %add3A_530 = arith.addi %add3A_525, %mul3A_529 : i32
      %add3A_531 = vector.broadcast %add3A_518 : i32 to vector<16xi32>
      %add3A_532 = arith.addi %add3A_342, %add3A_531 : vector<16xi32>
      %gather3A_533 = tpu.vector_load_idx %arg7[%broadcast_in_dim3A_3, %broadcast_in_dim3A_3, %add3A_532] : memref<2x128x64xf32, #tpu.memory_space<vmem>>[vector<16xi32>, vector<16xi32>, vector<16xi32>], vector<16xf32>,
      %add3A_534 = vector.broadcast %add3A_530 : i32 to vector<16xi32>
      %add3A_535 = arith.addi %add3A_335, %add3A_534 : vector<16xi32>
      tpu.vector_store_idx %arg9[%broadcast_in_dim3A_3, %broadcast_in_dim3A_3, %broadcast_in_dim3A_3, %add3A_535], %gather3A_533 : memref<2x8x8x128xf32, #tpu.memory_space<vmem>>[vector<16xi32>, vector<16xi32>, vector<16xi32>, vector<16xi32>], vector<16xf32>,
      %add3A_536 = arith.constant 9 : i32
      %add3A_537 = arith.addi %mul3A_365, %add3A_536 : i32
      %mul3A_538 = arith.constant 8192 : i32
      %mul3A_539 = arith.muli %shift_right_arithmetic3A_320, %mul3A_538 : i32
      %shift_right_arithmetic3A_540 = arith.constant 3 : i32
      %shift_right_arithmetic3A_541 = arith.shrsi %add3A_537, %shift_right_arithmetic3A_540 : i32
      %mul3A_542 = arith.constant 1024 : i32
      %mul3A_543 = arith.muli %shift_right_arithmetic3A_541, %mul3A_542 : i32
      %add3A_544 = arith.addi %mul3A_539, %mul3A_543 : i32
      %and3A_545 = arith.constant 7 : i32
      %and3A_546 = arith.andi %add3A_537, %and3A_545 : i32
      %mul3A_547 = arith.constant 128 : i32
      %mul3A_548 = arith.muli %and3A_546, %mul3A_547 : i32
      %add3A_549 = arith.addi %add3A_544, %mul3A_548 : i32
      %add3A_550 = vector.broadcast %add3A_537 : i32 to vector<16xi32>
      %add3A_551 = arith.addi %add3A_342, %add3A_550 : vector<16xi32>
      %gather3A_552 = tpu.vector_load_idx %arg7[%broadcast_in_dim3A_3, %broadcast_in_dim3A_3, %add3A_551] : memref<2x128x64xf32, #tpu.memory_space<vmem>>[vector<16xi32>, vector<16xi32>, vector<16xi32>], vector<16xf32>,
      %add3A_553 = vector.broadcast %add3A_549 : i32 to vector<16xi32>
      %add3A_554 = arith.addi %add3A_335, %add3A_553 : vector<16xi32>
      tpu.vector_store_idx %arg9[%broadcast_in_dim3A_3, %broadcast_in_dim3A_3, %broadcast_in_dim3A_3, %add3A_554], %gather3A_552 : memref<2x8x8x128xf32, #tpu.memory_space<vmem>>[vector<16xi32>, vector<16xi32>, vector<16xi32>, vector<16xi32>], vector<16xf32>,
      %add3A_555 = arith.constant 10 : i32
      %add3A_556 = arith.addi %mul3A_365, %add3A_555 : i32
      %mul3A_557 = arith.constant 8192 : i32
      %mul3A_558 = arith.muli %shift_right_arithmetic3A_320, %mul3A_557 : i32
      %shift_right_arithmetic3A_559 = arith.constant 3 : i32
      %shift_right_arithmetic3A_560 = arith.shrsi %add3A_556, %shift_right_arithmetic3A_559 : i32
      %mul3A_561 = arith.constant 1024 : i32
      %mul3A_562 = arith.muli %shift_right_arithmetic3A_560, %mul3A_561 : i32
      %add3A_563 = arith.addi %mul3A_558, %mul3A_562 : i32
      %and3A_564 = arith.constant 7 : i32
      %and3A_565 = arith.andi %add3A_556, %and3A_564 : i32
      %mul3A_566 = arith.constant 128 : i32
      %mul3A_567 = arith.muli %and3A_565, %mul3A_566 : i32
      %add3A_568 = arith.addi %add3A_563, %mul3A_567 : i32
      %add3A_569 = vector.broadcast %add3A_556 : i32 to vector<16xi32>
      %add3A_570 = arith.addi %add3A_342, %add3A_569 : vector<16xi32>
      %gather3A_571 = tpu.vector_load_idx %arg7[%broadcast_in_dim3A_3, %broadcast_in_dim3A_3, %add3A_570] : memref<2x128x64xf32, #tpu.memory_space<vmem>>[vector<16xi32>, vector<16xi32>, vector<16xi32>], vector<16xf32>,
      %add3A_572 = vector.broadcast %add3A_568 : i32 to vector<16xi32>
      %add3A_573 = arith.addi %add3A_335, %add3A_572 : vector<16xi32>
      tpu.vector_store_idx %arg9[%broadcast_in_dim3A_3, %broadcast_in_dim3A_3, %broadcast_in_dim3A_3, %add3A_573], %gather3A_571 : memref<2x8x8x128xf32, #tpu.memory_space<vmem>>[vector<16xi32>, vector<16xi32>, vector<16xi32>, vector<16xi32>], vector<16xf32>,
      %add3A_574 = arith.constant 11 : i32
      %add3A_575 = arith.addi %mul3A_365, %add3A_574 : i32
      %mul3A_576 = arith.constant 8192 : i32
      %mul3A_577 = arith.muli %shift_right_arithmetic3A_320, %mul3A_576 : i32
      %shift_right_arithmetic3A_578 = arith.constant 3 : i32
      %shift_right_arithmetic3A_579 = arith.shrsi %add3A_575, %shift_right_arithmetic3A_578 : i32
      %mul3A_580 = arith.constant 1024 : i32
      %mul3A_581 = arith.muli %shift_right_arithmetic3A_579, %mul3A_580 : i32
      %add3A_582 = arith.addi %mul3A_577, %mul3A_581 : i32
      %and3A_583 = arith.constant 7 : i32
      %and3A_584 = arith.andi %add3A_575, %and3A_583 : i32
      %mul3A_585 = arith.constant 128 : i32
      %mul3A_586 = arith.muli %and3A_584, %mul3A_585 : i32
      %add3A_587 = arith.addi %add3A_582, %mul3A_586 : i32
      %add3A_588 = vector.broadcast %add3A_575 : i32 to vector<16xi32>
      %add3A_589 = arith.addi %add3A_342, %add3A_588 : vector<16xi32>
      %gather3A_590 = tpu.vector_load_idx %arg7[%broadcast_in_dim3A_3, %broadcast_in_dim3A_3, %add3A_589] : memref<2x128x64xf32, #tpu.memory_space<vmem>>[vector<16xi32>, vector<16xi32>, vector<16xi32>], vector<16xf32>,
      %add3A_591 = vector.broadcast %add3A_587 : i32 to vector<16xi32>
      %add3A_592 = arith.addi %add3A_335, %add3A_591 : vector<16xi32>
      tpu.vector_store_idx %arg9[%broadcast_in_dim3A_3, %broadcast_in_dim3A_3, %broadcast_in_dim3A_3, %add3A_592], %gather3A_590 : memref<2x8x8x128xf32, #tpu.memory_space<vmem>>[vector<16xi32>, vector<16xi32>, vector<16xi32>, vector<16xi32>], vector<16xf32>,
      %add3A_593 = arith.constant 12 : i32
      %add3A_594 = arith.addi %mul3A_365, %add3A_593 : i32
      %mul3A_595 = arith.constant 8192 : i32
      %mul3A_596 = arith.muli %shift_right_arithmetic3A_320, %mul3A_595 : i32
      %shift_right_arithmetic3A_597 = arith.constant 3 : i32
      %shift_right_arithmetic3A_598 = arith.shrsi %add3A_594, %shift_right_arithmetic3A_597 : i32
      %mul3A_599 = arith.constant 1024 : i32
      %mul3A_600 = arith.muli %shift_right_arithmetic3A_598, %mul3A_599 : i32
      %add3A_601 = arith.addi %mul3A_596, %mul3A_600 : i32
      %and3A_602 = arith.constant 7 : i32
      %and3A_603 = arith.andi %add3A_594, %and3A_602 : i32
      %mul3A_604 = arith.constant 128 : i32
      %mul3A_605 = arith.muli %and3A_603, %mul3A_604 : i32
      %add3A_606 = arith.addi %add3A_601, %mul3A_605 : i32
      %add3A_607 = vector.broadcast %add3A_594 : i32 to vector<16xi32>
      %add3A_608 = arith.addi %add3A_342, %add3A_607 : vector<16xi32>
      %gather3A_609 = tpu.vector_load_idx %arg7[%broadcast_in_dim3A_3, %broadcast_in_dim3A_3, %add3A_608] : memref<2x128x64xf32, #tpu.memory_space<vmem>>[vector<16xi32>, vector<16xi32>, vector<16xi32>], vector<16xf32>,
      %add3A_610 = vector.broadcast %add3A_606 : i32 to vector<16xi32>
      %add3A_611 = arith.addi %add3A_335, %add3A_610 : vector<16xi32>
      tpu.vector_store_idx %arg9[%broadcast_in_dim3A_3, %broadcast_in_dim3A_3, %broadcast_in_dim3A_3, %add3A_611], %gather3A_609 : memref<2x8x8x128xf32, #tpu.memory_space<vmem>>[vector<16xi32>, vector<16xi32>, vector<16xi32>, vector<16xi32>], vector<16xf32>,
      %add3A_612 = arith.constant 13 : i32
      %add3A_613 = arith.addi %mul3A_365, %add3A_612 : i32
      %mul3A_614 = arith.constant 8192 : i32
      %mul3A_615 = arith.muli %shift_right_arithmetic3A_320, %mul3A_614 : i32
      %shift_right_arithmetic3A_616 = arith.constant 3 : i32
      %shift_right_arithmetic3A_617 = arith.shrsi %add3A_613, %shift_right_arithmetic3A_616 : i32
      %mul3A_618 = arith.constant 1024 : i32
      %mul3A_619 = arith.muli %shift_right_arithmetic3A_617, %mul3A_618 : i32
      %add3A_620 = arith.addi %mul3A_615, %mul3A_619 : i32
      %and3A_621 = arith.constant 7 : i32
      %and3A_622 = arith.andi %add3A_613, %and3A_621 : i32
      %mul3A_623 = arith.constant 128 : i32
      %mul3A_624 = arith.muli %and3A_622, %mul3A_623 : i32
      %add3A_625 = arith.addi %add3A_620, %mul3A_624 : i32
      %add3A_626 = vector.broadcast %add3A_613 : i32 to vector<16xi32>
      %add3A_627 = arith.addi %add3A_342, %add3A_626 : vector<16xi32>
      %gather3A_628 = tpu.vector_load_idx %arg7[%broadcast_in_dim3A_3, %broadcast_in_dim3A_3, %add3A_627] : memref<2x128x64xf32, #tpu.memory_space<vmem>>[vector<16xi32>, vector<16xi32>, vector<16xi32>], vector<16xf32>,
      %add3A_629 = vector.broadcast %add3A_625 : i32 to vector<16xi32>
      %add3A_630 = arith.addi %add3A_335, %add3A_629 : vector<16xi32>
      tpu.vector_store_idx %arg9[%broadcast_in_dim3A_3, %broadcast_in_dim3A_3, %broadcast_in_dim3A_3, %add3A_630], %gather3A_628 : memref<2x8x8x128xf32, #tpu.memory_space<vmem>>[vector<16xi32>, vector<16xi32>, vector<16xi32>, vector<16xi32>], vector<16xf32>,
      %add3A_631 = arith.constant 14 : i32
      %add3A_632 = arith.addi %mul3A_365, %add3A_631 : i32
      %mul3A_633 = arith.constant 8192 : i32
      %mul3A_634 = arith.muli %shift_right_arithmetic3A_320, %mul3A_633 : i32
      %shift_right_arithmetic3A_635 = arith.constant 3 : i32
      %shift_right_arithmetic3A_636 = arith.shrsi %add3A_632, %shift_right_arithmetic3A_635 : i32
      %mul3A_637 = arith.constant 1024 : i32
      %mul3A_638 = arith.muli %shift_right_arithmetic3A_636, %mul3A_637 : i32
      %add3A_639 = arith.addi %mul3A_634, %mul3A_638 : i32
      %and3A_640 = arith.constant 7 : i32
      %and3A_641 = arith.andi %add3A_632, %and3A_640 : i32
      %mul3A_642 = arith.constant 128 : i32
      %mul3A_643 = arith.muli %and3A_641, %mul3A_642 : i32
      %add3A_644 = arith.addi %add3A_639, %mul3A_643 : i32
      %add3A_645 = vector.broadcast %add3A_632 : i32 to vector<16xi32>
      %add3A_646 = arith.addi %add3A_342, %add3A_645 : vector<16xi32>
      %gather3A_647 = tpu.vector_load_idx %arg7[%broadcast_in_dim3A_3, %broadcast_in_dim3A_3, %add3A_646] : memref<2x128x64xf32, #tpu.memory_space<vmem>>[vector<16xi32>, vector<16xi32>, vector<16xi32>], vector<16xf32>,
      %add3A_648 = vector.broadcast %add3A_644 : i32 to vector<16xi32>
      %add3A_649 = arith.addi %add3A_335, %add3A_648 : vector<16xi32>
      tpu.vector_store_idx %arg9[%broadcast_in_dim3A_3, %broadcast_in_dim3A_3, %broadcast_in_dim3A_3, %add3A_649], %gather3A_647 : memref<2x8x8x128xf32, #tpu.memory_space<vmem>>[vector<16xi32>, vector<16xi32>, vector<16xi32>, vector<16xi32>], vector<16xf32>,
      %add3A_650 = arith.constant 15 : i32
      %add3A_651 = arith.addi %mul3A_365, %add3A_650 : i32
      %mul3A_652 = arith.constant 8192 : i32
      %mul3A_653 = arith.muli %shift_right_arithmetic3A_320, %mul3A_652 : i32
      %shift_right_arithmetic3A_654 = arith.constant 3 : i32
      %shift_right_arithmetic3A_655 = arith.shrsi %add3A_651, %shift_right_arithmetic3A_654 : i32
      %mul3A_656 = arith.constant 1024 : i32
      %mul3A_657 = arith.muli %shift_right_arithmetic3A_655, %mul3A_656 : i32
      %add3A_658 = arith.addi %mul3A_653, %mul3A_657 : i32
      %and3A_659 = arith.constant 7 : i32
      %and3A_660 = arith.andi %add3A_651, %and3A_659 : i32
      %mul3A_661 = arith.constant 128 : i32
      %mul3A_662 = arith.muli %and3A_660, %mul3A_661 : i32
      %add3A_663 = arith.addi %add3A_658, %mul3A_662 : i32
      %add3A_664 = vector.broadcast %add3A_651 : i32 to vector<16xi32>
      %add3A_665 = arith.addi %add3A_342, %add3A_664 : vector<16xi32>
      %gather3A_666 = tpu.vector_load_idx %arg7[%broadcast_in_dim3A_3, %broadcast_in_dim3A_3, %add3A_665] : memref<2x128x64xf32, #tpu.memory_space<vmem>>[vector<16xi32>, vector<16xi32>, vector<16xi32>], vector<16xf32>,
      %add3A_667 = vector.broadcast %add3A_663 : i32 to vector<16xi32>
      %add3A_668 = arith.addi %add3A_335, %add3A_667 : vector<16xi32>
      tpu.vector_store_idx %arg9[%broadcast_in_dim3A_3, %broadcast_in_dim3A_3, %broadcast_in_dim3A_3, %add3A_668], %gather3A_666 : memref<2x8x8x128xf32, #tpu.memory_space<vmem>>[vector<16xi32>, vector<16xi32>, vector<16xi32>, vector<16xi32>], vector<16xf32>,
    }
    %scan3A_144 = arith.constant 64 : i32
    %dma_start3A_145 = arith.constant 2 : i32
    %dma_start3A_146 = arith.constant 0 : i32
    %dma_start3A_147 = arith.constant 0 : i32
    %dma_start3A_148 = arith.constant 0 : i32
    %dma_start3A_149 = tpu.memref_slice %arg4[%dma_start3A_145, %dma_start3A_146, %add3A, %dma_start3A_147, %dma_start3A_148] : memref<200x8x32x8x128xf32, #tpu.memory_space<hbm>> -> memref<2x8x1x8x128xf32, #tpu.memory_space<hbm>>
    %dma_start3A_150 = tpu.memref_squeeze %dma_start3A_149 : memref<2x8x1x8x128xf32, #tpu.memory_space<hbm>> -> memref<2x8x8x128xf32, #tpu.memory_space<hbm>>
    %dma_start3A_151 = arith.constant 2 : i32
    %dma_start3A_152 = arith.constant 0 : i32
    %dma_start3A_153 = arith.constant 0 : i32
    %dma_start3A_154 = arith.constant 0 : i32
    %dma_start3A_155 = tpu.memref_slice %arg4[%dma_start3A_151, %dma_start3A_152, %add3A, %dma_start3A_153, %dma_start3A_154] : memref<200x8x32x8x128xf32, #tpu.memory_space<hbm>> -> memref<2x8x1x8x128xf32, #tpu.memory_space<hbm>>
    %dma_start3A_156 = tpu.memref_squeeze %dma_start3A_155 : memref<2x8x1x8x128xf32, #tpu.memory_space<hbm>> -> memref<2x8x8x128xf32, #tpu.memory_space<hbm>>
    tpu.enqueue_dma source(%arg9 : memref<2x8x8x128xf32, #tpu.memory_space<vmem>>) target(%dma_start3A_156 : memref<2x8x8x128xf32, #tpu.memory_space<hbm>>) target_semaphore(%arg13 : memref<!tpu.dma_semaphore, #tpu.memory_space<semaphore_mem>>)
    %dma_start3A_157 = arith.constant 6 : i32
    %dma_start3A_158 = arith.constant 0 : i32
    %dma_start3A_159 = arith.constant 0 : i32
    %dma_start3A_160 = arith.constant 0 : i32
    %dma_start3A_161 = tpu.memref_slice %arg7[%dma_start3A_158, %dma_start3A_159, %dma_start3A_160] : memref<2x128x64xf32, #tpu.memory_space<vmem>> -> memref<1x128x64xf32, #tpu.memory_space<vmem>>
    %dma_start3A_162 = tpu.memref_squeeze %dma_start3A_161 : memref<1x128x64xf32, #tpu.memory_space<vmem>> -> memref<128x64xf32, #tpu.memory_space<vmem>>
    %dma_start3A_163 = arith.constant 0 : i32
    %dma_start3A_164 = tpu.memref_slice %arg5[%dma_start3A_157, %dma_start3A_163] : memref<200x128xi32, #tpu.memory_space<vmem>> -> memref<1x128xi32, #tpu.memory_space<vmem>>
    %dma_start3A_165 = tpu.memref_squeeze %dma_start3A_164 : memref<1x128xi32, #tpu.memory_space<vmem>> -> memref<128xi32, #tpu.memory_space<vmem>>
    %dma_start3A_166 = arith.constant 0 : i32
    %dma_start3A_167 = arith.constant 0 : i32
    %dma_start3A_168 = tpu.memref_slice %arg3[%dma_start3A_166, %dma_start3A_167] : memref<1000000x64xf32, #tpu.memory_space<hbm>> -> memref<1000000x64xf32, #tpu.memory_space<hbm>>
    tpu.enqueue_indirect_dma source(%dma_start3A_168 : memref<1000000x64xf32, #tpu.memory_space<hbm>>) target(%dma_start3A_162 : memref<128x64xf32, #tpu.memory_space<vmem>>) offsets(%dma_start3A_165 : memref<128xi32, #tpu.memory_space<vmem>>) semaphore(%arg11 : memref<!tpu.dma_semaphore, #tpu.memory_space<semaphore_mem>>)
    %dma_start3A_169 = arith.constant 7 : i32
    %dma_start3A_170 = arith.constant 1 : i32
    %dma_start3A_171 = arith.constant 0 : i32
    %dma_start3A_172 = arith.constant 0 : i32
    %dma_start3A_173 = tpu.memref_slice %arg7[%dma_start3A_170, %dma_start3A_171, %dma_start3A_172] : memref<2x128x64xf32, #tpu.memory_space<vmem>> -> memref<1x128x64xf32, #tpu.memory_space<vmem>>
    %dma_start3A_174 = tpu.memref_squeeze %dma_start3A_173 : memref<1x128x64xf32, #tpu.memory_space<vmem>> -> memref<128x64xf32, #tpu.memory_space<vmem>>
    %dma_start3A_175 = arith.constant 0 : i32
    %dma_start3A_176 = tpu.memref_slice %arg5[%dma_start3A_169, %dma_start3A_175] : memref<200x128xi32, #tpu.memory_space<vmem>> -> memref<1x128xi32, #tpu.memory_space<vmem>>
    %dma_start3A_177 = tpu.memref_squeeze %dma_start3A_176 : memref<1x128xi32, #tpu.memory_space<vmem>> -> memref<128xi32, #tpu.memory_space<vmem>>
    %dma_start3A_178 = arith.constant 0 : i32
    %dma_start3A_179 = arith.constant 0 : i32
    %dma_start3A_180 = tpu.memref_slice %arg3[%dma_start3A_178, %dma_start3A_179] : memref<1000000x64xf32, #tpu.memory_space<hbm>> -> memref<1000000x64xf32, #tpu.memory_space<hbm>>
    tpu.enqueue_indirect_dma source(%dma_start3A_180 : memref<1000000x64xf32, #tpu.memory_space<hbm>>) target(%dma_start3A_174 : memref<128x64xf32, #tpu.memory_space<vmem>>) offsets(%dma_start3A_177 : memref<128xi32, #tpu.memory_space<vmem>>) semaphore(%arg11 : memref<!tpu.dma_semaphore, #tpu.memory_space<semaphore_mem>>)
    %scan3A_181 = arith.constant 0 : i32
    %scan3A_182 = arith.constant 1 : i32
    %scan3A_183 = arith.constant 48 : i32
    %scan3A_184 = arith.addi %scan3A_182, %scan3A_183 : i32
    %scan3A_185 = arith.constant 1 : i32
    scf.for %scan3A_319 = %scan3A_182 to %scan3A_184 step %scan3A_185  : i32 {
      %mul3A_320 = arith.constant 2 : i32
      %mul3A_321 = arith.muli %mul3A_320, %scan3A_319 : i32
      %add3A_322 = arith.constant 0 : i32
      %add3A_323 = arith.addi %mul3A_321, %add3A_322 : i32
      %dma_wait3A_324 = arith.constant 0 : i32
      %dma_wait3A_325 = arith.constant 0 : i32
      %dma_wait3A_326 = arith.constant 0 : i32
      %dma_wait3A_327 = arith.constant 0 : i32
      %dma_wait3A_328 = tpu.memref_slice %arg6[%dma_wait3A_325, %dma_wait3A_326, %dma_wait3A_327] : memref<2x128x64xf32, #tpu.memory_space<vmem>> -> memref<1x128x64xf32, #tpu.memory_space<vmem>>
      %dma_wait3A_329 = tpu.memref_squeeze %dma_wait3A_328 : memref<1x128x64xf32, #tpu.memory_space<vmem>> -> memref<128x64xf32, #tpu.memory_space<vmem>>
      %dma_wait3A_330 = arith.constant 0 : i32
      %dma_wait3A_331 = tpu.memref_slice %arg5[%dma_wait3A_324, %dma_wait3A_330] : memref<200x128xi32, #tpu.memory_space<vmem>> -> memref<1x128xi32, #tpu.memory_space<vmem>>
      %dma_wait3A_332 = tpu.memref_squeeze %dma_wait3A_331 : memref<1x128xi32, #tpu.memory_space<vmem>> -> memref<128xi32, #tpu.memory_space<vmem>>
      %dma_wait3A_333 = arith.constant 0 : i32
      %dma_wait3A_334 = arith.constant 0 : i32
      %dma_wait3A_335 = tpu.memref_slice %arg3[%dma_wait3A_333, %dma_wait3A_334] : memref<1000000x64xf32, #tpu.memory_space<hbm>> -> memref<1000000x64xf32, #tpu.memory_space<hbm>>
      tpu.wait_indirect_dma semaphore(%arg10 : memref<!tpu.dma_semaphore, #tpu.memory_space<semaphore_mem>>) src(%dma_wait3A_335 : memref<1000000x64xf32, #tpu.memory_space<hbm>>) dst(%dma_wait3A_329 : memref<128x64xf32, #tpu.memory_space<vmem>>)
      %dma_wait3A_336 = arith.constant 0 : i32
      %dma_wait3A_337 = arith.constant 1 : i32
      %dma_wait3A_338 = arith.constant 0 : i32
      %dma_wait3A_339 = arith.constant 0 : i32
      %dma_wait3A_340 = tpu.memref_slice %arg6[%dma_wait3A_337, %dma_wait3A_338, %dma_wait3A_339] : memref<2x128x64xf32, #tpu.memory_space<vmem>> -> memref<1x128x64xf32, #tpu.memory_space<vmem>>
      %dma_wait3A_341 = tpu.memref_squeeze %dma_wait3A_340 : memref<1x128x64xf32, #tpu.memory_space<vmem>> -> memref<128x64xf32, #tpu.memory_space<vmem>>
      %dma_wait3A_342 = arith.constant 0 : i32
      %dma_wait3A_343 = tpu.memref_slice %arg5[%dma_wait3A_336, %dma_wait3A_342] : memref<200x128xi32, #tpu.memory_space<vmem>> -> memref<1x128xi32, #tpu.memory_space<vmem>>
      %dma_wait3A_344 = tpu.memref_squeeze %dma_wait3A_343 : memref<1x128xi32, #tpu.memory_space<vmem>> -> memref<128xi32, #tpu.memory_space<vmem>>
      %dma_wait3A_345 = arith.constant 0 : i32
      %dma_wait3A_346 = arith.constant 0 : i32
      %dma_wait3A_347 = tpu.memref_slice %arg3[%dma_wait3A_345, %dma_wait3A_346] : memref<1000000x64xf32, #tpu.memory_space<hbm>> -> memref<1000000x64xf32, #tpu.memory_space<hbm>>
      tpu.wait_indirect_dma semaphore(%arg10 : memref<!tpu.dma_semaphore, #tpu.memory_space<semaphore_mem>>) src(%dma_wait3A_347 : memref<1000000x64xf32, #tpu.memory_space<hbm>>) dst(%dma_wait3A_341 : memref<128x64xf32, #tpu.memory_space<vmem>>)
      %dma_wait3A_348 = arith.constant 0 : i32
      %dma_wait3A_349 = arith.constant 0 : i32
      %dma_wait3A_350 = arith.constant 0 : i32
      %dma_wait3A_351 = arith.constant 0 : i32
      %dma_wait3A_352 = tpu.memref_slice %arg4[%dma_wait3A_348, %dma_wait3A_349, %add3A, %dma_wait3A_350, %dma_wait3A_351] : memref<200x8x32x8x128xf32, #tpu.memory_space<hbm>> -> memref<2x8x1x8x128xf32, #tpu.memory_space<hbm>>
      %dma_wait3A_353 = tpu.memref_squeeze %dma_wait3A_352 : memref<2x8x1x8x128xf32, #tpu.memory_space<hbm>> -> memref<2x8x8x128xf32, #tpu.memory_space<hbm>>
      %dma_wait3A_354 = arith.constant 0 : i32
      %dma_wait3A_355 = arith.constant 0 : i32
      %dma_wait3A_356 = arith.constant 0 : i32
      %dma_wait3A_357 = arith.constant 0 : i32
      %dma_wait3A_358 = tpu.memref_slice %arg4[%dma_wait3A_354, %dma_wait3A_355, %add3A, %dma_wait3A_356, %dma_wait3A_357] : memref<200x8x32x8x128xf32, #tpu.memory_space<hbm>> -> memref<2x8x1x8x128xf32, #tpu.memory_space<hbm>>
      %dma_wait3A_359 = tpu.memref_squeeze %dma_wait3A_358 : memref<2x8x1x8x128xf32, #tpu.memory_space<hbm>> -> memref<2x8x8x128xf32, #tpu.memory_space<hbm>>
      tpu.wait_dma2 semaphore(%arg12 : memref<!tpu.dma_semaphore, #tpu.memory_space<semaphore_mem>>) src(%arg8 : memref<2x8x8x128xf32, #tpu.memory_space<vmem>>) dst(%dma_wait3A_359 : memref<2x8x8x128xf32, #tpu.memory_space<hbm>>)
      %scan3A_360 = arith.constant 0 : i32
      %scan3A_361 = arith.constant 0 : i32
      %scan3A_362 = arith.constant 64 : i32
      %scan3A_363 = arith.addi %scan3A_361, %scan3A_362 : i32
      %scan3A_364 = arith.constant 1 : i32
      scf.for %scan3A_500 = %scan3A_361 to %scan3A_363 step %scan3A_364  : i32 {
        %shift_right_arithmetic3A = arith.constant 5 : i32
        %shift_right_arithmetic3A_501 = arith.shrsi %scan3A_500, %shift_right_arithmetic3A : i32
        %and3A = arith.constant 31 : i32
        %and3A_502 = arith.andi %scan3A_500, %and3A : i32
        %jit3A = arith.constant 8 : i32
        %eq3A = arith.constant 0 : i32
        %eq3A_503 = arith.cmpi eq, %jit3A, %eq3A : i32
        %jit3A_504 = arith.constant 1 : i32
        %select_n3A = arith.select %eq3A_503, %jit3A_504, %jit3A : i32
        %rem3A = arith.remsi %and3A_502, %select_n3A : i32
        %ne3A = arith.constant 0 : i32
        %ne3A_505 = arith.cmpi ne, %rem3A, %ne3A : i32
        %lt3A = arith.constant 0 : i32
        %lt3A_506 = arith.cmpi slt, %rem3A, %lt3A : i32
        %lt3A_507 = arith.constant 0 : i32
        %lt3A_508 = arith.cmpi slt, %select_n3A, %lt3A_507 : i32
        %ne3A_509 = arith.xori %lt3A_506, %lt3A_508 : i1
        %and3A_510 = arith.andi %ne3A_509, %ne3A_505 : i1
        %add3A_511 = arith.addi %rem3A, %select_n3A : i32
        %select_n3A_512 = arith.select %and3A_510, %add3A_511, %rem3A : i32
        %mul3A_513 = arith.constant 16 : i32
        %mul3A_514 = arith.muli %select_n3A_512, %mul3A_513 : i32
        %add3A_515 = vector.broadcast %mul3A_514 : i32 to vector<16xi32>
        %add3A_516 = arith.addi %iota3A, %add3A_515 : vector<16xi32>
        %mul3A_517 = arith.constant 64 : i32
        %mul3A_518 = vector.broadcast %mul3A_517 : i32 to vector<16xi32>
        %mul3A_519 = arith.muli %add3A_516, %mul3A_518 : vector<16xi32>
        %mul3A_520 = arith.constant 8192 : i32
        %mul3A_521 = arith.muli %shift_right_arithmetic3A_501, %mul3A_520 : i32
        %add3A_522 = vector.broadcast %mul3A_521 : i32 to vector<16xi32>
        %add3A_523 = arith.addi %mul3A_519, %add3A_522 : vector<16xi32>
        %jit3A_524 = arith.constant 8 : i32
        %div3A = arith.divsi %and3A_502, %jit3A_524 : i32
        %sign3A = arith.constant 0 : i32
        %sign3A_525 = arith.cmpi sgt, %and3A_502, %sign3A : i32
        %sign3A_526 = arith.extui %sign3A_525 : i1 to i32
        %sign3A_527 = arith.constant 0 : i32
        %sign3A_528 = arith.cmpi slt, %and3A_502, %sign3A_527 : i32
        %sign3A_529 = arith.extui %sign3A_528 : i1 to i32
        %sign3A_530 = arith.subi %sign3A_526, %sign3A_529 : i32
        %sign3A_531 = arith.constant 0 : i32
        %sign3A_532 = arith.cmpi sgt, %jit3A_524, %sign3A_531 : i32
        %sign3A_533 = arith.extui %sign3A_532 : i1 to i32
        %sign3A_534 = arith.constant 0 : i32
        %sign3A_535 = arith.cmpi slt, %jit3A_524, %sign3A_534 : i32
        %sign3A_536 = arith.extui %sign3A_535 : i1 to i32
        %sign3A_537 = arith.subi %sign3A_533, %sign3A_536 : i32
        %ne3A_538 = arith.cmpi ne, %sign3A_530, %sign3A_537 : i32
        %rem3A_539 = arith.remsi %and3A_502, %jit3A_524 : i32
        %ne3A_540 = arith.constant 0 : i32
        %ne3A_541 = arith.cmpi ne, %rem3A_539, %ne3A_540 : i32
        %and3A_542 = arith.andi %ne3A_538, %ne3A_541 : i1
        %sub3A = arith.constant 1 : i32
        %sub3A_543 = arith.subi %div3A, %sub3A : i32
        %select_n3A_544 = arith.select %and3A_542, %sub3A_543, %div3A : i32
        %mul3A_545 = arith.constant 16 : i32
        %mul3A_546 = arith.muli %select_n3A_544, %mul3A_545 : i32
        %add3A_547 = arith.constant 0 : i32
        %add3A_548 = arith.addi %mul3A_546, %add3A_547 : i32
        %mul3A_549 = arith.constant 8192 : i32
        %mul3A_550 = arith.muli %shift_right_arithmetic3A_501, %mul3A_549 : i32
        %shift_right_arithmetic3A_551 = arith.constant 3 : i32
        %shift_right_arithmetic3A_552 = arith.shrsi %add3A_548, %shift_right_arithmetic3A_551 : i32
        %mul3A_553 = arith.constant 1024 : i32
        %mul3A_554 = arith.muli %shift_right_arithmetic3A_552, %mul3A_553 : i32
        %add3A_555 = arith.addi %mul3A_550, %mul3A_554 : i32
        %and3A_556 = arith.constant 7 : i32
        %and3A_557 = arith.andi %add3A_548, %and3A_556 : i32
        %mul3A_558 = arith.constant 128 : i32
        %mul3A_559 = arith.muli %and3A_557, %mul3A_558 : i32
        %add3A_560 = arith.addi %add3A_555, %mul3A_559 : i32
        %add3A_561 = vector.broadcast %add3A_548 : i32 to vector<16xi32>
        %add3A_562 = arith.addi %add3A_523, %add3A_561 : vector<16xi32>
        %gather3A = tpu.vector_load_idx %arg6[%broadcast_in_dim3A_3, %broadcast_in_dim3A_3, %add3A_562] : memref<2x128x64xf32, #tpu.memory_space<vmem>>[vector<16xi32>, vector<16xi32>, vector<16xi32>], vector<16xf32>,
        %add3A_563 = vector.broadcast %add3A_560 : i32 to vector<16xi32>
        %add3A_564 = arith.addi %add3A_516, %add3A_563 : vector<16xi32>
        tpu.vector_store_idx %arg8[%broadcast_in_dim3A_3, %broadcast_in_dim3A_3, %broadcast_in_dim3A_3, %add3A_564], %gather3A : memref<2x8x8x128xf32, #tpu.memory_space<vmem>>[vector<16xi32>, vector<16xi32>, vector<16xi32>, vector<16xi32>], vector<16xf32>,
        %add3A_565 = arith.constant 1 : i32
        %add3A_566 = arith.addi %mul3A_546, %add3A_565 : i32
        %mul3A_567 = arith.constant 8192 : i32
        %mul3A_568 = arith.muli %shift_right_arithmetic3A_501, %mul3A_567 : i32
        %shift_right_arithmetic3A_569 = arith.constant 3 : i32
        %shift_right_arithmetic3A_570 = arith.shrsi %add3A_566, %shift_right_arithmetic3A_569 : i32
        %mul3A_571 = arith.constant 1024 : i32
        %mul3A_572 = arith.muli %shift_right_arithmetic3A_570, %mul3A_571 : i32
        %add3A_573 = arith.addi %mul3A_568, %mul3A_572 : i32
        %and3A_574 = arith.constant 7 : i32
        %and3A_575 = arith.andi %add3A_566, %and3A_574 : i32
        %mul3A_576 = arith.constant 128 : i32
        %mul3A_577 = arith.muli %and3A_575, %mul3A_576 : i32
        %add3A_578 = arith.addi %add3A_573, %mul3A_577 : i32
        %add3A_579 = vector.broadcast %add3A_566 : i32 to vector<16xi32>
        %add3A_580 = arith.addi %add3A_523, %add3A_579 : vector<16xi32>
        %gather3A_581 = tpu.vector_load_idx %arg6[%broadcast_in_dim3A_3, %broadcast_in_dim3A_3, %add3A_580] : memref<2x128x64xf32, #tpu.memory_space<vmem>>[vector<16xi32>, vector<16xi32>, vector<16xi32>], vector<16xf32>,
        %add3A_582 = vector.broadcast %add3A_578 : i32 to vector<16xi32>
        %add3A_583 = arith.addi %add3A_516, %add3A_582 : vector<16xi32>
        tpu.vector_store_idx %arg8[%broadcast_in_dim3A_3, %broadcast_in_dim3A_3, %broadcast_in_dim3A_3, %add3A_583], %gather3A_581 : memref<2x8x8x128xf32, #tpu.memory_space<vmem>>[vector<16xi32>, vector<16xi32>, vector<16xi32>, vector<16xi32>], vector<16xf32>,
        %add3A_584 = arith.constant 2 : i32
        %add3A_585 = arith.addi %mul3A_546, %add3A_584 : i32
        %mul3A_586 = arith.constant 8192 : i32
        %mul3A_587 = arith.muli %shift_right_arithmetic3A_501, %mul3A_586 : i32
        %shift_right_arithmetic3A_588 = arith.constant 3 : i32
        %shift_right_arithmetic3A_589 = arith.shrsi %add3A_585, %shift_right_arithmetic3A_588 : i32
        %mul3A_590 = arith.constant 1024 : i32
        %mul3A_591 = arith.muli %shift_right_arithmetic3A_589, %mul3A_590 : i32
        %add3A_592 = arith.addi %mul3A_587, %mul3A_591 : i32
        %and3A_593 = arith.constant 7 : i32
        %and3A_594 = arith.andi %add3A_585, %and3A_593 : i32
        %mul3A_595 = arith.constant 128 : i32
        %mul3A_596 = arith.muli %and3A_594, %mul3A_595 : i32
        %add3A_597 = arith.addi %add3A_592, %mul3A_596 : i32
        %add3A_598 = vector.broadcast %add3A_585 : i32 to vector<16xi32>
        %add3A_599 = arith.addi %add3A_523, %add3A_598 : vector<16xi32>
        %gather3A_600 = tpu.vector_load_idx %arg6[%broadcast_in_dim3A_3, %broadcast_in_dim3A_3, %add3A_599] : memref<2x128x64xf32, #tpu.memory_space<vmem>>[vector<16xi32>, vector<16xi32>, vector<16xi32>], vector<16xf32>,
        %add3A_601 = vector.broadcast %add3A_597 : i32 to vector<16xi32>
        %add3A_602 = arith.addi %add3A_516, %add3A_601 : vector<16xi32>
        tpu.vector_store_idx %arg8[%broadcast_in_dim3A_3, %broadcast_in_dim3A_3, %broadcast_in_dim3A_3, %add3A_602], %gather3A_600 : memref<2x8x8x128xf32, #tpu.memory_space<vmem>>[vector<16xi32>, vector<16xi32>, vector<16xi32>, vector<16xi32>], vector<16xf32>,
        %add3A_603 = arith.constant 3 : i32
        %add3A_604 = arith.addi %mul3A_546, %add3A_603 : i32
        %mul3A_605 = arith.constant 8192 : i32
        %mul3A_606 = arith.muli %shift_right_arithmetic3A_501, %mul3A_605 : i32
        %shift_right_arithmetic3A_607 = arith.constant 3 : i32
        %shift_right_arithmetic3A_608 = arith.shrsi %add3A_604, %shift_right_arithmetic3A_607 : i32
        %mul3A_609 = arith.constant 1024 : i32
        %mul3A_610 = arith.muli %shift_right_arithmetic3A_608, %mul3A_609 : i32
        %add3A_611 = arith.addi %mul3A_606, %mul3A_610 : i32
        %and3A_612 = arith.constant 7 : i32
        %and3A_613 = arith.andi %add3A_604, %and3A_612 : i32
        %mul3A_614 = arith.constant 128 : i32
        %mul3A_615 = arith.muli %and3A_613, %mul3A_614 : i32
        %add3A_616 = arith.addi %add3A_611, %mul3A_615 : i32
        %add3A_617 = vector.broadcast %add3A_604 : i32 to vector<16xi32>
        %add3A_618 = arith.addi %add3A_523, %add3A_617 : vector<16xi32>
        %gather3A_619 = tpu.vector_load_idx %arg6[%broadcast_in_dim3A_3, %broadcast_in_dim3A_3, %add3A_618] : memref<2x128x64xf32, #tpu.memory_space<vmem>>[vector<16xi32>, vector<16xi32>, vector<16xi32>], vector<16xf32>,
        %add3A_620 = vector.broadcast %add3A_616 : i32 to vector<16xi32>
        %add3A_621 = arith.addi %add3A_516, %add3A_620 : vector<16xi32>
        tpu.vector_store_idx %arg8[%broadcast_in_dim3A_3, %broadcast_in_dim3A_3, %broadcast_in_dim3A_3, %add3A_621], %gather3A_619 : memref<2x8x8x128xf32, #tpu.memory_space<vmem>>[vector<16xi32>, vector<16xi32>, vector<16xi32>, vector<16xi32>], vector<16xf32>,
        %add3A_622 = arith.constant 4 : i32
        %add3A_623 = arith.addi %mul3A_546, %add3A_622 : i32
        %mul3A_624 = arith.constant 8192 : i32
        %mul3A_625 = arith.muli %shift_right_arithmetic3A_501, %mul3A_624 : i32
        %shift_right_arithmetic3A_626 = arith.constant 3 : i32
        %shift_right_arithmetic3A_627 = arith.shrsi %add3A_623, %shift_right_arithmetic3A_626 : i32
        %mul3A_628 = arith.constant 1024 : i32
        %mul3A_629 = arith.muli %shift_right_arithmetic3A_627, %mul3A_628 : i32
        %add3A_630 = arith.addi %mul3A_625, %mul3A_629 : i32
        %and3A_631 = arith.constant 7 : i32
        %and3A_632 = arith.andi %add3A_623, %and3A_631 : i32
        %mul3A_633 = arith.constant 128 : i32
        %mul3A_634 = arith.muli %and3A_632, %mul3A_633 : i32
        %add3A_635 = arith.addi %add3A_630, %mul3A_634 : i32
        %add3A_636 = vector.broadcast %add3A_623 : i32 to vector<16xi32>
        %add3A_637 = arith.addi %add3A_523, %add3A_636 : vector<16xi32>
        %gather3A_638 = tpu.vector_load_idx %arg6[%broadcast_in_dim3A_3, %broadcast_in_dim3A_3, %add3A_637] : memref<2x128x64xf32, #tpu.memory_space<vmem>>[vector<16xi32>, vector<16xi32>, vector<16xi32>], vector<16xf32>,
        %add3A_639 = vector.broadcast %add3A_635 : i32 to vector<16xi32>
        %add3A_640 = arith.addi %add3A_516, %add3A_639 : vector<16xi32>
        tpu.vector_store_idx %arg8[%broadcast_in_dim3A_3, %broadcast_in_dim3A_3, %broadcast_in_dim3A_3, %add3A_640], %gather3A_638 : memref<2x8x8x128xf32, #tpu.memory_space<vmem>>[vector<16xi32>, vector<16xi32>, vector<16xi32>, vector<16xi32>], vector<16xf32>,
        %add3A_641 = arith.constant 5 : i32
        %add3A_642 = arith.addi %mul3A_546, %add3A_641 : i32
        %mul3A_643 = arith.constant 8192 : i32
        %mul3A_644 = arith.muli %shift_right_arithmetic3A_501, %mul3A_643 : i32
        %shift_right_arithmetic3A_645 = arith.constant 3 : i32
        %shift_right_arithmetic3A_646 = arith.shrsi %add3A_642, %shift_right_arithmetic3A_645 : i32
        %mul3A_647 = arith.constant 1024 : i32
        %mul3A_648 = arith.muli %shift_right_arithmetic3A_646, %mul3A_647 : i32
        %add3A_649 = arith.addi %mul3A_644, %mul3A_648 : i32
        %and3A_650 = arith.constant 7 : i32
        %and3A_651 = arith.andi %add3A_642, %and3A_650 : i32
        %mul3A_652 = arith.constant 128 : i32
        %mul3A_653 = arith.muli %and3A_651, %mul3A_652 : i32
        %add3A_654 = arith.addi %add3A_649, %mul3A_653 : i32
        %add3A_655 = vector.broadcast %add3A_642 : i32 to vector<16xi32>
        %add3A_656 = arith.addi %add3A_523, %add3A_655 : vector<16xi32>
        %gather3A_657 = tpu.vector_load_idx %arg6[%broadcast_in_dim3A_3, %broadcast_in_dim3A_3, %add3A_656] : memref<2x128x64xf32, #tpu.memory_space<vmem>>[vector<16xi32>, vector<16xi32>, vector<16xi32>], vector<16xf32>,
        %add3A_658 = vector.broadcast %add3A_654 : i32 to vector<16xi32>
        %add3A_659 = arith.addi %add3A_516, %add3A_658 : vector<16xi32>
        tpu.vector_store_idx %arg8[%broadcast_in_dim3A_3, %broadcast_in_dim3A_3, %broadcast_in_dim3A_3, %add3A_659], %gather3A_657 : memref<2x8x8x128xf32, #tpu.memory_space<vmem>>[vector<16xi32>, vector<16xi32>, vector<16xi32>, vector<16xi32>], vector<16xf32>,
        %add3A_660 = arith.constant 6 : i32
        %add3A_661 = arith.addi %mul3A_546, %add3A_660 : i32
        %mul3A_662 = arith.constant 8192 : i32
        %mul3A_663 = arith.muli %shift_right_arithmetic3A_501, %mul3A_662 : i32
        %shift_right_arithmetic3A_664 = arith.constant 3 : i32
        %shift_right_arithmetic3A_665 = arith.shrsi %add3A_661, %shift_right_arithmetic3A_664 : i32
        %mul3A_666 = arith.constant 1024 : i32
        %mul3A_667 = arith.muli %shift_right_arithmetic3A_665, %mul3A_666 : i32
        %add3A_668 = arith.addi %mul3A_663, %mul3A_667 : i32
        %and3A_669 = arith.constant 7 : i32
        %and3A_670 = arith.andi %add3A_661, %and3A_669 : i32
        %mul3A_671 = arith.constant 128 : i32
        %mul3A_672 = arith.muli %and3A_670, %mul3A_671 : i32
        %add3A_673 = arith.addi %add3A_668, %mul3A_672 : i32
        %add3A_674 = vector.broadcast %add3A_661 : i32 to vector<16xi32>
        %add3A_675 = arith.addi %add3A_523, %add3A_674 : vector<16xi32>
        %gather3A_676 = tpu.vector_load_idx %arg6[%broadcast_in_dim3A_3, %broadcast_in_dim3A_3, %add3A_675] : memref<2x128x64xf32, #tpu.memory_space<vmem>>[vector<16xi32>, vector<16xi32>, vector<16xi32>], vector<16xf32>,
        %add3A_677 = vector.broadcast %add3A_673 : i32 to vector<16xi32>
        %add3A_678 = arith.addi %add3A_516, %add3A_677 : vector<16xi32>
        tpu.vector_store_idx %arg8[%broadcast_in_dim3A_3, %broadcast_in_dim3A_3, %broadcast_in_dim3A_3, %add3A_678], %gather3A_676 : memref<2x8x8x128xf32, #tpu.memory_space<vmem>>[vector<16xi32>, vector<16xi32>, vector<16xi32>, vector<16xi32>], vector<16xf32>,
        %add3A_679 = arith.constant 7 : i32
        %add3A_680 = arith.addi %mul3A_546, %add3A_679 : i32
        %mul3A_681 = arith.constant 8192 : i32
        %mul3A_682 = arith.muli %shift_right_arithmetic3A_501, %mul3A_681 : i32
        %shift_right_arithmetic3A_683 = arith.constant 3 : i32
        %shift_right_arithmetic3A_684 = arith.shrsi %add3A_680, %shift_right_arithmetic3A_683 : i32
        %mul3A_685 = arith.constant 1024 : i32
        %mul3A_686 = arith.muli %shift_right_arithmetic3A_684, %mul3A_685 : i32
        %add3A_687 = arith.addi %mul3A_682, %mul3A_686 : i32
        %and3A_688 = arith.constant 7 : i32
        %and3A_689 = arith.andi %add3A_680, %and3A_688 : i32
        %mul3A_690 = arith.constant 128 : i32
        %mul3A_691 = arith.muli %and3A_689, %mul3A_690 : i32
        %add3A_692 = arith.addi %add3A_687, %mul3A_691 : i32
        %add3A_693 = vector.broadcast %add3A_680 : i32 to vector<16xi32>
        %add3A_694 = arith.addi %add3A_523, %add3A_693 : vector<16xi32>
        %gather3A_695 = tpu.vector_load_idx %arg6[%broadcast_in_dim3A_3, %broadcast_in_dim3A_3, %add3A_694] : memref<2x128x64xf32, #tpu.memory_space<vmem>>[vector<16xi32>, vector<16xi32>, vector<16xi32>], vector<16xf32>,
        %add3A_696 = vector.broadcast %add3A_692 : i32 to vector<16xi32>
        %add3A_697 = arith.addi %add3A_516, %add3A_696 : vector<16xi32>
        tpu.vector_store_idx %arg8[%broadcast_in_dim3A_3, %broadcast_in_dim3A_3, %broadcast_in_dim3A_3, %add3A_697], %gather3A_695 : memref<2x8x8x128xf32, #tpu.memory_space<vmem>>[vector<16xi32>, vector<16xi32>, vector<16xi32>, vector<16xi32>], vector<16xf32>,
        %add3A_698 = arith.constant 8 : i32
        %add3A_699 = arith.addi %mul3A_546, %add3A_698 : i32
        %mul3A_700 = arith.constant 8192 : i32
        %mul3A_701 = arith.muli %shift_right_arithmetic3A_501, %mul3A_700 : i32
        %shift_right_arithmetic3A_702 = arith.constant 3 : i32
        %shift_right_arithmetic3A_703 = arith.shrsi %add3A_699, %shift_right_arithmetic3A_702 : i32
        %mul3A_704 = arith.constant 1024 : i32
        %mul3A_705 = arith.muli %shift_right_arithmetic3A_703, %mul3A_704 : i32
        %add3A_706 = arith.addi %mul3A_701, %mul3A_705 : i32
        %and3A_707 = arith.constant 7 : i32
        %and3A_708 = arith.andi %add3A_699, %and3A_707 : i32
        %mul3A_709 = arith.constant 128 : i32
        %mul3A_710 = arith.muli %and3A_708, %mul3A_709 : i32
        %add3A_711 = arith.addi %add3A_706, %mul3A_710 : i32
        %add3A_712 = vector.broadcast %add3A_699 : i32 to vector<16xi32>
        %add3A_713 = arith.addi %add3A_523, %add3A_712 : vector<16xi32>
        %gather3A_714 = tpu.vector_load_idx %arg6[%broadcast_in_dim3A_3, %broadcast_in_dim3A_3, %add3A_713] : memref<2x128x64xf32, #tpu.memory_space<vmem>>[vector<16xi32>, vector<16xi32>, vector<16xi32>], vector<16xf32>,
        %add3A_715 = vector.broadcast %add3A_711 : i32 to vector<16xi32>
        %add3A_716 = arith.addi %add3A_516, %add3A_715 : vector<16xi32>
        tpu.vector_store_idx %arg8[%broadcast_in_dim3A_3, %broadcast_in_dim3A_3, %broadcast_in_dim3A_3, %add3A_716], %gather3A_714 : memref<2x8x8x128xf32, #tpu.memory_space<vmem>>[vector<16xi32>, vector<16xi32>, vector<16xi32>, vector<16xi32>], vector<16xf32>,
        %add3A_717 = arith.constant 9 : i32
        %add3A_718 = arith.addi %mul3A_546, %add3A_717 : i32
        %mul3A_719 = arith.constant 8192 : i32
        %mul3A_720 = arith.muli %shift_right_arithmetic3A_501, %mul3A_719 : i32
        %shift_right_arithmetic3A_721 = arith.constant 3 : i32
        %shift_right_arithmetic3A_722 = arith.shrsi %add3A_718, %shift_right_arithmetic3A_721 : i32
        %mul3A_723 = arith.constant 1024 : i32
        %mul3A_724 = arith.muli %shift_right_arithmetic3A_722, %mul3A_723 : i32
        %add3A_725 = arith.addi %mul3A_720, %mul3A_724 : i32
        %and3A_726 = arith.constant 7 : i32
        %and3A_727 = arith.andi %add3A_718, %and3A_726 : i32
        %mul3A_728 = arith.constant 128 : i32
        %mul3A_729 = arith.muli %and3A_727, %mul3A_728 : i32
        %add3A_730 = arith.addi %add3A_725, %mul3A_729 : i32
        %add3A_731 = vector.broadcast %add3A_718 : i32 to vector<16xi32>
        %add3A_732 = arith.addi %add3A_523, %add3A_731 : vector<16xi32>
        %gather3A_733 = tpu.vector_load_idx %arg6[%broadcast_in_dim3A_3, %broadcast_in_dim3A_3, %add3A_732] : memref<2x128x64xf32, #tpu.memory_space<vmem>>[vector<16xi32>, vector<16xi32>, vector<16xi32>], vector<16xf32>,
        %add3A_734 = vector.broadcast %add3A_730 : i32 to vector<16xi32>
        %add3A_735 = arith.addi %add3A_516, %add3A_734 : vector<16xi32>
        tpu.vector_store_idx %arg8[%broadcast_in_dim3A_3, %broadcast_in_dim3A_3, %broadcast_in_dim3A_3, %add3A_735], %gather3A_733 : memref<2x8x8x128xf32, #tpu.memory_space<vmem>>[vector<16xi32>, vector<16xi32>, vector<16xi32>, vector<16xi32>], vector<16xf32>,
        %add3A_736 = arith.constant 10 : i32
        %add3A_737 = arith.addi %mul3A_546, %add3A_736 : i32
        %mul3A_738 = arith.constant 8192 : i32
        %mul3A_739 = arith.muli %shift_right_arithmetic3A_501, %mul3A_738 : i32
        %shift_right_arithmetic3A_740 = arith.constant 3 : i32
        %shift_right_arithmetic3A_741 = arith.shrsi %add3A_737, %shift_right_arithmetic3A_740 : i32
        %mul3A_742 = arith.constant 1024 : i32
        %mul3A_743 = arith.muli %shift_right_arithmetic3A_741, %mul3A_742 : i32
        %add3A_744 = arith.addi %mul3A_739, %mul3A_743 : i32
        %and3A_745 = arith.constant 7 : i32
        %and3A_746 = arith.andi %add3A_737, %and3A_745 : i32
        %mul3A_747 = arith.constant 128 : i32
        %mul3A_748 = arith.muli %and3A_746, %mul3A_747 : i32
        %add3A_749 = arith.addi %add3A_744, %mul3A_748 : i32
        %add3A_750 = vector.broadcast %add3A_737 : i32 to vector<16xi32>
        %add3A_751 = arith.addi %add3A_523, %add3A_750 : vector<16xi32>
        %gather3A_752 = tpu.vector_load_idx %arg6[%broadcast_in_dim3A_3, %broadcast_in_dim3A_3, %add3A_751] : memref<2x128x64xf32, #tpu.memory_space<vmem>>[vector<16xi32>, vector<16xi32>, vector<16xi32>], vector<16xf32>,
        %add3A_753 = vector.broadcast %add3A_749 : i32 to vector<16xi32>
        %add3A_754 = arith.addi %add3A_516, %add3A_753 : vector<16xi32>
        tpu.vector_store_idx %arg8[%broadcast_in_dim3A_3, %broadcast_in_dim3A_3, %broadcast_in_dim3A_3, %add3A_754], %gather3A_752 : memref<2x8x8x128xf32, #tpu.memory_space<vmem>>[vector<16xi32>, vector<16xi32>, vector<16xi32>, vector<16xi32>], vector<16xf32>,
        %add3A_755 = arith.constant 11 : i32
        %add3A_756 = arith.addi %mul3A_546, %add3A_755 : i32
        %mul3A_757 = arith.constant 8192 : i32
        %mul3A_758 = arith.muli %shift_right_arithmetic3A_501, %mul3A_757 : i32
        %shift_right_arithmetic3A_759 = arith.constant 3 : i32
        %shift_right_arithmetic3A_760 = arith.shrsi %add3A_756, %shift_right_arithmetic3A_759 : i32
        %mul3A_761 = arith.constant 1024 : i32
        %mul3A_762 = arith.muli %shift_right_arithmetic3A_760, %mul3A_761 : i32
        %add3A_763 = arith.addi %mul3A_758, %mul3A_762 : i32
        %and3A_764 = arith.constant 7 : i32
        %and3A_765 = arith.andi %add3A_756, %and3A_764 : i32
        %mul3A_766 = arith.constant 128 : i32
        %mul3A_767 = arith.muli %and3A_765, %mul3A_766 : i32
        %add3A_768 = arith.addi %add3A_763, %mul3A_767 : i32
        %add3A_769 = vector.broadcast %add3A_756 : i32 to vector<16xi32>
        %add3A_770 = arith.addi %add3A_523, %add3A_769 : vector<16xi32>
        %gather3A_771 = tpu.vector_load_idx %arg6[%broadcast_in_dim3A_3, %broadcast_in_dim3A_3, %add3A_770] : memref<2x128x64xf32, #tpu.memory_space<vmem>>[vector<16xi32>, vector<16xi32>, vector<16xi32>], vector<16xf32>,
        %add3A_772 = vector.broadcast %add3A_768 : i32 to vector<16xi32>
        %add3A_773 = arith.addi %add3A_516, %add3A_772 : vector<16xi32>
        tpu.vector_store_idx %arg8[%broadcast_in_dim3A_3, %broadcast_in_dim3A_3, %broadcast_in_dim3A_3, %add3A_773], %gather3A_771 : memref<2x8x8x128xf32, #tpu.memory_space<vmem>>[vector<16xi32>, vector<16xi32>, vector<16xi32>, vector<16xi32>], vector<16xf32>,
        %add3A_774 = arith.constant 12 : i32
        %add3A_775 = arith.addi %mul3A_546, %add3A_774 : i32
        %mul3A_776 = arith.constant 8192 : i32
        %mul3A_777 = arith.muli %shift_right_arithmetic3A_501, %mul3A_776 : i32
        %shift_right_arithmetic3A_778 = arith.constant 3 : i32
        %shift_right_arithmetic3A_779 = arith.shrsi %add3A_775, %shift_right_arithmetic3A_778 : i32
        %mul3A_780 = arith.constant 1024 : i32
        %mul3A_781 = arith.muli %shift_right_arithmetic3A_779, %mul3A_780 : i32
        %add3A_782 = arith.addi %mul3A_777, %mul3A_781 : i32
        %and3A_783 = arith.constant 7 : i32
        %and3A_784 = arith.andi %add3A_775, %and3A_783 : i32
        %mul3A_785 = arith.constant 128 : i32
        %mul3A_786 = arith.muli %and3A_784, %mul3A_785 : i32
        %add3A_787 = arith.addi %add3A_782, %mul3A_786 : i32
        %add3A_788 = vector.broadcast %add3A_775 : i32 to vector<16xi32>
        %add3A_789 = arith.addi %add3A_523, %add3A_788 : vector<16xi32>
        %gather3A_790 = tpu.vector_load_idx %arg6[%broadcast_in_dim3A_3, %broadcast_in_dim3A_3, %add3A_789] : memref<2x128x64xf32, #tpu.memory_space<vmem>>[vector<16xi32>, vector<16xi32>, vector<16xi32>], vector<16xf32>,
        %add3A_791 = vector.broadcast %add3A_787 : i32 to vector<16xi32>
        %add3A_792 = arith.addi %add3A_516, %add3A_791 : vector<16xi32>
        tpu.vector_store_idx %arg8[%broadcast_in_dim3A_3, %broadcast_in_dim3A_3, %broadcast_in_dim3A_3, %add3A_792], %gather3A_790 : memref<2x8x8x128xf32, #tpu.memory_space<vmem>>[vector<16xi32>, vector<16xi32>, vector<16xi32>, vector<16xi32>], vector<16xf32>,
        %add3A_793 = arith.constant 13 : i32
        %add3A_794 = arith.addi %mul3A_546, %add3A_793 : i32
        %mul3A_795 = arith.constant 8192 : i32
        %mul3A_796 = arith.muli %shift_right_arithmetic3A_501, %mul3A_795 : i32
        %shift_right_arithmetic3A_797 = arith.constant 3 : i32
        %shift_right_arithmetic3A_798 = arith.shrsi %add3A_794, %shift_right_arithmetic3A_797 : i32
        %mul3A_799 = arith.constant 1024 : i32
        %mul3A_800 = arith.muli %shift_right_arithmetic3A_798, %mul3A_799 : i32
        %add3A_801 = arith.addi %mul3A_796, %mul3A_800 : i32
        %and3A_802 = arith.constant 7 : i32
        %and3A_803 = arith.andi %add3A_794, %and3A_802 : i32
        %mul3A_804 = arith.constant 128 : i32
        %mul3A_805 = arith.muli %and3A_803, %mul3A_804 : i32
        %add3A_806 = arith.addi %add3A_801, %mul3A_805 : i32
        %add3A_807 = vector.broadcast %add3A_794 : i32 to vector<16xi32>
        %add3A_808 = arith.addi %add3A_523, %add3A_807 : vector<16xi32>
        %gather3A_809 = tpu.vector_load_idx %arg6[%broadcast_in_dim3A_3, %broadcast_in_dim3A_3, %add3A_808] : memref<2x128x64xf32, #tpu.memory_space<vmem>>[vector<16xi32>, vector<16xi32>, vector<16xi32>], vector<16xf32>,
        %add3A_810 = vector.broadcast %add3A_806 : i32 to vector<16xi32>
        %add3A_811 = arith.addi %add3A_516, %add3A_810 : vector<16xi32>
        tpu.vector_store_idx %arg8[%broadcast_in_dim3A_3, %broadcast_in_dim3A_3, %broadcast_in_dim3A_3, %add3A_811], %gather3A_809 : memref<2x8x8x128xf32, #tpu.memory_space<vmem>>[vector<16xi32>, vector<16xi32>, vector<16xi32>, vector<16xi32>], vector<16xf32>,
        %add3A_812 = arith.constant 14 : i32
        %add3A_813 = arith.addi %mul3A_546, %add3A_812 : i32
        %mul3A_814 = arith.constant 8192 : i32
        %mul3A_815 = arith.muli %shift_right_arithmetic3A_501, %mul3A_814 : i32
        %shift_right_arithmetic3A_816 = arith.constant 3 : i32
        %shift_right_arithmetic3A_817 = arith.shrsi %add3A_813, %shift_right_arithmetic3A_816 : i32
        %mul3A_818 = arith.constant 1024 : i32
        %mul3A_819 = arith.muli %shift_right_arithmetic3A_817, %mul3A_818 : i32
        %add3A_820 = arith.addi %mul3A_815, %mul3A_819 : i32
        %and3A_821 = arith.constant 7 : i32
        %and3A_822 = arith.andi %add3A_813, %and3A_821 : i32
        %mul3A_823 = arith.constant 128 : i32
        %mul3A_824 = arith.muli %and3A_822, %mul3A_823 : i32
        %add3A_825 = arith.addi %add3A_820, %mul3A_824 : i32
        %add3A_826 = vector.broadcast %add3A_813 : i32 to vector<16xi32>
        %add3A_827 = arith.addi %add3A_523, %add3A_826 : vector<16xi32>
        %gather3A_828 = tpu.vector_load_idx %arg6[%broadcast_in_dim3A_3, %broadcast_in_dim3A_3, %add3A_827] : memref<2x128x64xf32, #tpu.memory_space<vmem>>[vector<16xi32>, vector<16xi32>, vector<16xi32>], vector<16xf32>,
        %add3A_829 = vector.broadcast %add3A_825 : i32 to vector<16xi32>
        %add3A_830 = arith.addi %add3A_516, %add3A_829 : vector<16xi32>
        tpu.vector_store_idx %arg8[%broadcast_in_dim3A_3, %broadcast_in_dim3A_3, %broadcast_in_dim3A_3, %add3A_830], %gather3A_828 : memref<2x8x8x128xf32, #tpu.memory_space<vmem>>[vector<16xi32>, vector<16xi32>, vector<16xi32>, vector<16xi32>], vector<16xf32>,
        %add3A_831 = arith.constant 15 : i32
        %add3A_832 = arith.addi %mul3A_546, %add3A_831 : i32
        %mul3A_833 = arith.constant 8192 : i32
        %mul3A_834 = arith.muli %shift_right_arithmetic3A_501, %mul3A_833 : i32
        %shift_right_arithmetic3A_835 = arith.constant 3 : i32
        %shift_right_arithmetic3A_836 = arith.shrsi %add3A_832, %shift_right_arithmetic3A_835 : i32
        %mul3A_837 = arith.constant 1024 : i32
        %mul3A_838 = arith.muli %shift_right_arithmetic3A_836, %mul3A_837 : i32
        %add3A_839 = arith.addi %mul3A_834, %mul3A_838 : i32
        %and3A_840 = arith.constant 7 : i32
        %and3A_841 = arith.andi %add3A_832, %and3A_840 : i32
        %mul3A_842 = arith.constant 128 : i32
        %mul3A_843 = arith.muli %and3A_841, %mul3A_842 : i32
        %add3A_844 = arith.addi %add3A_839, %mul3A_843 : i32
        %add3A_845 = vector.broadcast %add3A_832 : i32 to vector<16xi32>
        %add3A_846 = arith.addi %add3A_523, %add3A_845 : vector<16xi32>
        %gather3A_847 = tpu.vector_load_idx %arg6[%broadcast_in_dim3A_3, %broadcast_in_dim3A_3, %add3A_846] : memref<2x128x64xf32, #tpu.memory_space<vmem>>[vector<16xi32>, vector<16xi32>, vector<16xi32>], vector<16xf32>,
        %add3A_848 = vector.broadcast %add3A_844 : i32 to vector<16xi32>
        %add3A_849 = arith.addi %add3A_516, %add3A_848 : vector<16xi32>
        tpu.vector_store_idx %arg8[%broadcast_in_dim3A_3, %broadcast_in_dim3A_3, %broadcast_in_dim3A_3, %add3A_849], %gather3A_847 : memref<2x8x8x128xf32, #tpu.memory_space<vmem>>[vector<16xi32>, vector<16xi32>, vector<16xi32>, vector<16xi32>], vector<16xf32>,
      }
      %scan3A_365 = arith.constant 64 : i32
      %mul3A_366 = arith.constant 2 : i32
      %mul3A_367 = arith.muli %mul3A_366, %add3A_323 : i32
      %dma_start3A_368 = arith.constant 0 : i32
      %dma_start3A_369 = arith.constant 0 : i32
      %dma_start3A_370 = arith.constant 0 : i32
      %dma_start3A_371 = tpu.memref_slice %arg4[%mul3A_367, %dma_start3A_368, %add3A, %dma_start3A_369, %dma_start3A_370] : memref<200x8x32x8x128xf32, #tpu.memory_space<hbm>> -> memref<2x8x1x8x128xf32, #tpu.memory_space<hbm>>
      %dma_start3A_372 = tpu.memref_squeeze %dma_start3A_371 : memref<2x8x1x8x128xf32, #tpu.memory_space<hbm>> -> memref<2x8x8x128xf32, #tpu.memory_space<hbm>>
      %dma_start3A_373 = arith.constant 0 : i32
      %dma_start3A_374 = arith.constant 0 : i32
      %dma_start3A_375 = arith.constant 0 : i32
      %dma_start3A_376 = tpu.memref_slice %arg4[%mul3A_367, %dma_start3A_373, %add3A, %dma_start3A_374, %dma_start3A_375] : memref<200x8x32x8x128xf32, #tpu.memory_space<hbm>> -> memref<2x8x1x8x128xf32, #tpu.memory_space<hbm>>
      %dma_start3A_377 = tpu.memref_squeeze %dma_start3A_376 : memref<2x8x1x8x128xf32, #tpu.memory_space<hbm>> -> memref<2x8x8x128xf32, #tpu.memory_space<hbm>>
      tpu.enqueue_dma source(%arg8 : memref<2x8x8x128xf32, #tpu.memory_space<vmem>>) target(%dma_start3A_377 : memref<2x8x8x128xf32, #tpu.memory_space<hbm>>) target_semaphore(%arg12 : memref<!tpu.dma_semaphore, #tpu.memory_space<semaphore_mem>>)
      %add3A_378 = arith.constant 2 : i32
      %add3A_379 = arith.addi %add3A_323, %add3A_378 : i32
      %mul3A_380 = arith.constant 2 : i32
      %mul3A_381 = arith.muli %mul3A_380, %add3A_379 : i32
      %add3A_382 = arith.constant 0 : i32
      %add3A_383 = arith.addi %mul3A_381, %add3A_382 : i32
      %dma_start3A_384 = arith.constant 0 : i32
      %dma_start3A_385 = arith.constant 0 : i32
      %dma_start3A_386 = arith.constant 0 : i32
      %dma_start3A_387 = tpu.memref_slice %arg6[%dma_start3A_384, %dma_start3A_385, %dma_start3A_386] : memref<2x128x64xf32, #tpu.memory_space<vmem>> -> memref<1x128x64xf32, #tpu.memory_space<vmem>>
      %dma_start3A_388 = tpu.memref_squeeze %dma_start3A_387 : memref<1x128x64xf32, #tpu.memory_space<vmem>> -> memref<128x64xf32, #tpu.memory_space<vmem>>
      %dma_start3A_389 = arith.constant 0 : i32
      %dma_start3A_390 = tpu.memref_slice %arg5[%add3A_383, %dma_start3A_389] : memref<200x128xi32, #tpu.memory_space<vmem>> -> memref<1x128xi32, #tpu.memory_space<vmem>>
      %dma_start3A_391 = tpu.memref_squeeze %dma_start3A_390 : memref<1x128xi32, #tpu.memory_space<vmem>> -> memref<128xi32, #tpu.memory_space<vmem>>
      %dma_start3A_392 = arith.constant 0 : i32
      %dma_start3A_393 = arith.constant 0 : i32
      %dma_start3A_394 = tpu.memref_slice %arg3[%dma_start3A_392, %dma_start3A_393] : memref<1000000x64xf32, #tpu.memory_space<hbm>> -> memref<1000000x64xf32, #tpu.memory_space<hbm>>
      tpu.enqueue_indirect_dma source(%dma_start3A_394 : memref<1000000x64xf32, #tpu.memory_space<hbm>>) target(%dma_start3A_388 : memref<128x64xf32, #tpu.memory_space<vmem>>) offsets(%dma_start3A_391 : memref<128xi32, #tpu.memory_space<vmem>>) semaphore(%arg10 : memref<!tpu.dma_semaphore, #tpu.memory_space<semaphore_mem>>)
      %mul3A_395 = arith.constant 2 : i32
      %mul3A_396 = arith.muli %mul3A_395, %add3A_379 : i32
      %add3A_397 = arith.constant 1 : i32
      %add3A_398 = arith.addi %mul3A_396, %add3A_397 : i32
      %dma_start3A_399 = arith.constant 1 : i32
      %dma_start3A_400 = arith.constant 0 : i32
      %dma_start3A_401 = arith.constant 0 : i32
      %dma_start3A_402 = tpu.memref_slice %arg6[%dma_start3A_399, %dma_start3A_400, %dma_start3A_401] : memref<2x128x64xf32, #tpu.memory_space<vmem>> -> memref<1x128x64xf32, #tpu.memory_space<vmem>>
      %dma_start3A_403 = tpu.memref_squeeze %dma_start3A_402 : memref<1x128x64xf32, #tpu.memory_space<vmem>> -> memref<128x64xf32, #tpu.memory_space<vmem>>
      %dma_start3A_404 = arith.constant 0 : i32
      %dma_start3A_405 = tpu.memref_slice %arg5[%add3A_398, %dma_start3A_404] : memref<200x128xi32, #tpu.memory_space<vmem>> -> memref<1x128xi32, #tpu.memory_space<vmem>>
      %dma_start3A_406 = tpu.memref_squeeze %dma_start3A_405 : memref<1x128xi32, #tpu.memory_space<vmem>> -> memref<128xi32, #tpu.memory_space<vmem>>
      %dma_start3A_407 = arith.constant 0 : i32
      %dma_start3A_408 = arith.constant 0 : i32
      %dma_start3A_409 = tpu.memref_slice %arg3[%dma_start3A_407, %dma_start3A_408] : memref<1000000x64xf32, #tpu.memory_space<hbm>> -> memref<1000000x64xf32, #tpu.memory_space<hbm>>
      tpu.enqueue_indirect_dma source(%dma_start3A_409 : memref<1000000x64xf32, #tpu.memory_space<hbm>>) target(%dma_start3A_403 : memref<128x64xf32, #tpu.memory_space<vmem>>) offsets(%dma_start3A_406 : memref<128xi32, #tpu.memory_space<vmem>>) semaphore(%arg10 : memref<!tpu.dma_semaphore, #tpu.memory_space<semaphore_mem>>)
      %mul3A_410 = arith.constant 2 : i32
      %mul3A_411 = arith.muli %mul3A_410, %scan3A_319 : i32
      %add3A_412 = arith.constant 1 : i32
      %add3A_413 = arith.addi %mul3A_411, %add3A_412 : i32
      %dma_wait3A_414 = arith.constant 0 : i32
      %dma_wait3A_415 = arith.constant 0 : i32
      %dma_wait3A_416 = arith.constant 0 : i32
      %dma_wait3A_417 = arith.constant 0 : i32
      %dma_wait3A_418 = tpu.memref_slice %arg7[%dma_wait3A_415, %dma_wait3A_416, %dma_wait3A_417] : memref<2x128x64xf32, #tpu.memory_space<vmem>> -> memref<1x128x64xf32, #tpu.memory_space<vmem>>
      %dma_wait3A_419 = tpu.memref_squeeze %dma_wait3A_418 : memref<1x128x64xf32, #tpu.memory_space<vmem>> -> memref<128x64xf32, #tpu.memory_space<vmem>>
      %dma_wait3A_420 = arith.constant 0 : i32
      %dma_wait3A_421 = tpu.memref_slice %arg5[%dma_wait3A_414, %dma_wait3A_420] : memref<200x128xi32, #tpu.memory_space<vmem>> -> memref<1x128xi32, #tpu.memory_space<vmem>>
      %dma_wait3A_422 = tpu.memref_squeeze %dma_wait3A_421 : memref<1x128xi32, #tpu.memory_space<vmem>> -> memref<128xi32, #tpu.memory_space<vmem>>
      %dma_wait3A_423 = arith.constant 0 : i32
      %dma_wait3A_424 = arith.constant 0 : i32
      %dma_wait3A_425 = tpu.memref_slice %arg3[%dma_wait3A_423, %dma_wait3A_424] : memref<1000000x64xf32, #tpu.memory_space<hbm>> -> memref<1000000x64xf32, #tpu.memory_space<hbm>>
      tpu.wait_indirect_dma semaphore(%arg11 : memref<!tpu.dma_semaphore, #tpu.memory_space<semaphore_mem>>) src(%dma_wait3A_425 : memref<1000000x64xf32, #tpu.memory_space<hbm>>) dst(%dma_wait3A_419 : memref<128x64xf32, #tpu.memory_space<vmem>>)
      %dma_wait3A_426 = arith.constant 0 : i32
      %dma_wait3A_427 = arith.constant 1 : i32
      %dma_wait3A_428 = arith.constant 0 : i32
      %dma_wait3A_429 = arith.constant 0 : i32
      %dma_wait3A_430 = tpu.memref_slice %arg7[%dma_wait3A_427, %dma_wait3A_428, %dma_wait3A_429] : memref<2x128x64xf32, #tpu.memory_space<vmem>> -> memref<1x128x64xf32, #tpu.memory_space<vmem>>
      %dma_wait3A_431 = tpu.memref_squeeze %dma_wait3A_430 : memref<1x128x64xf32, #tpu.memory_space<vmem>> -> memref<128x64xf32, #tpu.memory_space<vmem>>
      %dma_wait3A_432 = arith.constant 0 : i32
      %dma_wait3A_433 = tpu.memref_slice %arg5[%dma_wait3A_426, %dma_wait3A_432] : memref<200x128xi32, #tpu.memory_space<vmem>> -> memref<1x128xi32, #tpu.memory_space<vmem>>
      %dma_wait3A_434 = tpu.memref_squeeze %dma_wait3A_433 : memref<1x128xi32, #tpu.memory_space<vmem>> -> memref<128xi32, #tpu.memory_space<vmem>>
      %dma_wait3A_435 = arith.constant 0 : i32
      %dma_wait3A_436 = arith.constant 0 : i32
      %dma_wait3A_437 = tpu.memref_slice %arg3[%dma_wait3A_435, %dma_wait3A_436] : memref<1000000x64xf32, #tpu.memory_space<hbm>> -> memref<1000000x64xf32, #tpu.memory_space<hbm>>
      tpu.wait_indirect_dma semaphore(%arg11 : memref<!tpu.dma_semaphore, #tpu.memory_space<semaphore_mem>>) src(%dma_wait3A_437 : memref<1000000x64xf32, #tpu.memory_space<hbm>>) dst(%dma_wait3A_431 : memref<128x64xf32, #tpu.memory_space<vmem>>)
      %dma_wait3A_438 = arith.constant 0 : i32
      %dma_wait3A_439 = arith.constant 0 : i32
      %dma_wait3A_440 = arith.constant 0 : i32
      %dma_wait3A_441 = arith.constant 0 : i32
      %dma_wait3A_442 = tpu.memref_slice %arg4[%dma_wait3A_438, %dma_wait3A_439, %add3A, %dma_wait3A_440, %dma_wait3A_441] : memref<200x8x32x8x128xf32, #tpu.memory_space<hbm>> -> memref<2x8x1x8x128xf32, #tpu.memory_space<hbm>>
      %dma_wait3A_443 = tpu.memref_squeeze %dma_wait3A_442 : memref<2x8x1x8x128xf32, #tpu.memory_space<hbm>> -> memref<2x8x8x128xf32, #tpu.memory_space<hbm>>
      %dma_wait3A_444 = arith.constant 0 : i32
      %dma_wait3A_445 = arith.constant 0 : i32
      %dma_wait3A_446 = arith.constant 0 : i32
      %dma_wait3A_447 = arith.constant 0 : i32
      %dma_wait3A_448 = tpu.memref_slice %arg4[%dma_wait3A_444, %dma_wait3A_445, %add3A, %dma_wait3A_446, %dma_wait3A_447] : memref<200x8x32x8x128xf32, #tpu.memory_space<hbm>> -> memref<2x8x1x8x128xf32, #tpu.memory_space<hbm>>
      %dma_wait3A_449 = tpu.memref_squeeze %dma_wait3A_448 : memref<2x8x1x8x128xf32, #tpu.memory_space<hbm>> -> memref<2x8x8x128xf32, #tpu.memory_space<hbm>>
      tpu.wait_dma2 semaphore(%arg13 : memref<!tpu.dma_semaphore, #tpu.memory_space<semaphore_mem>>) src(%arg9 : memref<2x8x8x128xf32, #tpu.memory_space<vmem>>) dst(%dma_wait3A_449 : memref<2x8x8x128xf32, #tpu.memory_space<hbm>>)
      %scan3A_450 = arith.constant 0 : i32
      %scan3A_451 = arith.constant 0 : i32
      %scan3A_452 = arith.constant 64 : i32
      %scan3A_453 = arith.addi %scan3A_451, %scan3A_452 : i32
      %scan3A_454 = arith.constant 1 : i32
      scf.for %scan3A_500 = %scan3A_451 to %scan3A_453 step %scan3A_454  : i32 {
        %shift_right_arithmetic3A = arith.constant 5 : i32
        %shift_right_arithmetic3A_501 = arith.shrsi %scan3A_500, %shift_right_arithmetic3A : i32
        %and3A = arith.constant 31 : i32
        %and3A_502 = arith.andi %scan3A_500, %and3A : i32
        %jit3A = arith.constant 8 : i32
        %eq3A = arith.constant 0 : i32
        %eq3A_503 = arith.cmpi eq, %jit3A, %eq3A : i32
        %jit3A_504 = arith.constant 1 : i32
        %select_n3A = arith.select %eq3A_503, %jit3A_504, %jit3A : i32
        %rem3A = arith.remsi %and3A_502, %select_n3A : i32
        %ne3A = arith.constant 0 : i32
        %ne3A_505 = arith.cmpi ne, %rem3A, %ne3A : i32
        %lt3A = arith.constant 0 : i32
        %lt3A_506 = arith.cmpi slt, %rem3A, %lt3A : i32
        %lt3A_507 = arith.constant 0 : i32
        %lt3A_508 = arith.cmpi slt, %select_n3A, %lt3A_507 : i32
        %ne3A_509 = arith.xori %lt3A_506, %lt3A_508 : i1
        %and3A_510 = arith.andi %ne3A_509, %ne3A_505 : i1
        %add3A_511 = arith.addi %rem3A, %select_n3A : i32
        %select_n3A_512 = arith.select %and3A_510, %add3A_511, %rem3A : i32
        %mul3A_513 = arith.constant 16 : i32
        %mul3A_514 = arith.muli %select_n3A_512, %mul3A_513 : i32
        %add3A_515 = vector.broadcast %mul3A_514 : i32 to vector<16xi32>
        %add3A_516 = arith.addi %iota3A, %add3A_515 : vector<16xi32>
        %mul3A_517 = arith.constant 64 : i32
        %mul3A_518 = vector.broadcast %mul3A_517 : i32 to vector<16xi32>
        %mul3A_519 = arith.muli %add3A_516, %mul3A_518 : vector<16xi32>
        %mul3A_520 = arith.constant 8192 : i32
        %mul3A_521 = arith.muli %shift_right_arithmetic3A_501, %mul3A_520 : i32
        %add3A_522 = vector.broadcast %mul3A_521 : i32 to vector<16xi32>
        %add3A_523 = arith.addi %mul3A_519, %add3A_522 : vector<16xi32>
        %jit3A_524 = arith.constant 8 : i32
        %div3A = arith.divsi %and3A_502, %jit3A_524 : i32
        %sign3A = arith.constant 0 : i32
        %sign3A_525 = arith.cmpi sgt, %and3A_502, %sign3A : i32
        %sign3A_526 = arith.extui %sign3A_525 : i1 to i32
        %sign3A_527 = arith.constant 0 : i32
        %sign3A_528 = arith.cmpi slt, %and3A_502, %sign3A_527 : i32
        %sign3A_529 = arith.extui %sign3A_528 : i1 to i32
        %sign3A_530 = arith.subi %sign3A_526, %sign3A_529 : i32
        %sign3A_531 = arith.constant 0 : i32
        %sign3A_532 = arith.cmpi sgt, %jit3A_524, %sign3A_531 : i32
        %sign3A_533 = arith.extui %sign3A_532 : i1 to i32
        %sign3A_534 = arith.constant 0 : i32
        %sign3A_535 = arith.cmpi slt, %jit3A_524, %sign3A_534 : i32
        %sign3A_536 = arith.extui %sign3A_535 : i1 to i32
        %sign3A_537 = arith.subi %sign3A_533, %sign3A_536 : i32
        %ne3A_538 = arith.cmpi ne, %sign3A_530, %sign3A_537 : i32
        %rem3A_539 = arith.remsi %and3A_502, %jit3A_524 : i32
        %ne3A_540 = arith.constant 0 : i32
        %ne3A_541 = arith.cmpi ne, %rem3A_539, %ne3A_540 : i32
        %and3A_542 = arith.andi %ne3A_538, %ne3A_541 : i1
        %sub3A = arith.constant 1 : i32
        %sub3A_543 = arith.subi %div3A, %sub3A : i32
        %select_n3A_544 = arith.select %and3A_542, %sub3A_543, %div3A : i32
        %mul3A_545 = arith.constant 16 : i32
        %mul3A_546 = arith.muli %select_n3A_544, %mul3A_545 : i32
        %add3A_547 = arith.constant 0 : i32
        %add3A_548 = arith.addi %mul3A_546, %add3A_547 : i32
        %mul3A_549 = arith.constant 8192 : i32
        %mul3A_550 = arith.muli %shift_right_arithmetic3A_501, %mul3A_549 : i32
        %shift_right_arithmetic3A_551 = arith.constant 3 : i32
        %shift_right_arithmetic3A_552 = arith.shrsi %add3A_548, %shift_right_arithmetic3A_551 : i32
        %mul3A_553 = arith.constant 1024 : i32
        %mul3A_554 = arith.muli %shift_right_arithmetic3A_552, %mul3A_553 : i32
        %add3A_555 = arith.addi %mul3A_550, %mul3A_554 : i32
        %and3A_556 = arith.constant 7 : i32
        %and3A_557 = arith.andi %add3A_548, %and3A_556 : i32
        %mul3A_558 = arith.constant 128 : i32
        %mul3A_559 = arith.muli %and3A_557, %mul3A_558 : i32
        %add3A_560 = arith.addi %add3A_555, %mul3A_559 : i32
        %add3A_561 = vector.broadcast %add3A_548 : i32 to vector<16xi32>
        %add3A_562 = arith.addi %add3A_523, %add3A_561 : vector<16xi32>
        %gather3A = tpu.vector_load_idx %arg7[%broadcast_in_dim3A_3, %broadcast_in_dim3A_3, %add3A_562] : memref<2x128x64xf32, #tpu.memory_space<vmem>>[vector<16xi32>, vector<16xi32>, vector<16xi32>], vector<16xf32>,
        %add3A_563 = vector.broadcast %add3A_560 : i32 to vector<16xi32>
        %add3A_564 = arith.addi %add3A_516, %add3A_563 : vector<16xi32>
        tpu.vector_store_idx %arg9[%broadcast_in_dim3A_3, %broadcast_in_dim3A_3, %broadcast_in_dim3A_3, %add3A_564], %gather3A : memref<2x8x8x128xf32, #tpu.memory_space<vmem>>[vector<16xi32>, vector<16xi32>, vector<16xi32>, vector<16xi32>], vector<16xf32>,
        %add3A_565 = arith.constant 1 : i32
        %add3A_566 = arith.addi %mul3A_546, %add3A_565 : i32
        %mul3A_567 = arith.constant 8192 : i32
        %mul3A_568 = arith.muli %shift_right_arithmetic3A_501, %mul3A_567 : i32
        %shift_right_arithmetic3A_569 = arith.constant 3 : i32
        %shift_right_arithmetic3A_570 = arith.shrsi %add3A_566, %shift_right_arithmetic3A_569 : i32
        %mul3A_571 = arith.constant 1024 : i32
        %mul3A_572 = arith.muli %shift_right_arithmetic3A_570, %mul3A_571 : i32
        %add3A_573 = arith.addi %mul3A_568, %mul3A_572 : i32
        %and3A_574 = arith.constant 7 : i32
        %and3A_575 = arith.andi %add3A_566, %and3A_574 : i32
        %mul3A_576 = arith.constant 128 : i32
        %mul3A_577 = arith.muli %and3A_575, %mul3A_576 : i32
        %add3A_578 = arith.addi %add3A_573, %mul3A_577 : i32
        %add3A_579 = vector.broadcast %add3A_566 : i32 to vector<16xi32>
        %add3A_580 = arith.addi %add3A_523, %add3A_579 : vector<16xi32>
        %gather3A_581 = tpu.vector_load_idx %arg7[%broadcast_in_dim3A_3, %broadcast_in_dim3A_3, %add3A_580] : memref<2x128x64xf32, #tpu.memory_space<vmem>>[vector<16xi32>, vector<16xi32>, vector<16xi32>], vector<16xf32>,
        %add3A_582 = vector.broadcast %add3A_578 : i32 to vector<16xi32>
        %add3A_583 = arith.addi %add3A_516, %add3A_582 : vector<16xi32>
        tpu.vector_store_idx %arg9[%broadcast_in_dim3A_3, %broadcast_in_dim3A_3, %broadcast_in_dim3A_3, %add3A_583], %gather3A_581 : memref<2x8x8x128xf32, #tpu.memory_space<vmem>>[vector<16xi32>, vector<16xi32>, vector<16xi32>, vector<16xi32>], vector<16xf32>,
        %add3A_584 = arith.constant 2 : i32
        %add3A_585 = arith.addi %mul3A_546, %add3A_584 : i32
        %mul3A_586 = arith.constant 8192 : i32
        %mul3A_587 = arith.muli %shift_right_arithmetic3A_501, %mul3A_586 : i32
        %shift_right_arithmetic3A_588 = arith.constant 3 : i32
        %shift_right_arithmetic3A_589 = arith.shrsi %add3A_585, %shift_right_arithmetic3A_588 : i32
        %mul3A_590 = arith.constant 1024 : i32
        %mul3A_591 = arith.muli %shift_right_arithmetic3A_589, %mul3A_590 : i32
        %add3A_592 = arith.addi %mul3A_587, %mul3A_591 : i32
        %and3A_593 = arith.constant 7 : i32
        %and3A_594 = arith.andi %add3A_585, %and3A_593 : i32
        %mul3A_595 = arith.constant 128 : i32
        %mul3A_596 = arith.muli %and3A_594, %mul3A_595 : i32
        %add3A_597 = arith.addi %add3A_592, %mul3A_596 : i32
        %add3A_598 = vector.broadcast %add3A_585 : i32 to vector<16xi32>
        %add3A_599 = arith.addi %add3A_523, %add3A_598 : vector<16xi32>
        %gather3A_600 = tpu.vector_load_idx %arg7[%broadcast_in_dim3A_3, %broadcast_in_dim3A_3, %add3A_599] : memref<2x128x64xf32, #tpu.memory_space<vmem>>[vector<16xi32>, vector<16xi32>, vector<16xi32>], vector<16xf32>,
        %add3A_601 = vector.broadcast %add3A_597 : i32 to vector<16xi32>
        %add3A_602 = arith.addi %add3A_516, %add3A_601 : vector<16xi32>
        tpu.vector_store_idx %arg9[%broadcast_in_dim3A_3, %broadcast_in_dim3A_3, %broadcast_in_dim3A_3, %add3A_602], %gather3A_600 : memref<2x8x8x128xf32, #tpu.memory_space<vmem>>[vector<16xi32>, vector<16xi32>, vector<16xi32>, vector<16xi32>], vector<16xf32>,
        %add3A_603 = arith.constant 3 : i32
        %add3A_604 = arith.addi %mul3A_546, %add3A_603 : i32
        %mul3A_605 = arith.constant 8192 : i32
        %mul3A_606 = arith.muli %shift_right_arithmetic3A_501, %mul3A_605 : i32
        %shift_right_arithmetic3A_607 = arith.constant 3 : i32
        %shift_right_arithmetic3A_608 = arith.shrsi %add3A_604, %shift_right_arithmetic3A_607 : i32
        %mul3A_609 = arith.constant 1024 : i32
        %mul3A_610 = arith.muli %shift_right_arithmetic3A_608, %mul3A_609 : i32
        %add3A_611 = arith.addi %mul3A_606, %mul3A_610 : i32
        %and3A_612 = arith.constant 7 : i32
        %and3A_613 = arith.andi %add3A_604, %and3A_612 : i32
        %mul3A_614 = arith.constant 128 : i32
        %mul3A_615 = arith.muli %and3A_613, %mul3A_614 : i32
        %add3A_616 = arith.addi %add3A_611, %mul3A_615 : i32
        %add3A_617 = vector.broadcast %add3A_604 : i32 to vector<16xi32>
        %add3A_618 = arith.addi %add3A_523, %add3A_617 : vector<16xi32>
        %gather3A_619 = tpu.vector_load_idx %arg7[%broadcast_in_dim3A_3, %broadcast_in_dim3A_3, %add3A_618] : memref<2x128x64xf32, #tpu.memory_space<vmem>>[vector<16xi32>, vector<16xi32>, vector<16xi32>], vector<16xf32>,
        %add3A_620 = vector.broadcast %add3A_616 : i32 to vector<16xi32>
        %add3A_621 = arith.addi %add3A_516, %add3A_620 : vector<16xi32>
        tpu.vector_store_idx %arg9[%broadcast_in_dim3A_3, %broadcast_in_dim3A_3, %broadcast_in_dim3A_3, %add3A_621], %gather3A_619 : memref<2x8x8x128xf32, #tpu.memory_space<vmem>>[vector<16xi32>, vector<16xi32>, vector<16xi32>, vector<16xi32>], vector<16xf32>,
        %add3A_622 = arith.constant 4 : i32
        %add3A_623 = arith.addi %mul3A_546, %add3A_622 : i32
        %mul3A_624 = arith.constant 8192 : i32
        %mul3A_625 = arith.muli %shift_right_arithmetic3A_501, %mul3A_624 : i32
        %shift_right_arithmetic3A_626 = arith.constant 3 : i32
        %shift_right_arithmetic3A_627 = arith.shrsi %add3A_623, %shift_right_arithmetic3A_626 : i32
        %mul3A_628 = arith.constant 1024 : i32
        %mul3A_629 = arith.muli %shift_right_arithmetic3A_627, %mul3A_628 : i32
        %add3A_630 = arith.addi %mul3A_625, %mul3A_629 : i32
        %and3A_631 = arith.constant 7 : i32
        %and3A_632 = arith.andi %add3A_623, %and3A_631 : i32
        %mul3A_633 = arith.constant 128 : i32
        %mul3A_634 = arith.muli %and3A_632, %mul3A_633 : i32
        %add3A_635 = arith.addi %add3A_630, %mul3A_634 : i32
        %add3A_636 = vector.broadcast %add3A_623 : i32 to vector<16xi32>
        %add3A_637 = arith.addi %add3A_523, %add3A_636 : vector<16xi32>
        %gather3A_638 = tpu.vector_load_idx %arg7[%broadcast_in_dim3A_3, %broadcast_in_dim3A_3, %add3A_637] : memref<2x128x64xf32, #tpu.memory_space<vmem>>[vector<16xi32>, vector<16xi32>, vector<16xi32>], vector<16xf32>,
        %add3A_639 = vector.broadcast %add3A_635 : i32 to vector<16xi32>
        %add3A_640 = arith.addi %add3A_516, %add3A_639 : vector<16xi32>
        tpu.vector_store_idx %arg9[%broadcast_in_dim3A_3, %broadcast_in_dim3A_3, %broadcast_in_dim3A_3, %add3A_640], %gather3A_638 : memref<2x8x8x128xf32, #tpu.memory_space<vmem>>[vector<16xi32>, vector<16xi32>, vector<16xi32>, vector<16xi32>], vector<16xf32>,
        %add3A_641 = arith.constant 5 : i32
        %add3A_642 = arith.addi %mul3A_546, %add3A_641 : i32
        %mul3A_643 = arith.constant 8192 : i32
        %mul3A_644 = arith.muli %shift_right_arithmetic3A_501, %mul3A_643 : i32
        %shift_right_arithmetic3A_645 = arith.constant 3 : i32
        %shift_right_arithmetic3A_646 = arith.shrsi %add3A_642, %shift_right_arithmetic3A_645 : i32
        %mul3A_647 = arith.constant 1024 : i32
        %mul3A_648 = arith.muli %shift_right_arithmetic3A_646, %mul3A_647 : i32
        %add3A_649 = arith.addi %mul3A_644, %mul3A_648 : i32
        %and3A_650 = arith.constant 7 : i32
        %and3A_651 = arith.andi %add3A_642, %and3A_650 : i32
        %mul3A_652 = arith.constant 128 : i32
        %mul3A_653 = arith.muli %and3A_651, %mul3A_652 : i32
        %add3A_654 = arith.addi %add3A_649, %mul3A_653 : i32
        %add3A_655 = vector.broadcast %add3A_642 : i32 to vector<16xi32>
        %add3A_656 = arith.addi %add3A_523, %add3A_655 : vector<16xi32>
        %gather3A_657 = tpu.vector_load_idx %arg7[%broadcast_in_dim3A_3, %broadcast_in_dim3A_3, %add3A_656] : memref<2x128x64xf32, #tpu.memory_space<vmem>>[vector<16xi32>, vector<16xi32>, vector<16xi32>], vector<16xf32>,
        %add3A_658 = vector.broadcast %add3A_654 : i32 to vector<16xi32>
        %add3A_659 = arith.addi %add3A_516, %add3A_658 : vector<16xi32>
        tpu.vector_store_idx %arg9[%broadcast_in_dim3A_3, %broadcast_in_dim3A_3, %broadcast_in_dim3A_3, %add3A_659], %gather3A_657 : memref<2x8x8x128xf32, #tpu.memory_space<vmem>>[vector<16xi32>, vector<16xi32>, vector<16xi32>, vector<16xi32>], vector<16xf32>,
        %add3A_660 = arith.constant 6 : i32
        %add3A_661 = arith.addi %mul3A_546, %add3A_660 : i32
        %mul3A_662 = arith.constant 8192 : i32
        %mul3A_663 = arith.muli %shift_right_arithmetic3A_501, %mul3A_662 : i32
        %shift_right_arithmetic3A_664 = arith.constant 3 : i32
        %shift_right_arithmetic3A_665 = arith.shrsi %add3A_661, %shift_right_arithmetic3A_664 : i32
        %mul3A_666 = arith.constant 1024 : i32
        %mul3A_667 = arith.muli %shift_right_arithmetic3A_665, %mul3A_666 : i32
        %add3A_668 = arith.addi %mul3A_663, %mul3A_667 : i32
        %and3A_669 = arith.constant 7 : i32
        %and3A_670 = arith.andi %add3A_661, %and3A_669 : i32
        %mul3A_671 = arith.constant 128 : i32
        %mul3A_672 = arith.muli %and3A_670, %mul3A_671 : i32
        %add3A_673 = arith.addi %add3A_668, %mul3A_672 : i32
        %add3A_674 = vector.broadcast %add3A_661 : i32 to vector<16xi32>
        %add3A_675 = arith.addi %add3A_523, %add3A_674 : vector<16xi32>
        %gather3A_676 = tpu.vector_load_idx %arg7[%broadcast_in_dim3A_3, %broadcast_in_dim3A_3, %add3A_675] : memref<2x128x64xf32, #tpu.memory_space<vmem>>[vector<16xi32>, vector<16xi32>, vector<16xi32>], vector<16xf32>,
        %add3A_677 = vector.broadcast %add3A_673 : i32 to vector<16xi32>
        %add3A_678 = arith.addi %add3A_516, %add3A_677 : vector<16xi32>
        tpu.vector_store_idx %arg9[%broadcast_in_dim3A_3, %broadcast_in_dim3A_3, %broadcast_in_dim3A_3, %add3A_678], %gather3A_676 : memref<2x8x8x128xf32, #tpu.memory_space<vmem>>[vector<16xi32>, vector<16xi32>, vector<16xi32>, vector<16xi32>], vector<16xf32>,
        %add3A_679 = arith.constant 7 : i32
        %add3A_680 = arith.addi %mul3A_546, %add3A_679 : i32
        %mul3A_681 = arith.constant 8192 : i32
        %mul3A_682 = arith.muli %shift_right_arithmetic3A_501, %mul3A_681 : i32
        %shift_right_arithmetic3A_683 = arith.constant 3 : i32
        %shift_right_arithmetic3A_684 = arith.shrsi %add3A_680, %shift_right_arithmetic3A_683 : i32
        %mul3A_685 = arith.constant 1024 : i32
        %mul3A_686 = arith.muli %shift_right_arithmetic3A_684, %mul3A_685 : i32
        %add3A_687 = arith.addi %mul3A_682, %mul3A_686 : i32
        %and3A_688 = arith.constant 7 : i32
        %and3A_689 = arith.andi %add3A_680, %and3A_688 : i32
        %mul3A_690 = arith.constant 128 : i32
        %mul3A_691 = arith.muli %and3A_689, %mul3A_690 : i32
        %add3A_692 = arith.addi %add3A_687, %mul3A_691 : i32
        %add3A_693 = vector.broadcast %add3A_680 : i32 to vector<16xi32>
        %add3A_694 = arith.addi %add3A_523, %add3A_693 : vector<16xi32>
        %gather3A_695 = tpu.vector_load_idx %arg7[%broadcast_in_dim3A_3, %broadcast_in_dim3A_3, %add3A_694] : memref<2x128x64xf32, #tpu.memory_space<vmem>>[vector<16xi32>, vector<16xi32>, vector<16xi32>], vector<16xf32>,
        %add3A_696 = vector.broadcast %add3A_692 : i32 to vector<16xi32>
        %add3A_697 = arith.addi %add3A_516, %add3A_696 : vector<16xi32>
        tpu.vector_store_idx %arg9[%broadcast_in_dim3A_3, %broadcast_in_dim3A_3, %broadcast_in_dim3A_3, %add3A_697], %gather3A_695 : memref<2x8x8x128xf32, #tpu.memory_space<vmem>>[vector<16xi32>, vector<16xi32>, vector<16xi32>, vector<16xi32>], vector<16xf32>,
        %add3A_698 = arith.constant 8 : i32
        %add3A_699 = arith.addi %mul3A_546, %add3A_698 : i32
        %mul3A_700 = arith.constant 8192 : i32
        %mul3A_701 = arith.muli %shift_right_arithmetic3A_501, %mul3A_700 : i32
        %shift_right_arithmetic3A_702 = arith.constant 3 : i32
        %shift_right_arithmetic3A_703 = arith.shrsi %add3A_699, %shift_right_arithmetic3A_702 : i32
        %mul3A_704 = arith.constant 1024 : i32
        %mul3A_705 = arith.muli %shift_right_arithmetic3A_703, %mul3A_704 : i32
        %add3A_706 = arith.addi %mul3A_701, %mul3A_705 : i32
        %and3A_707 = arith.constant 7 : i32
        %and3A_708 = arith.andi %add3A_699, %and3A_707 : i32
        %mul3A_709 = arith.constant 128 : i32
        %mul3A_710 = arith.muli %and3A_708, %mul3A_709 : i32
        %add3A_711 = arith.addi %add3A_706, %mul3A_710 : i32
        %add3A_712 = vector.broadcast %add3A_699 : i32 to vector<16xi32>
        %add3A_713 = arith.addi %add3A_523, %add3A_712 : vector<16xi32>
        %gather3A_714 = tpu.vector_load_idx %arg7[%broadcast_in_dim3A_3, %broadcast_in_dim3A_3, %add3A_713] : memref<2x128x64xf32, #tpu.memory_space<vmem>>[vector<16xi32>, vector<16xi32>, vector<16xi32>], vector<16xf32>,
        %add3A_715 = vector.broadcast %add3A_711 : i32 to vector<16xi32>
        %add3A_716 = arith.addi %add3A_516, %add3A_715 : vector<16xi32>
        tpu.vector_store_idx %arg9[%broadcast_in_dim3A_3, %broadcast_in_dim3A_3, %broadcast_in_dim3A_3, %add3A_716], %gather3A_714 : memref<2x8x8x128xf32, #tpu.memory_space<vmem>>[vector<16xi32>, vector<16xi32>, vector<16xi32>, vector<16xi32>], vector<16xf32>,
        %add3A_717 = arith.constant 9 : i32
        %add3A_718 = arith.addi %mul3A_546, %add3A_717 : i32
        %mul3A_719 = arith.constant 8192 : i32
        %mul3A_720 = arith.muli %shift_right_arithmetic3A_501, %mul3A_719 : i32
        %shift_right_arithmetic3A_721 = arith.constant 3 : i32
        %shift_right_arithmetic3A_722 = arith.shrsi %add3A_718, %shift_right_arithmetic3A_721 : i32
        %mul3A_723 = arith.constant 1024 : i32
        %mul3A_724 = arith.muli %shift_right_arithmetic3A_722, %mul3A_723 : i32
        %add3A_725 = arith.addi %mul3A_720, %mul3A_724 : i32
        %and3A_726 = arith.constant 7 : i32
        %and3A_727 = arith.andi %add3A_718, %and3A_726 : i32
        %mul3A_728 = arith.constant 128 : i32
        %mul3A_729 = arith.muli %and3A_727, %mul3A_728 : i32
        %add3A_730 = arith.addi %add3A_725, %mul3A_729 : i32
        %add3A_731 = vector.broadcast %add3A_718 : i32 to vector<16xi32>
        %add3A_732 = arith.addi %add3A_523, %add3A_731 : vector<16xi32>
        %gather3A_733 = tpu.vector_load_idx %arg7[%broadcast_in_dim3A_3, %broadcast_in_dim3A_3, %add3A_732] : memref<2x128x64xf32, #tpu.memory_space<vmem>>[vector<16xi32>, vector<16xi32>, vector<16xi32>], vector<16xf32>,
        %add3A_734 = vector.broadcast %add3A_730 : i32 to vector<16xi32>
        %add3A_735 = arith.addi %add3A_516, %add3A_734 : vector<16xi32>
        tpu.vector_store_idx %arg9[%broadcast_in_dim3A_3, %broadcast_in_dim3A_3, %broadcast_in_dim3A_3, %add3A_735], %gather3A_733 : memref<2x8x8x128xf32, #tpu.memory_space<vmem>>[vector<16xi32>, vector<16xi32>, vector<16xi32>, vector<16xi32>], vector<16xf32>,
        %add3A_736 = arith.constant 10 : i32
        %add3A_737 = arith.addi %mul3A_546, %add3A_736 : i32
        %mul3A_738 = arith.constant 8192 : i32
        %mul3A_739 = arith.muli %shift_right_arithmetic3A_501, %mul3A_738 : i32
        %shift_right_arithmetic3A_740 = arith.constant 3 : i32
        %shift_right_arithmetic3A_741 = arith.shrsi %add3A_737, %shift_right_arithmetic3A_740 : i32
        %mul3A_742 = arith.constant 1024 : i32
        %mul3A_743 = arith.muli %shift_right_arithmetic3A_741, %mul3A_742 : i32
        %add3A_744 = arith.addi %mul3A_739, %mul3A_743 : i32
        %and3A_745 = arith.constant 7 : i32
        %and3A_746 = arith.andi %add3A_737, %and3A_745 : i32
        %mul3A_747 = arith.constant 128 : i32
        %mul3A_748 = arith.muli %and3A_746, %mul3A_747 : i32
        %add3A_749 = arith.addi %add3A_744, %mul3A_748 : i32
        %add3A_750 = vector.broadcast %add3A_737 : i32 to vector<16xi32>
        %add3A_751 = arith.addi %add3A_523, %add3A_750 : vector<16xi32>
        %gather3A_752 = tpu.vector_load_idx %arg7[%broadcast_in_dim3A_3, %broadcast_in_dim3A_3, %add3A_751] : memref<2x128x64xf32, #tpu.memory_space<vmem>>[vector<16xi32>, vector<16xi32>, vector<16xi32>], vector<16xf32>,
        %add3A_753 = vector.broadcast %add3A_749 : i32 to vector<16xi32>
        %add3A_754 = arith.addi %add3A_516, %add3A_753 : vector<16xi32>
        tpu.vector_store_idx %arg9[%broadcast_in_dim3A_3, %broadcast_in_dim3A_3, %broadcast_in_dim3A_3, %add3A_754], %gather3A_752 : memref<2x8x8x128xf32, #tpu.memory_space<vmem>>[vector<16xi32>, vector<16xi32>, vector<16xi32>, vector<16xi32>], vector<16xf32>,
        %add3A_755 = arith.constant 11 : i32
        %add3A_756 = arith.addi %mul3A_546, %add3A_755 : i32
        %mul3A_757 = arith.constant 8192 : i32
        %mul3A_758 = arith.muli %shift_right_arithmetic3A_501, %mul3A_757 : i32
        %shift_right_arithmetic3A_759 = arith.constant 3 : i32
        %shift_right_arithmetic3A_760 = arith.shrsi %add3A_756, %shift_right_arithmetic3A_759 : i32
        %mul3A_761 = arith.constant 1024 : i32
        %mul3A_762 = arith.muli %shift_right_arithmetic3A_760, %mul3A_761 : i32
        %add3A_763 = arith.addi %mul3A_758, %mul3A_762 : i32
        %and3A_764 = arith.constant 7 : i32
        %and3A_765 = arith.andi %add3A_756, %and3A_764 : i32
        %mul3A_766 = arith.constant 128 : i32
        %mul3A_767 = arith.muli %and3A_765, %mul3A_766 : i32
        %add3A_768 = arith.addi %add3A_763, %mul3A_767 : i32
        %add3A_769 = vector.broadcast %add3A_756 : i32 to vector<16xi32>
        %add3A_770 = arith.addi %add3A_523, %add3A_769 : vector<16xi32>
        %gather3A_771 = tpu.vector_load_idx %arg7[%broadcast_in_dim3A_3, %broadcast_in_dim3A_3, %add3A_770] : memref<2x128x64xf32, #tpu.memory_space<vmem>>[vector<16xi32>, vector<16xi32>, vector<16xi32>], vector<16xf32>,
        %add3A_772 = vector.broadcast %add3A_768 : i32 to vector<16xi32>
        %add3A_773 = arith.addi %add3A_516, %add3A_772 : vector<16xi32>
        tpu.vector_store_idx %arg9[%broadcast_in_dim3A_3, %broadcast_in_dim3A_3, %broadcast_in_dim3A_3, %add3A_773], %gather3A_771 : memref<2x8x8x128xf32, #tpu.memory_space<vmem>>[vector<16xi32>, vector<16xi32>, vector<16xi32>, vector<16xi32>], vector<16xf32>,
        %add3A_774 = arith.constant 12 : i32
        %add3A_775 = arith.addi %mul3A_546, %add3A_774 : i32
        %mul3A_776 = arith.constant 8192 : i32
        %mul3A_777 = arith.muli %shift_right_arithmetic3A_501, %mul3A_776 : i32
        %shift_right_arithmetic3A_778 = arith.constant 3 : i32
        %shift_right_arithmetic3A_779 = arith.shrsi %add3A_775, %shift_right_arithmetic3A_778 : i32
        %mul3A_780 = arith.constant 1024 : i32
        %mul3A_781 = arith.muli %shift_right_arithmetic3A_779, %mul3A_780 : i32
        %add3A_782 = arith.addi %mul3A_777, %mul3A_781 : i32
        %and3A_783 = arith.constant 7 : i32
        %and3A_784 = arith.andi %add3A_775, %and3A_783 : i32
        %mul3A_785 = arith.constant 128 : i32
        %mul3A_786 = arith.muli %and3A_784, %mul3A_785 : i32
        %add3A_787 = arith.addi %add3A_782, %mul3A_786 : i32
        %add3A_788 = vector.broadcast %add3A_775 : i32 to vector<16xi32>
        %add3A_789 = arith.addi %add3A_523, %add3A_788 : vector<16xi32>
        %gather3A_790 = tpu.vector_load_idx %arg7[%broadcast_in_dim3A_3, %broadcast_in_dim3A_3, %add3A_789] : memref<2x128x64xf32, #tpu.memory_space<vmem>>[vector<16xi32>, vector<16xi32>, vector<16xi32>], vector<16xf32>,
        %add3A_791 = vector.broadcast %add3A_787 : i32 to vector<16xi32>
        %add3A_792 = arith.addi %add3A_516, %add3A_791 : vector<16xi32>
        tpu.vector_store_idx %arg9[%broadcast_in_dim3A_3, %broadcast_in_dim3A_3, %broadcast_in_dim3A_3, %add3A_792], %gather3A_790 : memref<2x8x8x128xf32, #tpu.memory_space<vmem>>[vector<16xi32>, vector<16xi32>, vector<16xi32>, vector<16xi32>], vector<16xf32>,
        %add3A_793 = arith.constant 13 : i32
        %add3A_794 = arith.addi %mul3A_546, %add3A_793 : i32
        %mul3A_795 = arith.constant 8192 : i32
        %mul3A_796 = arith.muli %shift_right_arithmetic3A_501, %mul3A_795 : i32
        %shift_right_arithmetic3A_797 = arith.constant 3 : i32
        %shift_right_arithmetic3A_798 = arith.shrsi %add3A_794, %shift_right_arithmetic3A_797 : i32
        %mul3A_799 = arith.constant 1024 : i32
        %mul3A_800 = arith.muli %shift_right_arithmetic3A_798, %mul3A_799 : i32
        %add3A_801 = arith.addi %mul3A_796, %mul3A_800 : i32
        %and3A_802 = arith.constant 7 : i32
        %and3A_803 = arith.andi %add3A_794, %and3A_802 : i32
        %mul3A_804 = arith.constant 128 : i32
        %mul3A_805 = arith.muli %and3A_803, %mul3A_804 : i32
        %add3A_806 = arith.addi %add3A_801, %mul3A_805 : i32
        %add3A_807 = vector.broadcast %add3A_794 : i32 to vector<16xi32>
        %add3A_808 = arith.addi %add3A_523, %add3A_807 : vector<16xi32>
        %gather3A_809 = tpu.vector_load_idx %arg7[%broadcast_in_dim3A_3, %broadcast_in_dim3A_3, %add3A_808] : memref<2x128x64xf32, #tpu.memory_space<vmem>>[vector<16xi32>, vector<16xi32>, vector<16xi32>], vector<16xf32>,
        %add3A_810 = vector.broadcast %add3A_806 : i32 to vector<16xi32>
        %add3A_811 = arith.addi %add3A_516, %add3A_810 : vector<16xi32>
        tpu.vector_store_idx %arg9[%broadcast_in_dim3A_3, %broadcast_in_dim3A_3, %broadcast_in_dim3A_3, %add3A_811], %gather3A_809 : memref<2x8x8x128xf32, #tpu.memory_space<vmem>>[vector<16xi32>, vector<16xi32>, vector<16xi32>, vector<16xi32>], vector<16xf32>,
        %add3A_812 = arith.constant 14 : i32
        %add3A_813 = arith.addi %mul3A_546, %add3A_812 : i32
        %mul3A_814 = arith.constant 8192 : i32
        %mul3A_815 = arith.muli %shift_right_arithmetic3A_501, %mul3A_814 : i32
        %shift_right_arithmetic3A_816 = arith.constant 3 : i32
        %shift_right_arithmetic3A_817 = arith.shrsi %add3A_813, %shift_right_arithmetic3A_816 : i32
        %mul3A_818 = arith.constant 1024 : i32
        %mul3A_819 = arith.muli %shift_right_arithmetic3A_817, %mul3A_818 : i32
        %add3A_820 = arith.addi %mul3A_815, %mul3A_819 : i32
        %and3A_821 = arith.constant 7 : i32
        %and3A_822 = arith.andi %add3A_813, %and3A_821 : i32
        %mul3A_823 = arith.constant 128 : i32
        %mul3A_824 = arith.muli %and3A_822, %mul3A_823 : i32
        %add3A_825 = arith.addi %add3A_820, %mul3A_824 : i32
        %add3A_826 = vector.broadcast %add3A_813 : i32 to vector<16xi32>
        %add3A_827 = arith.addi %add3A_523, %add3A_826 : vector<16xi32>
        %gather3A_828 = tpu.vector_load_idx %arg7[%broadcast_in_dim3A_3, %broadcast_in_dim3A_3, %add3A_827] : memref<2x128x64xf32, #tpu.memory_space<vmem>>[vector<16xi32>, vector<16xi32>, vector<16xi32>], vector<16xf32>,
        %add3A_829 = vector.broadcast %add3A_825 : i32 to vector<16xi32>
        %add3A_830 = arith.addi %add3A_516, %add3A_829 : vector<16xi32>
        tpu.vector_store_idx %arg9[%broadcast_in_dim3A_3, %broadcast_in_dim3A_3, %broadcast_in_dim3A_3, %add3A_830], %gather3A_828 : memref<2x8x8x128xf32, #tpu.memory_space<vmem>>[vector<16xi32>, vector<16xi32>, vector<16xi32>, vector<16xi32>], vector<16xf32>,
        %add3A_831 = arith.constant 15 : i32
        %add3A_832 = arith.addi %mul3A_546, %add3A_831 : i32
        %mul3A_833 = arith.constant 8192 : i32
        %mul3A_834 = arith.muli %shift_right_arithmetic3A_501, %mul3A_833 : i32
        %shift_right_arithmetic3A_835 = arith.constant 3 : i32
        %shift_right_arithmetic3A_836 = arith.shrsi %add3A_832, %shift_right_arithmetic3A_835 : i32
        %mul3A_837 = arith.constant 1024 : i32
        %mul3A_838 = arith.muli %shift_right_arithmetic3A_836, %mul3A_837 : i32
        %add3A_839 = arith.addi %mul3A_834, %mul3A_838 : i32
        %and3A_840 = arith.constant 7 : i32
        %and3A_841 = arith.andi %add3A_832, %and3A_840 : i32
        %mul3A_842 = arith.constant 128 : i32
        %mul3A_843 = arith.muli %and3A_841, %mul3A_842 : i32
        %add3A_844 = arith.addi %add3A_839, %mul3A_843 : i32
        %add3A_845 = vector.broadcast %add3A_832 : i32 to vector<16xi32>
        %add3A_846 = arith.addi %add3A_523, %add3A_845 : vector<16xi32>
        %gather3A_847 = tpu.vector_load_idx %arg7[%broadcast_in_dim3A_3, %broadcast_in_dim3A_3, %add3A_846] : memref<2x128x64xf32, #tpu.memory_space<vmem>>[vector<16xi32>, vector<16xi32>, vector<16xi32>], vector<16xf32>,
        %add3A_848 = vector.broadcast %add3A_844 : i32 to vector<16xi32>
        %add3A_849 = arith.addi %add3A_516, %add3A_848 : vector<16xi32>
        tpu.vector_store_idx %arg9[%broadcast_in_dim3A_3, %broadcast_in_dim3A_3, %broadcast_in_dim3A_3, %add3A_849], %gather3A_847 : memref<2x8x8x128xf32, #tpu.memory_space<vmem>>[vector<16xi32>, vector<16xi32>, vector<16xi32>, vector<16xi32>], vector<16xf32>,
      }
      %scan3A_455 = arith.constant 64 : i32
      %mul3A_456 = arith.constant 2 : i32
      %mul3A_457 = arith.muli %mul3A_456, %add3A_413 : i32
      %dma_start3A_458 = arith.constant 0 : i32
      %dma_start3A_459 = arith.constant 0 : i32
      %dma_start3A_460 = arith.constant 0 : i32
      %dma_start3A_461 = tpu.memref_slice %arg4[%mul3A_457, %dma_start3A_458, %add3A, %dma_start3A_459, %dma_start3A_460] : memref<200x8x32x8x128xf32, #tpu.memory_space<hbm>> -> memref<2x8x1x8x128xf32, #tpu.memory_space<hbm>>
      %dma_start3A_462 = tpu.memref_squeeze %dma_start3A_461 : memref<2x8x1x8x128xf32, #tpu.memory_space<hbm>> -> memref<2x8x8x128xf32, #tpu.memory_space<hbm>>
      %dma_start3A_463 = arith.constant 0 : i32
      %dma_start3A_464 = arith.constant 0 : i32
      %dma_start3A_465 = arith.constant 0 : i32
      %dma_start3A_466 = tpu.memref_slice %arg4[%mul3A_457, %dma_start3A_463, %add3A, %dma_start3A_464, %dma_start3A_465] : memref<200x8x32x8x128xf32, #tpu.memory_space<hbm>> -> memref<2x8x1x8x128xf32, #tpu.memory_space<hbm>>
      %dma_start3A_467 = tpu.memref_squeeze %dma_start3A_466 : memref<2x8x1x8x128xf32, #tpu.memory_space<hbm>> -> memref<2x8x8x128xf32, #tpu.memory_space<hbm>>
      tpu.enqueue_dma source(%arg9 : memref<2x8x8x128xf32, #tpu.memory_space<vmem>>) target(%dma_start3A_467 : memref<2x8x8x128xf32, #tpu.memory_space<hbm>>) target_semaphore(%arg13 : memref<!tpu.dma_semaphore, #tpu.memory_space<semaphore_mem>>)
      %add3A_468 = arith.constant 2 : i32
      %add3A_469 = arith.addi %add3A_413, %add3A_468 : i32
      %mul3A_470 = arith.constant 2 : i32
      %mul3A_471 = arith.muli %mul3A_470, %add3A_469 : i32
      %add3A_472 = arith.constant 0 : i32
      %add3A_473 = arith.addi %mul3A_471, %add3A_472 : i32
      %dma_start3A_474 = arith.constant 0 : i32
      %dma_start3A_475 = arith.constant 0 : i32
      %dma_start3A_476 = arith.constant 0 : i32
      %dma_start3A_477 = tpu.memref_slice %arg7[%dma_start3A_474, %dma_start3A_475, %dma_start3A_476] : memref<2x128x64xf32, #tpu.memory_space<vmem>> -> memref<1x128x64xf32, #tpu.memory_space<vmem>>
      %dma_start3A_478 = tpu.memref_squeeze %dma_start3A_477 : memref<1x128x64xf32, #tpu.memory_space<vmem>> -> memref<128x64xf32, #tpu.memory_space<vmem>>
      %dma_start3A_479 = arith.constant 0 : i32
      %dma_start3A_480 = tpu.memref_slice %arg5[%add3A_473, %dma_start3A_479] : memref<200x128xi32, #tpu.memory_space<vmem>> -> memref<1x128xi32, #tpu.memory_space<vmem>>
      %dma_start3A_481 = tpu.memref_squeeze %dma_start3A_480 : memref<1x128xi32, #tpu.memory_space<vmem>> -> memref<128xi32, #tpu.memory_space<vmem>>
      %dma_start3A_482 = arith.constant 0 : i32
      %dma_start3A_483 = arith.constant 0 : i32
      %dma_start3A_484 = tpu.memref_slice %arg3[%dma_start3A_482, %dma_start3A_483] : memref<1000000x64xf32, #tpu.memory_space<hbm>> -> memref<1000000x64xf32, #tpu.memory_space<hbm>>
      tpu.enqueue_indirect_dma source(%dma_start3A_484 : memref<1000000x64xf32, #tpu.memory_space<hbm>>) target(%dma_start3A_478 : memref<128x64xf32, #tpu.memory_space<vmem>>) offsets(%dma_start3A_481 : memref<128xi32, #tpu.memory_space<vmem>>) semaphore(%arg11 : memref<!tpu.dma_semaphore, #tpu.memory_space<semaphore_mem>>)
      %mul3A_485 = arith.constant 2 : i32
      %mul3A_486 = arith.muli %mul3A_485, %add3A_469 : i32
      %add3A_487 = arith.constant 1 : i32
      %add3A_488 = arith.addi %mul3A_486, %add3A_487 : i32
      %dma_start3A_489 = arith.constant 1 : i32
      %dma_start3A_490 = arith.constant 0 : i32
      %dma_start3A_491 = arith.constant 0 : i32
      %dma_start3A_492 = tpu.memref_slice %arg7[%dma_start3A_489, %dma_start3A_490, %dma_start3A_491] : memref<2x128x64xf32, #tpu.memory_space<vmem>> -> memref<1x128x64xf32, #tpu.memory_space<vmem>>
      %dma_start3A_493 = tpu.memref_squeeze %dma_start3A_492 : memref<1x128x64xf32, #tpu.memory_space<vmem>> -> memref<128x64xf32, #tpu.memory_space<vmem>>
      %dma_start3A_494 = arith.constant 0 : i32
      %dma_start3A_495 = tpu.memref_slice %arg5[%add3A_488, %dma_start3A_494] : memref<200x128xi32, #tpu.memory_space<vmem>> -> memref<1x128xi32, #tpu.memory_space<vmem>>
      %dma_start3A_496 = tpu.memref_squeeze %dma_start3A_495 : memref<1x128xi32, #tpu.memory_space<vmem>> -> memref<128xi32, #tpu.memory_space<vmem>>
      %dma_start3A_497 = arith.constant 0 : i32
      %dma_start3A_498 = arith.constant 0 : i32
      %dma_start3A_499 = tpu.memref_slice %arg3[%dma_start3A_497, %dma_start3A_498] : memref<1000000x64xf32, #tpu.memory_space<hbm>> -> memref<1000000x64xf32, #tpu.memory_space<hbm>>
      tpu.enqueue_indirect_dma source(%dma_start3A_499 : memref<1000000x64xf32, #tpu.memory_space<hbm>>) target(%dma_start3A_493 : memref<128x64xf32, #tpu.memory_space<vmem>>) offsets(%dma_start3A_496 : memref<128xi32, #tpu.memory_space<vmem>>) semaphore(%arg11 : memref<!tpu.dma_semaphore, #tpu.memory_space<semaphore_mem>>)
    }
    %scan3A_186 = arith.constant 48 : i32
    %dma_wait3A_187 = arith.constant 0 : i32
    %dma_wait3A_188 = arith.constant 0 : i32
    %dma_wait3A_189 = arith.constant 0 : i32
    %dma_wait3A_190 = arith.constant 0 : i32
    %dma_wait3A_191 = tpu.memref_slice %arg6[%dma_wait3A_188, %dma_wait3A_189, %dma_wait3A_190] : memref<2x128x64xf32, #tpu.memory_space<vmem>> -> memref<1x128x64xf32, #tpu.memory_space<vmem>>
    %dma_wait3A_192 = tpu.memref_squeeze %dma_wait3A_191 : memref<1x128x64xf32, #tpu.memory_space<vmem>> -> memref<128x64xf32, #tpu.memory_space<vmem>>
    %dma_wait3A_193 = arith.constant 0 : i32
    %dma_wait3A_194 = tpu.memref_slice %arg5[%dma_wait3A_187, %dma_wait3A_193] : memref<200x128xi32, #tpu.memory_space<vmem>> -> memref<1x128xi32, #tpu.memory_space<vmem>>
    %dma_wait3A_195 = tpu.memref_squeeze %dma_wait3A_194 : memref<1x128xi32, #tpu.memory_space<vmem>> -> memref<128xi32, #tpu.memory_space<vmem>>
    %dma_wait3A_196 = arith.constant 0 : i32
    %dma_wait3A_197 = arith.constant 0 : i32
    %dma_wait3A_198 = tpu.memref_slice %arg3[%dma_wait3A_196, %dma_wait3A_197] : memref<1000000x64xf32, #tpu.memory_space<hbm>> -> memref<1000000x64xf32, #tpu.memory_space<hbm>>
    tpu.wait_indirect_dma semaphore(%arg10 : memref<!tpu.dma_semaphore, #tpu.memory_space<semaphore_mem>>) src(%dma_wait3A_198 : memref<1000000x64xf32, #tpu.memory_space<hbm>>) dst(%dma_wait3A_192 : memref<128x64xf32, #tpu.memory_space<vmem>>)
    %dma_wait3A_199 = arith.constant 0 : i32
    %dma_wait3A_200 = arith.constant 1 : i32
    %dma_wait3A_201 = arith.constant 0 : i32
    %dma_wait3A_202 = arith.constant 0 : i32
    %dma_wait3A_203 = tpu.memref_slice %arg6[%dma_wait3A_200, %dma_wait3A_201, %dma_wait3A_202] : memref<2x128x64xf32, #tpu.memory_space<vmem>> -> memref<1x128x64xf32, #tpu.memory_space<vmem>>
    %dma_wait3A_204 = tpu.memref_squeeze %dma_wait3A_203 : memref<1x128x64xf32, #tpu.memory_space<vmem>> -> memref<128x64xf32, #tpu.memory_space<vmem>>
    %dma_wait3A_205 = arith.constant 0 : i32
    %dma_wait3A_206 = tpu.memref_slice %arg5[%dma_wait3A_199, %dma_wait3A_205] : memref<200x128xi32, #tpu.memory_space<vmem>> -> memref<1x128xi32, #tpu.memory_space<vmem>>
    %dma_wait3A_207 = tpu.memref_squeeze %dma_wait3A_206 : memref<1x128xi32, #tpu.memory_space<vmem>> -> memref<128xi32, #tpu.memory_space<vmem>>
    %dma_wait3A_208 = arith.constant 0 : i32
    %dma_wait3A_209 = arith.constant 0 : i32
    %dma_wait3A_210 = tpu.memref_slice %arg3[%dma_wait3A_208, %dma_wait3A_209] : memref<1000000x64xf32, #tpu.memory_space<hbm>> -> memref<1000000x64xf32, #tpu.memory_space<hbm>>
    tpu.wait_indirect_dma semaphore(%arg10 : memref<!tpu.dma_semaphore, #tpu.memory_space<semaphore_mem>>) src(%dma_wait3A_210 : memref<1000000x64xf32, #tpu.memory_space<hbm>>) dst(%dma_wait3A_204 : memref<128x64xf32, #tpu.memory_space<vmem>>)
    %dma_wait3A_211 = arith.constant 0 : i32
    %dma_wait3A_212 = arith.constant 0 : i32
    %dma_wait3A_213 = arith.constant 0 : i32
    %dma_wait3A_214 = arith.constant 0 : i32
    %dma_wait3A_215 = tpu.memref_slice %arg4[%dma_wait3A_211, %dma_wait3A_212, %add3A, %dma_wait3A_213, %dma_wait3A_214] : memref<200x8x32x8x128xf32, #tpu.memory_space<hbm>> -> memref<2x8x1x8x128xf32, #tpu.memory_space<hbm>>
    %dma_wait3A_216 = tpu.memref_squeeze %dma_wait3A_215 : memref<2x8x1x8x128xf32, #tpu.memory_space<hbm>> -> memref<2x8x8x128xf32, #tpu.memory_space<hbm>>
    %dma_wait3A_217 = arith.constant 0 : i32
    %dma_wait3A_218 = arith.constant 0 : i32
    %dma_wait3A_219 = arith.constant 0 : i32
    %dma_wait3A_220 = arith.constant 0 : i32
    %dma_wait3A_221 = tpu.memref_slice %arg4[%dma_wait3A_217, %dma_wait3A_218, %add3A, %dma_wait3A_219, %dma_wait3A_220] : memref<200x8x32x8x128xf32, #tpu.memory_space<hbm>> -> memref<2x8x1x8x128xf32, #tpu.memory_space<hbm>>
    %dma_wait3A_222 = tpu.memref_squeeze %dma_wait3A_221 : memref<2x8x1x8x128xf32, #tpu.memory_space<hbm>> -> memref<2x8x8x128xf32, #tpu.memory_space<hbm>>
    tpu.wait_dma2 semaphore(%arg12 : memref<!tpu.dma_semaphore, #tpu.memory_space<semaphore_mem>>) src(%arg8 : memref<2x8x8x128xf32, #tpu.memory_space<vmem>>) dst(%dma_wait3A_222 : memref<2x8x8x128xf32, #tpu.memory_space<hbm>>)
    %scan3A_223 = arith.constant 0 : i32
    %scan3A_224 = arith.constant 0 : i32
    %scan3A_225 = arith.constant 64 : i32
    %scan3A_226 = arith.addi %scan3A_224, %scan3A_225 : i32
    %scan3A_227 = arith.constant 1 : i32
    scf.for %scan3A_319 = %scan3A_224 to %scan3A_226 step %scan3A_227  : i32 {
      %shift_right_arithmetic3A = arith.constant 5 : i32
      %shift_right_arithmetic3A_320 = arith.shrsi %scan3A_319, %shift_right_arithmetic3A : i32
      %and3A = arith.constant 31 : i32
      %and3A_321 = arith.andi %scan3A_319, %and3A : i32
      %jit3A = arith.constant 8 : i32
      %eq3A = arith.constant 0 : i32
      %eq3A_322 = arith.cmpi eq, %jit3A, %eq3A : i32
      %jit3A_323 = arith.constant 1 : i32
      %select_n3A = arith.select %eq3A_322, %jit3A_323, %jit3A : i32
      %rem3A = arith.remsi %and3A_321, %select_n3A : i32
      %ne3A = arith.constant 0 : i32
      %ne3A_324 = arith.cmpi ne, %rem3A, %ne3A : i32
      %lt3A = arith.constant 0 : i32
      %lt3A_325 = arith.cmpi slt, %rem3A, %lt3A : i32
      %lt3A_326 = arith.constant 0 : i32
      %lt3A_327 = arith.cmpi slt, %select_n3A, %lt3A_326 : i32
      %ne3A_328 = arith.xori %lt3A_325, %lt3A_327 : i1
      %and3A_329 = arith.andi %ne3A_328, %ne3A_324 : i1
      %add3A_330 = arith.addi %rem3A, %select_n3A : i32
      %select_n3A_331 = arith.select %and3A_329, %add3A_330, %rem3A : i32
      %mul3A_332 = arith.constant 16 : i32
      %mul3A_333 = arith.muli %select_n3A_331, %mul3A_332 : i32
      %add3A_334 = vector.broadcast %mul3A_333 : i32 to vector<16xi32>
      %add3A_335 = arith.addi %iota3A, %add3A_334 : vector<16xi32>
      %mul3A_336 = arith.constant 64 : i32
      %mul3A_337 = vector.broadcast %mul3A_336 : i32 to vector<16xi32>
      %mul3A_338 = arith.muli %add3A_335, %mul3A_337 : vector<16xi32>
      %mul3A_339 = arith.constant 8192 : i32
      %mul3A_340 = arith.muli %shift_right_arithmetic3A_320, %mul3A_339 : i32
      %add3A_341 = vector.broadcast %mul3A_340 : i32 to vector<16xi32>
      %add3A_342 = arith.addi %mul3A_338, %add3A_341 : vector<16xi32>
      %jit3A_343 = arith.constant 8 : i32
      %div3A = arith.divsi %and3A_321, %jit3A_343 : i32
      %sign3A = arith.constant 0 : i32
      %sign3A_344 = arith.cmpi sgt, %and3A_321, %sign3A : i32
      %sign3A_345 = arith.extui %sign3A_344 : i1 to i32
      %sign3A_346 = arith.constant 0 : i32
      %sign3A_347 = arith.cmpi slt, %and3A_321, %sign3A_346 : i32
      %sign3A_348 = arith.extui %sign3A_347 : i1 to i32
      %sign3A_349 = arith.subi %sign3A_345, %sign3A_348 : i32
      %sign3A_350 = arith.constant 0 : i32
      %sign3A_351 = arith.cmpi sgt, %jit3A_343, %sign3A_350 : i32
      %sign3A_352 = arith.extui %sign3A_351 : i1 to i32
      %sign3A_353 = arith.constant 0 : i32
      %sign3A_354 = arith.cmpi slt, %jit3A_343, %sign3A_353 : i32
      %sign3A_355 = arith.extui %sign3A_354 : i1 to i32
      %sign3A_356 = arith.subi %sign3A_352, %sign3A_355 : i32
      %ne3A_357 = arith.cmpi ne, %sign3A_349, %sign3A_356 : i32
      %rem3A_358 = arith.remsi %and3A_321, %jit3A_343 : i32
      %ne3A_359 = arith.constant 0 : i32
      %ne3A_360 = arith.cmpi ne, %rem3A_358, %ne3A_359 : i32
      %and3A_361 = arith.andi %ne3A_357, %ne3A_360 : i1
      %sub3A = arith.constant 1 : i32
      %sub3A_362 = arith.subi %div3A, %sub3A : i32
      %select_n3A_363 = arith.select %and3A_361, %sub3A_362, %div3A : i32
      %mul3A_364 = arith.constant 16 : i32
      %mul3A_365 = arith.muli %select_n3A_363, %mul3A_364 : i32
      %add3A_366 = arith.constant 0 : i32
      %add3A_367 = arith.addi %mul3A_365, %add3A_366 : i32
      %mul3A_368 = arith.constant 8192 : i32
      %mul3A_369 = arith.muli %shift_right_arithmetic3A_320, %mul3A_368 : i32
      %shift_right_arithmetic3A_370 = arith.constant 3 : i32
      %shift_right_arithmetic3A_371 = arith.shrsi %add3A_367, %shift_right_arithmetic3A_370 : i32
      %mul3A_372 = arith.constant 1024 : i32
      %mul3A_373 = arith.muli %shift_right_arithmetic3A_371, %mul3A_372 : i32
      %add3A_374 = arith.addi %mul3A_369, %mul3A_373 : i32
      %and3A_375 = arith.constant 7 : i32
      %and3A_376 = arith.andi %add3A_367, %and3A_375 : i32
      %mul3A_377 = arith.constant 128 : i32
      %mul3A_378 = arith.muli %and3A_376, %mul3A_377 : i32
      %add3A_379 = arith.addi %add3A_374, %mul3A_378 : i32
      %add3A_380 = vector.broadcast %add3A_367 : i32 to vector<16xi32>
      %add3A_381 = arith.addi %add3A_342, %add3A_380 : vector<16xi32>
      %gather3A = tpu.vector_load_idx %arg6[%broadcast_in_dim3A_3, %broadcast_in_dim3A_3, %add3A_381] : memref<2x128x64xf32, #tpu.memory_space<vmem>>[vector<16xi32>, vector<16xi32>, vector<16xi32>], vector<16xf32>,
      %add3A_382 = vector.broadcast %add3A_379 : i32 to vector<16xi32>
      %add3A_383 = arith.addi %add3A_335, %add3A_382 : vector<16xi32>
      tpu.vector_store_idx %arg8[%broadcast_in_dim3A_3, %broadcast_in_dim3A_3, %broadcast_in_dim3A_3, %add3A_383], %gather3A : memref<2x8x8x128xf32, #tpu.memory_space<vmem>>[vector<16xi32>, vector<16xi32>, vector<16xi32>, vector<16xi32>], vector<16xf32>,
      %add3A_384 = arith.constant 1 : i32
      %add3A_385 = arith.addi %mul3A_365, %add3A_384 : i32
      %mul3A_386 = arith.constant 8192 : i32
      %mul3A_387 = arith.muli %shift_right_arithmetic3A_320, %mul3A_386 : i32
      %shift_right_arithmetic3A_388 = arith.constant 3 : i32
      %shift_right_arithmetic3A_389 = arith.shrsi %add3A_385, %shift_right_arithmetic3A_388 : i32
      %mul3A_390 = arith.constant 1024 : i32
      %mul3A_391 = arith.muli %shift_right_arithmetic3A_389, %mul3A_390 : i32
      %add3A_392 = arith.addi %mul3A_387, %mul3A_391 : i32
      %and3A_393 = arith.constant 7 : i32
      %and3A_394 = arith.andi %add3A_385, %and3A_393 : i32
      %mul3A_395 = arith.constant 128 : i32
      %mul3A_396 = arith.muli %and3A_394, %mul3A_395 : i32
      %add3A_397 = arith.addi %add3A_392, %mul3A_396 : i32
      %add3A_398 = vector.broadcast %add3A_385 : i32 to vector<16xi32>
      %add3A_399 = arith.addi %add3A_342, %add3A_398 : vector<16xi32>
      %gather3A_400 = tpu.vector_load_idx %arg6[%broadcast_in_dim3A_3, %broadcast_in_dim3A_3, %add3A_399] : memref<2x128x64xf32, #tpu.memory_space<vmem>>[vector<16xi32>, vector<16xi32>, vector<16xi32>], vector<16xf32>,
      %add3A_401 = vector.broadcast %add3A_397 : i32 to vector<16xi32>
      %add3A_402 = arith.addi %add3A_335, %add3A_401 : vector<16xi32>
      tpu.vector_store_idx %arg8[%broadcast_in_dim3A_3, %broadcast_in_dim3A_3, %broadcast_in_dim3A_3, %add3A_402], %gather3A_400 : memref<2x8x8x128xf32, #tpu.memory_space<vmem>>[vector<16xi32>, vector<16xi32>, vector<16xi32>, vector<16xi32>], vector<16xf32>,
      %add3A_403 = arith.constant 2 : i32
      %add3A_404 = arith.addi %mul3A_365, %add3A_403 : i32
      %mul3A_405 = arith.constant 8192 : i32
      %mul3A_406 = arith.muli %shift_right_arithmetic3A_320, %mul3A_405 : i32
      %shift_right_arithmetic3A_407 = arith.constant 3 : i32
      %shift_right_arithmetic3A_408 = arith.shrsi %add3A_404, %shift_right_arithmetic3A_407 : i32
      %mul3A_409 = arith.constant 1024 : i32
      %mul3A_410 = arith.muli %shift_right_arithmetic3A_408, %mul3A_409 : i32
      %add3A_411 = arith.addi %mul3A_406, %mul3A_410 : i32
      %and3A_412 = arith.constant 7 : i32
      %and3A_413 = arith.andi %add3A_404, %and3A_412 : i32
      %mul3A_414 = arith.constant 128 : i32
      %mul3A_415 = arith.muli %and3A_413, %mul3A_414 : i32
      %add3A_416 = arith.addi %add3A_411, %mul3A_415 : i32
      %add3A_417 = vector.broadcast %add3A_404 : i32 to vector<16xi32>
      %add3A_418 = arith.addi %add3A_342, %add3A_417 : vector<16xi32>
      %gather3A_419 = tpu.vector_load_idx %arg6[%broadcast_in_dim3A_3, %broadcast_in_dim3A_3, %add3A_418] : memref<2x128x64xf32, #tpu.memory_space<vmem>>[vector<16xi32>, vector<16xi32>, vector<16xi32>], vector<16xf32>,
      %add3A_420 = vector.broadcast %add3A_416 : i32 to vector<16xi32>
      %add3A_421 = arith.addi %add3A_335, %add3A_420 : vector<16xi32>
      tpu.vector_store_idx %arg8[%broadcast_in_dim3A_3, %broadcast_in_dim3A_3, %broadcast_in_dim3A_3, %add3A_421], %gather3A_419 : memref<2x8x8x128xf32, #tpu.memory_space<vmem>>[vector<16xi32>, vector<16xi32>, vector<16xi32>, vector<16xi32>], vector<16xf32>,
      %add3A_422 = arith.constant 3 : i32
      %add3A_423 = arith.addi %mul3A_365, %add3A_422 : i32
      %mul3A_424 = arith.constant 8192 : i32
      %mul3A_425 = arith.muli %shift_right_arithmetic3A_320, %mul3A_424 : i32
      %shift_right_arithmetic3A_426 = arith.constant 3 : i32
      %shift_right_arithmetic3A_427 = arith.shrsi %add3A_423, %shift_right_arithmetic3A_426 : i32
      %mul3A_428 = arith.constant 1024 : i32
      %mul3A_429 = arith.muli %shift_right_arithmetic3A_427, %mul3A_428 : i32
      %add3A_430 = arith.addi %mul3A_425, %mul3A_429 : i32
      %and3A_431 = arith.constant 7 : i32
      %and3A_432 = arith.andi %add3A_423, %and3A_431 : i32
      %mul3A_433 = arith.constant 128 : i32
      %mul3A_434 = arith.muli %and3A_432, %mul3A_433 : i32
      %add3A_435 = arith.addi %add3A_430, %mul3A_434 : i32
      %add3A_436 = vector.broadcast %add3A_423 : i32 to vector<16xi32>
      %add3A_437 = arith.addi %add3A_342, %add3A_436 : vector<16xi32>
      %gather3A_438 = tpu.vector_load_idx %arg6[%broadcast_in_dim3A_3, %broadcast_in_dim3A_3, %add3A_437] : memref<2x128x64xf32, #tpu.memory_space<vmem>>[vector<16xi32>, vector<16xi32>, vector<16xi32>], vector<16xf32>,
      %add3A_439 = vector.broadcast %add3A_435 : i32 to vector<16xi32>
      %add3A_440 = arith.addi %add3A_335, %add3A_439 : vector<16xi32>
      tpu.vector_store_idx %arg8[%broadcast_in_dim3A_3, %broadcast_in_dim3A_3, %broadcast_in_dim3A_3, %add3A_440], %gather3A_438 : memref<2x8x8x128xf32, #tpu.memory_space<vmem>>[vector<16xi32>, vector<16xi32>, vector<16xi32>, vector<16xi32>], vector<16xf32>,
      %add3A_441 = arith.constant 4 : i32
      %add3A_442 = arith.addi %mul3A_365, %add3A_441 : i32
      %mul3A_443 = arith.constant 8192 : i32
      %mul3A_444 = arith.muli %shift_right_arithmetic3A_320, %mul3A_443 : i32
      %shift_right_arithmetic3A_445 = arith.constant 3 : i32
      %shift_right_arithmetic3A_446 = arith.shrsi %add3A_442, %shift_right_arithmetic3A_445 : i32
      %mul3A_447 = arith.constant 1024 : i32
      %mul3A_448 = arith.muli %shift_right_arithmetic3A_446, %mul3A_447 : i32
      %add3A_449 = arith.addi %mul3A_444, %mul3A_448 : i32
      %and3A_450 = arith.constant 7 : i32
      %and3A_451 = arith.andi %add3A_442, %and3A_450 : i32
      %mul3A_452 = arith.constant 128 : i32
      %mul3A_453 = arith.muli %and3A_451, %mul3A_452 : i32
      %add3A_454 = arith.addi %add3A_449, %mul3A_453 : i32
      %add3A_455 = vector.broadcast %add3A_442 : i32 to vector<16xi32>
      %add3A_456 = arith.addi %add3A_342, %add3A_455 : vector<16xi32>
      %gather3A_457 = tpu.vector_load_idx %arg6[%broadcast_in_dim3A_3, %broadcast_in_dim3A_3, %add3A_456] : memref<2x128x64xf32, #tpu.memory_space<vmem>>[vector<16xi32>, vector<16xi32>, vector<16xi32>], vector<16xf32>,
      %add3A_458 = vector.broadcast %add3A_454 : i32 to vector<16xi32>
      %add3A_459 = arith.addi %add3A_335, %add3A_458 : vector<16xi32>
      tpu.vector_store_idx %arg8[%broadcast_in_dim3A_3, %broadcast_in_dim3A_3, %broadcast_in_dim3A_3, %add3A_459], %gather3A_457 : memref<2x8x8x128xf32, #tpu.memory_space<vmem>>[vector<16xi32>, vector<16xi32>, vector<16xi32>, vector<16xi32>], vector<16xf32>,
      %add3A_460 = arith.constant 5 : i32
      %add3A_461 = arith.addi %mul3A_365, %add3A_460 : i32
      %mul3A_462 = arith.constant 8192 : i32
      %mul3A_463 = arith.muli %shift_right_arithmetic3A_320, %mul3A_462 : i32
      %shift_right_arithmetic3A_464 = arith.constant 3 : i32
      %shift_right_arithmetic3A_465 = arith.shrsi %add3A_461, %shift_right_arithmetic3A_464 : i32
      %mul3A_466 = arith.constant 1024 : i32
      %mul3A_467 = arith.muli %shift_right_arithmetic3A_465, %mul3A_466 : i32
      %add3A_468 = arith.addi %mul3A_463, %mul3A_467 : i32
      %and3A_469 = arith.constant 7 : i32
      %and3A_470 = arith.andi %add3A_461, %and3A_469 : i32
      %mul3A_471 = arith.constant 128 : i32
      %mul3A_472 = arith.muli %and3A_470, %mul3A_471 : i32
      %add3A_473 = arith.addi %add3A_468, %mul3A_472 : i32
      %add3A_474 = vector.broadcast %add3A_461 : i32 to vector<16xi32>
      %add3A_475 = arith.addi %add3A_342, %add3A_474 : vector<16xi32>
      %gather3A_476 = tpu.vector_load_idx %arg6[%broadcast_in_dim3A_3, %broadcast_in_dim3A_3, %add3A_475] : memref<2x128x64xf32, #tpu.memory_space<vmem>>[vector<16xi32>, vector<16xi32>, vector<16xi32>], vector<16xf32>,
      %add3A_477 = vector.broadcast %add3A_473 : i32 to vector<16xi32>
      %add3A_478 = arith.addi %add3A_335, %add3A_477 : vector<16xi32>
      tpu.vector_store_idx %arg8[%broadcast_in_dim3A_3, %broadcast_in_dim3A_3, %broadcast_in_dim3A_3, %add3A_478], %gather3A_476 : memref<2x8x8x128xf32, #tpu.memory_space<vmem>>[vector<16xi32>, vector<16xi32>, vector<16xi32>, vector<16xi32>], vector<16xf32>,
      %add3A_479 = arith.constant 6 : i32
      %add3A_480 = arith.addi %mul3A_365, %add3A_479 : i32
      %mul3A_481 = arith.constant 8192 : i32
      %mul3A_482 = arith.muli %shift_right_arithmetic3A_320, %mul3A_481 : i32
      %shift_right_arithmetic3A_483 = arith.constant 3 : i32
      %shift_right_arithmetic3A_484 = arith.shrsi %add3A_480, %shift_right_arithmetic3A_483 : i32
      %mul3A_485 = arith.constant 1024 : i32
      %mul3A_486 = arith.muli %shift_right_arithmetic3A_484, %mul3A_485 : i32
      %add3A_487 = arith.addi %mul3A_482, %mul3A_486 : i32
      %and3A_488 = arith.constant 7 : i32
      %and3A_489 = arith.andi %add3A_480, %and3A_488 : i32
      %mul3A_490 = arith.constant 128 : i32
      %mul3A_491 = arith.muli %and3A_489, %mul3A_490 : i32
      %add3A_492 = arith.addi %add3A_487, %mul3A_491 : i32
      %add3A_493 = vector.broadcast %add3A_480 : i32 to vector<16xi32>
      %add3A_494 = arith.addi %add3A_342, %add3A_493 : vector<16xi32>
      %gather3A_495 = tpu.vector_load_idx %arg6[%broadcast_in_dim3A_3, %broadcast_in_dim3A_3, %add3A_494] : memref<2x128x64xf32, #tpu.memory_space<vmem>>[vector<16xi32>, vector<16xi32>, vector<16xi32>], vector<16xf32>,
      %add3A_496 = vector.broadcast %add3A_492 : i32 to vector<16xi32>
      %add3A_497 = arith.addi %add3A_335, %add3A_496 : vector<16xi32>
      tpu.vector_store_idx %arg8[%broadcast_in_dim3A_3, %broadcast_in_dim3A_3, %broadcast_in_dim3A_3, %add3A_497], %gather3A_495 : memref<2x8x8x128xf32, #tpu.memory_space<vmem>>[vector<16xi32>, vector<16xi32>, vector<16xi32>, vector<16xi32>], vector<16xf32>,
      %add3A_498 = arith.constant 7 : i32
      %add3A_499 = arith.addi %mul3A_365, %add3A_498 : i32
      %mul3A_500 = arith.constant 8192 : i32
      %mul3A_501 = arith.muli %shift_right_arithmetic3A_320, %mul3A_500 : i32
      %shift_right_arithmetic3A_502 = arith.constant 3 : i32
      %shift_right_arithmetic3A_503 = arith.shrsi %add3A_499, %shift_right_arithmetic3A_502 : i32
      %mul3A_504 = arith.constant 1024 : i32
      %mul3A_505 = arith.muli %shift_right_arithmetic3A_503, %mul3A_504 : i32
      %add3A_506 = arith.addi %mul3A_501, %mul3A_505 : i32
      %and3A_507 = arith.constant 7 : i32
      %and3A_508 = arith.andi %add3A_499, %and3A_507 : i32
      %mul3A_509 = arith.constant 128 : i32
      %mul3A_510 = arith.muli %and3A_508, %mul3A_509 : i32
      %add3A_511 = arith.addi %add3A_506, %mul3A_510 : i32
      %add3A_512 = vector.broadcast %add3A_499 : i32 to vector<16xi32>
      %add3A_513 = arith.addi %add3A_342, %add3A_512 : vector<16xi32>
      %gather3A_514 = tpu.vector_load_idx %arg6[%broadcast_in_dim3A_3, %broadcast_in_dim3A_3, %add3A_513] : memref<2x128x64xf32, #tpu.memory_space<vmem>>[vector<16xi32>, vector<16xi32>, vector<16xi32>], vector<16xf32>,
      %add3A_515 = vector.broadcast %add3A_511 : i32 to vector<16xi32>
      %add3A_516 = arith.addi %add3A_335, %add3A_515 : vector<16xi32>
      tpu.vector_store_idx %arg8[%broadcast_in_dim3A_3, %broadcast_in_dim3A_3, %broadcast_in_dim3A_3, %add3A_516], %gather3A_514 : memref<2x8x8x128xf32, #tpu.memory_space<vmem>>[vector<16xi32>, vector<16xi32>, vector<16xi32>, vector<16xi32>], vector<16xf32>,
      %add3A_517 = arith.constant 8 : i32
      %add3A_518 = arith.addi %mul3A_365, %add3A_517 : i32
      %mul3A_519 = arith.constant 8192 : i32
      %mul3A_520 = arith.muli %shift_right_arithmetic3A_320, %mul3A_519 : i32
      %shift_right_arithmetic3A_521 = arith.constant 3 : i32
      %shift_right_arithmetic3A_522 = arith.shrsi %add3A_518, %shift_right_arithmetic3A_521 : i32
      %mul3A_523 = arith.constant 1024 : i32
      %mul3A_524 = arith.muli %shift_right_arithmetic3A_522, %mul3A_523 : i32
      %add3A_525 = arith.addi %mul3A_520, %mul3A_524 : i32
      %and3A_526 = arith.constant 7 : i32
      %and3A_527 = arith.andi %add3A_518, %and3A_526 : i32
      %mul3A_528 = arith.constant 128 : i32
      %mul3A_529 = arith.muli %and3A_527, %mul3A_528 : i32
      %add3A_530 = arith.addi %add3A_525, %mul3A_529 : i32
      %add3A_531 = vector.broadcast %add3A_518 : i32 to vector<16xi32>
      %add3A_532 = arith.addi %add3A_342, %add3A_531 : vector<16xi32>
      %gather3A_533 = tpu.vector_load_idx %arg6[%broadcast_in_dim3A_3, %broadcast_in_dim3A_3, %add3A_532] : memref<2x128x64xf32, #tpu.memory_space<vmem>>[vector<16xi32>, vector<16xi32>, vector<16xi32>], vector<16xf32>,
      %add3A_534 = vector.broadcast %add3A_530 : i32 to vector<16xi32>
      %add3A_535 = arith.addi %add3A_335, %add3A_534 : vector<16xi32>
      tpu.vector_store_idx %arg8[%broadcast_in_dim3A_3, %broadcast_in_dim3A_3, %broadcast_in_dim3A_3, %add3A_535], %gather3A_533 : memref<2x8x8x128xf32, #tpu.memory_space<vmem>>[vector<16xi32>, vector<16xi32>, vector<16xi32>, vector<16xi32>], vector<16xf32>,
      %add3A_536 = arith.constant 9 : i32
      %add3A_537 = arith.addi %mul3A_365, %add3A_536 : i32
      %mul3A_538 = arith.constant 8192 : i32
      %mul3A_539 = arith.muli %shift_right_arithmetic3A_320, %mul3A_538 : i32
      %shift_right_arithmetic3A_540 = arith.constant 3 : i32
      %shift_right_arithmetic3A_541 = arith.shrsi %add3A_537, %shift_right_arithmetic3A_540 : i32
      %mul3A_542 = arith.constant 1024 : i32
      %mul3A_543 = arith.muli %shift_right_arithmetic3A_541, %mul3A_542 : i32
      %add3A_544 = arith.addi %mul3A_539, %mul3A_543 : i32
      %and3A_545 = arith.constant 7 : i32
      %and3A_546 = arith.andi %add3A_537, %and3A_545 : i32
      %mul3A_547 = arith.constant 128 : i32
      %mul3A_548 = arith.muli %and3A_546, %mul3A_547 : i32
      %add3A_549 = arith.addi %add3A_544, %mul3A_548 : i32
      %add3A_550 = vector.broadcast %add3A_537 : i32 to vector<16xi32>
      %add3A_551 = arith.addi %add3A_342, %add3A_550 : vector<16xi32>
      %gather3A_552 = tpu.vector_load_idx %arg6[%broadcast_in_dim3A_3, %broadcast_in_dim3A_3, %add3A_551] : memref<2x128x64xf32, #tpu.memory_space<vmem>>[vector<16xi32>, vector<16xi32>, vector<16xi32>], vector<16xf32>,
      %add3A_553 = vector.broadcast %add3A_549 : i32 to vector<16xi32>
      %add3A_554 = arith.addi %add3A_335, %add3A_553 : vector<16xi32>
      tpu.vector_store_idx %arg8[%broadcast_in_dim3A_3, %broadcast_in_dim3A_3, %broadcast_in_dim3A_3, %add3A_554], %gather3A_552 : memref<2x8x8x128xf32, #tpu.memory_space<vmem>>[vector<16xi32>, vector<16xi32>, vector<16xi32>, vector<16xi32>], vector<16xf32>,
      %add3A_555 = arith.constant 10 : i32
      %add3A_556 = arith.addi %mul3A_365, %add3A_555 : i32
      %mul3A_557 = arith.constant 8192 : i32
      %mul3A_558 = arith.muli %shift_right_arithmetic3A_320, %mul3A_557 : i32
      %shift_right_arithmetic3A_559 = arith.constant 3 : i32
      %shift_right_arithmetic3A_560 = arith.shrsi %add3A_556, %shift_right_arithmetic3A_559 : i32
      %mul3A_561 = arith.constant 1024 : i32
      %mul3A_562 = arith.muli %shift_right_arithmetic3A_560, %mul3A_561 : i32
      %add3A_563 = arith.addi %mul3A_558, %mul3A_562 : i32
      %and3A_564 = arith.constant 7 : i32
      %and3A_565 = arith.andi %add3A_556, %and3A_564 : i32
      %mul3A_566 = arith.constant 128 : i32
      %mul3A_567 = arith.muli %and3A_565, %mul3A_566 : i32
      %add3A_568 = arith.addi %add3A_563, %mul3A_567 : i32
      %add3A_569 = vector.broadcast %add3A_556 : i32 to vector<16xi32>
      %add3A_570 = arith.addi %add3A_342, %add3A_569 : vector<16xi32>
      %gather3A_571 = tpu.vector_load_idx %arg6[%broadcast_in_dim3A_3, %broadcast_in_dim3A_3, %add3A_570] : memref<2x128x64xf32, #tpu.memory_space<vmem>>[vector<16xi32>, vector<16xi32>, vector<16xi32>], vector<16xf32>,
      %add3A_572 = vector.broadcast %add3A_568 : i32 to vector<16xi32>
      %add3A_573 = arith.addi %add3A_335, %add3A_572 : vector<16xi32>
      tpu.vector_store_idx %arg8[%broadcast_in_dim3A_3, %broadcast_in_dim3A_3, %broadcast_in_dim3A_3, %add3A_573], %gather3A_571 : memref<2x8x8x128xf32, #tpu.memory_space<vmem>>[vector<16xi32>, vector<16xi32>, vector<16xi32>, vector<16xi32>], vector<16xf32>,
      %add3A_574 = arith.constant 11 : i32
      %add3A_575 = arith.addi %mul3A_365, %add3A_574 : i32
      %mul3A_576 = arith.constant 8192 : i32
      %mul3A_577 = arith.muli %shift_right_arithmetic3A_320, %mul3A_576 : i32
      %shift_right_arithmetic3A_578 = arith.constant 3 : i32
      %shift_right_arithmetic3A_579 = arith.shrsi %add3A_575, %shift_right_arithmetic3A_578 : i32
      %mul3A_580 = arith.constant 1024 : i32
      %mul3A_581 = arith.muli %shift_right_arithmetic3A_579, %mul3A_580 : i32
      %add3A_582 = arith.addi %mul3A_577, %mul3A_581 : i32
      %and3A_583 = arith.constant 7 : i32
      %and3A_584 = arith.andi %add3A_575, %and3A_583 : i32
      %mul3A_585 = arith.constant 128 : i32
      %mul3A_586 = arith.muli %and3A_584, %mul3A_585 : i32
      %add3A_587 = arith.addi %add3A_582, %mul3A_586 : i32
      %add3A_588 = vector.broadcast %add3A_575 : i32 to vector<16xi32>
      %add3A_589 = arith.addi %add3A_342, %add3A_588 : vector<16xi32>
      %gather3A_590 = tpu.vector_load_idx %arg6[%broadcast_in_dim3A_3, %broadcast_in_dim3A_3, %add3A_589] : memref<2x128x64xf32, #tpu.memory_space<vmem>>[vector<16xi32>, vector<16xi32>, vector<16xi32>], vector<16xf32>,
      %add3A_591 = vector.broadcast %add3A_587 : i32 to vector<16xi32>
      %add3A_592 = arith.addi %add3A_335, %add3A_591 : vector<16xi32>
      tpu.vector_store_idx %arg8[%broadcast_in_dim3A_3, %broadcast_in_dim3A_3, %broadcast_in_dim3A_3, %add3A_592], %gather3A_590 : memref<2x8x8x128xf32, #tpu.memory_space<vmem>>[vector<16xi32>, vector<16xi32>, vector<16xi32>, vector<16xi32>], vector<16xf32>,
      %add3A_593 = arith.constant 12 : i32
      %add3A_594 = arith.addi %mul3A_365, %add3A_593 : i32
      %mul3A_595 = arith.constant 8192 : i32
      %mul3A_596 = arith.muli %shift_right_arithmetic3A_320, %mul3A_595 : i32
      %shift_right_arithmetic3A_597 = arith.constant 3 : i32
      %shift_right_arithmetic3A_598 = arith.shrsi %add3A_594, %shift_right_arithmetic3A_597 : i32
      %mul3A_599 = arith.constant 1024 : i32
      %mul3A_600 = arith.muli %shift_right_arithmetic3A_598, %mul3A_599 : i32
      %add3A_601 = arith.addi %mul3A_596, %mul3A_600 : i32
      %and3A_602 = arith.constant 7 : i32
      %and3A_603 = arith.andi %add3A_594, %and3A_602 : i32
      %mul3A_604 = arith.constant 128 : i32
      %mul3A_605 = arith.muli %and3A_603, %mul3A_604 : i32
      %add3A_606 = arith.addi %add3A_601, %mul3A_605 : i32
      %add3A_607 = vector.broadcast %add3A_594 : i32 to vector<16xi32>
      %add3A_608 = arith.addi %add3A_342, %add3A_607 : vector<16xi32>
      %gather3A_609 = tpu.vector_load_idx %arg6[%broadcast_in_dim3A_3, %broadcast_in_dim3A_3, %add3A_608] : memref<2x128x64xf32, #tpu.memory_space<vmem>>[vector<16xi32>, vector<16xi32>, vector<16xi32>], vector<16xf32>,
      %add3A_610 = vector.broadcast %add3A_606 : i32 to vector<16xi32>
      %add3A_611 = arith.addi %add3A_335, %add3A_610 : vector<16xi32>
      tpu.vector_store_idx %arg8[%broadcast_in_dim3A_3, %broadcast_in_dim3A_3, %broadcast_in_dim3A_3, %add3A_611], %gather3A_609 : memref<2x8x8x128xf32, #tpu.memory_space<vmem>>[vector<16xi32>, vector<16xi32>, vector<16xi32>, vector<16xi32>], vector<16xf32>,
      %add3A_612 = arith.constant 13 : i32
      %add3A_613 = arith.addi %mul3A_365, %add3A_612 : i32
      %mul3A_614 = arith.constant 8192 : i32
      %mul3A_615 = arith.muli %shift_right_arithmetic3A_320, %mul3A_614 : i32
      %shift_right_arithmetic3A_616 = arith.constant 3 : i32
      %shift_right_arithmetic3A_617 = arith.shrsi %add3A_613, %shift_right_arithmetic3A_616 : i32
      %mul3A_618 = arith.constant 1024 : i32
      %mul3A_619 = arith.muli %shift_right_arithmetic3A_617, %mul3A_618 : i32
      %add3A_620 = arith.addi %mul3A_615, %mul3A_619 : i32
      %and3A_621 = arith.constant 7 : i32
      %and3A_622 = arith.andi %add3A_613, %and3A_621 : i32
      %mul3A_623 = arith.constant 128 : i32
      %mul3A_624 = arith.muli %and3A_622, %mul3A_623 : i32
      %add3A_625 = arith.addi %add3A_620, %mul3A_624 : i32
      %add3A_626 = vector.broadcast %add3A_613 : i32 to vector<16xi32>
      %add3A_627 = arith.addi %add3A_342, %add3A_626 : vector<16xi32>
      %gather3A_628 = tpu.vector_load_idx %arg6[%broadcast_in_dim3A_3, %broadcast_in_dim3A_3, %add3A_627] : memref<2x128x64xf32, #tpu.memory_space<vmem>>[vector<16xi32>, vector<16xi32>, vector<16xi32>], vector<16xf32>,
      %add3A_629 = vector.broadcast %add3A_625 : i32 to vector<16xi32>
      %add3A_630 = arith.addi %add3A_335, %add3A_629 : vector<16xi32>
      tpu.vector_store_idx %arg8[%broadcast_in_dim3A_3, %broadcast_in_dim3A_3, %broadcast_in_dim3A_3, %add3A_630], %gather3A_628 : memref<2x8x8x128xf32, #tpu.memory_space<vmem>>[vector<16xi32>, vector<16xi32>, vector<16xi32>, vector<16xi32>], vector<16xf32>,
      %add3A_631 = arith.constant 14 : i32
      %add3A_632 = arith.addi %mul3A_365, %add3A_631 : i32
      %mul3A_633 = arith.constant 8192 : i32
      %mul3A_634 = arith.muli %shift_right_arithmetic3A_320, %mul3A_633 : i32
      %shift_right_arithmetic3A_635 = arith.constant 3 : i32
      %shift_right_arithmetic3A_636 = arith.shrsi %add3A_632, %shift_right_arithmetic3A_635 : i32
      %mul3A_637 = arith.constant 1024 : i32
      %mul3A_638 = arith.muli %shift_right_arithmetic3A_636, %mul3A_637 : i32
      %add3A_639 = arith.addi %mul3A_634, %mul3A_638 : i32
      %and3A_640 = arith.constant 7 : i32
      %and3A_641 = arith.andi %add3A_632, %and3A_640 : i32
      %mul3A_642 = arith.constant 128 : i32
      %mul3A_643 = arith.muli %and3A_641, %mul3A_642 : i32
      %add3A_644 = arith.addi %add3A_639, %mul3A_643 : i32
      %add3A_645 = vector.broadcast %add3A_632 : i32 to vector<16xi32>
      %add3A_646 = arith.addi %add3A_342, %add3A_645 : vector<16xi32>
      %gather3A_647 = tpu.vector_load_idx %arg6[%broadcast_in_dim3A_3, %broadcast_in_dim3A_3, %add3A_646] : memref<2x128x64xf32, #tpu.memory_space<vmem>>[vector<16xi32>, vector<16xi32>, vector<16xi32>], vector<16xf32>,
      %add3A_648 = vector.broadcast %add3A_644 : i32 to vector<16xi32>
      %add3A_649 = arith.addi %add3A_335, %add3A_648 : vector<16xi32>
      tpu.vector_store_idx %arg8[%broadcast_in_dim3A_3, %broadcast_in_dim3A_3, %broadcast_in_dim3A_3, %add3A_649], %gather3A_647 : memref<2x8x8x128xf32, #tpu.memory_space<vmem>>[vector<16xi32>, vector<16xi32>, vector<16xi32>, vector<16xi32>], vector<16xf32>,
      %add3A_650 = arith.constant 15 : i32
      %add3A_651 = arith.addi %mul3A_365, %add3A_650 : i32
      %mul3A_652 = arith.constant 8192 : i32
      %mul3A_653 = arith.muli %shift_right_arithmetic3A_320, %mul3A_652 : i32
      %shift_right_arithmetic3A_654 = arith.constant 3 : i32
      %shift_right_arithmetic3A_655 = arith.shrsi %add3A_651, %shift_right_arithmetic3A_654 : i32
      %mul3A_656 = arith.constant 1024 : i32
      %mul3A_657 = arith.muli %shift_right_arithmetic3A_655, %mul3A_656 : i32
      %add3A_658 = arith.addi %mul3A_653, %mul3A_657 : i32
      %and3A_659 = arith.constant 7 : i32
      %and3A_660 = arith.andi %add3A_651, %and3A_659 : i32
      %mul3A_661 = arith.constant 128 : i32
      %mul3A_662 = arith.muli %and3A_660, %mul3A_661 : i32
      %add3A_663 = arith.addi %add3A_658, %mul3A_662 : i32
      %add3A_664 = vector.broadcast %add3A_651 : i32 to vector<16xi32>
      %add3A_665 = arith.addi %add3A_342, %add3A_664 : vector<16xi32>
      %gather3A_666 = tpu.vector_load_idx %arg6[%broadcast_in_dim3A_3, %broadcast_in_dim3A_3, %add3A_665] : memref<2x128x64xf32, #tpu.memory_space<vmem>>[vector<16xi32>, vector<16xi32>, vector<16xi32>], vector<16xf32>,
      %add3A_667 = vector.broadcast %add3A_663 : i32 to vector<16xi32>
      %add3A_668 = arith.addi %add3A_335, %add3A_667 : vector<16xi32>
      tpu.vector_store_idx %arg8[%broadcast_in_dim3A_3, %broadcast_in_dim3A_3, %broadcast_in_dim3A_3, %add3A_668], %gather3A_666 : memref<2x8x8x128xf32, #tpu.memory_space<vmem>>[vector<16xi32>, vector<16xi32>, vector<16xi32>, vector<16xi32>], vector<16xf32>,
    }
    %scan3A_228 = arith.constant 64 : i32
    %dma_start3A_229 = arith.constant 196 : i32
    %dma_start3A_230 = arith.constant 0 : i32
    %dma_start3A_231 = arith.constant 0 : i32
    %dma_start3A_232 = arith.constant 0 : i32
    %dma_start3A_233 = tpu.memref_slice %arg4[%dma_start3A_229, %dma_start3A_230, %add3A, %dma_start3A_231, %dma_start3A_232] : memref<200x8x32x8x128xf32, #tpu.memory_space<hbm>> -> memref<2x8x1x8x128xf32, #tpu.memory_space<hbm>>
    %dma_start3A_234 = tpu.memref_squeeze %dma_start3A_233 : memref<2x8x1x8x128xf32, #tpu.memory_space<hbm>> -> memref<2x8x8x128xf32, #tpu.memory_space<hbm>>
    %dma_start3A_235 = arith.constant 196 : i32
    %dma_start3A_236 = arith.constant 0 : i32
    %dma_start3A_237 = arith.constant 0 : i32
    %dma_start3A_238 = arith.constant 0 : i32
    %dma_start3A_239 = tpu.memref_slice %arg4[%dma_start3A_235, %dma_start3A_236, %add3A, %dma_start3A_237, %dma_start3A_238] : memref<200x8x32x8x128xf32, #tpu.memory_space<hbm>> -> memref<2x8x1x8x128xf32, #tpu.memory_space<hbm>>
    %dma_start3A_240 = tpu.memref_squeeze %dma_start3A_239 : memref<2x8x1x8x128xf32, #tpu.memory_space<hbm>> -> memref<2x8x8x128xf32, #tpu.memory_space<hbm>>
    tpu.enqueue_dma source(%arg8 : memref<2x8x8x128xf32, #tpu.memory_space<vmem>>) target(%dma_start3A_240 : memref<2x8x8x128xf32, #tpu.memory_space<hbm>>) target_semaphore(%arg12 : memref<!tpu.dma_semaphore, #tpu.memory_space<semaphore_mem>>)
    %dma_wait3A_241 = arith.constant 0 : i32
    %dma_wait3A_242 = arith.constant 0 : i32
    %dma_wait3A_243 = arith.constant 0 : i32
    %dma_wait3A_244 = arith.constant 0 : i32
    %dma_wait3A_245 = tpu.memref_slice %arg7[%dma_wait3A_242, %dma_wait3A_243, %dma_wait3A_244] : memref<2x128x64xf32, #tpu.memory_space<vmem>> -> memref<1x128x64xf32, #tpu.memory_space<vmem>>
    %dma_wait3A_246 = tpu.memref_squeeze %dma_wait3A_245 : memref<1x128x64xf32, #tpu.memory_space<vmem>> -> memref<128x64xf32, #tpu.memory_space<vmem>>
    %dma_wait3A_247 = arith.constant 0 : i32
    %dma_wait3A_248 = tpu.memref_slice %arg5[%dma_wait3A_241, %dma_wait3A_247] : memref<200x128xi32, #tpu.memory_space<vmem>> -> memref<1x128xi32, #tpu.memory_space<vmem>>
    %dma_wait3A_249 = tpu.memref_squeeze %dma_wait3A_248 : memref<1x128xi32, #tpu.memory_space<vmem>> -> memref<128xi32, #tpu.memory_space<vmem>>
    %dma_wait3A_250 = arith.constant 0 : i32
    %dma_wait3A_251 = arith.constant 0 : i32
    %dma_wait3A_252 = tpu.memref_slice %arg3[%dma_wait3A_250, %dma_wait3A_251] : memref<1000000x64xf32, #tpu.memory_space<hbm>> -> memref<1000000x64xf32, #tpu.memory_space<hbm>>
    tpu.wait_indirect_dma semaphore(%arg11 : memref<!tpu.dma_semaphore, #tpu.memory_space<semaphore_mem>>) src(%dma_wait3A_252 : memref<1000000x64xf32, #tpu.memory_space<hbm>>) dst(%dma_wait3A_246 : memref<128x64xf32, #tpu.memory_space<vmem>>)
    %dma_wait3A_253 = arith.constant 0 : i32
    %dma_wait3A_254 = arith.constant 1 : i32
    %dma_wait3A_255 = arith.constant 0 : i32
    %dma_wait3A_256 = arith.constant 0 : i32
    %dma_wait3A_257 = tpu.memref_slice %arg7[%dma_wait3A_254, %dma_wait3A_255, %dma_wait3A_256] : memref<2x128x64xf32, #tpu.memory_space<vmem>> -> memref<1x128x64xf32, #tpu.memory_space<vmem>>
    %dma_wait3A_258 = tpu.memref_squeeze %dma_wait3A_257 : memref<1x128x64xf32, #tpu.memory_space<vmem>> -> memref<128x64xf32, #tpu.memory_space<vmem>>
    %dma_wait3A_259 = arith.constant 0 : i32
    %dma_wait3A_260 = tpu.memref_slice %arg5[%dma_wait3A_253, %dma_wait3A_259] : memref<200x128xi32, #tpu.memory_space<vmem>> -> memref<1x128xi32, #tpu.memory_space<vmem>>
    %dma_wait3A_261 = tpu.memref_squeeze %dma_wait3A_260 : memref<1x128xi32, #tpu.memory_space<vmem>> -> memref<128xi32, #tpu.memory_space<vmem>>
    %dma_wait3A_262 = arith.constant 0 : i32
    %dma_wait3A_263 = arith.constant 0 : i32
    %dma_wait3A_264 = tpu.memref_slice %arg3[%dma_wait3A_262, %dma_wait3A_263] : memref<1000000x64xf32, #tpu.memory_space<hbm>> -> memref<1000000x64xf32, #tpu.memory_space<hbm>>
    tpu.wait_indirect_dma semaphore(%arg11 : memref<!tpu.dma_semaphore, #tpu.memory_space<semaphore_mem>>) src(%dma_wait3A_264 : memref<1000000x64xf32, #tpu.memory_space<hbm>>) dst(%dma_wait3A_258 : memref<128x64xf32, #tpu.memory_space<vmem>>)
    %dma_wait3A_265 = arith.constant 0 : i32
    %dma_wait3A_266 = arith.constant 0 : i32
    %dma_wait3A_267 = arith.constant 0 : i32
    %dma_wait3A_268 = arith.constant 0 : i32
    %dma_wait3A_269 = tpu.memref_slice %arg4[%dma_wait3A_265, %dma_wait3A_266, %add3A, %dma_wait3A_267, %dma_wait3A_268] : memref<200x8x32x8x128xf32, #tpu.memory_space<hbm>> -> memref<2x8x1x8x128xf32, #tpu.memory_space<hbm>>
    %dma_wait3A_270 = tpu.memref_squeeze %dma_wait3A_269 : memref<2x8x1x8x128xf32, #tpu.memory_space<hbm>> -> memref<2x8x8x128xf32, #tpu.memory_space<hbm>>
    %dma_wait3A_271 = arith.constant 0 : i32
    %dma_wait3A_272 = arith.constant 0 : i32
    %dma_wait3A_273 = arith.constant 0 : i32
    %dma_wait3A_274 = arith.constant 0 : i32
    %dma_wait3A_275 = tpu.memref_slice %arg4[%dma_wait3A_271, %dma_wait3A_272, %add3A, %dma_wait3A_273, %dma_wait3A_274] : memref<200x8x32x8x128xf32, #tpu.memory_space<hbm>> -> memref<2x8x1x8x128xf32, #tpu.memory_space<hbm>>
    %dma_wait3A_276 = tpu.memref_squeeze %dma_wait3A_275 : memref<2x8x1x8x128xf32, #tpu.memory_space<hbm>> -> memref<2x8x8x128xf32, #tpu.memory_space<hbm>>
    tpu.wait_dma2 semaphore(%arg13 : memref<!tpu.dma_semaphore, #tpu.memory_space<semaphore_mem>>) src(%arg9 : memref<2x8x8x128xf32, #tpu.memory_space<vmem>>) dst(%dma_wait3A_276 : memref<2x8x8x128xf32, #tpu.memory_space<hbm>>)
    %scan3A_277 = arith.constant 0 : i32
    %scan3A_278 = arith.constant 0 : i32
    %scan3A_279 = arith.constant 64 : i32
    %scan3A_280 = arith.addi %scan3A_278, %scan3A_279 : i32
    %scan3A_281 = arith.constant 1 : i32
    scf.for %scan3A_319 = %scan3A_278 to %scan3A_280 step %scan3A_281  : i32 {
      %shift_right_arithmetic3A = arith.constant 5 : i32
      %shift_right_arithmetic3A_320 = arith.shrsi %scan3A_319, %shift_right_arithmetic3A : i32
      %and3A = arith.constant 31 : i32
      %and3A_321 = arith.andi %scan3A_319, %and3A : i32
      %jit3A = arith.constant 8 : i32
      %eq3A = arith.constant 0 : i32
      %eq3A_322 = arith.cmpi eq, %jit3A, %eq3A : i32
      %jit3A_323 = arith.constant 1 : i32
      %select_n3A = arith.select %eq3A_322, %jit3A_323, %jit3A : i32
      %rem3A = arith.remsi %and3A_321, %select_n3A : i32
      %ne3A = arith.constant 0 : i32
      %ne3A_324 = arith.cmpi ne, %rem3A, %ne3A : i32
      %lt3A = arith.constant 0 : i32
      %lt3A_325 = arith.cmpi slt, %rem3A, %lt3A : i32
      %lt3A_326 = arith.constant 0 : i32
      %lt3A_327 = arith.cmpi slt, %select_n3A, %lt3A_326 : i32
      %ne3A_328 = arith.xori %lt3A_325, %lt3A_327 : i1
      %and3A_329 = arith.andi %ne3A_328, %ne3A_324 : i1
      %add3A_330 = arith.addi %rem3A, %select_n3A : i32
      %select_n3A_331 = arith.select %and3A_329, %add3A_330, %rem3A : i32
      %mul3A_332 = arith.constant 16 : i32
      %mul3A_333 = arith.muli %select_n3A_331, %mul3A_332 : i32
      %add3A_334 = vector.broadcast %mul3A_333 : i32 to vector<16xi32>
      %add3A_335 = arith.addi %iota3A, %add3A_334 : vector<16xi32>
      %mul3A_336 = arith.constant 64 : i32
      %mul3A_337 = vector.broadcast %mul3A_336 : i32 to vector<16xi32>
      %mul3A_338 = arith.muli %add3A_335, %mul3A_337 : vector<16xi32>
      %mul3A_339 = arith.constant 8192 : i32
      %mul3A_340 = arith.muli %shift_right_arithmetic3A_320, %mul3A_339 : i32
      %add3A_341 = vector.broadcast %mul3A_340 : i32 to vector<16xi32>
      %add3A_342 = arith.addi %mul3A_338, %add3A_341 : vector<16xi32>
      %jit3A_343 = arith.constant 8 : i32
      %div3A = arith.divsi %and3A_321, %jit3A_343 : i32
      %sign3A = arith.constant 0 : i32
      %sign3A_344 = arith.cmpi sgt, %and3A_321, %sign3A : i32
      %sign3A_345 = arith.extui %sign3A_344 : i1 to i32
      %sign3A_346 = arith.constant 0 : i32
      %sign3A_347 = arith.cmpi slt, %and3A_321, %sign3A_346 : i32
      %sign3A_348 = arith.extui %sign3A_347 : i1 to i32
      %sign3A_349 = arith.subi %sign3A_345, %sign3A_348 : i32
      %sign3A_350 = arith.constant 0 : i32
      %sign3A_351 = arith.cmpi sgt, %jit3A_343, %sign3A_350 : i32
      %sign3A_352 = arith.extui %sign3A_351 : i1 to i32
      %sign3A_353 = arith.constant 0 : i32
      %sign3A_354 = arith.cmpi slt, %jit3A_343, %sign3A_353 : i32
      %sign3A_355 = arith.extui %sign3A_354 : i1 to i32
      %sign3A_356 = arith.subi %sign3A_352, %sign3A_355 : i32
      %ne3A_357 = arith.cmpi ne, %sign3A_349, %sign3A_356 : i32
      %rem3A_358 = arith.remsi %and3A_321, %jit3A_343 : i32
      %ne3A_359 = arith.constant 0 : i32
      %ne3A_360 = arith.cmpi ne, %rem3A_358, %ne3A_359 : i32
      %and3A_361 = arith.andi %ne3A_357, %ne3A_360 : i1
      %sub3A = arith.constant 1 : i32
      %sub3A_362 = arith.subi %div3A, %sub3A : i32
      %select_n3A_363 = arith.select %and3A_361, %sub3A_362, %div3A : i32
      %mul3A_364 = arith.constant 16 : i32
      %mul3A_365 = arith.muli %select_n3A_363, %mul3A_364 : i32
      %add3A_366 = arith.constant 0 : i32
      %add3A_367 = arith.addi %mul3A_365, %add3A_366 : i32
      %mul3A_368 = arith.constant 8192 : i32
      %mul3A_369 = arith.muli %shift_right_arithmetic3A_320, %mul3A_368 : i32
      %shift_right_arithmetic3A_370 = arith.constant 3 : i32
      %shift_right_arithmetic3A_371 = arith.shrsi %add3A_367, %shift_right_arithmetic3A_370 : i32
      %mul3A_372 = arith.constant 1024 : i32
      %mul3A_373 = arith.muli %shift_right_arithmetic3A_371, %mul3A_372 : i32
      %add3A_374 = arith.addi %mul3A_369, %mul3A_373 : i32
      %and3A_375 = arith.constant 7 : i32
      %and3A_376 = arith.andi %add3A_367, %and3A_375 : i32
      %mul3A_377 = arith.constant 128 : i32
      %mul3A_378 = arith.muli %and3A_376, %mul3A_377 : i32
      %add3A_379 = arith.addi %add3A_374, %mul3A_378 : i32
      %add3A_380 = vector.broadcast %add3A_367 : i32 to vector<16xi32>
      %add3A_381 = arith.addi %add3A_342, %add3A_380 : vector<16xi32>
      %gather3A = tpu.vector_load_idx %arg7[%broadcast_in_dim3A_3, %broadcast_in_dim3A_3, %add3A_381] : memref<2x128x64xf32, #tpu.memory_space<vmem>>[vector<16xi32>, vector<16xi32>, vector<16xi32>], vector<16xf32>,
      %add3A_382 = vector.broadcast %add3A_379 : i32 to vector<16xi32>
      %add3A_383 = arith.addi %add3A_335, %add3A_382 : vector<16xi32>
      tpu.vector_store_idx %arg9[%broadcast_in_dim3A_3, %broadcast_in_dim3A_3, %broadcast_in_dim3A_3, %add3A_383], %gather3A : memref<2x8x8x128xf32, #tpu.memory_space<vmem>>[vector<16xi32>, vector<16xi32>, vector<16xi32>, vector<16xi32>], vector<16xf32>,
      %add3A_384 = arith.constant 1 : i32
      %add3A_385 = arith.addi %mul3A_365, %add3A_384 : i32
      %mul3A_386 = arith.constant 8192 : i32
      %mul3A_387 = arith.muli %shift_right_arithmetic3A_320, %mul3A_386 : i32
      %shift_right_arithmetic3A_388 = arith.constant 3 : i32
      %shift_right_arithmetic3A_389 = arith.shrsi %add3A_385, %shift_right_arithmetic3A_388 : i32
      %mul3A_390 = arith.constant 1024 : i32
      %mul3A_391 = arith.muli %shift_right_arithmetic3A_389, %mul3A_390 : i32
      %add3A_392 = arith.addi %mul3A_387, %mul3A_391 : i32
      %and3A_393 = arith.constant 7 : i32
      %and3A_394 = arith.andi %add3A_385, %and3A_393 : i32
      %mul3A_395 = arith.constant 128 : i32
      %mul3A_396 = arith.muli %and3A_394, %mul3A_395 : i32
      %add3A_397 = arith.addi %add3A_392, %mul3A_396 : i32
      %add3A_398 = vector.broadcast %add3A_385 : i32 to vector<16xi32>
      %add3A_399 = arith.addi %add3A_342, %add3A_398 : vector<16xi32>
      %gather3A_400 = tpu.vector_load_idx %arg7[%broadcast_in_dim3A_3, %broadcast_in_dim3A_3, %add3A_399] : memref<2x128x64xf32, #tpu.memory_space<vmem>>[vector<16xi32>, vector<16xi32>, vector<16xi32>], vector<16xf32>,
      %add3A_401 = vector.broadcast %add3A_397 : i32 to vector<16xi32>
      %add3A_402 = arith.addi %add3A_335, %add3A_401 : vector<16xi32>
      tpu.vector_store_idx %arg9[%broadcast_in_dim3A_3, %broadcast_in_dim3A_3, %broadcast_in_dim3A_3, %add3A_402], %gather3A_400 : memref<2x8x8x128xf32, #tpu.memory_space<vmem>>[vector<16xi32>, vector<16xi32>, vector<16xi32>, vector<16xi32>], vector<16xf32>,
      %add3A_403 = arith.constant 2 : i32
      %add3A_404 = arith.addi %mul3A_365, %add3A_403 : i32
      %mul3A_405 = arith.constant 8192 : i32
      %mul3A_406 = arith.muli %shift_right_arithmetic3A_320, %mul3A_405 : i32
      %shift_right_arithmetic3A_407 = arith.constant 3 : i32
      %shift_right_arithmetic3A_408 = arith.shrsi %add3A_404, %shift_right_arithmetic3A_407 : i32
      %mul3A_409 = arith.constant 1024 : i32
      %mul3A_410 = arith.muli %shift_right_arithmetic3A_408, %mul3A_409 : i32
      %add3A_411 = arith.addi %mul3A_406, %mul3A_410 : i32
      %and3A_412 = arith.constant 7 : i32
      %and3A_413 = arith.andi %add3A_404, %and3A_412 : i32
      %mul3A_414 = arith.constant 128 : i32
      %mul3A_415 = arith.muli %and3A_413, %mul3A_414 : i32
      %add3A_416 = arith.addi %add3A_411, %mul3A_415 : i32
      %add3A_417 = vector.broadcast %add3A_404 : i32 to vector<16xi32>
      %add3A_418 = arith.addi %add3A_342, %add3A_417 : vector<16xi32>
      %gather3A_419 = tpu.vector_load_idx %arg7[%broadcast_in_dim3A_3, %broadcast_in_dim3A_3, %add3A_418] : memref<2x128x64xf32, #tpu.memory_space<vmem>>[vector<16xi32>, vector<16xi32>, vector<16xi32>], vector<16xf32>,
      %add3A_420 = vector.broadcast %add3A_416 : i32 to vector<16xi32>
      %add3A_421 = arith.addi %add3A_335, %add3A_420 : vector<16xi32>
      tpu.vector_store_idx %arg9[%broadcast_in_dim3A_3, %broadcast_in_dim3A_3, %broadcast_in_dim3A_3, %add3A_421], %gather3A_419 : memref<2x8x8x128xf32, #tpu.memory_space<vmem>>[vector<16xi32>, vector<16xi32>, vector<16xi32>, vector<16xi32>], vector<16xf32>,
      %add3A_422 = arith.constant 3 : i32
      %add3A_423 = arith.addi %mul3A_365, %add3A_422 : i32
      %mul3A_424 = arith.constant 8192 : i32
      %mul3A_425 = arith.muli %shift_right_arithmetic3A_320, %mul3A_424 : i32
      %shift_right_arithmetic3A_426 = arith.constant 3 : i32
      %shift_right_arithmetic3A_427 = arith.shrsi %add3A_423, %shift_right_arithmetic3A_426 : i32
      %mul3A_428 = arith.constant 1024 : i32
      %mul3A_429 = arith.muli %shift_right_arithmetic3A_427, %mul3A_428 : i32
      %add3A_430 = arith.addi %mul3A_425, %mul3A_429 : i32
      %and3A_431 = arith.constant 7 : i32
      %and3A_432 = arith.andi %add3A_423, %and3A_431 : i32
      %mul3A_433 = arith.constant 128 : i32
      %mul3A_434 = arith.muli %and3A_432, %mul3A_433 : i32
      %add3A_435 = arith.addi %add3A_430, %mul3A_434 : i32
      %add3A_436 = vector.broadcast %add3A_423 : i32 to vector<16xi32>
      %add3A_437 = arith.addi %add3A_342, %add3A_436 : vector<16xi32>
      %gather3A_438 = tpu.vector_load_idx %arg7[%broadcast_in_dim3A_3, %broadcast_in_dim3A_3, %add3A_437] : memref<2x128x64xf32, #tpu.memory_space<vmem>>[vector<16xi32>, vector<16xi32>, vector<16xi32>], vector<16xf32>,
      %add3A_439 = vector.broadcast %add3A_435 : i32 to vector<16xi32>
      %add3A_440 = arith.addi %add3A_335, %add3A_439 : vector<16xi32>
      tpu.vector_store_idx %arg9[%broadcast_in_dim3A_3, %broadcast_in_dim3A_3, %broadcast_in_dim3A_3, %add3A_440], %gather3A_438 : memref<2x8x8x128xf32, #tpu.memory_space<vmem>>[vector<16xi32>, vector<16xi32>, vector<16xi32>, vector<16xi32>], vector<16xf32>,
      %add3A_441 = arith.constant 4 : i32
      %add3A_442 = arith.addi %mul3A_365, %add3A_441 : i32
      %mul3A_443 = arith.constant 8192 : i32
      %mul3A_444 = arith.muli %shift_right_arithmetic3A_320, %mul3A_443 : i32
      %shift_right_arithmetic3A_445 = arith.constant 3 : i32
      %shift_right_arithmetic3A_446 = arith.shrsi %add3A_442, %shift_right_arithmetic3A_445 : i32
      %mul3A_447 = arith.constant 1024 : i32
      %mul3A_448 = arith.muli %shift_right_arithmetic3A_446, %mul3A_447 : i32
      %add3A_449 = arith.addi %mul3A_444, %mul3A_448 : i32
      %and3A_450 = arith.constant 7 : i32
      %and3A_451 = arith.andi %add3A_442, %and3A_450 : i32
      %mul3A_452 = arith.constant 128 : i32
      %mul3A_453 = arith.muli %and3A_451, %mul3A_452 : i32
      %add3A_454 = arith.addi %add3A_449, %mul3A_453 : i32
      %add3A_455 = vector.broadcast %add3A_442 : i32 to vector<16xi32>
      %add3A_456 = arith.addi %add3A_342, %add3A_455 : vector<16xi32>
      %gather3A_457 = tpu.vector_load_idx %arg7[%broadcast_in_dim3A_3, %broadcast_in_dim3A_3, %add3A_456] : memref<2x128x64xf32, #tpu.memory_space<vmem>>[vector<16xi32>, vector<16xi32>, vector<16xi32>], vector<16xf32>,
      %add3A_458 = vector.broadcast %add3A_454 : i32 to vector<16xi32>
      %add3A_459 = arith.addi %add3A_335, %add3A_458 : vector<16xi32>
      tpu.vector_store_idx %arg9[%broadcast_in_dim3A_3, %broadcast_in_dim3A_3, %broadcast_in_dim3A_3, %add3A_459], %gather3A_457 : memref<2x8x8x128xf32, #tpu.memory_space<vmem>>[vector<16xi32>, vector<16xi32>, vector<16xi32>, vector<16xi32>], vector<16xf32>,
      %add3A_460 = arith.constant 5 : i32
      %add3A_461 = arith.addi %mul3A_365, %add3A_460 : i32
      %mul3A_462 = arith.constant 8192 : i32
      %mul3A_463 = arith.muli %shift_right_arithmetic3A_320, %mul3A_462 : i32
      %shift_right_arithmetic3A_464 = arith.constant 3 : i32
      %shift_right_arithmetic3A_465 = arith.shrsi %add3A_461, %shift_right_arithmetic3A_464 : i32
      %mul3A_466 = arith.constant 1024 : i32
      %mul3A_467 = arith.muli %shift_right_arithmetic3A_465, %mul3A_466 : i32
      %add3A_468 = arith.addi %mul3A_463, %mul3A_467 : i32
      %and3A_469 = arith.constant 7 : i32
      %and3A_470 = arith.andi %add3A_461, %and3A_469 : i32
      %mul3A_471 = arith.constant 128 : i32
      %mul3A_472 = arith.muli %and3A_470, %mul3A_471 : i32
      %add3A_473 = arith.addi %add3A_468, %mul3A_472 : i32
      %add3A_474 = vector.broadcast %add3A_461 : i32 to vector<16xi32>
      %add3A_475 = arith.addi %add3A_342, %add3A_474 : vector<16xi32>
      %gather3A_476 = tpu.vector_load_idx %arg7[%broadcast_in_dim3A_3, %broadcast_in_dim3A_3, %add3A_475] : memref<2x128x64xf32, #tpu.memory_space<vmem>>[vector<16xi32>, vector<16xi32>, vector<16xi32>], vector<16xf32>,
      %add3A_477 = vector.broadcast %add3A_473 : i32 to vector<16xi32>
      %add3A_478 = arith.addi %add3A_335, %add3A_477 : vector<16xi32>
      tpu.vector_store_idx %arg9[%broadcast_in_dim3A_3, %broadcast_in_dim3A_3, %broadcast_in_dim3A_3, %add3A_478], %gather3A_476 : memref<2x8x8x128xf32, #tpu.memory_space<vmem>>[vector<16xi32>, vector<16xi32>, vector<16xi32>, vector<16xi32>], vector<16xf32>,
      %add3A_479 = arith.constant 6 : i32
      %add3A_480 = arith.addi %mul3A_365, %add3A_479 : i32
      %mul3A_481 = arith.constant 8192 : i32
      %mul3A_482 = arith.muli %shift_right_arithmetic3A_320, %mul3A_481 : i32
      %shift_right_arithmetic3A_483 = arith.constant 3 : i32
      %shift_right_arithmetic3A_484 = arith.shrsi %add3A_480, %shift_right_arithmetic3A_483 : i32
      %mul3A_485 = arith.constant 1024 : i32
      %mul3A_486 = arith.muli %shift_right_arithmetic3A_484, %mul3A_485 : i32
      %add3A_487 = arith.addi %mul3A_482, %mul3A_486 : i32
      %and3A_488 = arith.constant 7 : i32
      %and3A_489 = arith.andi %add3A_480, %and3A_488 : i32
      %mul3A_490 = arith.constant 128 : i32
      %mul3A_491 = arith.muli %and3A_489, %mul3A_490 : i32
      %add3A_492 = arith.addi %add3A_487, %mul3A_491 : i32
      %add3A_493 = vector.broadcast %add3A_480 : i32 to vector<16xi32>
      %add3A_494 = arith.addi %add3A_342, %add3A_493 : vector<16xi32>
      %gather3A_495 = tpu.vector_load_idx %arg7[%broadcast_in_dim3A_3, %broadcast_in_dim3A_3, %add3A_494] : memref<2x128x64xf32, #tpu.memory_space<vmem>>[vector<16xi32>, vector<16xi32>, vector<16xi32>], vector<16xf32>,
      %add3A_496 = vector.broadcast %add3A_492 : i32 to vector<16xi32>
      %add3A_497 = arith.addi %add3A_335, %add3A_496 : vector<16xi32>
      tpu.vector_store_idx %arg9[%broadcast_in_dim3A_3, %broadcast_in_dim3A_3, %broadcast_in_dim3A_3, %add3A_497], %gather3A_495 : memref<2x8x8x128xf32, #tpu.memory_space<vmem>>[vector<16xi32>, vector<16xi32>, vector<16xi32>, vector<16xi32>], vector<16xf32>,
      %add3A_498 = arith.constant 7 : i32
      %add3A_499 = arith.addi %mul3A_365, %add3A_498 : i32
      %mul3A_500 = arith.constant 8192 : i32
      %mul3A_501 = arith.muli %shift_right_arithmetic3A_320, %mul3A_500 : i32
      %shift_right_arithmetic3A_502 = arith.constant 3 : i32
      %shift_right_arithmetic3A_503 = arith.shrsi %add3A_499, %shift_right_arithmetic3A_502 : i32
      %mul3A_504 = arith.constant 1024 : i32
      %mul3A_505 = arith.muli %shift_right_arithmetic3A_503, %mul3A_504 : i32
      %add3A_506 = arith.addi %mul3A_501, %mul3A_505 : i32
      %and3A_507 = arith.constant 7 : i32
      %and3A_508 = arith.andi %add3A_499, %and3A_507 : i32
      %mul3A_509 = arith.constant 128 : i32
      %mul3A_510 = arith.muli %and3A_508, %mul3A_509 : i32
      %add3A_511 = arith.addi %add3A_506, %mul3A_510 : i32
      %add3A_512 = vector.broadcast %add3A_499 : i32 to vector<16xi32>
      %add3A_513 = arith.addi %add3A_342, %add3A_512 : vector<16xi32>
      %gather3A_514 = tpu.vector_load_idx %arg7[%broadcast_in_dim3A_3, %broadcast_in_dim3A_3, %add3A_513] : memref<2x128x64xf32, #tpu.memory_space<vmem>>[vector<16xi32>, vector<16xi32>, vector<16xi32>], vector<16xf32>,
      %add3A_515 = vector.broadcast %add3A_511 : i32 to vector<16xi32>
      %add3A_516 = arith.addi %add3A_335, %add3A_515 : vector<16xi32>
      tpu.vector_store_idx %arg9[%broadcast_in_dim3A_3, %broadcast_in_dim3A_3, %broadcast_in_dim3A_3, %add3A_516], %gather3A_514 : memref<2x8x8x128xf32, #tpu.memory_space<vmem>>[vector<16xi32>, vector<16xi32>, vector<16xi32>, vector<16xi32>], vector<16xf32>,
      %add3A_517 = arith.constant 8 : i32
      %add3A_518 = arith.addi %mul3A_365, %add3A_517 : i32
      %mul3A_519 = arith.constant 8192 : i32
      %mul3A_520 = arith.muli %shift_right_arithmetic3A_320, %mul3A_519 : i32
      %shift_right_arithmetic3A_521 = arith.constant 3 : i32
      %shift_right_arithmetic3A_522 = arith.shrsi %add3A_518, %shift_right_arithmetic3A_521 : i32
      %mul3A_523 = arith.constant 1024 : i32
      %mul3A_524 = arith.muli %shift_right_arithmetic3A_522, %mul3A_523 : i32
      %add3A_525 = arith.addi %mul3A_520, %mul3A_524 : i32
      %and3A_526 = arith.constant 7 : i32
      %and3A_527 = arith.andi %add3A_518, %and3A_526 : i32
      %mul3A_528 = arith.constant 128 : i32
      %mul3A_529 = arith.muli %and3A_527, %mul3A_528 : i32
      %add3A_530 = arith.addi %add3A_525, %mul3A_529 : i32
      %add3A_531 = vector.broadcast %add3A_518 : i32 to vector<16xi32>
      %add3A_532 = arith.addi %add3A_342, %add3A_531 : vector<16xi32>
      %gather3A_533 = tpu.vector_load_idx %arg7[%broadcast_in_dim3A_3, %broadcast_in_dim3A_3, %add3A_532] : memref<2x128x64xf32, #tpu.memory_space<vmem>>[vector<16xi32>, vector<16xi32>, vector<16xi32>], vector<16xf32>,
      %add3A_534 = vector.broadcast %add3A_530 : i32 to vector<16xi32>
      %add3A_535 = arith.addi %add3A_335, %add3A_534 : vector<16xi32>
      tpu.vector_store_idx %arg9[%broadcast_in_dim3A_3, %broadcast_in_dim3A_3, %broadcast_in_dim3A_3, %add3A_535], %gather3A_533 : memref<2x8x8x128xf32, #tpu.memory_space<vmem>>[vector<16xi32>, vector<16xi32>, vector<16xi32>, vector<16xi32>], vector<16xf32>,
      %add3A_536 = arith.constant 9 : i32
      %add3A_537 = arith.addi %mul3A_365, %add3A_536 : i32
      %mul3A_538 = arith.constant 8192 : i32
      %mul3A_539 = arith.muli %shift_right_arithmetic3A_320, %mul3A_538 : i32
      %shift_right_arithmetic3A_540 = arith.constant 3 : i32
      %shift_right_arithmetic3A_541 = arith.shrsi %add3A_537, %shift_right_arithmetic3A_540 : i32
      %mul3A_542 = arith.constant 1024 : i32
      %mul3A_543 = arith.muli %shift_right_arithmetic3A_541, %mul3A_542 : i32
      %add3A_544 = arith.addi %mul3A_539, %mul3A_543 : i32
      %and3A_545 = arith.constant 7 : i32
      %and3A_546 = arith.andi %add3A_537, %and3A_545 : i32
      %mul3A_547 = arith.constant 128 : i32
      %mul3A_548 = arith.muli %and3A_546, %mul3A_547 : i32
      %add3A_549 = arith.addi %add3A_544, %mul3A_548 : i32
      %add3A_550 = vector.broadcast %add3A_537 : i32 to vector<16xi32>
      %add3A_551 = arith.addi %add3A_342, %add3A_550 : vector<16xi32>
      %gather3A_552 = tpu.vector_load_idx %arg7[%broadcast_in_dim3A_3, %broadcast_in_dim3A_3, %add3A_551] : memref<2x128x64xf32, #tpu.memory_space<vmem>>[vector<16xi32>, vector<16xi32>, vector<16xi32>], vector<16xf32>,
      %add3A_553 = vector.broadcast %add3A_549 : i32 to vector<16xi32>
      %add3A_554 = arith.addi %add3A_335, %add3A_553 : vector<16xi32>
      tpu.vector_store_idx %arg9[%broadcast_in_dim3A_3, %broadcast_in_dim3A_3, %broadcast_in_dim3A_3, %add3A_554], %gather3A_552 : memref<2x8x8x128xf32, #tpu.memory_space<vmem>>[vector<16xi32>, vector<16xi32>, vector<16xi32>, vector<16xi32>], vector<16xf32>,
      %add3A_555 = arith.constant 10 : i32
      %add3A_556 = arith.addi %mul3A_365, %add3A_555 : i32
      %mul3A_557 = arith.constant 8192 : i32
      %mul3A_558 = arith.muli %shift_right_arithmetic3A_320, %mul3A_557 : i32
      %shift_right_arithmetic3A_559 = arith.constant 3 : i32
      %shift_right_arithmetic3A_560 = arith.shrsi %add3A_556, %shift_right_arithmetic3A_559 : i32
      %mul3A_561 = arith.constant 1024 : i32
      %mul3A_562 = arith.muli %shift_right_arithmetic3A_560, %mul3A_561 : i32
      %add3A_563 = arith.addi %mul3A_558, %mul3A_562 : i32
      %and3A_564 = arith.constant 7 : i32
      %and3A_565 = arith.andi %add3A_556, %and3A_564 : i32
      %mul3A_566 = arith.constant 128 : i32
      %mul3A_567 = arith.muli %and3A_565, %mul3A_566 : i32
      %add3A_568 = arith.addi %add3A_563, %mul3A_567 : i32
      %add3A_569 = vector.broadcast %add3A_556 : i32 to vector<16xi32>
      %add3A_570 = arith.addi %add3A_342, %add3A_569 : vector<16xi32>
      %gather3A_571 = tpu.vector_load_idx %arg7[%broadcast_in_dim3A_3, %broadcast_in_dim3A_3, %add3A_570] : memref<2x128x64xf32, #tpu.memory_space<vmem>>[vector<16xi32>, vector<16xi32>, vector<16xi32>], vector<16xf32>,
      %add3A_572 = vector.broadcast %add3A_568 : i32 to vector<16xi32>
      %add3A_573 = arith.addi %add3A_335, %add3A_572 : vector<16xi32>
      tpu.vector_store_idx %arg9[%broadcast_in_dim3A_3, %broadcast_in_dim3A_3, %broadcast_in_dim3A_3, %add3A_573], %gather3A_571 : memref<2x8x8x128xf32, #tpu.memory_space<vmem>>[vector<16xi32>, vector<16xi32>, vector<16xi32>, vector<16xi32>], vector<16xf32>,
      %add3A_574 = arith.constant 11 : i32
      %add3A_575 = arith.addi %mul3A_365, %add3A_574 : i32
      %mul3A_576 = arith.constant 8192 : i32
      %mul3A_577 = arith.muli %shift_right_arithmetic3A_320, %mul3A_576 : i32
      %shift_right_arithmetic3A_578 = arith.constant 3 : i32
      %shift_right_arithmetic3A_579 = arith.shrsi %add3A_575, %shift_right_arithmetic3A_578 : i32
      %mul3A_580 = arith.constant 1024 : i32
      %mul3A_581 = arith.muli %shift_right_arithmetic3A_579, %mul3A_580 : i32
      %add3A_582 = arith.addi %mul3A_577, %mul3A_581 : i32
      %and3A_583 = arith.constant 7 : i32
      %and3A_584 = arith.andi %add3A_575, %and3A_583 : i32
      %mul3A_585 = arith.constant 128 : i32
      %mul3A_586 = arith.muli %and3A_584, %mul3A_585 : i32
      %add3A_587 = arith.addi %add3A_582, %mul3A_586 : i32
      %add3A_588 = vector.broadcast %add3A_575 : i32 to vector<16xi32>
      %add3A_589 = arith.addi %add3A_342, %add3A_588 : vector<16xi32>
      %gather3A_590 = tpu.vector_load_idx %arg7[%broadcast_in_dim3A_3, %broadcast_in_dim3A_3, %add3A_589] : memref<2x128x64xf32, #tpu.memory_space<vmem>>[vector<16xi32>, vector<16xi32>, vector<16xi32>], vector<16xf32>,
      %add3A_591 = vector.broadcast %add3A_587 : i32 to vector<16xi32>
      %add3A_592 = arith.addi %add3A_335, %add3A_591 : vector<16xi32>
      tpu.vector_store_idx %arg9[%broadcast_in_dim3A_3, %broadcast_in_dim3A_3, %broadcast_in_dim3A_3, %add3A_592], %gather3A_590 : memref<2x8x8x128xf32, #tpu.memory_space<vmem>>[vector<16xi32>, vector<16xi32>, vector<16xi32>, vector<16xi32>], vector<16xf32>,
      %add3A_593 = arith.constant 12 : i32
      %add3A_594 = arith.addi %mul3A_365, %add3A_593 : i32
      %mul3A_595 = arith.constant 8192 : i32
      %mul3A_596 = arith.muli %shift_right_arithmetic3A_320, %mul3A_595 : i32
      %shift_right_arithmetic3A_597 = arith.constant 3 : i32
      %shift_right_arithmetic3A_598 = arith.shrsi %add3A_594, %shift_right_arithmetic3A_597 : i32
      %mul3A_599 = arith.constant 1024 : i32
      %mul3A_600 = arith.muli %shift_right_arithmetic3A_598, %mul3A_599 : i32
      %add3A_601 = arith.addi %mul3A_596, %mul3A_600 : i32
      %and3A_602 = arith.constant 7 : i32
      %and3A_603 = arith.andi %add3A_594, %and3A_602 : i32
      %mul3A_604 = arith.constant 128 : i32
      %mul3A_605 = arith.muli %and3A_603, %mul3A_604 : i32
      %add3A_606 = arith.addi %add3A_601, %mul3A_605 : i32
      %add3A_607 = vector.broadcast %add3A_594 : i32 to vector<16xi32>
      %add3A_608 = arith.addi %add3A_342, %add3A_607 : vector<16xi32>
      %gather3A_609 = tpu.vector_load_idx %arg7[%broadcast_in_dim3A_3, %broadcast_in_dim3A_3, %add3A_608] : memref<2x128x64xf32, #tpu.memory_space<vmem>>[vector<16xi32>, vector<16xi32>, vector<16xi32>], vector<16xf32>,
      %add3A_610 = vector.broadcast %add3A_606 : i32 to vector<16xi32>
      %add3A_611 = arith.addi %add3A_335, %add3A_610 : vector<16xi32>
      tpu.vector_store_idx %arg9[%broadcast_in_dim3A_3, %broadcast_in_dim3A_3, %broadcast_in_dim3A_3, %add3A_611], %gather3A_609 : memref<2x8x8x128xf32, #tpu.memory_space<vmem>>[vector<16xi32>, vector<16xi32>, vector<16xi32>, vector<16xi32>], vector<16xf32>,
      %add3A_612 = arith.constant 13 : i32
      %add3A_613 = arith.addi %mul3A_365, %add3A_612 : i32
      %mul3A_614 = arith.constant 8192 : i32
      %mul3A_615 = arith.muli %shift_right_arithmetic3A_320, %mul3A_614 : i32
      %shift_right_arithmetic3A_616 = arith.constant 3 : i32
      %shift_right_arithmetic3A_617 = arith.shrsi %add3A_613, %shift_right_arithmetic3A_616 : i32
      %mul3A_618 = arith.constant 1024 : i32
      %mul3A_619 = arith.muli %shift_right_arithmetic3A_617, %mul3A_618 : i32
      %add3A_620 = arith.addi %mul3A_615, %mul3A_619 : i32
      %and3A_621 = arith.constant 7 : i32
      %and3A_622 = arith.andi %add3A_613, %and3A_621 : i32
      %mul3A_623 = arith.constant 128 : i32
      %mul3A_624 = arith.muli %and3A_622, %mul3A_623 : i32
      %add3A_625 = arith.addi %add3A_620, %mul3A_624 : i32
      %add3A_626 = vector.broadcast %add3A_613 : i32 to vector<16xi32>
      %add3A_627 = arith.addi %add3A_342, %add3A_626 : vector<16xi32>
      %gather3A_628 = tpu.vector_load_idx %arg7[%broadcast_in_dim3A_3, %broadcast_in_dim3A_3, %add3A_627] : memref<2x128x64xf32, #tpu.memory_space<vmem>>[vector<16xi32>, vector<16xi32>, vector<16xi32>], vector<16xf32>,
      %add3A_629 = vector.broadcast %add3A_625 : i32 to vector<16xi32>
      %add3A_630 = arith.addi %add3A_335, %add3A_629 : vector<16xi32>
      tpu.vector_store_idx %arg9[%broadcast_in_dim3A_3, %broadcast_in_dim3A_3, %broadcast_in_dim3A_3, %add3A_630], %gather3A_628 : memref<2x8x8x128xf32, #tpu.memory_space<vmem>>[vector<16xi32>, vector<16xi32>, vector<16xi32>, vector<16xi32>], vector<16xf32>,
      %add3A_631 = arith.constant 14 : i32
      %add3A_632 = arith.addi %mul3A_365, %add3A_631 : i32
      %mul3A_633 = arith.constant 8192 : i32
      %mul3A_634 = arith.muli %shift_right_arithmetic3A_320, %mul3A_633 : i32
      %shift_right_arithmetic3A_635 = arith.constant 3 : i32
      %shift_right_arithmetic3A_636 = arith.shrsi %add3A_632, %shift_right_arithmetic3A_635 : i32
      %mul3A_637 = arith.constant 1024 : i32
      %mul3A_638 = arith.muli %shift_right_arithmetic3A_636, %mul3A_637 : i32
      %add3A_639 = arith.addi %mul3A_634, %mul3A_638 : i32
      %and3A_640 = arith.constant 7 : i32
      %and3A_641 = arith.andi %add3A_632, %and3A_640 : i32
      %mul3A_642 = arith.constant 128 : i32
      %mul3A_643 = arith.muli %and3A_641, %mul3A_642 : i32
      %add3A_644 = arith.addi %add3A_639, %mul3A_643 : i32
      %add3A_645 = vector.broadcast %add3A_632 : i32 to vector<16xi32>
      %add3A_646 = arith.addi %add3A_342, %add3A_645 : vector<16xi32>
      %gather3A_647 = tpu.vector_load_idx %arg7[%broadcast_in_dim3A_3, %broadcast_in_dim3A_3, %add3A_646] : memref<2x128x64xf32, #tpu.memory_space<vmem>>[vector<16xi32>, vector<16xi32>, vector<16xi32>], vector<16xf32>,
      %add3A_648 = vector.broadcast %add3A_644 : i32 to vector<16xi32>
      %add3A_649 = arith.addi %add3A_335, %add3A_648 : vector<16xi32>
      tpu.vector_store_idx %arg9[%broadcast_in_dim3A_3, %broadcast_in_dim3A_3, %broadcast_in_dim3A_3, %add3A_649], %gather3A_647 : memref<2x8x8x128xf32, #tpu.memory_space<vmem>>[vector<16xi32>, vector<16xi32>, vector<16xi32>, vector<16xi32>], vector<16xf32>,
      %add3A_650 = arith.constant 15 : i32
      %add3A_651 = arith.addi %mul3A_365, %add3A_650 : i32
      %mul3A_652 = arith.constant 8192 : i32
      %mul3A_653 = arith.muli %shift_right_arithmetic3A_320, %mul3A_652 : i32
      %shift_right_arithmetic3A_654 = arith.constant 3 : i32
      %shift_right_arithmetic3A_655 = arith.shrsi %add3A_651, %shift_right_arithmetic3A_654 : i32
      %mul3A_656 = arith.constant 1024 : i32
      %mul3A_657 = arith.muli %shift_right_arithmetic3A_655, %mul3A_656 : i32
      %add3A_658 = arith.addi %mul3A_653, %mul3A_657 : i32
      %and3A_659 = arith.constant 7 : i32
      %and3A_660 = arith.andi %add3A_651, %and3A_659 : i32
      %mul3A_661 = arith.constant 128 : i32
      %mul3A_662 = arith.muli %and3A_660, %mul3A_661 : i32
      %add3A_663 = arith.addi %add3A_658, %mul3A_662 : i32
      %add3A_664 = vector.broadcast %add3A_651 : i32 to vector<16xi32>
      %add3A_665 = arith.addi %add3A_342, %add3A_664 : vector<16xi32>
      %gather3A_666 = tpu.vector_load_idx %arg7[%broadcast_in_dim3A_3, %broadcast_in_dim3A_3, %add3A_665] : memref<2x128x64xf32, #tpu.memory_space<vmem>>[vector<16xi32>, vector<16xi32>, vector<16xi32>], vector<16xf32>,
      %add3A_667 = vector.broadcast %add3A_663 : i32 to vector<16xi32>
      %add3A_668 = arith.addi %add3A_335, %add3A_667 : vector<16xi32>
      tpu.vector_store_idx %arg9[%broadcast_in_dim3A_3, %broadcast_in_dim3A_3, %broadcast_in_dim3A_3, %add3A_668], %gather3A_666 : memref<2x8x8x128xf32, #tpu.memory_space<vmem>>[vector<16xi32>, vector<16xi32>, vector<16xi32>, vector<16xi32>], vector<16xf32>,
    }
    %scan3A_282 = arith.constant 64 : i32
    %dma_start3A_283 = arith.constant 198 : i32
    %dma_start3A_284 = arith.constant 0 : i32
    %dma_start3A_285 = arith.constant 0 : i32
    %dma_start3A_286 = arith.constant 0 : i32
    %dma_start3A_287 = tpu.memref_slice %arg4[%dma_start3A_283, %dma_start3A_284, %add3A, %dma_start3A_285, %dma_start3A_286] : memref<200x8x32x8x128xf32, #tpu.memory_space<hbm>> -> memref<2x8x1x8x128xf32, #tpu.memory_space<hbm>>
    %dma_start3A_288 = tpu.memref_squeeze %dma_start3A_287 : memref<2x8x1x8x128xf32, #tpu.memory_space<hbm>> -> memref<2x8x8x128xf32, #tpu.memory_space<hbm>>
    %dma_start3A_289 = arith.constant 198 : i32
    %dma_start3A_290 = arith.constant 0 : i32
    %dma_start3A_291 = arith.constant 0 : i32
    %dma_start3A_292 = arith.constant 0 : i32
    %dma_start3A_293 = tpu.memref_slice %arg4[%dma_start3A_289, %dma_start3A_290, %add3A, %dma_start3A_291, %dma_start3A_292] : memref<200x8x32x8x128xf32, #tpu.memory_space<hbm>> -> memref<2x8x1x8x128xf32, #tpu.memory_space<hbm>>
    %dma_start3A_294 = tpu.memref_squeeze %dma_start3A_293 : memref<2x8x1x8x128xf32, #tpu.memory_space<hbm>> -> memref<2x8x8x128xf32, #tpu.memory_space<hbm>>
    tpu.enqueue_dma source(%arg9 : memref<2x8x8x128xf32, #tpu.memory_space<vmem>>) target(%dma_start3A_294 : memref<2x8x8x128xf32, #tpu.memory_space<hbm>>) target_semaphore(%arg13 : memref<!tpu.dma_semaphore, #tpu.memory_space<semaphore_mem>>)
    %dma_wait3A_295 = arith.constant 0 : i32
    %dma_wait3A_296 = arith.constant 0 : i32
    %dma_wait3A_297 = arith.constant 0 : i32
    %dma_wait3A_298 = arith.constant 0 : i32
    %dma_wait3A_299 = tpu.memref_slice %arg4[%dma_wait3A_295, %dma_wait3A_296, %add3A, %dma_wait3A_297, %dma_wait3A_298] : memref<200x8x32x8x128xf32, #tpu.memory_space<hbm>> -> memref<2x8x1x8x128xf32, #tpu.memory_space<hbm>>
    %dma_wait3A_300 = tpu.memref_squeeze %dma_wait3A_299 : memref<2x8x1x8x128xf32, #tpu.memory_space<hbm>> -> memref<2x8x8x128xf32, #tpu.memory_space<hbm>>
    %dma_wait3A_301 = arith.constant 0 : i32
    %dma_wait3A_302 = arith.constant 0 : i32
    %dma_wait3A_303 = arith.constant 0 : i32
    %dma_wait3A_304 = arith.constant 0 : i32
    %dma_wait3A_305 = tpu.memref_slice %arg4[%dma_wait3A_301, %dma_wait3A_302, %add3A, %dma_wait3A_303, %dma_wait3A_304] : memref<200x8x32x8x128xf32, #tpu.memory_space<hbm>> -> memref<2x8x1x8x128xf32, #tpu.memory_space<hbm>>
    %dma_wait3A_306 = tpu.memref_squeeze %dma_wait3A_305 : memref<2x8x1x8x128xf32, #tpu.memory_space<hbm>> -> memref<2x8x8x128xf32, #tpu.memory_space<hbm>>
    tpu.wait_dma2 semaphore(%arg12 : memref<!tpu.dma_semaphore, #tpu.memory_space<semaphore_mem>>) src(%arg8 : memref<2x8x8x128xf32, #tpu.memory_space<vmem>>) dst(%dma_wait3A_306 : memref<2x8x8x128xf32, #tpu.memory_space<hbm>>)
    %dma_wait3A_307 = arith.constant 0 : i32
    %dma_wait3A_308 = arith.constant 0 : i32
    %dma_wait3A_309 = arith.constant 0 : i32
    %dma_wait3A_310 = arith.constant 0 : i32
    %dma_wait3A_311 = tpu.memref_slice %arg4[%dma_wait3A_307, %dma_wait3A_308, %add3A, %dma_wait3A_309, %dma_wait3A_310] : memref<200x8x32x8x128xf32, #tpu.memory_space<hbm>> -> memref<2x8x1x8x128xf32, #tpu.memory_space<hbm>>
    %dma_wait3A_312 = tpu.memref_squeeze %dma_wait3A_311 : memref<2x8x1x8x128xf32, #tpu.memory_space<hbm>> -> memref<2x8x8x128xf32, #tpu.memory_space<hbm>>
    %dma_wait3A_313 = arith.constant 0 : i32
    %dma_wait3A_314 = arith.constant 0 : i32
    %dma_wait3A_315 = arith.constant 0 : i32
    %dma_wait3A_316 = arith.constant 0 : i32
    %dma_wait3A_317 = tpu.memref_slice %arg4[%dma_wait3A_313, %dma_wait3A_314, %add3A, %dma_wait3A_315, %dma_wait3A_316] : memref<200x8x32x8x128xf32, #tpu.memory_space<hbm>> -> memref<2x8x1x8x128xf32, #tpu.memory_space<hbm>>
    %dma_wait3A_318 = tpu.memref_squeeze %dma_wait3A_317 : memref<2x8x1x8x128xf32, #tpu.memory_space<hbm>> -> memref<2x8x8x128xf32, #tpu.memory_space<hbm>>
    tpu.wait_dma2 semaphore(%arg13 : memref<!tpu.dma_semaphore, #tpu.memory_space<semaphore_mem>>) src(%arg9 : memref<2x8x8x128xf32, #tpu.memory_space<vmem>>) dst(%dma_wait3A_318 : memref<2x8x8x128xf32, #tpu.memory_space<hbm>>)
    return
  }
}

</mosaic_0001>

<sc_bundles>
// kernel: kernel.3.cloned.1.call-start
scs
__scs_entry_jumppad:
0x0: {  	(pc) =	sbr.rel $0x88, $3  }
0x1: {  	(tag) =	ssettag $0x0;
	lr =	simm.s32 $0x1  }
0x2: {  	[smem:$0x3F9F] =	sst lr;
	_ =	strace $0xD0000000  }
0x3: {  	_ = 	snop  }
0x4: {  	_ = 	snop  }
0x5: {  	_ = 	snop  }
0x6: {  	_ = 	snop  }
0x7: {  	_ = 	snop  }
__scs_overlays_trampoline_lowered:
0x8: {  	[smem:$0x3FAE] =	sst s0  }
0x9: {  	[smem:$0x3FAF] =	sst s1  }
0xa: {  	[smem:$0x3FB0] =	sst s2  }
0xb: {  	[smem:$0x3FB1] =	sst s3  }
0xc: {  	[smem:$0x3FB2] =	sst s4  }
0xd: {  	[smem:$0x3FB3] =	sst s5  }
0xe: {  	[smem:$0x3FB4] =	sst s6  }
0xf: {  	[smem:$0x3FB5] =	sst s7  }
0x10: {  	[smem:$0x3FB6] =	sst s8  }
0x11: {  	[smem:$0x3FB7] =	sst s9;
	s0 =	simm.s32 @!p0 $0x0  }
0x12: {  	s1 =	sld [smem:$0x3F9D];
	s0 =	simm.s32 @p0 $0x1  }
0x13: {  	[smem:$0x3FB8] =	sst s0;
	s0 =	simm.s32 @!p1 $0x0  }
0x14: {  	s2 =	sld [smem:$0x3F9C];
	s0 =	simm.s32 @p1 $0x1  }
0x15: {  	[smem:$0x3FB9] =	sst s0;
	s0 =	simm.s32 @!p2 $0x0  }
0x16: {  	s3 =	sld [smem:$0x3FDB];
	s0 =	simm.s32 @p2 $0x1  }
0x17: {  	s4 =	simm.s32 $0x1BF5;
	[smem:$0x3FBB] =	sst s0  }
0x18: {  	s0 =	sld [smem:$0x3F9E];
	_ =	swait.ge [sflag:s4], $0x0  }
0x19: {  	s7 =	sld [smem:$0x3F9F]  }
0x1a: {  	s8 =	sadd.s32 $0xFFFFE003, lr  }
0x1b: {  	s9 =	sadd.s32 $0xFFFFFEF7, lr;
	s5 =	simm.s32 $0xFFFFFFFF;
	p2 =	slt.u32 s8, $0xFFFFF086  }
0x1c: {  	p1 =	slt.u32 s9, $0xF7A;
	s5 =	simm.s32 @!p2 $0x0  }
0x1d: {  	s5 =	simm.s32 @p1 $0x1;
	p0 =	seq.s32 s7, s2  }
0x1e: {  	s7 =	smul.u32 @!p0 $0xF7A, s2;
	p2 =	seq.s32 @!p0 s5, $0x0  }
0x1f: {  	s9 =	smul.u32 $0xF7A, s1;
	s8 =	simm.s32 @!p0 $0x1BF5;
	p2 =	por !p2, p0  }
0x20: {  	[sflag:s8] =	ssyncset.s32 @!p0 $0xFFFFF086;
	s6 =	sadd.s32 @!p0 s3, s7;
	s7 =	simm.s32 @!p0 $0x108  }
0x21: {  	s3 =	sadd.s32 s3, s9;
	s6 =	sadd.s32 @!p0 $0x88, s6;
	s7 =	simm.s32 @p2 $0x1082  }
0x22: {  	[simem:s7], [sflag:s8] =	dma.local @!p0 [hbm:s6], $0xF7A  }
0x23: {  	s9 =	sor.u32 $0xD0000000, s2;
	s6 =	simm.s32 $0x108;
	_ =	swait.ge @!p0 [sflag:s8], $0x0  }
0x24: {  	s3 =	sadd.s32 $0x88, s3;
	s6 =	simm.s32 @!p1 $0x1082;
	[sflag:s4] =	ssyncset.s32 $0xFFFFF086  }
0x25: {  	[simem:s6], [sflag:s4] =	dma.local [hbm:s3], $0xF7A  }
0x26: {  	[smem:$0x3F9F] =	sst s1;
	(tag) =	ssettag s2;
	_ =	strace s9  }
0x27: {  	s1 =	sld [smem:$0x3FAF]  }
0x28: {  	s2 =	sld [smem:$0x3FB0]  }
0x29: {  	s4 =	sld [smem:$0x3FB2]  }
0x2a: {  	p0 =	seq.s32 s5, $0x0;
	s5 =	sld [smem:$0x3FB3]  }
0x2b: {  	s6 =	sld [smem:$0x3FB4]  }
0x2c: {  	s7 =	sld [smem:$0x3FB5]  }
0x2d: {  	s3 =	simm.s32 $0x108;
	s8 =	sld [smem:$0x3FB6]  }
0x2e: {  	s3 =	simm.s32 @!p0 $0x1082;
	s9 =	sld [smem:$0x3FB7]  }
0x2f: {  	lr =	sadd.s32 s0, s3;
	s0 =	sld [smem:$0x3FAE]  }
0x30: {  	s3 =	sld [smem:$0x3FB1]  }
0x31: {  	[smem:$0x3FBA] =	sst s10  }
0x32: {  	s10 =	sld [smem:$0x3FB8];
	_ =	sdelay $0x3  }
0x33: {  	p0 =	seq.s32 s10, $0x1;
	s10 =	sld [smem:$0x3FBA];
	_ =	sdelay $0x3  }
0x34: {  	[smem:$0x3FBA] =	sst s10  }
0x35: {  	s10 =	sld [smem:$0x3FB9];
	_ =	sdelay $0x3  }
0x36: {  	p1 =	seq.s32 s10, $0x1;
	s10 =	sld [smem:$0x3FBA];
	_ =	sdelay $0x3  }
0x37: {  	[smem:$0x3FBA] =	sst s10  }
0x38: {  	s10 =	sld [smem:$0x3FBB]  }
0x39: {  	_ = 	snop;
	(pc) =	sbr.ind lr, $3  }
0x3a: {  	_ = 	snop  }
0x3b: {  	_ = 	snop  }
0x3c: {  	p2 =	seq.s32 s10, $0x1;
	s10 =	sld [smem:$0x3FBA]  }
0x3d: {  	_ =	shalt  }
0x3e: {  	_ =	shalt  }
0x3f: {  	_ =	shalt  }
0x40: {  	_ =	shalt  }
0x41: {  	_ =	shalt  }
0x42: {  	_ =	shalt  }
0x43: {  	_ =	shalt  }
0x44: {  	_ =	shalt  }
0x45: {  	_ =	shalt  }
0x46: {  	_ =	shalt  }
0x47: {  	_ =	shalt  }
0x48: {  	_ =	shalt  }
0x49: {  	_ =	shalt  }
0x4a: {  	_ =	shalt  }
0x4b: {  	_ =	shalt  }
0x4c: {  	_ =	shalt  }
0x4d: {  	_ =	shalt  }
0x4e: {  	_ =	shalt  }
0x4f: {  	_ =	shalt  }
0x50: {  	_ =	shalt  }
0x51: {  	_ =	shalt  }
0x52: {  	_ =	shalt  }
0x53: {  	_ =	shalt  }
0x54: {  	_ =	shalt  }
0x55: {  	_ =	shalt  }
0x56: {  	_ =	shalt  }
0x57: {  	_ =	shalt  }
0x58: {  	_ =	shalt  }
0x59: {  	_ =	shalt  }
0x5a: {  	_ =	shalt  }
0x5b: {  	_ =	shalt  }
0x5c: {  	_ =	shalt  }
0x5d: {  	_ =	shalt  }
0x5e: {  	_ =	shalt  }
0x5f: {  	_ =	shalt  }
0x60: {  	_ =	shalt  }
0x61: {  	_ =	shalt  }
0x62: {  	_ =	shalt  }
0x63: {  	_ =	shalt  }
0x64: {  	_ =	shalt  }
0x65: {  	_ =	shalt  }
0x66: {  	_ =	shalt  }
0x67: {  	_ =	shalt  }
0x68: {  	_ =	shalt  }
0x69: {  	_ =	shalt  }
0x6a: {  	_ =	shalt  }
0x6b: {  	_ =	shalt  }
0x6c: {  	_ =	shalt  }
0x6d: {  	_ =	shalt  }
0x6e: {  	_ =	shalt  }
0x6f: {  	_ =	shalt  }
0x70: {  	_ =	shalt  }
0x71: {  	_ =	shalt  }
0x72: {  	_ =	shalt  }
0x73: {  	_ =	shalt  }
0x74: {  	_ =	shalt  }
0x75: {  	_ =	shalt  }
0x76: {  	_ =	shalt  }
0x77: {  	_ =	shalt  }
0x78: {  	_ =	shalt  }
0x79: {  	_ =	shalt  }
0x7a: {  	_ =	shalt  }
0x7b: {  	_ =	shalt  }
0x7c: {  	_ =	shalt  }
0x7d: {  	_ =	shalt  }
0x7e: {  	_ =	shalt  }
0x7f: {  	_ =	shalt  }
0x80: {  	_ =	shalt  }
0x81: {  	_ =	shalt  }
0x82: {  	_ =	shalt  }
0x83: {  	_ =	shalt  }
0x84: {  	_ =	shalt  }
0x85: {  	_ =	shalt  }
0x86: {  	_ =	shalt  }
0x87: {  	_ =	shalt  }
.Lfunc_end0:
.L_simem_size_0:
called_computation_lowered:
.L_overlay_start_0:
0x88: {  	s2 =	sld [smem:$0x3FD9]  }
0x89: {  	s3 =	sld [smem:$0x3FFE];
	_ =	sdelay $0x1  }
0x8a: {  	s1 =	srdreg.scid  }
0x8b: {  	s0 =	sand.u32 $0x1, s1  }
0x8c: {  	s17 =	sshll.u32 s0, $0xA;
	s2 =	sadd.s32 s3, s2  }
0x8d: {  	s2 =	sadd.s32 s2, s17  }
0x8e: {  	[smem:$0x3FC6] =	sst s2  }
0x8f: {  	_ = 	snop  }
0x90: {  	s2 =	sld [smem:$0x3FD0];
	(tm) =	ssettm $0x1  }
0x91: {  	s18 =	sld [smem:$0x3FFB];
	_ =	sdelay $0x3  }
0x92: {  	_ =	strace s18  }
0x93: {  	s3 =	sld [smem:$0x3FFC];
	_ =	sdelay $0x3  }
0x94: {  	_ =	strace s3  }
0x95: {  	s3 =	sld [smem:$0x3FFD];
	_ =	sdelay $0x3  }
0x96: {  	_ =	strace s3  }
0x97: {  	_ =	strace $0x8FFFFFFF  }
0x98: {  	s19 =	sld [smem:$0x3FDB];
	_ =	sdelay $0x1  }
0x99: {  	s4 =	simm.s32 $_scs_section_size  }
0x9a: {  	s5 =	simm.s32 $_size__tile_overlayer_lowered;
	s6 =	simm.s32 $_tile_overlayer_lowered  }
0x9b: {  	s22 =	simm.s32 $0x1BFF;
	s21 =	sshll.u32 s6, $0x1;
	s3 =	sadd.s32 s4, s19  }
0x9c: {  	s7 =	simm.s32 $0x0;
	s20 =	sshll.u32 s5, $0x1;
	s5 =	sadd.s32 s21, s3  }
0x9d: {  	[timem:s7], [sflag:s22] =	dma.local [hbm:s5], s20  }
0x9e: {  	_ =	swait.ge [sflag:s22], s20  }
0x9f: {  	s4 =	ssub.s32 $0x0, s20;
	[sflag:s22] =	ssyncset.done $0x0  }
0xa0: {  	[sflag:s22] =	ssyncadd.s32 s4;
	_ =	sdelay $0x1  }
0xa1: {  	s23 =	simm.s32 $0x1B8B  }
0xa2: {  	_ =	swait.ge [sflag:s23], $0x1  }
0xa3: {  	[sflag:s23] =	ssyncset.done $0x0  }
0xa4: {  	s25 =	simm.s32 $0x1B8E;
	s24 =	sld [smem:$0x3FFE];
	[sflag:s23] =	ssyncadd.s32 $0xFFFFFFFF  }
0xa5: {  	s26 =	simm.s32 $execute0_lowered;
	[smem:$0x3FD2] =	sst s25  }
0xa6: {  	s5 =	sshll.u32 s26, $0x1;
	_ =	strace $0x80000046;
	[dreg:$0x1] =	wrdreg $0xFFFFFFFF  }
0xa7: {  	s28 =	simm.s32 $_size_execute0_lowered;
	s3 =	sadd.s32 s3, s5;
	[dreg:$0x0] =	wrdreg $0x0  }
0xa8: {  	s5 =	sshll.u32 s28, $0x1;
	[dreg:$0x2] =	wrdreg s3  }
0xa9: {  	[dreg:$0x3] =	wrdreg s5  }
0xaa: {  	[dreg:$0x4] =	wrdreg $0xC0  }
0xab: {  	_ =	task [dreg:s7], $0x5FFFF  }
0xac: {  	[dreg:$0x1] =	wrdreg $0xFFFFFFFF  }
0xad: {  	[dreg:$0x0] =	wrdreg $0x60  }
0xae: {  	[dreg:$0x2] =	wrdreg s24  }
0xaf: {  	[dreg:$0x3] =	wrdreg s2  }
0xb0: {  	[dreg:$0x4] =	wrdreg $0x9  }
0xb1: {  	_ =	task.clear_ibuf [dreg:s7], $0x5FFFF;
	_ =	strace $0x90000046  }
0xb2: {  	s29 =	simm.s32 $0x9;
	_ =	strace $0x80000048  }
0xb3: {  	_ =	swait.ge [sflag:s29], $0x1  }
0xb4: {  	[sflag:s29] =	ssyncadd.s32 $0xFFFFFFFF  }
0xb5: {  	_ =	strace $0x90000048  }
0xb6: {  	_ =	sfence  }
0xb7: {  	s30 =	sld [smem:$0x0];
	_ =	sdelay $0x2  }
0xb8: {  	s31 =	sshll.u32 s1, $0xD;
	s1 =	sshrl.u32 s1, $0x2  }
0xb9: {  	s3 =	sand.u32 $0x4000, s31;
	s1 =	sadd.s32 s1, s30  }
0xba: {  	s0 =	sor.u32 s3, s0;
	s1 =	sshll.u32 s1, $0x11  }
0xbb: {  	s0 =	sor.u32 s1, s0  }
0xbc: {  	s0 =	sadd.s32 $0x8F2B, s0  }
0xbd: {  	[sflag:s0] =	ssyncadd.remote.s32 $0x1  }
0xbe: {  	_ =	sfence.sel $0xFFFF  }
0xbf: {  	[dreg:$0x0] =	wrdreg $0xFFFFFFFF;
	(pc) =	sbr.abs _section_cstart, $3  }
0xc0: {  	[dreg:$0x1] =	wrdreg $0xFFFFFFFF  }
0xc1: {  	_ =	task.clear_ibuf [dreg:s7], $0x2FFFF;
	_ =	strace $0x9FFFFFFF  }
0xc2: {  	(tm) =	ssettm $0x7FFFFFFF  }
0xc3: {  	_ =	shalt  }
tec
execute0_lowered:
.L_overlay_start_1:
0x0: {  	(tag) =	ssettag $0x1  }
0x1: {  	s0 =	rddreg [dreg:$0x0];
	s1 =	srdreg.scid  }
0x2: {  	s3 =	stileid.u32;
	s2 =	rddreg [dreg:$0x1];
	s13 =	simm.s32 $0x80  }
0x3: {  	s15 =	simm.s32 $0x5;
	s16 =	simm.s32 $0x6400;
	s17 =	simm.s32 $0x8400  }
0x4: {  	s19 =	simm.s32 $0xA400;
	s21 =	simm.s32 $0xC400;
	s22 =	simm.s32 $0x1  }
0x5: {  	s23 =	simm.s32 $0xE400;
	s29 =	simm.s32 $0x2;
	s30 =	simm.s32 $0x12400  }
0x6: {  	s14 =	simm.s32 $0x4;
	s18 =	simm.s32 $0x0;
	s1 =	sand.u32 $0x1, s1  }
0x7: {  	s4 =	sshll.u32 s3, $0x1;
	s3 =	simm.s32 $0x0;
	s7 =	sadd.s32 $0x10000, s2  }
0x8: {  	s5 =	sor.u32 s1, s4;
	[smem:$0x7FF] =	sst s3;
	s1 =	ssub.s32 $0x2, s1  }
0x9: {  	s4 =	sshll.u32 s5, $0x4;
	_ =	strace $0x80000047;
	s5 =	sshll.u32 s5, $0x7  }
0xa: {  	s24 =	sshrl.u32 s1, $0x1;
	s8 =	sadd.s32 s4, s0;
	s26 =	sadd.s32 s5, s7  }
0xb: {  	s6 =	sadd.s32 s2, s5;
	s25 =	sadd.s32 $0x600, s8;
	[dreg:$0x4] =	wrdreg s26  }
0xc: {  	s4 =	sadd.s32 $0xF42A00, s0;
	s28 =	sadd.s32 $0x620000, s6;
	[dreg:$0x3] =	wrdreg s25  }
0xd: {  	s0 =	ssub.s32 s1, s24;
	s31 =	sadd.s32 $0x630000, s6;
	[dreg:$0x5] =	wrdreg s28  }
0xe: {  	v0 =	vlaneseq.u32;
	s24 =	simm.s32 $0x400;
	s0 =	smax.u32 s0, $0x1;
	[dreg:$0x6] =	wrdreg s31  }
0xf: {  	v1 =	vor.u32 $0x78, v0;
	[dreg:$0x7] =	wrdreg s0;
	s25 =	simm.s32 $0x8000;
	s0 =	simm.s32 $0x3  }
.LBB2_1:
0x10: {  	s1 =	rddreg [dreg:$0x3];
	s8 =	simm.s32 $0x1000  }
0x11: {  	[tilespmem:s3], [sflag:$0x5] =	stream.strided.gather [hbm4b:s1+s13], $0x6400, s8, s13, $0x38;
	[tilespmem:$0x16400] =	vst v63  }
0x12: {  	_ =	swait.ge [sflag:s15], $0x6400  }
0x13: {  	[sflag:s15] =	ssyncset.done $0x0  }
0x14: {  	[sflag:s15] =	ssyncadd.s32 $0xFFFF9C00  }
0x15: {  	[tilespmem:s16], [sflag:$0x1] =	stream.indirect.gather [hbm4b:s4+s13], $0x40, s3, s13, $0xb8;
	[tilespmem:$0x16400] =	vst v63  }
0x16: {  	_ = 	snop  }
0x17: {  	[tilespmem:s17], [sflag:$0x1] =	stream.indirect.gather [hbm4b:s4+s13], $0x40, s13, s13, $0xb8;
	[tilespmem:$0x16400] =	vst v63  }
0x18: {  	s28 =	simm.s32 $0x100;
	s31 =	sand.u32 $0x70, s3  }
0x19: {  	[tilespmem:s19], [sflag:$0x2] =	stream.indirect.gather [hbm4b:s4+s13], $0x40, s28, s13, $0xb8;
	[tilespmem:$0x16400] =	vst v63  }
0x1a: {  	s9 =	simm.s32 $0x180;
	s20 =	sand.u32 $0x2000, s3;
	v2 =	vor.u32 s31, v0  }
0x1b: {  	v3 =	vshll.u32 v2, $0x6;
	[tilespmem:s21], [sflag:$0x2] =	stream.indirect.gather [hbm4b:s4+s13], $0x40, s9, s13, $0xb8;
	[tilespmem:$0x16400] =	vst v63  }
0x1c: {  	s1 =	sand.u32 $0x30, s3;
	v3 =	vor.u32 s20, v3;
	_ =	swait.ge [sflag:s22], $0x2000  }
0x1d: {  	v4 =	vor.u32 s1, v3;
	[sflag:s22] =	ssyncset.done $0x0  }
0x1e: {  	[sflag:s22] =	ssyncadd.s32 $0xFFFFE000  }
0x1f: {  	v5 =	vmov s1;
	_ =	swait.ge [sflag:s22], $0x2000  }
0x20: {  	s10 =	sshll.u32 s1, $0x7;
	v6 =	vor.u32 $0x1, v5;
	[sflag:s22] =	ssyncset.done $0x0  }
0x21: {  	v2 =	vand.u32 v1, v2;
	s8 =	sor.u32 s20, s10;
	v6 =	vbroadcast v6, $0x0;
	[sflag:s22] =	ssyncadd.s32 $0xFFFFE000  }
0x22: {  	v7 =	vor.u32 s8, v2;
	v4 =	vld.idx.msk [tilespmem:v4+s16+$0x0], $0xffff  }
0x23: {  	v6 =	vor.u32 v3, v6;
	_ =	sdelay $0x2  }
0x24: {  	v8 =	vor.u32 $0x2, v5  }
0x25: {  	s9 =	sor.u32 $0x80, s8;
	[tilespmem:v7+s23+$0x0] =	vst.idx.msk $0xffff, v4;
	v4 =	vbroadcast v8, $0x0  }
0x26: {  	v7 =	vor.u32 s9, v2;
	v6 =	vld.idx.msk [tilespmem:v6+s16+$0x0], $0xffff  }
0x27: {  	v4 =	vor.u32 v3, v4;
	_ =	sdelay $0x2  }
0x28: {  	v60 =	vor.u32 $0x3, v5  }
0x29: {  	s11 =	sor.u32 $0x100, s8;
	[tilespmem:v7+s23+$0x0] =	vst.idx.msk $0xffff, v6;
	v6 =	vbroadcast v60, $0x0  }
0x2a: {  	v7 =	vor.u32 s11, v2;
	v4 =	vld.idx.msk [tilespmem:v4+s16+$0x0], $0xffff  }
0x2b: {  	v6 =	vor.u32 v3, v6;
	_ =	sdelay $0x2  }
0x2c: {  	v61 =	vor.u32 $0x4, v5  }
0x2d: {  	s12 =	sor.u32 $0x180, s8;
	[tilespmem:v7+s23+$0x0] =	vst.idx.msk $0xffff, v4;
	v4 =	vbroadcast v61, $0x0  }
0x2e: {  	v7 =	vor.u32 s12, v2;
	v6 =	vld.idx.msk [tilespmem:v6+s16+$0x0], $0xffff  }
0x2f: {  	v4 =	vor.u32 v3, v4;
	_ =	sdelay $0x2  }
0x30: {  	v62 =	vor.u32 $0x5, v5  }
0x31: {  	s26 =	sor.u32 $0x200, s8;
	[tilespmem:v7+s23+$0x0] =	vst.idx.msk $0xffff, v6;
	v6 =	vbroadcast v62, $0x0  }
0x32: {  	v7 =	vor.u32 s26, v2;
	v4 =	vld.idx.msk [tilespmem:v4+s16+$0x0], $0xffff  }
0x33: {  	v6 =	vor.u32 v3, v6;
	_ =	sdelay $0x2  }
0x34: {  	v63 =	vor.u32 $0x6, v5  }
0x35: {  	s28 =	sor.u32 $0x280, s8;
	[tilespmem:v7+s23+$0x0] =	vst.idx.msk $0xffff, v4;
	v4 =	vbroadcast v63, $0x0  }
0x36: {  	v7 =	vor.u32 s28, v2;
	v6 =	vld.idx.msk [tilespmem:v6+s16+$0x0], $0xffff  }
0x37: {  	v4 =	vor.u32 v3, v4;
	_ =	sdelay $0x2  }
0x38: {  	v5 =	vor.u32 $0x7, v5  }
0x39: {  	s31 =	sor.u32 $0x300, s8;
	v5 =	vbroadcast v5, $0x0;
	[tilespmem:v7+s23+$0x0] =	vst.idx.msk $0xffff, v6  }
0x3a: {  	v6 =	vor.u32 s31, v2;
	v4 =	vld.idx.msk [tilespmem:v4+s16+$0x0], $0xffff  }
0x3b: {  	v5 =	vor.u32 v3, v5;
	_ =	sdelay $0x3  }
0x3c: {  	s8 =	sor.u32 $0x380, s8;
	[tilespmem:v6+s23+$0x0] =	vst.idx.msk $0xffff, v4  }
0x3d: {  	s9 =	sor.u32 $0x8, s1;
	v4 =	vld.idx.msk [tilespmem:v5+s16+$0x0], $0xffff;
	v5 =	vor.u32 s8, v2  }
0x3e: {  	v6 =	vor.u32 s9, v3;
	_ =	sdelay $0x1  }
0x3f: {  	s10 =	sor.u32 $0x9, s1  }
0x40: {  	v7 =	vmov s10;
	s8 =	sshll.u32 s9, $0x7  }
0x41: {  	s8 =	sor.u32 s20, s8;
	[tilespmem:v5+s23+$0x0] =	vst.idx.msk $0xffff, v4;
	v4 =	vbroadcast v7, $0x0  }
0x42: {  	v5 =	vld.idx.msk [tilespmem:v6+s16+$0x0], $0xffff;
	v6 =	vor.u32 s8, v2  }
0x43: {  	v4 =	vor.u32 v3, v4;
	_ =	sdelay $0x1  }
0x44: {  	s11 =	sor.u32 $0xA, s1  }
0x45: {  	s9 =	sshll.u32 s10, $0x7;
	v7 =	vmov s11  }
0x46: {  	s9 =	sor.u32 s20, s9;
	[tilespmem:v6+s23+$0x0] =	vst.idx.msk $0xffff, v5;
	v5 =	vbroadcast v7, $0x0  }
0x47: {  	v6 =	vor.u32 s9, v2;
	v4 =	vld.idx.msk [tilespmem:v4+s16+$0x0], $0xffff  }
0x48: {  	v5 =	vor.u32 v3, v5;
	_ =	sdelay $0x1  }
0x49: {  	s12 =	sor.u32 $0xB, s1  }
0x4a: {  	s8 =	sshll.u32 s11, $0x7;
	v7 =	vmov s12  }
0x4b: {  	s8 =	sor.u32 s20, s8;
	[tilespmem:v6+s23+$0x0] =	vst.idx.msk $0xffff, v4;
	v4 =	vbroadcast v7, $0x0  }
0x4c: {  	v6 =	vor.u32 s8, v2;
	v5 =	vld.idx.msk [tilespmem:v5+s16+$0x0], $0xffff  }
0x4d: {  	v4 =	vor.u32 v3, v4;
	_ =	sdelay $0x1  }
0x4e: {  	s26 =	sor.u32 $0xC, s1  }
0x4f: {  	s9 =	sshll.u32 s12, $0x7;
	v7 =	vmov s26  }
0x50: {  	s9 =	sor.u32 s20, s9;
	[tilespmem:v6+s23+$0x0] =	vst.idx.msk $0xffff, v5;
	v5 =	vbroadcast v7, $0x0  }
0x51: {  	v6 =	vor.u32 s9, v2;
	v4 =	vld.idx.msk [tilespmem:v4+s16+$0x0], $0xffff  }
0x52: {  	v5 =	vor.u32 v3, v5;
	_ =	sdelay $0x1  }
0x53: {  	s28 =	sor.u32 $0xD, s1  }
0x54: {  	s8 =	sshll.u32 s26, $0x7;
	v7 =	vmov s28  }
0x55: {  	s8 =	sor.u32 s20, s8;
	[tilespmem:v6+s23+$0x0] =	vst.idx.msk $0xffff, v4;
	v4 =	vbroadcast v7, $0x0  }
0x56: {  	v6 =	vor.u32 s8, v2;
	v5 =	vld.idx.msk [tilespmem:v5+s16+$0x0], $0xffff  }
0x57: {  	v4 =	vor.u32 v3, v4;
	_ =	sdelay $0x1  }
0x58: {  	s31 =	sor.u32 $0xE, s1  }
0x59: {  	s9 =	sshll.u32 s28, $0x7;
	v7 =	vmov s31  }
0x5a: {  	s9 =	sor.u32 s20, s9;
	[tilespmem:v6+s23+$0x0] =	vst.idx.msk $0xffff, v5;
	v5 =	vbroadcast v7, $0x0  }
0x5b: {  	v6 =	vor.u32 s9, v2;
	v4 =	vld.idx.msk [tilespmem:v4+s16+$0x0], $0xffff  }
0x5c: {  	v5 =	vor.u32 v3, v5;
	_ =	sdelay $0x2  }
0x5d: {  	s8 =	sshll.u32 s31, $0x7  }
0x5e: {  	s8 =	sor.u32 s20, s8;
	[tilespmem:v6+s23+$0x0] =	vst.idx.msk $0xffff, v4  }
0x5f: {  	s9 =	sor.u32 $0xF, s1;
	v4 =	vld.idx.msk [tilespmem:v5+s16+$0x0], $0xffff;
	v5 =	vor.u32 s8, v2  }
0x60: {  	v3 =	vor.u32 s9, v3  }
0x61: {  	s10 =	simm.s32 $0x10  }
0x62: {  	s10 =	sand.u32 $0x70, s10  }
0x63: {  	s26 =	simm.s32 $0x20;
	s1 =	simm.s32 $0x0;
	s8 =	simm.s32 $0x0  }
.LBB2_2:
0x64: {  	p0 =	sne.s32 s26, $0x3F0;
	v6 =	vor.u32 s10, v0;
	[tilespmem:v5+s23+$0x0] =	vst.idx.msk $0xffff, v4;
	s9 =	sshll.u32 s9, $0x7;
	s8 =	sadd.s32 $0x100, s8  }
0x65: {  	s1 =	sadd.s32 $0x2, s1;
	v4 =	vshll.u32 v6, $0x6;
	s10 =	sor.u32 s20, s9;
	s20 =	sand.u32 $0x2000, s8;
	v5 =	vld.idx.msk [tilespmem:v3+s16+$0x0], $0xffff  }
0x66: {  	s9 =	sand.u32 $0x30, s1;
	v3 =	vor.u32 s20, v4;
	v2 =	vor.u32 s10, v2  }
0x67: {  	v4 =	vor.u32 s9, v3;
	_ =	sdelay $0x2  }
0x68: {  	v7 =	vmov s9  }
0x69: {  	s10 =	sshll.u32 s9, $0x7;
	v8 =	vor.u32 $0x1, v7;
	[tilespmem:v2+s23+$0x0] =	vst.idx.msk $0xffff, v5  }
0x6a: {  	s10 =	sor.u32 s20, s10;
	v2 =	vand.u32 v1, v6;
	v5 =	vbroadcast v8, $0x0;
	v4 =	vld.idx.msk [tilespmem:v4+s16+$0x0], $0xffff  }
0x6b: {  	v6 =	vor.u32 s10, v2  }
0x6c: {  	v5 =	vor.u32 v3, v5;
	_ =	sdelay $0x3  }
0x6d: {  	[tilespmem:v6+s23+$0x0] =	vst.idx.msk $0xffff, v4;
	v4 =	vor.u32 $0x2, v7  }
0x6e: {  	s11 =	sor.u32 $0x80, s10;
	v5 =	vld.idx.msk [tilespmem:v5+s16+$0x0], $0xffff;
	v4 =	vbroadcast v4, $0x0  }
0x6f: {  	v6 =	vor.u32 s11, v2  }
0x70: {  	v4 =	vor.u32 v3, v4;
	_ =	sdelay $0x3  }
0x71: {  	[tilespmem:v6+s23+$0x0] =	vst.idx.msk $0xffff, v5;
	v5 =	vor.u32 $0x3, v7  }
0x72: {  	s11 =	sor.u32 $0x100, s10;
	v4 =	vld.idx.msk [tilespmem:v4+s16+$0x0], $0xffff;
	v5 =	vbroadcast v5, $0x0  }
0x73: {  	v6 =	vor.u32 s11, v2  }
0x74: {  	v5 =	vor.u32 v3, v5;
	_ =	sdelay $0x3  }
0x75: {  	[tilespmem:v6+s23+$0x0] =	vst.idx.msk $0xffff, v4;
	v4 =	vor.u32 $0x4, v7  }
0x76: {  	s11 =	sor.u32 $0x180, s10;
	v5 =	vld.idx.msk [tilespmem:v5+s16+$0x0], $0xffff;
	v4 =	vbroadcast v4, $0x0  }
0x77: {  	v6 =	vor.u32 s11, v2  }
0x78: {  	v4 =	vor.u32 v3, v4;
	_ =	sdelay $0x3  }
0x79: {  	[tilespmem:v6+s23+$0x0] =	vst.idx.msk $0xffff, v5;
	v5 =	vor.u32 $0x5, v7  }
0x7a: {  	s11 =	sor.u32 $0x200, s10;
	v4 =	vld.idx.msk [tilespmem:v4+s16+$0x0], $0xffff;
	v5 =	vbroadcast v5, $0x0  }
0x7b: {  	v6 =	vor.u32 s11, v2  }
0x7c: {  	v5 =	vor.u32 v3, v5;
	_ =	sdelay $0x3  }
0x7d: {  	[tilespmem:v6+s23+$0x0] =	vst.idx.msk $0xffff, v4;
	v4 =	vor.u32 $0x6, v7  }
0x7e: {  	s11 =	sor.u32 $0x280, s10;
	v5 =	vld.idx.msk [tilespmem:v5+s16+$0x0], $0xffff;
	v4 =	vbroadcast v4, $0x0  }
0x7f: {  	v6 =	vor.u32 s11, v2  }
0x80: {  	v4 =	vor.u32 v3, v4;
	_ =	sdelay $0x3  }
0x81: {  	[tilespmem:v6+s23+$0x0] =	vst.idx.msk $0xffff, v5;
	v5 =	vor.u32 $0x7, v7  }
0x82: {  	s11 =	sor.u32 $0x300, s10;
	v4 =	vld.idx.msk [tilespmem:v4+s16+$0x0], $0xffff;
	v5 =	vbroadcast v5, $0x0  }
0x83: {  	v6 =	vor.u32 s11, v2  }
0x84: {  	v5 =	vor.u32 v3, v5;
	_ =	sdelay $0x3  }
0x85: {  	[tilespmem:v6+s23+$0x0] =	vst.idx.msk $0xffff, v4  }
0x86: {  	s10 =	sor.u32 $0x380, s10;
	v4 =	vld.idx.msk [tilespmem:v5+s16+$0x0], $0xffff  }
0x87: {  	v5 =	vor.u32 s10, v2;
	s10 =	sor.u32 $0x8, s9  }
0x88: {  	v6 =	vor.u32 s10, v3;
	_ =	sdelay $0x2  }
0x89: {  	s11 =	sor.u32 $0x9, s9  }
0x8a: {  	s10 =	sshll.u32 s10, $0x7;
	[tilespmem:v5+s23+$0x0] =	vst.idx.msk $0xffff, v4;
	v4 =	vmov s11  }
0x8b: {  	s10 =	sor.u32 s20, s10;
	v5 =	vld.idx.msk [tilespmem:v6+s16+$0x0], $0xffff;
	v4 =	vbroadcast v4, $0x0  }
0x8c: {  	v6 =	vor.u32 s10, v2  }
0x8d: {  	v4 =	vor.u32 v3, v4;
	_ =	sdelay $0x2  }
0x8e: {  	s10 =	sor.u32 $0xA, s9  }
0x8f: {  	s11 =	sshll.u32 s11, $0x7;
	[tilespmem:v6+s23+$0x0] =	vst.idx.msk $0xffff, v5;
	v5 =	vmov s10  }
0x90: {  	s11 =	sor.u32 s20, s11;
	v4 =	vld.idx.msk [tilespmem:v4+s16+$0x0], $0xffff;
	v5 =	vbroadcast v5, $0x0  }
0x91: {  	v6 =	vor.u32 s11, v2  }
0x92: {  	v5 =	vor.u32 v3, v5;
	_ =	sdelay $0x2  }
0x93: {  	s11 =	sor.u32 $0xB, s9  }
0x94: {  	s10 =	sshll.u32 s10, $0x7;
	[tilespmem:v6+s23+$0x0] =	vst.idx.msk $0xffff, v4;
	v4 =	vmov s11  }
0x95: {  	s10 =	sor.u32 s20, s10;
	v5 =	vld.idx.msk [tilespmem:v5+s16+$0x0], $0xffff;
	v4 =	vbroadcast v4, $0x0  }
0x96: {  	v6 =	vor.u32 s10, v2  }
0x97: {  	v4 =	vor.u32 v3, v4;
	_ =	sdelay $0x2  }
0x98: {  	s10 =	sor.u32 $0xC, s9  }
0x99: {  	s11 =	sshll.u32 s11, $0x7;
	[tilespmem:v6+s23+$0x0] =	vst.idx.msk $0xffff, v5;
	v5 =	vmov s10  }
0x9a: {  	s11 =	sor.u32 s20, s11;
	v4 =	vld.idx.msk [tilespmem:v4+s16+$0x0], $0xffff;
	v5 =	vbroadcast v5, $0x0  }
0x9b: {  	v6 =	vor.u32 s11, v2  }
0x9c: {  	v5 =	vor.u32 v3, v5;
	_ =	sdelay $0x2  }
0x9d: {  	s11 =	sor.u32 $0xD, s9  }
0x9e: {  	s10 =	sshll.u32 s10, $0x7;
	[tilespmem:v6+s23+$0x0] =	vst.idx.msk $0xffff, v4;
	v4 =	vmov s11  }
0x9f: {  	s10 =	sor.u32 s20, s10;
	v5 =	vld.idx.msk [tilespmem:v5+s16+$0x0], $0xffff;
	v4 =	vbroadcast v4, $0x0  }
0xa0: {  	v6 =	vor.u32 s10, v2  }
0xa1: {  	v4 =	vor.u32 v3, v4;
	_ =	sdelay $0x2  }
0xa2: {  	s10 =	sor.u32 $0xE, s9  }
0xa3: {  	s11 =	sshll.u32 s11, $0x7;
	[tilespmem:v6+s23+$0x0] =	vst.idx.msk $0xffff, v5;
	v5 =	vmov s10  }
0xa4: {  	s11 =	sor.u32 s20, s11;
	v4 =	vld.idx.msk [tilespmem:v4+s16+$0x0], $0xffff;
	v5 =	vbroadcast v5, $0x0  }
0xa5: {  	v6 =	vor.u32 s11, v2  }
0xa6: {  	v5 =	vor.u32 v3, v5;
	_ =	sdelay $0x3  }
0xa7: {  	s10 =	sshll.u32 s10, $0x7;
	[tilespmem:v6+s23+$0x0] =	vst.idx.msk $0xffff, v4  }
0xa8: {  	s10 =	sor.u32 s20, s10;
	v4 =	vld.idx.msk [tilespmem:v5+s16+$0x0], $0xffff  }
.Ltmp0:
0xa9: {  	s9 =	sor.u32 $0xF, s9;
	v5 =	vor.u32 s10, v2;
	(pc) =	sbr.rel @p0 .LBB2_2-.Ltmp0, $2  }
0xaa: {  	v3 =	vor.u32 s9, v3;
	_ =	sdelay $0x2  }
0xab: {  	s10 =	sand.u32 $0x70, s26;
	s26 =	sadd.s32 $0x10, s26  }
0xac: {  	_ =	sdelay $0x2  }
0xad: {  	v6 =	vor.u32 s10, v0;
	s9 =	sshll.u32 s9, $0x7;
	s8 =	sadd.s32 $0x100, s8  }
0xae: {  	[tilespmem:v5+s23+$0x0] =	vst.idx.msk $0xffff, v4;
	s1 =	sadd.s32 $0x2, s1;
	v4 =	vshll.u32 v6, $0x6;
	s8 =	sand.u32 $0x2000, s8;
	s9 =	sor.u32 s20, s9  }
0xaf: {  	v3 =	vld.idx.msk [tilespmem:v3+s16+$0x0], $0xffff;
	s1 =	sand.u32 $0x30, s1;
	v4 =	vor.u32 s8, v4;
	v2 =	vor.u32 s9, v2  }
0xb0: {  	v5 =	vor.u32 s1, v4;
	_ =	sdelay $0x1  }
0xb1: {  	v7 =	vmov s1  }
0xb2: {  	s20 =	sshll.u32 s1, $0x7;
	v8 =	vor.u32 $0x1, v7  }
0xb3: {  	s9 =	sor.u32 s8, s20;
	[tilespmem:v2+s23+$0x0] =	vst.idx.msk $0xffff, v3;
	v2 =	vand.u32 v1, v6;
	v3 =	vbroadcast v8, $0x0  }
0xb4: {  	v5 =	vld.idx.msk [tilespmem:v5+s16+$0x0], $0xffff;
	v6 =	vor.u32 s9, v2  }
0xb5: {  	v3 =	vor.u32 v4, v3;
	_ =	sdelay $0x2  }
0xb6: {  	v54 =	vor.u32 $0x2, v7  }
0xb7: {  	s26 =	sor.u32 $0x80, s9;
	[tilespmem:v6+s23+$0x0] =	vst.idx.msk $0xffff, v5;
	v5 =	vbroadcast v54, $0x0  }
0xb8: {  	v6 =	vor.u32 s26, v2;
	v3 =	vld.idx.msk [tilespmem:v3+s16+$0x0], $0xffff  }
0xb9: {  	v5 =	vor.u32 v4, v5;
	_ =	sdelay $0x2  }
0xba: {  	v55 =	vor.u32 $0x3, v7  }
0xbb: {  	s28 =	sor.u32 $0x100, s9;
	[tilespmem:v6+s23+$0x0] =	vst.idx.msk $0xffff, v3;
	v3 =	vbroadcast v55, $0x0  }
0xbc: {  	v6 =	vor.u32 s28, v2;
	v5 =	vld.idx.msk [tilespmem:v5+s16+$0x0], $0xffff  }
0xbd: {  	v3 =	vor.u32 v4, v3;
	_ =	sdelay $0x2  }
0xbe: {  	v56 =	vor.u32 $0x4, v7  }
0xbf: {  	s31 =	sor.u32 $0x180, s9;
	[tilespmem:v6+s23+$0x0] =	vst.idx.msk $0xffff, v5;
	v5 =	vbroadcast v56, $0x0  }
0xc0: {  	v6 =	vor.u32 s31, v2;
	v3 =	vld.idx.msk [tilespmem:v3+s16+$0x0], $0xffff  }
0xc1: {  	v5 =	vor.u32 v4, v5;
	_ =	sdelay $0x2  }
0xc2: {  	v57 =	vor.u32 $0x5, v7  }
0xc3: {  	s11 =	sor.u32 $0x200, s9;
	[tilespmem:v6+s23+$0x0] =	vst.idx.msk $0xffff, v3;
	v3 =	vbroadcast v57, $0x0  }
0xc4: {  	v6 =	vor.u32 s11, v2;
	v5 =	vld.idx.msk [tilespmem:v5+s16+$0x0], $0xffff  }
0xc5: {  	v3 =	vor.u32 v4, v3;
	_ =	sdelay $0x2  }
0xc6: {  	v58 =	vor.u32 $0x6, v7  }
0xc7: {  	s12 =	sor.u32 $0x280, s9;
	[tilespmem:v6+s23+$0x0] =	vst.idx.msk $0xffff, v5;
	v5 =	vbroadcast v58, $0x0  }
0xc8: {  	v6 =	vor.u32 s12, v2;
	v3 =	vld.idx.msk [tilespmem:v3+s16+$0x0], $0xffff  }
0xc9: {  	v5 =	vor.u32 v4, v5;
	_ =	sdelay $0x2  }
0xca: {  	v7 =	vor.u32 $0x7, v7  }
0xcb: {  	s20 =	sor.u32 $0x300, s9;
	[tilespmem:v6+s23+$0x0] =	vst.idx.msk $0xffff, v3;
	v3 =	vbroadcast v7, $0x0  }
0xcc: {  	v6 =	vor.u32 s20, v2;
	v5 =	vld.idx.msk [tilespmem:v5+s16+$0x0], $0xffff  }
0xcd: {  	v3 =	vor.u32 v4, v3;
	_ =	sdelay $0x3  }
0xce: {  	s9 =	sor.u32 $0x380, s9;
	[tilespmem:v6+s23+$0x0] =	vst.idx.msk $0xffff, v5  }
0xcf: {  	s26 =	sor.u32 $0x8, s1;
	v5 =	vor.u32 s9, v2;
	v3 =	vld.idx.msk [tilespmem:v3+s16+$0x0], $0xffff  }
0xd0: {  	v6 =	vor.u32 s26, v4;
	_ =	sdelay $0x1  }
0xd1: {  	s28 =	sor.u32 $0x9, s1  }
0xd2: {  	v7 =	vmov s28;
	s9 =	sshll.u32 s26, $0x7  }
0xd3: {  	s9 =	sor.u32 s8, s9;
	[tilespmem:v5+s23+$0x0] =	vst.idx.msk $0xffff, v3;
	v3 =	vbroadcast v7, $0x0  }
0xd4: {  	v5 =	vld.idx.msk [tilespmem:v6+s16+$0x0], $0xffff;
	v6 =	vor.u32 s9, v2  }
0xd5: {  	v3 =	vor.u32 v4, v3;
	_ =	sdelay $0x1  }
0xd6: {  	s31 =	sor.u32 $0xA, s1  }
0xd7: {  	s10 =	sshll.u32 s28, $0x7;
	v7 =	vmov s31  }
0xd8: {  	s10 =	sor.u32 s8, s10;
	[tilespmem:v6+s23+$0x0] =	vst.idx.msk $0xffff, v5;
	v5 =	vbroadcast v7, $0x0  }
0xd9: {  	v6 =	vor.u32 s10, v2;
	v3 =	vld.idx.msk [tilespmem:v3+s16+$0x0], $0xffff  }
0xda: {  	v5 =	vor.u32 v4, v5;
	_ =	sdelay $0x1  }
0xdb: {  	s11 =	sor.u32 $0xB, s1  }
0xdc: {  	s9 =	sshll.u32 s31, $0x7;
	v7 =	vmov s11  }
0xdd: {  	s9 =	sor.u32 s8, s9;
	[tilespmem:v6+s23+$0x0] =	vst.idx.msk $0xffff, v3;
	v3 =	vbroadcast v7, $0x0  }
0xde: {  	v6 =	vor.u32 s9, v2;
	v5 =	vld.idx.msk [tilespmem:v5+s16+$0x0], $0xffff  }
0xdf: {  	v3 =	vor.u32 v4, v3;
	_ =	sdelay $0x1  }
0xe0: {  	s12 =	sor.u32 $0xC, s1  }
0xe1: {  	s10 =	sshll.u32 s11, $0x7;
	v7 =	vmov s12  }
0xe2: {  	s10 =	sor.u32 s8, s10;
	[tilespmem:v6+s23+$0x0] =	vst.idx.msk $0xffff, v5;
	v5 =	vbroadcast v7, $0x0  }
0xe3: {  	v6 =	vor.u32 s10, v2;
	v3 =	vld.idx.msk [tilespmem:v3+s16+$0x0], $0xffff  }
0xe4: {  	v5 =	vor.u32 v4, v5;
	_ =	sdelay $0x1  }
0xe5: {  	s20 =	sor.u32 $0xD, s1  }
0xe6: {  	s9 =	sshll.u32 s12, $0x7;
	v7 =	vmov s20  }
0xe7: {  	s9 =	sor.u32 s8, s9;
	[tilespmem:v6+s23+$0x0] =	vst.idx.msk $0xffff, v3;
	v3 =	vbroadcast v7, $0x0  }
0xe8: {  	v6 =	vor.u32 s9, v2;
	v5 =	vld.idx.msk [tilespmem:v5+s16+$0x0], $0xffff  }
0xe9: {  	v3 =	vor.u32 v4, v3;
	_ =	sdelay $0x1  }
0xea: {  	s26 =	sor.u32 $0xE, s1  }
0xeb: {  	s10 =	sshll.u32 s20, $0x7;
	v7 =	vmov s26  }
0xec: {  	s10 =	sor.u32 s8, s10;
	[tilespmem:v6+s23+$0x0] =	vst.idx.msk $0xffff, v5;
	v5 =	vbroadcast v7, $0x0  }
0xed: {  	v6 =	vor.u32 s10, v2;
	v3 =	vld.idx.msk [tilespmem:v3+s16+$0x0], $0xffff  }
0xee: {  	v5 =	vor.u32 v4, v5;
	_ =	sdelay $0x2  }
0xef: {  	s9 =	sshll.u32 s26, $0x7  }
0xf0: {  	s9 =	sor.u32 s8, s9;
	[tilespmem:v6+s23+$0x0] =	vst.idx.msk $0xffff, v3  }
0xf1: {  	s1 =	sor.u32 $0xF, s1;
	v3 =	vld.idx.msk [tilespmem:v5+s16+$0x0], $0xffff;
	v5 =	vor.u32 s9, v2  }
0xf2: {  	v4 =	vor.u32 s1, v4;
	_ =	sdelay $0x2  }
0xf3: {  	s1 =	sshll.u32 s1, $0x7  }
0xf4: {  	s1 =	sor.u32 s8, s1;
	[tilespmem:v5+s23+$0x0] =	vst.idx.msk $0xffff, v3  }
0xf5: {  	v2 =	vor.u32 s1, v2;
	v3 =	vld.idx.msk [tilespmem:v4+s16+$0x0], $0xffff;
	_ =	sdelay $0x4  }
0xf6: {  	s20 =	simm.s32 $0x0;
	[tilespmem:v2+s23+$0x0] =	vst.idx.msk $0xffff, v3  }
0xf7: {  	[hbm4b:s6+s24] =	stream.strided.scatter [tilespmem:s23], [sflag:$0x3], $0x4000, s25, s24, $0x38;
	[tilespmem:$0x16400] =	vst v63  }
0xf8: {  	s28 =	simm.s32 $0x200;
	s31 =	sand.u32 $0x70, s20  }
0xf9: {  	[tilespmem:s16], [sflag:$0x1] =	stream.indirect.gather [hbm4b:s4+s13], $0x40, s28, s13, $0xb8;
	[tilespmem:$0x16400] =	vst v63  }
0xfa: {  	s26 =	sand.u32 $0x2000, s20;
	s9 =	simm.s32 $0x280;
	v2 =	vor.u32 s31, v0  }
0xfb: {  	v3 =	vshll.u32 v2, $0x6;
	[tilespmem:s17], [sflag:$0x1] =	stream.indirect.gather [hbm4b:s4+s13], $0x40, s9, s13, $0xb8;
	[tilespmem:$0x16400] =	vst v63  }
0xfc: {  	s1 =	sand.u32 $0x30, s20;
	v3 =	vor.u32 s26, v3;
	_ =	swait.ge [sflag:s29], $0x2000  }
0xfd: {  	v4 =	vor.u32 s1, v3;
	[sflag:s29] =	ssyncset.done $0x0  }
0xfe: {  	[sflag:s29] =	ssyncadd.s32 $0xFFFFE000  }
0xff: {  	v5 =	vmov s1;
	_ =	swait.ge [sflag:s29], $0x2000  }
0x100: {  	s10 =	sshll.u32 s1, $0x7;
	v6 =	vor.u32 $0x1, v5;
	[sflag:s29] =	ssyncset.done $0x0  }
0x101: {  	s8 =	sor.u32 s26, s10;
	v6 =	vbroadcast v6, $0x0;
	v2 =	vand.u32 v1, v2;
	[sflag:s29] =	ssyncadd.s32 $0xFFFFE000  }
0x102: {  	v7 =	vor.u32 s8, v2;
	v4 =	vld.idx.msk [tilespmem:v4+s19+$0x0], $0xffff  }
0x103: {  	v6 =	vor.u32 v3, v6;
	_ =	sdelay $0x2  }
0x104: {  	v59 =	vor.u32 $0x2, v5  }
0x105: {  	s11 =	sor.u32 $0x80, s8;
	[tilespmem:v7+s30+$0x0] =	vst.idx.msk $0xffff, v4;
	v4 =	vbroadcast v59, $0x0  }
0x106: {  	v7 =	vor.u32 s11, v2;
	v6 =	vld.idx.msk [tilespmem:v6+s19+$0x0], $0xffff  }
0x107: {  	v4 =	vor.u32 v3, v4;
	_ =	sdelay $0x2  }
0x108: {  	v60 =	vor.u32 $0x3, v5  }
0x109: {  	s12 =	sor.u32 $0x100, s8;
	[tilespmem:v7+s30+$0x0] =	vst.idx.msk $0xffff, v6;
	v6 =	vbroadcast v60, $0x0  }
0x10a: {  	v7 =	vor.u32 s12, v2;
	v4 =	vld.idx.msk [tilespmem:v4+s19+$0x0], $0xffff  }
0x10b: {  	v6 =	vor.u32 v3, v6;
	_ =	sdelay $0x2  }
0x10c: {  	v61 =	vor.u32 $0x4, v5  }
0x10d: {  	s28 =	sor.u32 $0x180, s8;
	[tilespmem:v7+s30+$0x0] =	vst.idx.msk $0xffff, v4;
	v4 =	vbroadcast v61, $0x0  }
0x10e: {  	v7 =	vor.u32 s28, v2;
	v6 =	vld.idx.msk [tilespmem:v6+s19+$0x0], $0xffff  }
0x10f: {  	v4 =	vor.u32 v3, v4;
	_ =	sdelay $0x2  }
0x110: {  	v62 =	vor.u32 $0x5, v5  }
0x111: {  	s31 =	sor.u32 $0x200, s8;
	[tilespmem:v7+s30+$0x0] =	vst.idx.msk $0xffff, v6;
	v6 =	vbroadcast v62, $0x0  }
0x112: {  	v7 =	vor.u32 s31, v2;
	v4 =	vld.idx.msk [tilespmem:v4+s19+$0x0], $0xffff  }
0x113: {  	v6 =	vor.u32 v3, v6;
	_ =	sdelay $0x2  }
0x114: {  	v63 =	vor.u32 $0x6, v5  }
0x115: {  	s10 =	sor.u32 $0x280, s8;
	[tilespmem:v7+s30+$0x0] =	vst.idx.msk $0xffff, v4;
	v4 =	vbroadcast v63, $0x0  }
0x116: {  	v7 =	vor.u32 s10, v2;
	v6 =	vld.idx.msk [tilespmem:v6+s19+$0x0], $0xffff  }
0x117: {  	v4 =	vor.u32 v3, v4;
	_ =	sdelay $0x2  }
0x118: {  	v5 =	vor.u32 $0x7, v5  }
0x119: {  	v5 =	vbroadcast v5, $0x0;
	s11 =	sor.u32 $0x300, s8;
	[tilespmem:v7+s30+$0x0] =	vst.idx.msk $0xffff, v6  }
0x11a: {  	v6 =	vor.u32 s11, v2;
	v4 =	vld.idx.msk [tilespmem:v4+s19+$0x0], $0xffff  }
0x11b: {  	v5 =	vor.u32 v3, v5;
	_ =	sdelay $0x3  }
0x11c: {  	s8 =	sor.u32 $0x380, s8;
	[tilespmem:v6+s30+$0x0] =	vst.idx.msk $0xffff, v4  }
0x11d: {  	s12 =	sor.u32 $0x8, s1;
	v4 =	vld.idx.msk [tilespmem:v5+s19+$0x0], $0xffff;
	v5 =	vor.u32 s8, v2  }
0x11e: {  	v6 =	vor.u32 s12, v3;
	_ =	sdelay $0x1  }
0x11f: {  	s28 =	sor.u32 $0x9, s1  }
0x120: {  	v7 =	vmov s28;
	s8 =	sshll.u32 s12, $0x7  }
0x121: {  	s8 =	sor.u32 s26, s8;
	[tilespmem:v5+s30+$0x0] =	vst.idx.msk $0xffff, v4;
	v4 =	vbroadcast v7, $0x0  }
0x122: {  	v5 =	vld.idx.msk [tilespmem:v6+s19+$0x0], $0xffff;
	v6 =	vor.u32 s8, v2  }
0x123: {  	v4 =	vor.u32 v3, v4;
	_ =	sdelay $0x1  }
0x124: {  	s31 =	sor.u32 $0xA, s1  }
0x125: {  	s9 =	sshll.u32 s28, $0x7;
	v7 =	vmov s31  }
0x126: {  	s9 =	sor.u32 s26, s9;
	[tilespmem:v6+s30+$0x0] =	vst.idx.msk $0xffff, v5;
	v5 =	vbroadcast v7, $0x0  }
0x127: {  	v6 =	vor.u32 s9, v2;
	v4 =	vld.idx.msk [tilespmem:v4+s19+$0x0], $0xffff  }
0x128: {  	v5 =	vor.u32 v3, v5;
	_ =	sdelay $0x1  }
0x129: {  	s10 =	sor.u32 $0xB, s1  }
0x12a: {  	s8 =	sshll.u32 s31, $0x7;
	v7 =	vmov s10  }
0x12b: {  	s8 =	sor.u32 s26, s8;
	[tilespmem:v6+s30+$0x0] =	vst.idx.msk $0xffff, v4;
	v4 =	vbroadcast v7, $0x0  }
0x12c: {  	v6 =	vor.u32 s8, v2;
	v5 =	vld.idx.msk [tilespmem:v5+s19+$0x0], $0xffff  }
0x12d: {  	v4 =	vor.u32 v3, v4;
	_ =	sdelay $0x1  }
0x12e: {  	s11 =	sor.u32 $0xC, s1  }
0x12f: {  	s9 =	sshll.u32 s10, $0x7;
	v7 =	vmov s11  }
0x130: {  	s9 =	sor.u32 s26, s9;
	[tilespmem:v6+s30+$0x0] =	vst.idx.msk $0xffff, v5;
	v5 =	vbroadcast v7, $0x0  }
0x131: {  	v6 =	vor.u32 s9, v2;
	v4 =	vld.idx.msk [tilespmem:v4+s19+$0x0], $0xffff  }
0x132: {  	v5 =	vor.u32 v3, v5;
	_ =	sdelay $0x1  }
0x133: {  	s12 =	sor.u32 $0xD, s1  }
0x134: {  	s8 =	sshll.u32 s11, $0x7;
	v7 =	vmov s12  }
0x135: {  	s8 =	sor.u32 s26, s8;
	[tilespmem:v6+s30+$0x0] =	vst.idx.msk $0xffff, v4;
	v4 =	vbroadcast v7, $0x0  }
0x136: {  	v6 =	vor.u32 s8, v2;
	v5 =	vld.idx.msk [tilespmem:v5+s19+$0x0], $0xffff  }
0x137: {  	v4 =	vor.u32 v3, v4;
	_ =	sdelay $0x1  }
0x138: {  	s28 =	sor.u32 $0xE, s1  }
0x139: {  	s9 =	sshll.u32 s12, $0x7;
	v7 =	vmov s28  }
0x13a: {  	s9 =	sor.u32 s26, s9;
	[tilespmem:v6+s30+$0x0] =	vst.idx.msk $0xffff, v5;
	v5 =	vbroadcast v7, $0x0  }
0x13b: {  	v6 =	vor.u32 s9, v2;
	v4 =	vld.idx.msk [tilespmem:v4+s19+$0x0], $0xffff  }
0x13c: {  	v5 =	vor.u32 v3, v5;
	_ =	sdelay $0x2  }
0x13d: {  	s8 =	sshll.u32 s28, $0x7  }
0x13e: {  	s8 =	sor.u32 s26, s8;
	[tilespmem:v6+s30+$0x0] =	vst.idx.msk $0xffff, v4  }
0x13f: {  	s9 =	sor.u32 $0xF, s1;
	v4 =	vld.idx.msk [tilespmem:v5+s19+$0x0], $0xffff;
	v5 =	vor.u32 s8, v2  }
0x140: {  	v3 =	vor.u32 s9, v3;
	_ =	sdelay $0x1  }
0x141: {  	s31 =	simm.s32 $0x10  }
0x142: {  	s10 =	sand.u32 $0x70, s31;
	s1 =	simm.s32 $0x0;
	s8 =	simm.s32 $0x20  }
.LBB2_4:
0x143: {  	p0 =	sne.s32 s8, $0x3F0;
	v6 =	vor.u32 s10, v0;
	[tilespmem:v5+s30+$0x0] =	vst.idx.msk $0xffff, v4;
	s9 =	sshll.u32 s9, $0x7;
	s20 =	sadd.s32 $0x100, s20  }
0x144: {  	s1 =	sadd.s32 $0x2, s1;
	v4 =	vshll.u32 v6, $0x6;
	s10 =	sor.u32 s26, s9;
	s26 =	sand.u32 $0x2000, s20;
	v5 =	vld.idx.msk [tilespmem:v3+s19+$0x0], $0xffff  }
0x145: {  	s9 =	sand.u32 $0x30, s1;
	v3 =	vor.u32 s26, v4;
	v2 =	vor.u32 s10, v2  }
0x146: {  	v4 =	vor.u32 s9, v3;
	_ =	sdelay $0x2  }
0x147: {  	v7 =	vmov s9  }
0x148: {  	s10 =	sshll.u32 s9, $0x7;
	v8 =	vor.u32 $0x1, v7;
	[tilespmem:v2+s30+$0x0] =	vst.idx.msk $0xffff, v5  }
0x149: {  	s10 =	sor.u32 s26, s10;
	v2 =	vand.u32 v1, v6;
	v5 =	vbroadcast v8, $0x0;
	v4 =	vld.idx.msk [tilespmem:v4+s19+$0x0], $0xffff  }
0x14a: {  	v6 =	vor.u32 s10, v2  }
0x14b: {  	v5 =	vor.u32 v3, v5;
	_ =	sdelay $0x3  }
0x14c: {  	[tilespmem:v6+s30+$0x0] =	vst.idx.msk $0xffff, v4;
	v4 =	vor.u32 $0x2, v7  }
0x14d: {  	s11 =	sor.u32 $0x80, s10;
	v5 =	vld.idx.msk [tilespmem:v5+s19+$0x0], $0xffff;
	v4 =	vbroadcast v4, $0x0  }
0x14e: {  	v6 =	vor.u32 s11, v2  }
0x14f: {  	v4 =	vor.u32 v3, v4;
	_ =	sdelay $0x3  }
0x150: {  	[tilespmem:v6+s30+$0x0] =	vst.idx.msk $0xffff, v5;
	v5 =	vor.u32 $0x3, v7  }
0x151: {  	s11 =	sor.u32 $0x100, s10;
	v4 =	vld.idx.msk [tilespmem:v4+s19+$0x0], $0xffff;
	v5 =	vbroadcast v5, $0x0  }
0x152: {  	v6 =	vor.u32 s11, v2  }
0x153: {  	v5 =	vor.u32 v3, v5;
	_ =	sdelay $0x3  }
0x154: {  	[tilespmem:v6+s30+$0x0] =	vst.idx.msk $0xffff, v4;
	v4 =	vor.u32 $0x4, v7  }
0x155: {  	s11 =	sor.u32 $0x180, s10;
	v5 =	vld.idx.msk [tilespmem:v5+s19+$0x0], $0xffff;
	v4 =	vbroadcast v4, $0x0  }
0x156: {  	v6 =	vor.u32 s11, v2  }
0x157: {  	v4 =	vor.u32 v3, v4;
	_ =	sdelay $0x3  }
0x158: {  	[tilespmem:v6+s30+$0x0] =	vst.idx.msk $0xffff, v5;
	v5 =	vor.u32 $0x5, v7  }
0x159: {  	s11 =	sor.u32 $0x200, s10;
	v4 =	vld.idx.msk [tilespmem:v4+s19+$0x0], $0xffff;
	v5 =	vbroadcast v5, $0x0  }
0x15a: {  	v6 =	vor.u32 s11, v2  }
0x15b: {  	v5 =	vor.u32 v3, v5;
	_ =	sdelay $0x3  }
0x15c: {  	[tilespmem:v6+s30+$0x0] =	vst.idx.msk $0xffff, v4;
	v4 =	vor.u32 $0x6, v7  }
0x15d: {  	s11 =	sor.u32 $0x280, s10;
	v5 =	vld.idx.msk [tilespmem:v5+s19+$0x0], $0xffff;
	v4 =	vbroadcast v4, $0x0  }
0x15e: {  	v6 =	vor.u32 s11, v2  }
0x15f: {  	v4 =	vor.u32 v3, v4;
	_ =	sdelay $0x3  }
0x160: {  	[tilespmem:v6+s30+$0x0] =	vst.idx.msk $0xffff, v5;
	v5 =	vor.u32 $0x7, v7  }
0x161: {  	s11 =	sor.u32 $0x300, s10;
	v4 =	vld.idx.msk [tilespmem:v4+s19+$0x0], $0xffff;
	v5 =	vbroadcast v5, $0x0  }
0x162: {  	v6 =	vor.u32 s11, v2  }
0x163: {  	v5 =	vor.u32 v3, v5;
	_ =	sdelay $0x3  }
0x164: {  	[tilespmem:v6+s30+$0x0] =	vst.idx.msk $0xffff, v4  }
0x165: {  	s10 =	sor.u32 $0x380, s10;
	v4 =	vld.idx.msk [tilespmem:v5+s19+$0x0], $0xffff  }
0x166: {  	v5 =	vor.u32 s10, v2;
	s10 =	sor.u32 $0x8, s9  }
0x167: {  	v6 =	vor.u32 s10, v3;
	_ =	sdelay $0x2  }
0x168: {  	s11 =	sor.u32 $0x9, s9  }
0x169: {  	s10 =	sshll.u32 s10, $0x7;
	[tilespmem:v5+s30+$0x0] =	vst.idx.msk $0xffff, v4;
	v4 =	vmov s11  }
0x16a: {  	s10 =	sor.u32 s26, s10;
	v5 =	vld.idx.msk [tilespmem:v6+s19+$0x0], $0xffff;
	v4 =	vbroadcast v4, $0x0  }
0x16b: {  	v6 =	vor.u32 s10, v2  }
0x16c: {  	v4 =	vor.u32 v3, v4;
	_ =	sdelay $0x2  }
0x16d: {  	s10 =	sor.u32 $0xA, s9  }
0x16e: {  	s11 =	sshll.u32 s11, $0x7;
	[tilespmem:v6+s30+$0x0] =	vst.idx.msk $0xffff, v5;
	v5 =	vmov s10  }
0x16f: {  	s11 =	sor.u32 s26, s11;
	v4 =	vld.idx.msk [tilespmem:v4+s19+$0x0], $0xffff;
	v5 =	vbroadcast v5, $0x0  }
0x170: {  	v6 =	vor.u32 s11, v2  }
0x171: {  	v5 =	vor.u32 v3, v5;
	_ =	sdelay $0x2  }
0x172: {  	s11 =	sor.u32 $0xB, s9  }
0x173: {  	s10 =	sshll.u32 s10, $0x7;
	[tilespmem:v6+s30+$0x0] =	vst.idx.msk $0xffff, v4;
	v4 =	vmov s11  }
0x174: {  	s10 =	sor.u32 s26, s10;
	v5 =	vld.idx.msk [tilespmem:v5+s19+$0x0], $0xffff;
	v4 =	vbroadcast v4, $0x0  }
0x175: {  	v6 =	vor.u32 s10, v2  }
0x176: {  	v4 =	vor.u32 v3, v4;
	_ =	sdelay $0x2  }
0x177: {  	s10 =	sor.u32 $0xC, s9  }
0x178: {  	s11 =	sshll.u32 s11, $0x7;
	[tilespmem:v6+s30+$0x0] =	vst.idx.msk $0xffff, v5;
	v5 =	vmov s10  }
0x179: {  	s11 =	sor.u32 s26, s11;
	v4 =	vld.idx.msk [tilespmem:v4+s19+$0x0], $0xffff;
	v5 =	vbroadcast v5, $0x0  }
0x17a: {  	v6 =	vor.u32 s11, v2  }
0x17b: {  	v5 =	vor.u32 v3, v5;
	_ =	sdelay $0x2  }
0x17c: {  	s11 =	sor.u32 $0xD, s9  }
0x17d: {  	s10 =	sshll.u32 s10, $0x7;
	[tilespmem:v6+s30+$0x0] =	vst.idx.msk $0xffff, v4;
	v4 =	vmov s11  }
0x17e: {  	s10 =	sor.u32 s26, s10;
	v5 =	vld.idx.msk [tilespmem:v5+s19+$0x0], $0xffff;
	v4 =	vbroadcast v4, $0x0  }
0x17f: {  	v6 =	vor.u32 s10, v2  }
0x180: {  	v4 =	vor.u32 v3, v4;
	_ =	sdelay $0x2  }
0x181: {  	s10 =	sor.u32 $0xE, s9  }
0x182: {  	s11 =	sshll.u32 s11, $0x7;
	[tilespmem:v6+s30+$0x0] =	vst.idx.msk $0xffff, v5;
	v5 =	vmov s10  }
0x183: {  	s11 =	sor.u32 s26, s11;
	v4 =	vld.idx.msk [tilespmem:v4+s19+$0x0], $0xffff;
	v5 =	vbroadcast v5, $0x0  }
0x184: {  	v6 =	vor.u32 s11, v2  }
0x185: {  	v5 =	vor.u32 v3, v5;
	_ =	sdelay $0x3  }
0x186: {  	s10 =	sshll.u32 s10, $0x7;
	[tilespmem:v6+s30+$0x0] =	vst.idx.msk $0xffff, v4  }
0x187: {  	s10 =	sor.u32 s26, s10;
	v4 =	vld.idx.msk [tilespmem:v5+s19+$0x0], $0xffff  }
.Ltmp1:
0x188: {  	s9 =	sor.u32 $0xF, s9;
	v5 =	vor.u32 s10, v2;
	(pc) =	sbr.rel @p0 .LBB2_4-.Ltmp1, $2  }
0x189: {  	v3 =	vor.u32 s9, v3;
	_ =	sdelay $0x2  }
0x18a: {  	s10 =	sand.u32 $0x70, s8;
	s8 =	sadd.s32 $0x10, s8  }
0x18b: {  	_ =	sdelay $0x2  }
0x18c: {  	v6 =	vor.u32 s10, v0;
	s9 =	sshll.u32 s9, $0x7;
	s8 =	sadd.s32 $0x100, s20  }
0x18d: {  	[tilespmem:v5+s30+$0x0] =	vst.idx.msk $0xffff, v4;
	s1 =	sadd.s32 $0x2, s1;
	v30 =	vshll.u32 v6, $0x6;
	s8 =	sand.u32 $0x2000, s8;
	s9 =	sor.u32 s26, s9  }
0x18e: {  	v3 =	vld.idx.msk [tilespmem:v3+s19+$0x0], $0xffff;
	s1 =	sand.u32 $0x30, s1;
	v4 =	vor.u32 s8, v30;
	v2 =	vor.u32 s9, v2  }
0x18f: {  	v31 =	vor.u32 s1, v4;
	_ =	sdelay $0x1  }
0x190: {  	v7 =	vmov s1  }
0x191: {  	s12 =	sshll.u32 s1, $0x7;
	v8 =	vor.u32 $0x1, v7  }
0x192: {  	s9 =	sor.u32 s8, s12;
	[tilespmem:v2+s30+$0x0] =	vst.idx.msk $0xffff, v3;
	v2 =	vand.u32 v1, v6;
	v3 =	vbroadcast v8, $0x0  }
0x193: {  	v5 =	vld.idx.msk [tilespmem:v31+s19+$0x0], $0xffff;
	v6 =	vor.u32 s9, v2  }
0x194: {  	v3 =	vor.u32 v4, v3;
	_ =	sdelay $0x2  }
0x195: {  	v32 =	vor.u32 $0x2, v7  }
0x196: {  	s20 =	sor.u32 $0x80, s9;
	v33 =	vbroadcast v32, $0x0;
	[tilespmem:v6+s30+$0x0] =	vst.idx.msk $0xffff, v5  }
0x197: {  	v34 =	vor.u32 s20, v2;
	v3 =	vld.idx.msk [tilespmem:v3+s19+$0x0], $0xffff  }
0x198: {  	v5 =	vor.u32 v4, v33;
	_ =	sdelay $0x2  }
0x199: {  	v35 =	vor.u32 $0x3, v7  }
0x19a: {  	s26 =	sor.u32 $0x100, s9;
	[tilespmem:v34+s30+$0x0] =	vst.idx.msk $0xffff, v3;
	v3 =	vbroadcast v35, $0x0  }
0x19b: {  	v36 =	vor.u32 s26, v2;
	v5 =	vld.idx.msk [tilespmem:v5+s19+$0x0], $0xffff  }
0x19c: {  	v3 =	vor.u32 v4, v3;
	_ =	sdelay $0x2  }
0x19d: {  	v37 =	vor.u32 $0x4, v7  }
0x19e: {  	s28 =	sor.u32 $0x180, s9;
	v38 =	vbroadcast v37, $0x0;
	[tilespmem:v36+s30+$0x0] =	vst.idx.msk $0xffff, v5  }
0x19f: {  	v39 =	vor.u32 s28, v2;
	v3 =	vld.idx.msk [tilespmem:v3+s19+$0x0], $0xffff  }
0x1a0: {  	v5 =	vor.u32 v4, v38;
	_ =	sdelay $0x2  }
0x1a1: {  	v40 =	vor.u32 $0x5, v7  }
0x1a2: {  	s31 =	sor.u32 $0x200, s9;
	[tilespmem:v39+s30+$0x0] =	vst.idx.msk $0xffff, v3;
	v3 =	vbroadcast v40, $0x0  }
0x1a3: {  	v41 =	vor.u32 s31, v2;
	v5 =	vld.idx.msk [tilespmem:v5+s19+$0x0], $0xffff  }
0x1a4: {  	v3 =	vor.u32 v4, v3;
	_ =	sdelay $0x2  }
0x1a5: {  	v42 =	vor.u32 $0x6, v7  }
0x1a6: {  	s11 =	sor.u32 $0x280, s9;
	v43 =	vbroadcast v42, $0x0;
	[tilespmem:v41+s30+$0x0] =	vst.idx.msk $0xffff, v5  }
0x1a7: {  	v44 =	vor.u32 s11, v2;
	v3 =	vld.idx.msk [tilespmem:v3+s19+$0x0], $0xffff  }
0x1a8: {  	v5 =	vor.u32 v4, v43;
	_ =	sdelay $0x2  }
0x1a9: {  	v7 =	vor.u32 $0x7, v7  }
0x1aa: {  	s12 =	sor.u32 $0x300, s9;
	[tilespmem:v44+s30+$0x0] =	vst.idx.msk $0xffff, v3;
	v3 =	vbroadcast v7, $0x0  }
0x1ab: {  	v45 =	vor.u32 s12, v2;
	v5 =	vld.idx.msk [tilespmem:v5+s19+$0x0], $0xffff  }
0x1ac: {  	v3 =	vor.u32 v4, v3;
	_ =	sdelay $0x3  }
0x1ad: {  	s9 =	sor.u32 $0x380, s9;
	[tilespmem:v45+s30+$0x0] =	vst.idx.msk $0xffff, v5  }
0x1ae: {  	s20 =	sor.u32 $0x8, s1;
	v46 =	vor.u32 s9, v2;
	v3 =	vld.idx.msk [tilespmem:v3+s19+$0x0], $0xffff  }
0x1af: {  	v47 =	vor.u32 s20, v4;
	_ =	sdelay $0x1  }
0x1b0: {  	s26 =	sor.u32 $0x9, s1  }
0x1b1: {  	s9 =	sshll.u32 s20, $0x7;
	v48 =	vmov s26  }
0x1b2: {  	s9 =	sor.u32 s8, s9;
	[tilespmem:v46+s30+$0x0] =	vst.idx.msk $0xffff, v3;
	v3 =	vbroadcast v48, $0x0  }
0x1b3: {  	v49 =	vor.u32 s9, v2;
	v5 =	vld.idx.msk [tilespmem:v47+s19+$0x0], $0xffff  }
0x1b4: {  	v3 =	vor.u32 v4, v3;
	_ =	sdelay $0x1  }
0x1b5: {  	s28 =	sor.u32 $0xA, s1  }
0x1b6: {  	s10 =	sshll.u32 s26, $0x7;
	v50 =	vmov s28  }
0x1b7: {  	s10 =	sor.u32 s8, s10;
	v51 =	vbroadcast v50, $0x0;
	[tilespmem:v49+s30+$0x0] =	vst.idx.msk $0xffff, v5  }
0x1b8: {  	v52 =	vor.u32 s10, v2;
	v3 =	vld.idx.msk [tilespmem:v3+s19+$0x0], $0xffff  }
0x1b9: {  	v5 =	vor.u32 v4, v51;
	_ =	sdelay $0x1  }
0x1ba: {  	s31 =	sor.u32 $0xB, s1  }
0x1bb: {  	v53 =	vmov s31;
	s9 =	sshll.u32 s28, $0x7  }
0x1bc: {  	s9 =	sor.u32 s8, s9;
	[tilespmem:v52+s30+$0x0] =	vst.idx.msk $0xffff, v3;
	v3 =	vbroadcast v53, $0x0  }
0x1bd: {  	v54 =	vor.u32 s9, v2;
	v5 =	vld.idx.msk [tilespmem:v5+s19+$0x0], $0xffff  }
0x1be: {  	v3 =	vor.u32 v4, v3;
	_ =	sdelay $0x1  }
0x1bf: {  	s11 =	sor.u32 $0xC, s1  }
0x1c0: {  	v55 =	vmov s11;
	s10 =	sshll.u32 s31, $0x7  }
0x1c1: {  	v56 =	vbroadcast v55, $0x0;
	s10 =	sor.u32 s8, s10;
	[tilespmem:v54+s30+$0x0] =	vst.idx.msk $0xffff, v5  }
0x1c2: {  	v57 =	vor.u32 s10, v2;
	v3 =	vld.idx.msk [tilespmem:v3+s19+$0x0], $0xffff  }
0x1c3: {  	v5 =	vor.u32 v4, v56;
	_ =	sdelay $0x1  }
0x1c4: {  	s12 =	sor.u32 $0xD, s1  }
0x1c5: {  	v58 =	vmov s12;
	s9 =	sshll.u32 s11, $0x7  }
0x1c6: {  	s9 =	sor.u32 s8, s9;
	[tilespmem:v57+s30+$0x0] =	vst.idx.msk $0xffff, v3;
	v3 =	vbroadcast v58, $0x0  }
0x1c7: {  	v59 =	vor.u32 s9, v2;
	v5 =	vld.idx.msk [tilespmem:v5+s19+$0x0], $0xffff  }
0x1c8: {  	v3 =	vor.u32 v4, v3;
	_ =	sdelay $0x1  }
0x1c9: {  	s20 =	sor.u32 $0xE, s1  }
0x1ca: {  	v60 =	vmov s20;
	s10 =	sshll.u32 s12, $0x7  }
0x1cb: {  	v61 =	vbroadcast v60, $0x0;
	s10 =	sor.u32 s8, s10;
	[tilespmem:v59+s30+$0x0] =	vst.idx.msk $0xffff, v5  }
0x1cc: {  	v62 =	vor.u32 s10, v2;
	v3 =	vld.idx.msk [tilespmem:v3+s19+$0x0], $0xffff  }
0x1cd: {  	v5 =	vor.u32 v4, v61;
	_ =	sdelay $0x2  }
0x1ce: {  	s9 =	sshll.u32 s20, $0x7  }
0x1cf: {  	s9 =	sor.u32 s8, s9;
	[tilespmem:v62+s30+$0x0] =	vst.idx.msk $0xffff, v3  }
0x1d0: {  	s1 =	sor.u32 $0xF, s1;
	v63 =	vor.u32 s9, v2;
	v3 =	vld.idx.msk [tilespmem:v5+s19+$0x0], $0xffff  }
0x1d1: {  	v4 =	vor.u32 s1, v4;
	_ =	sdelay $0x2  }
0x1d2: {  	s1 =	sshll.u32 s1, $0x7  }
0x1d3: {  	s1 =	sor.u32 s8, s1;
	[tilespmem:v63+s30+$0x0] =	vst.idx.msk $0xffff, v3  }
0x1d4: {  	v2 =	vor.u32 s1, v2;
	v3 =	vld.idx.msk [tilespmem:v4+s19+$0x0], $0xffff;
	_ =	sdelay $0x4  }
0x1d5: {  	s26 =	rddreg [dreg:$0x4];
	[tilespmem:v2+s30+$0x0] =	vst.idx.msk $0xffff, v3  }
0x1d6: {  	[hbm4b:s26+s24] =	stream.strided.scatter [tilespmem:s30], [sflag:$0x4], $0x4000, s25, s24, $0x38;
	[tilespmem:$0x16400] =	vst v63  }
0x1d7: {  	s28 =	simm.s32 $0x300  }
0x1d8: {  	[tilespmem:s19], [sflag:$0x2] =	stream.indirect.gather [hbm4b:s4+s13], $0x40, s28, s13, $0xb8;
	[tilespmem:$0x16400] =	vst v63  }
0x1d9: {  	s31 =	simm.s32 $0x380;
	s20 =	simm.s32 $0x1  }
0x1da: {  	[tilespmem:s21], [sflag:$0x2] =	stream.indirect.gather [hbm4b:s4+s13], $0x40, s31, s13, $0xb8;
	[tilespmem:$0x16400] =	vst v63  }
.LBB2_6:
0x1db: {  	s26 =	simm.s32 $0x0  }
0x1dc: {  	_ =	swait.ge [sflag:s22], $0x2000;
	s1 =	sand.u32 $0x70, s26  }
0x1dd: {  	[sflag:s22] =	ssyncset.done $0x0;
	v2 =	vor.u32 s1, v0  }
0x1de: {  	s28 =	sand.u32 $0x2000, s26;
	[sflag:s22] =	ssyncadd.s32 $0xFFFFE000;
	v3 =	vshll.u32 v2, $0x6  }
0x1df: {  	s1 =	sand.u32 $0x30, s26;
	_ =	swait.ge [sflag:s22], $0x2000;
	v3 =	vor.u32 s28, v3  }
0x1e0: {  	[sflag:s22] =	ssyncset.done $0x0;
	v4 =	vor.u32 s1, v3  }
0x1e1: {  	[sflag:s22] =	ssyncadd.s32 $0xFFFFE000  }
0x1e2: {  	v5 =	vmov s1;
	_ =	swait.ge [sflag:s0], $0x4000  }
0x1e3: {  	s8 =	sshll.u32 s1, $0x7;
	v6 =	vor.u32 $0x1, v5;
	[sflag:s0] =	ssyncset.done $0x0  }
0x1e4: {  	v2 =	vand.u32 v1, v2;
	s8 =	sor.u32 s28, s8;
	v6 =	vbroadcast v6, $0x0;
	[sflag:s0] =	ssyncadd.s32 $0xFFFFC000  }
0x1e5: {  	v7 =	vor.u32 s8, v2;
	v4 =	vld.idx.msk [tilespmem:v4+s16+$0x0], $0xffff  }
0x1e6: {  	v6 =	vor.u32 v3, v6;
	_ =	sdelay $0x2  }
0x1e7: {  	v8 =	vor.u32 $0x2, v5  }
0x1e8: {  	s9 =	sor.u32 $0x80, s8;
	[tilespmem:v7+s23+$0x0] =	vst.idx.msk $0xffff, v4;
	v4 =	vbroadcast v8, $0x0  }
0x1e9: {  	v7 =	vor.u32 s9, v2;
	v6 =	vld.idx.msk [tilespmem:v6+s16+$0x0], $0xffff  }
0x1ea: {  	v4 =	vor.u32 v3, v4;
	_ =	sdelay $0x2  }
0x1eb: {  	v60 =	vor.u32 $0x3, v5  }
0x1ec: {  	s10 =	sor.u32 $0x100, s8;
	[tilespmem:v7+s23+$0x0] =	vst.idx.msk $0xffff, v6;
	v6 =	vbroadcast v60, $0x0  }
0x1ed: {  	v7 =	vor.u32 s10, v2;
	v4 =	vld.idx.msk [tilespmem:v4+s16+$0x0], $0xffff  }
0x1ee: {  	v6 =	vor.u32 v3, v6;
	_ =	sdelay $0x2  }
0x1ef: {  	v61 =	vor.u32 $0x4, v5  }
0x1f0: {  	s11 =	sor.u32 $0x180, s8;
	[tilespmem:v7+s23+$0x0] =	vst.idx.msk $0xffff, v4;
	v4 =	vbroadcast v61, $0x0  }
0x1f1: {  	v7 =	vor.u32 s11, v2;
	v6 =	vld.idx.msk [tilespmem:v6+s16+$0x0], $0xffff  }
0x1f2: {  	v4 =	vor.u32 v3, v4;
	_ =	sdelay $0x2  }
0x1f3: {  	v62 =	vor.u32 $0x5, v5  }
0x1f4: {  	s12 =	sor.u32 $0x200, s8;
	[tilespmem:v7+s23+$0x0] =	vst.idx.msk $0xffff, v6;
	v6 =	vbroadcast v62, $0x0  }
0x1f5: {  	v7 =	vor.u32 s12, v2;
	v4 =	vld.idx.msk [tilespmem:v4+s16+$0x0], $0xffff  }
0x1f6: {  	v6 =	vor.u32 v3, v6;
	_ =	sdelay $0x2  }
0x1f7: {  	v63 =	vor.u32 $0x6, v5  }
0x1f8: {  	s31 =	sor.u32 $0x280, s8;
	[tilespmem:v7+s23+$0x0] =	vst.idx.msk $0xffff, v4;
	v4 =	vbroadcast v63, $0x0  }
0x1f9: {  	v7 =	vor.u32 s31, v2;
	v6 =	vld.idx.msk [tilespmem:v6+s16+$0x0], $0xffff  }
0x1fa: {  	v4 =	vor.u32 v3, v4;
	_ =	sdelay $0x2  }
0x1fb: {  	v5 =	vor.u32 $0x7, v5  }
0x1fc: {  	v5 =	vbroadcast v5, $0x0;
	s10 =	sor.u32 $0x300, s8;
	[tilespmem:v7+s23+$0x0] =	vst.idx.msk $0xffff, v6  }
0x1fd: {  	v6 =	vor.u32 s10, v2;
	v4 =	vld.idx.msk [tilespmem:v4+s16+$0x0], $0xffff  }
0x1fe: {  	v5 =	vor.u32 v3, v5;
	_ =	sdelay $0x3  }
0x1ff: {  	s8 =	sor.u32 $0x380, s8;
	[tilespmem:v6+s23+$0x0] =	vst.idx.msk $0xffff, v4  }
0x200: {  	s11 =	sor.u32 $0x8, s1;
	v4 =	vld.idx.msk [tilespmem:v5+s16+$0x0], $0xffff;
	v5 =	vor.u32 s8, v2  }
0x201: {  	v6 =	vor.u32 s11, v3;
	_ =	sdelay $0x1  }
0x202: {  	s12 =	sor.u32 $0x9, s1  }
0x203: {  	v7 =	vmov s12;
	s8 =	sshll.u32 s11, $0x7  }
0x204: {  	s8 =	sor.u32 s28, s8;
	[tilespmem:v5+s23+$0x0] =	vst.idx.msk $0xffff, v4;
	v4 =	vbroadcast v7, $0x0  }
0x205: {  	v5 =	vld.idx.msk [tilespmem:v6+s16+$0x0], $0xffff;
	v6 =	vor.u32 s8, v2  }
0x206: {  	v4 =	vor.u32 v3, v4;
	_ =	sdelay $0x1  }
0x207: {  	s31 =	sor.u32 $0xA, s1  }
0x208: {  	s9 =	sshll.u32 s12, $0x7;
	v7 =	vmov s31  }
0x209: {  	s9 =	sor.u32 s28, s9;
	[tilespmem:v6+s23+$0x0] =	vst.idx.msk $0xffff, v5;
	v5 =	vbroadcast v7, $0x0  }
0x20a: {  	v6 =	vor.u32 s9, v2;
	v4 =	vld.idx.msk [tilespmem:v4+s16+$0x0], $0xffff  }
0x20b: {  	v5 =	vor.u32 v3, v5;
	_ =	sdelay $0x1  }
0x20c: {  	s10 =	sor.u32 $0xB, s1  }
0x20d: {  	s8 =	sshll.u32 s31, $0x7;
	v7 =	vmov s10  }
0x20e: {  	s8 =	sor.u32 s28, s8;
	[tilespmem:v6+s23+$0x0] =	vst.idx.msk $0xffff, v4;
	v4 =	vbroadcast v7, $0x0  }
0x20f: {  	v6 =	vor.u32 s8, v2;
	v5 =	vld.idx.msk [tilespmem:v5+s16+$0x0], $0xffff  }
0x210: {  	v4 =	vor.u32 v3, v4;
	_ =	sdelay $0x1  }
0x211: {  	s11 =	sor.u32 $0xC, s1  }
0x212: {  	s9 =	sshll.u32 s10, $0x7;
	v7 =	vmov s11  }
0x213: {  	s9 =	sor.u32 s28, s9;
	[tilespmem:v6+s23+$0x0] =	vst.idx.msk $0xffff, v5;
	v5 =	vbroadcast v7, $0x0  }
0x214: {  	v6 =	vor.u32 s9, v2;
	v4 =	vld.idx.msk [tilespmem:v4+s16+$0x0], $0xffff  }
0x215: {  	v5 =	vor.u32 v3, v5;
	_ =	sdelay $0x1  }
0x216: {  	s12 =	sor.u32 $0xD, s1  }
0x217: {  	s8 =	sshll.u32 s11, $0x7;
	v7 =	vmov s12  }
0x218: {  	s8 =	sor.u32 s28, s8;
	[tilespmem:v6+s23+$0x0] =	vst.idx.msk $0xffff, v4;
	v4 =	vbroadcast v7, $0x0  }
0x219: {  	v6 =	vor.u32 s8, v2;
	v5 =	vld.idx.msk [tilespmem:v5+s16+$0x0], $0xffff  }
0x21a: {  	v4 =	vor.u32 v3, v4;
	_ =	sdelay $0x1  }
0x21b: {  	s31 =	sor.u32 $0xE, s1  }
0x21c: {  	s9 =	sshll.u32 s12, $0x7;
	v7 =	vmov s31  }
0x21d: {  	s9 =	sor.u32 s28, s9;
	[tilespmem:v6+s23+$0x0] =	vst.idx.msk $0xffff, v5;
	v5 =	vbroadcast v7, $0x0  }
0x21e: {  	v6 =	vor.u32 s9, v2;
	v4 =	vld.idx.msk [tilespmem:v4+s16+$0x0], $0xffff  }
0x21f: {  	v5 =	vor.u32 v3, v5;
	_ =	sdelay $0x2  }
0x220: {  	s8 =	sshll.u32 s31, $0x7  }
0x221: {  	s8 =	sor.u32 s28, s8;
	[tilespmem:v6+s23+$0x0] =	vst.idx.msk $0xffff, v4  }
0x222: {  	s9 =	sor.u32 $0xF, s1;
	v4 =	vld.idx.msk [tilespmem:v5+s16+$0x0], $0xffff;
	v5 =	vor.u32 s8, v2  }
0x223: {  	v3 =	vor.u32 s9, v3;
	_ =	sdelay $0x1  }
0x224: {  	s10 =	simm.s32 $0x10  }
0x225: {  	s10 =	sand.u32 $0x70, s10;
	s1 =	simm.s32 $0x0;
	s8 =	simm.s32 $0x20  }
.LBB2_7:
0x226: {  	p0 =	sne.s32 s8, $0x3F0;
	v6 =	vor.u32 s10, v0;
	[tilespmem:v5+s23+$0x0] =	vst.idx.msk $0xffff, v4;
	s9 =	sshll.u32 s9, $0x7;
	s26 =	sadd.s32 $0x100, s26  }
0x227: {  	s1 =	sadd.s32 $0x2, s1;
	v4 =	vshll.u32 v6, $0x6;
	s10 =	sor.u32 s28, s9;
	s28 =	sand.u32 $0x2000, s26;
	v5 =	vld.idx.msk [tilespmem:v3+s16+$0x0], $0xffff  }
0x228: {  	s9 =	sand.u32 $0x30, s1;
	v3 =	vor.u32 s28, v4;
	v2 =	vor.u32 s10, v2  }
0x229: {  	v4 =	vor.u32 s9, v3;
	_ =	sdelay $0x2  }
0x22a: {  	v7 =	vmov s9  }
0x22b: {  	s10 =	sshll.u32 s9, $0x7;
	v8 =	vor.u32 $0x1, v7;
	[tilespmem:v2+s23+$0x0] =	vst.idx.msk $0xffff, v5  }
0x22c: {  	s10 =	sor.u32 s28, s10;
	v2 =	vand.u32 v1, v6;
	v5 =	vbroadcast v8, $0x0;
	v4 =	vld.idx.msk [tilespmem:v4+s16+$0x0], $0xffff  }
0x22d: {  	v6 =	vor.u32 s10, v2  }
0x22e: {  	v5 =	vor.u32 v3, v5;
	_ =	sdelay $0x3  }
0x22f: {  	[tilespmem:v6+s23+$0x0] =	vst.idx.msk $0xffff, v4;
	v4 =	vor.u32 $0x2, v7  }
0x230: {  	s11 =	sor.u32 $0x80, s10;
	v5 =	vld.idx.msk [tilespmem:v5+s16+$0x0], $0xffff;
	v4 =	vbroadcast v4, $0x0  }
0x231: {  	v6 =	vor.u32 s11, v2  }
0x232: {  	v4 =	vor.u32 v3, v4;
	_ =	sdelay $0x3  }
0x233: {  	[tilespmem:v6+s23+$0x0] =	vst.idx.msk $0xffff, v5;
	v5 =	vor.u32 $0x3, v7  }
0x234: {  	s11 =	sor.u32 $0x100, s10;
	v4 =	vld.idx.msk [tilespmem:v4+s16+$0x0], $0xffff;
	v5 =	vbroadcast v5, $0x0  }
0x235: {  	v6 =	vor.u32 s11, v2  }
0x236: {  	v5 =	vor.u32 v3, v5;
	_ =	sdelay $0x3  }
0x237: {  	[tilespmem:v6+s23+$0x0] =	vst.idx.msk $0xffff, v4;
	v4 =	vor.u32 $0x4, v7  }
0x238: {  	s11 =	sor.u32 $0x180, s10;
	v5 =	vld.idx.msk [tilespmem:v5+s16+$0x0], $0xffff;
	v4 =	vbroadcast v4, $0x0  }
0x239: {  	v6 =	vor.u32 s11, v2  }
0x23a: {  	v4 =	vor.u32 v3, v4;
	_ =	sdelay $0x3  }
0x23b: {  	[tilespmem:v6+s23+$0x0] =	vst.idx.msk $0xffff, v5;
	v5 =	vor.u32 $0x5, v7  }
0x23c: {  	s11 =	sor.u32 $0x200, s10;
	v4 =	vld.idx.msk [tilespmem:v4+s16+$0x0], $0xffff;
	v5 =	vbroadcast v5, $0x0  }
0x23d: {  	v6 =	vor.u32 s11, v2  }
0x23e: {  	v5 =	vor.u32 v3, v5;
	_ =	sdelay $0x3  }
0x23f: {  	[tilespmem:v6+s23+$0x0] =	vst.idx.msk $0xffff, v4;
	v4 =	vor.u32 $0x6, v7  }
0x240: {  	s11 =	sor.u32 $0x280, s10;
	v5 =	vld.idx.msk [tilespmem:v5+s16+$0x0], $0xffff;
	v4 =	vbroadcast v4, $0x0  }
0x241: {  	v6 =	vor.u32 s11, v2  }
0x242: {  	v4 =	vor.u32 v3, v4;
	_ =	sdelay $0x3  }
0x243: {  	[tilespmem:v6+s23+$0x0] =	vst.idx.msk $0xffff, v5;
	v5 =	vor.u32 $0x7, v7  }
0x244: {  	s11 =	sor.u32 $0x300, s10;
	v4 =	vld.idx.msk [tilespmem:v4+s16+$0x0], $0xffff;
	v5 =	vbroadcast v5, $0x0  }
0x245: {  	v6 =	vor.u32 s11, v2  }
0x246: {  	v5 =	vor.u32 v3, v5;
	_ =	sdelay $0x3  }
0x247: {  	[tilespmem:v6+s23+$0x0] =	vst.idx.msk $0xffff, v4  }
0x248: {  	s10 =	sor.u32 $0x380, s10;
	v4 =	vld.idx.msk [tilespmem:v5+s16+$0x0], $0xffff  }
0x249: {  	v5 =	vor.u32 s10, v2;
	s10 =	sor.u32 $0x8, s9  }
0x24a: {  	v6 =	vor.u32 s10, v3;
	_ =	sdelay $0x2  }
0x24b: {  	s11 =	sor.u32 $0x9, s9  }
0x24c: {  	s10 =	sshll.u32 s10, $0x7;
	[tilespmem:v5+s23+$0x0] =	vst.idx.msk $0xffff, v4;
	v4 =	vmov s11  }
0x24d: {  	s10 =	sor.u32 s28, s10;
	v5 =	vld.idx.msk [tilespmem:v6+s16+$0x0], $0xffff;
	v4 =	vbroadcast v4, $0x0  }
0x24e: {  	v6 =	vor.u32 s10, v2  }
0x24f: {  	v4 =	vor.u32 v3, v4;
	_ =	sdelay $0x2  }
0x250: {  	s10 =	sor.u32 $0xA, s9  }
0x251: {  	s11 =	sshll.u32 s11, $0x7;
	[tilespmem:v6+s23+$0x0] =	vst.idx.msk $0xffff, v5;
	v5 =	vmov s10  }
0x252: {  	s11 =	sor.u32 s28, s11;
	v4 =	vld.idx.msk [tilespmem:v4+s16+$0x0], $0xffff;
	v5 =	vbroadcast v5, $0x0  }
0x253: {  	v6 =	vor.u32 s11, v2  }
0x254: {  	v5 =	vor.u32 v3, v5;
	_ =	sdelay $0x2  }
0x255: {  	s11 =	sor.u32 $0xB, s9  }
0x256: {  	s10 =	sshll.u32 s10, $0x7;
	[tilespmem:v6+s23+$0x0] =	vst.idx.msk $0xffff, v4;
	v4 =	vmov s11  }
0x257: {  	s10 =	sor.u32 s28, s10;
	v5 =	vld.idx.msk [tilespmem:v5+s16+$0x0], $0xffff;
	v4 =	vbroadcast v4, $0x0  }
0x258: {  	v6 =	vor.u32 s10, v2  }
0x259: {  	v4 =	vor.u32 v3, v4;
	_ =	sdelay $0x2  }
0x25a: {  	s10 =	sor.u32 $0xC, s9  }
0x25b: {  	s11 =	sshll.u32 s11, $0x7;
	[tilespmem:v6+s23+$0x0] =	vst.idx.msk $0xffff, v5;
	v5 =	vmov s10  }
0x25c: {  	s11 =	sor.u32 s28, s11;
	v4 =	vld.idx.msk [tilespmem:v4+s16+$0x0], $0xffff;
	v5 =	vbroadcast v5, $0x0  }
0x25d: {  	v6 =	vor.u32 s11, v2  }
0x25e: {  	v5 =	vor.u32 v3, v5;
	_ =	sdelay $0x2  }
0x25f: {  	s11 =	sor.u32 $0xD, s9  }
0x260: {  	s10 =	sshll.u32 s10, $0x7;
	[tilespmem:v6+s23+$0x0] =	vst.idx.msk $0xffff, v4;
	v4 =	vmov s11  }
0x261: {  	s10 =	sor.u32 s28, s10;
	v5 =	vld.idx.msk [tilespmem:v5+s16+$0x0], $0xffff;
	v4 =	vbroadcast v4, $0x0  }
0x262: {  	v6 =	vor.u32 s10, v2  }
0x263: {  	v4 =	vor.u32 v3, v4;
	_ =	sdelay $0x2  }
0x264: {  	s10 =	sor.u32 $0xE, s9  }
0x265: {  	s11 =	sshll.u32 s11, $0x7;
	[tilespmem:v6+s23+$0x0] =	vst.idx.msk $0xffff, v5;
	v5 =	vmov s10  }
0x266: {  	s11 =	sor.u32 s28, s11;
	v4 =	vld.idx.msk [tilespmem:v4+s16+$0x0], $0xffff;
	v5 =	vbroadcast v5, $0x0  }
0x267: {  	v6 =	vor.u32 s11, v2  }
0x268: {  	v5 =	vor.u32 v3, v5;
	_ =	sdelay $0x3  }
0x269: {  	s10 =	sshll.u32 s10, $0x7;
	[tilespmem:v6+s23+$0x0] =	vst.idx.msk $0xffff, v4  }
0x26a: {  	s10 =	sor.u32 s28, s10;
	v4 =	vld.idx.msk [tilespmem:v5+s16+$0x0], $0xffff  }
.Ltmp2:
0x26b: {  	s9 =	sor.u32 $0xF, s9;
	v5 =	vor.u32 s10, v2;
	(pc) =	sbr.rel @p0 .LBB2_7-.Ltmp2, $2  }
0x26c: {  	v3 =	vor.u32 s9, v3;
	_ =	sdelay $0x2  }
0x26d: {  	s10 =	sand.u32 $0x70, s8;
	s8 =	sadd.s32 $0x10, s8  }
0x26e: {  	_ =	sdelay $0x2  }
0x26f: {  	v6 =	vor.u32 s10, v0;
	s9 =	sshll.u32 s9, $0x7;
	s8 =	sadd.s32 $0x100, s26  }
0x270: {  	[tilespmem:v5+s23+$0x0] =	vst.idx.msk $0xffff, v4;
	s1 =	sadd.s32 $0x2, s1;
	v4 =	vshll.u32 v6, $0x6;
	s8 =	sand.u32 $0x2000, s8;
	s9 =	sor.u32 s28, s9  }
0x271: {  	v3 =	vld.idx.msk [tilespmem:v3+s16+$0x0], $0xffff;
	s1 =	sand.u32 $0x30, s1;
	v4 =	vor.u32 s8, v4;
	v2 =	vor.u32 s9, v2  }
0x272: {  	v5 =	vor.u32 s1, v4;
	_ =	sdelay $0x1  }
0x273: {  	v7 =	vmov s1  }
0x274: {  	s10 =	sshll.u32 s1, $0x7;
	v8 =	vor.u32 $0x1, v7  }
0x275: {  	s9 =	sor.u32 s8, s10;
	[tilespmem:v2+s23+$0x0] =	vst.idx.msk $0xffff, v3;
	v2 =	vand.u32 v1, v6;
	v3 =	vbroadcast v8, $0x0  }
0x276: {  	v5 =	vld.idx.msk [tilespmem:v5+s16+$0x0], $0xffff;
	v6 =	vor.u32 s9, v2  }
0x277: {  	v3 =	vor.u32 v4, v3;
	_ =	sdelay $0x2  }
0x278: {  	v54 =	vor.u32 $0x2, v7  }
0x279: {  	s11 =	sor.u32 $0x80, s9;
	[tilespmem:v6+s23+$0x0] =	vst.idx.msk $0xffff, v5;
	v5 =	vbroadcast v54, $0x0  }
0x27a: {  	v6 =	vor.u32 s11, v2;
	v3 =	vld.idx.msk [tilespmem:v3+s16+$0x0], $0xffff  }
0x27b: {  	v5 =	vor.u32 v4, v5;
	_ =	sdelay $0x2  }
0x27c: {  	v55 =	vor.u32 $0x3, v7  }
0x27d: {  	s12 =	sor.u32 $0x100, s9;
	[tilespmem:v6+s23+$0x0] =	vst.idx.msk $0xffff, v3;
	v3 =	vbroadcast v55, $0x0  }
0x27e: {  	v6 =	vor.u32 s12, v2;
	v5 =	vld.idx.msk [tilespmem:v5+s16+$0x0], $0xffff  }
0x27f: {  	v3 =	vor.u32 v4, v3;
	_ =	sdelay $0x2  }
0x280: {  	v56 =	vor.u32 $0x4, v7  }
0x281: {  	s26 =	sor.u32 $0x180, s9;
	[tilespmem:v6+s23+$0x0] =	vst.idx.msk $0xffff, v5;
	v5 =	vbroadcast v56, $0x0  }
0x282: {  	v6 =	vor.u32 s26, v2;
	v3 =	vld.idx.msk [tilespmem:v3+s16+$0x0], $0xffff  }
0x283: {  	v5 =	vor.u32 v4, v5;
	_ =	sdelay $0x2  }
0x284: {  	v57 =	vor.u32 $0x5, v7  }
0x285: {  	s11 =	sor.u32 $0x200, s9;
	[tilespmem:v6+s23+$0x0] =	vst.idx.msk $0xffff, v3;
	v3 =	vbroadcast v57, $0x0  }
0x286: {  	v6 =	vor.u32 s11, v2;
	v5 =	vld.idx.msk [tilespmem:v5+s16+$0x0], $0xffff  }
0x287: {  	v3 =	vor.u32 v4, v3;
	_ =	sdelay $0x2  }
0x288: {  	v58 =	vor.u32 $0x6, v7  }
0x289: {  	s12 =	sor.u32 $0x280, s9;
	[tilespmem:v6+s23+$0x0] =	vst.idx.msk $0xffff, v5;
	v5 =	vbroadcast v58, $0x0  }
0x28a: {  	v6 =	vor.u32 s12, v2;
	v3 =	vld.idx.msk [tilespmem:v3+s16+$0x0], $0xffff  }
0x28b: {  	v5 =	vor.u32 v4, v5;
	_ =	sdelay $0x2  }
0x28c: {  	v7 =	vor.u32 $0x7, v7  }
0x28d: {  	s26 =	sor.u32 $0x300, s9;
	[tilespmem:v6+s23+$0x0] =	vst.idx.msk $0xffff, v3;
	v3 =	vbroadcast v7, $0x0  }
0x28e: {  	v6 =	vor.u32 s26, v2;
	v5 =	vld.idx.msk [tilespmem:v5+s16+$0x0], $0xffff  }
0x28f: {  	v3 =	vor.u32 v4, v3;
	_ =	sdelay $0x3  }
0x290: {  	s9 =	sor.u32 $0x380, s9;
	[tilespmem:v6+s23+$0x0] =	vst.idx.msk $0xffff, v5  }
0x291: {  	s10 =	sor.u32 $0x8, s1;
	v5 =	vor.u32 s9, v2;
	v3 =	vld.idx.msk [tilespmem:v3+s16+$0x0], $0xffff  }
0x292: {  	v6 =	vor.u32 s10, v4;
	_ =	sdelay $0x1  }
0x293: {  	s11 =	sor.u32 $0x9, s1  }
0x294: {  	v7 =	vmov s11;
	s9 =	sshll.u32 s10, $0x7  }
0x295: {  	s9 =	sor.u32 s8, s9;
	[tilespmem:v5+s23+$0x0] =	vst.idx.msk $0xffff, v3;
	v3 =	vbroadcast v7, $0x0  }
0x296: {  	v5 =	vld.idx.msk [tilespmem:v6+s16+$0x0], $0xffff;
	v6 =	vor.u32 s9, v2  }
0x297: {  	v3 =	vor.u32 v4, v3;
	_ =	sdelay $0x1  }
0x298: {  	s12 =	sor.u32 $0xA, s1  }
0x299: {  	s10 =	sshll.u32 s11, $0x7;
	v7 =	vmov s12  }
0x29a: {  	s10 =	sor.u32 s8, s10;
	[tilespmem:v6+s23+$0x0] =	vst.idx.msk $0xffff, v5;
	v5 =	vbroadcast v7, $0x0  }
0x29b: {  	v6 =	vor.u32 s10, v2;
	v3 =	vld.idx.msk [tilespmem:v3+s16+$0x0], $0xffff  }
0x29c: {  	v5 =	vor.u32 v4, v5;
	_ =	sdelay $0x1  }
0x29d: {  	s26 =	sor.u32 $0xB, s1  }
0x29e: {  	s9 =	sshll.u32 s12, $0x7;
	v7 =	vmov s26  }
0x29f: {  	s9 =	sor.u32 s8, s9;
	[tilespmem:v6+s23+$0x0] =	vst.idx.msk $0xffff, v3;
	v3 =	vbroadcast v7, $0x0  }
0x2a0: {  	v6 =	vor.u32 s9, v2;
	v5 =	vld.idx.msk [tilespmem:v5+s16+$0x0], $0xffff  }
0x2a1: {  	v3 =	vor.u32 v4, v3;
	_ =	sdelay $0x1  }
0x2a2: {  	s11 =	sor.u32 $0xC, s1  }
0x2a3: {  	s10 =	sshll.u32 s26, $0x7;
	v7 =	vmov s11  }
0x2a4: {  	s10 =	sor.u32 s8, s10;
	[tilespmem:v6+s23+$0x0] =	vst.idx.msk $0xffff, v5;
	v5 =	vbroadcast v7, $0x0  }
0x2a5: {  	v6 =	vor.u32 s10, v2;
	v3 =	vld.idx.msk [tilespmem:v3+s16+$0x0], $0xffff  }
0x2a6: {  	v5 =	vor.u32 v4, v5;
	_ =	sdelay $0x1  }
0x2a7: {  	s12 =	sor.u32 $0xD, s1  }
0x2a8: {  	s9 =	sshll.u32 s11, $0x7;
	v7 =	vmov s12  }
0x2a9: {  	s9 =	sor.u32 s8, s9;
	[tilespmem:v6+s23+$0x0] =	vst.idx.msk $0xffff, v3;
	v3 =	vbroadcast v7, $0x0  }
0x2aa: {  	v6 =	vor.u32 s9, v2;
	v5 =	vld.idx.msk [tilespmem:v5+s16+$0x0], $0xffff  }
0x2ab: {  	v3 =	vor.u32 v4, v3;
	_ =	sdelay $0x1  }
0x2ac: {  	s26 =	sor.u32 $0xE, s1  }
0x2ad: {  	s10 =	sshll.u32 s12, $0x7;
	v7 =	vmov s26  }
0x2ae: {  	s10 =	sor.u32 s8, s10;
	[tilespmem:v6+s23+$0x0] =	vst.idx.msk $0xffff, v5;
	v5 =	vbroadcast v7, $0x0  }
0x2af: {  	v6 =	vor.u32 s10, v2;
	v3 =	vld.idx.msk [tilespmem:v3+s16+$0x0], $0xffff  }
0x2b0: {  	v5 =	vor.u32 v4, v5;
	_ =	sdelay $0x2  }
0x2b1: {  	s9 =	sshll.u32 s26, $0x7  }
0x2b2: {  	s9 =	sor.u32 s8, s9;
	[tilespmem:v6+s23+$0x0] =	vst.idx.msk $0xffff, v3  }
0x2b3: {  	s1 =	sor.u32 $0xF, s1;
	v3 =	vld.idx.msk [tilespmem:v5+s16+$0x0], $0xffff;
	v5 =	vor.u32 s9, v2  }
0x2b4: {  	v4 =	vor.u32 s1, v4;
	_ =	sdelay $0x2  }
0x2b5: {  	s1 =	sshll.u32 s1, $0x7  }
0x2b6: {  	s1 =	sor.u32 s8, s1;
	[tilespmem:v5+s23+$0x0] =	vst.idx.msk $0xffff, v3  }
0x2b7: {  	v2 =	vor.u32 s1, v2;
	v3 =	vld.idx.msk [tilespmem:v4+s16+$0x0], $0xffff;
	_ =	sdelay $0x2  }
0x2b8: {  	s11 =	sshll.u32 s20, $0x11  }
0x2b9: {  	s12 =	sshll.u32 s20, $0x9;
	s26 =	sor.u32 s5, s11  }
0x2ba: {  	s28 =	sand.u32 $0x3FFFFE00, s12;
	s1 =	sadd.s32 s2, s26;
	[tilespmem:v2+s23+$0x0] =	vst.idx.msk $0xffff, v3  }
0x2bb: {  	[hbm4b:s1+s24] =	stream.strided.scatter [tilespmem:s23], [sflag:$0x3], $0x4000, s25, s24, $0x38;
	[tilespmem:$0x16400] =	vst v63  }
0x2bc: {  	s1 =	sadd.s32 $0x200, s28  }
0x2bd: {  	[tilespmem:s16], [sflag:$0x1] =	stream.indirect.gather [hbm4b:s4+s13], $0x40, s1, s13, $0xb8;
	[tilespmem:$0x16400] =	vst v63  }
0x2be: {  	s31 =	simm.s32 $0x0;
	s8 =	sadd.s32 $0x280, s28  }
0x2bf: {  	[tilespmem:s17], [sflag:$0x1] =	stream.indirect.gather [hbm4b:s4+s13], $0x40, s8, s13, $0xb8;
	[tilespmem:$0x16400] =	vst v63  }
0x2c0: {  	s9 =	sand.u32 $0x70, s31;
	_ =	swait.ge [sflag:s29], $0x2000  }
0x2c1: {  	v2 =	vor.u32 s9, v0;
	[sflag:s29] =	ssyncset.done $0x0  }
0x2c2: {  	v3 =	vshll.u32 v2, $0x6;
	s1 =	sand.u32 $0x2000, s31;
	[sflag:s29] =	ssyncadd.s32 $0xFFFFE000  }
0x2c3: {  	v3 =	vor.u32 s1, v3;
	s8 =	sand.u32 $0x30, s31;
	_ =	swait.ge [sflag:s29], $0x2000  }
0x2c4: {  	v4 =	vor.u32 s8, v3;
	[sflag:s29] =	ssyncset.done $0x0  }
0x2c5: {  	[sflag:s29] =	ssyncadd.s32 $0xFFFFE000  }
0x2c6: {  	v5 =	vmov s8;
	_ =	swait.ge [sflag:s14], $0x4000  }
0x2c7: {  	s10 =	sshll.u32 s8, $0x7;
	v6 =	vor.u32 $0x1, v5;
	[sflag:s14] =	ssyncset.done $0x0  }
0x2c8: {  	v2 =	vand.u32 v1, v2;
	s9 =	sor.u32 s1, s10;
	v6 =	vbroadcast v6, $0x0;
	[sflag:s14] =	ssyncadd.s32 $0xFFFFC000  }
0x2c9: {  	v7 =	vor.u32 s9, v2;
	v4 =	vld.idx.msk [tilespmem:v4+s19+$0x0], $0xffff  }
0x2ca: {  	v6 =	vor.u32 v3, v6;
	_ =	sdelay $0x2  }
0x2cb: {  	v59 =	vor.u32 $0x2, v5  }
0x2cc: {  	s11 =	sor.u32 $0x80, s9;
	[tilespmem:v7+s30+$0x0] =	vst.idx.msk $0xffff, v4;
	v4 =	vbroadcast v59, $0x0  }
0x2cd: {  	v7 =	vor.u32 s11, v2;
	v6 =	vld.idx.msk [tilespmem:v6+s19+$0x0], $0xffff  }
0x2ce: {  	v4 =	vor.u32 v3, v4;
	_ =	sdelay $0x2  }
0x2cf: {  	v60 =	vor.u32 $0x3, v5  }
0x2d0: {  	s12 =	sor.u32 $0x100, s9;
	[tilespmem:v7+s30+$0x0] =	vst.idx.msk $0xffff, v6;
	v6 =	vbroadcast v60, $0x0  }
0x2d1: {  	v7 =	vor.u32 s12, v2;
	v4 =	vld.idx.msk [tilespmem:v4+s19+$0x0], $0xffff  }
0x2d2: {  	v6 =	vor.u32 v3, v6;
	_ =	sdelay $0x2  }
0x2d3: {  	v61 =	vor.u32 $0x4, v5  }
0x2d4: {  	s11 =	sor.u32 $0x180, s9;
	[tilespmem:v7+s30+$0x0] =	vst.idx.msk $0xffff, v4;
	v4 =	vbroadcast v61, $0x0  }
0x2d5: {  	v7 =	vor.u32 s11, v2;
	v6 =	vld.idx.msk [tilespmem:v6+s19+$0x0], $0xffff  }
0x2d6: {  	v4 =	vor.u32 v3, v4;
	_ =	sdelay $0x2  }
0x2d7: {  	v62 =	vor.u32 $0x5, v5  }
0x2d8: {  	s12 =	sor.u32 $0x200, s9;
	[tilespmem:v7+s30+$0x0] =	vst.idx.msk $0xffff, v6;
	v6 =	vbroadcast v62, $0x0  }
0x2d9: {  	v7 =	vor.u32 s12, v2;
	v4 =	vld.idx.msk [tilespmem:v4+s19+$0x0], $0xffff  }
0x2da: {  	v6 =	vor.u32 v3, v6;
	_ =	sdelay $0x2  }
0x2db: {  	v63 =	vor.u32 $0x6, v5  }
0x2dc: {  	s11 =	sor.u32 $0x280, s9;
	[tilespmem:v7+s30+$0x0] =	vst.idx.msk $0xffff, v4;
	v4 =	vbroadcast v63, $0x0  }
0x2dd: {  	v7 =	vor.u32 s11, v2;
	v6 =	vld.idx.msk [tilespmem:v6+s19+$0x0], $0xffff  }
0x2de: {  	v4 =	vor.u32 v3, v4;
	_ =	sdelay $0x2  }
0x2df: {  	v5 =	vor.u32 $0x7, v5  }
0x2e0: {  	v5 =	vbroadcast v5, $0x0;
	s12 =	sor.u32 $0x300, s9;
	[tilespmem:v7+s30+$0x0] =	vst.idx.msk $0xffff, v6  }
0x2e1: {  	v6 =	vor.u32 s12, v2;
	v4 =	vld.idx.msk [tilespmem:v4+s19+$0x0], $0xffff  }
0x2e2: {  	v5 =	vor.u32 v3, v5;
	_ =	sdelay $0x3  }
0x2e3: {  	s9 =	sor.u32 $0x380, s9;
	[tilespmem:v6+s30+$0x0] =	vst.idx.msk $0xffff, v4  }
0x2e4: {  	s10 =	sor.u32 $0x8, s8;
	v4 =	vld.idx.msk [tilespmem:v5+s19+$0x0], $0xffff;
	v5 =	vor.u32 s9, v2  }
0x2e5: {  	v6 =	vor.u32 s10, v3;
	_ =	sdelay $0x1  }
0x2e6: {  	s11 =	sor.u32 $0x9, s8  }
0x2e7: {  	v7 =	vmov s11;
	s9 =	sshll.u32 s10, $0x7  }
0x2e8: {  	s9 =	sor.u32 s1, s9;
	[tilespmem:v5+s30+$0x0] =	vst.idx.msk $0xffff, v4;
	v4 =	vbroadcast v7, $0x0  }
0x2e9: {  	v5 =	vld.idx.msk [tilespmem:v6+s19+$0x0], $0xffff;
	v6 =	vor.u32 s9, v2  }
0x2ea: {  	v4 =	vor.u32 v3, v4;
	_ =	sdelay $0x1  }
0x2eb: {  	s12 =	sor.u32 $0xA, s8  }
0x2ec: {  	s10 =	sshll.u32 s11, $0x7;
	v7 =	vmov s12  }
0x2ed: {  	s10 =	sor.u32 s1, s10;
	[tilespmem:v6+s30+$0x0] =	vst.idx.msk $0xffff, v5;
	v5 =	vbroadcast v7, $0x0  }
0x2ee: {  	v6 =	vor.u32 s10, v2;
	v4 =	vld.idx.msk [tilespmem:v4+s19+$0x0], $0xffff  }
0x2ef: {  	v5 =	vor.u32 v3, v5;
	_ =	sdelay $0x1  }
0x2f0: {  	s11 =	sor.u32 $0xB, s8  }
0x2f1: {  	s9 =	sshll.u32 s12, $0x7;
	v7 =	vmov s11  }
0x2f2: {  	s9 =	sor.u32 s1, s9;
	[tilespmem:v6+s30+$0x0] =	vst.idx.msk $0xffff, v4;
	v4 =	vbroadcast v7, $0x0  }
0x2f3: {  	v6 =	vor.u32 s9, v2;
	v5 =	vld.idx.msk [tilespmem:v5+s19+$0x0], $0xffff  }
0x2f4: {  	v4 =	vor.u32 v3, v4;
	_ =	sdelay $0x1  }
0x2f5: {  	s12 =	sor.u32 $0xC, s8  }
0x2f6: {  	s10 =	sshll.u32 s11, $0x7;
	v7 =	vmov s12  }
0x2f7: {  	s10 =	sor.u32 s1, s10;
	[tilespmem:v6+s30+$0x0] =	vst.idx.msk $0xffff, v5;
	v5 =	vbroadcast v7, $0x0  }
0x2f8: {  	v6 =	vor.u32 s10, v2;
	v4 =	vld.idx.msk [tilespmem:v4+s19+$0x0], $0xffff  }
0x2f9: {  	v5 =	vor.u32 v3, v5;
	_ =	sdelay $0x1  }
0x2fa: {  	s11 =	sor.u32 $0xD, s8  }
0x2fb: {  	s9 =	sshll.u32 s12, $0x7;
	v7 =	vmov s11  }
0x2fc: {  	s9 =	sor.u32 s1, s9;
	[tilespmem:v6+s30+$0x0] =	vst.idx.msk $0xffff, v4;
	v4 =	vbroadcast v7, $0x0  }
0x2fd: {  	v6 =	vor.u32 s9, v2;
	v5 =	vld.idx.msk [tilespmem:v5+s19+$0x0], $0xffff  }
0x2fe: {  	v4 =	vor.u32 v3, v4;
	_ =	sdelay $0x1  }
0x2ff: {  	s12 =	sor.u32 $0xE, s8  }
0x300: {  	s10 =	sshll.u32 s11, $0x7;
	v7 =	vmov s12  }
0x301: {  	s10 =	sor.u32 s1, s10;
	[tilespmem:v6+s30+$0x0] =	vst.idx.msk $0xffff, v5;
	v5 =	vbroadcast v7, $0x0  }
0x302: {  	v6 =	vor.u32 s10, v2;
	v4 =	vld.idx.msk [tilespmem:v4+s19+$0x0], $0xffff  }
0x303: {  	v5 =	vor.u32 v3, v5;
	_ =	sdelay $0x2  }
0x304: {  	s9 =	sshll.u32 s12, $0x7  }
0x305: {  	s9 =	sor.u32 s1, s9;
	[tilespmem:v6+s30+$0x0] =	vst.idx.msk $0xffff, v4  }
0x306: {  	s10 =	sor.u32 $0xF, s8;
	v4 =	vld.idx.msk [tilespmem:v5+s19+$0x0], $0xffff;
	v5 =	vor.u32 s9, v2  }
0x307: {  	v3 =	vor.u32 s10, v3;
	_ =	sdelay $0x1  }
0x308: {  	s11 =	simm.s32 $0x10  }
0x309: {  	s11 =	sand.u32 $0x70, s11;
	s8 =	simm.s32 $0x0;
	s9 =	simm.s32 $0x20  }
.LBB2_9:
0x30a: {  	p0 =	sne.s32 s9, $0x3F0;
	v6 =	vor.u32 s11, v0;
	[tilespmem:v5+s30+$0x0] =	vst.idx.msk $0xffff, v4;
	s10 =	sshll.u32 s10, $0x7;
	s31 =	sadd.s32 $0x100, s31  }
0x30b: {  	s8 =	sadd.s32 $0x2, s8;
	v4 =	vshll.u32 v6, $0x6;
	s11 =	sor.u32 s1, s10;
	s1 =	sand.u32 $0x2000, s31;
	v5 =	vld.idx.msk [tilespmem:v3+s19+$0x0], $0xffff  }
0x30c: {  	s10 =	sand.u32 $0x30, s8;
	v3 =	vor.u32 s1, v4;
	v2 =	vor.u32 s11, v2  }
0x30d: {  	v4 =	vor.u32 s10, v3;
	_ =	sdelay $0x2  }
0x30e: {  	v7 =	vmov s10  }
0x30f: {  	s11 =	sshll.u32 s10, $0x7;
	v8 =	vor.u32 $0x1, v7;
	[tilespmem:v2+s30+$0x0] =	vst.idx.msk $0xffff, v5  }
0x310: {  	s11 =	sor.u32 s1, s11;
	v2 =	vand.u32 v1, v6;
	v5 =	vbroadcast v8, $0x0;
	v4 =	vld.idx.msk [tilespmem:v4+s19+$0x0], $0xffff  }
0x311: {  	v6 =	vor.u32 s11, v2  }
0x312: {  	v5 =	vor.u32 v3, v5;
	_ =	sdelay $0x3  }
0x313: {  	[tilespmem:v6+s30+$0x0] =	vst.idx.msk $0xffff, v4;
	v4 =	vor.u32 $0x2, v7  }
0x314: {  	s12 =	sor.u32 $0x80, s11;
	v5 =	vld.idx.msk [tilespmem:v5+s19+$0x0], $0xffff;
	v4 =	vbroadcast v4, $0x0  }
0x315: {  	v6 =	vor.u32 s12, v2  }
0x316: {  	v4 =	vor.u32 v3, v4;
	_ =	sdelay $0x3  }
0x317: {  	[tilespmem:v6+s30+$0x0] =	vst.idx.msk $0xffff, v5;
	v5 =	vor.u32 $0x3, v7  }
0x318: {  	s12 =	sor.u32 $0x100, s11;
	v4 =	vld.idx.msk [tilespmem:v4+s19+$0x0], $0xffff;
	v5 =	vbroadcast v5, $0x0  }
0x319: {  	v6 =	vor.u32 s12, v2  }
0x31a: {  	v5 =	vor.u32 v3, v5;
	_ =	sdelay $0x3  }
0x31b: {  	[tilespmem:v6+s30+$0x0] =	vst.idx.msk $0xffff, v4;
	v4 =	vor.u32 $0x4, v7  }
0x31c: {  	s12 =	sor.u32 $0x180, s11;
	v5 =	vld.idx.msk [tilespmem:v5+s19+$0x0], $0xffff;
	v4 =	vbroadcast v4, $0x0  }
0x31d: {  	v6 =	vor.u32 s12, v2  }
0x31e: {  	v4 =	vor.u32 v3, v4;
	_ =	sdelay $0x3  }
0x31f: {  	[tilespmem:v6+s30+$0x0] =	vst.idx.msk $0xffff, v5;
	v5 =	vor.u32 $0x5, v7  }
0x320: {  	s12 =	sor.u32 $0x200, s11;
	v4 =	vld.idx.msk [tilespmem:v4+s19+$0x0], $0xffff;
	v5 =	vbroadcast v5, $0x0  }
0x321: {  	v6 =	vor.u32 s12, v2  }
0x322: {  	v5 =	vor.u32 v3, v5;
	_ =	sdelay $0x3  }
0x323: {  	[tilespmem:v6+s30+$0x0] =	vst.idx.msk $0xffff, v4;
	v4 =	vor.u32 $0x6, v7  }
0x324: {  	s12 =	sor.u32 $0x280, s11;
	v5 =	vld.idx.msk [tilespmem:v5+s19+$0x0], $0xffff;
	v4 =	vbroadcast v4, $0x0  }
0x325: {  	v6 =	vor.u32 s12, v2  }
0x326: {  	v4 =	vor.u32 v3, v4;
	_ =	sdelay $0x3  }
0x327: {  	[tilespmem:v6+s30+$0x0] =	vst.idx.msk $0xffff, v5;
	v5 =	vor.u32 $0x7, v7  }
0x328: {  	s12 =	sor.u32 $0x300, s11;
	v4 =	vld.idx.msk [tilespmem:v4+s19+$0x0], $0xffff;
	v5 =	vbroadcast v5, $0x0  }
0x329: {  	v6 =	vor.u32 s12, v2  }
0x32a: {  	v5 =	vor.u32 v3, v5;
	_ =	sdelay $0x3  }
0x32b: {  	[tilespmem:v6+s30+$0x0] =	vst.idx.msk $0xffff, v4  }
0x32c: {  	s11 =	sor.u32 $0x380, s11;
	v4 =	vld.idx.msk [tilespmem:v5+s19+$0x0], $0xffff  }
0x32d: {  	v5 =	vor.u32 s11, v2;
	s11 =	sor.u32 $0x8, s10  }
0x32e: {  	v6 =	vor.u32 s11, v3;
	_ =	sdelay $0x2  }
0x32f: {  	s12 =	sor.u32 $0x9, s10  }
0x330: {  	s11 =	sshll.u32 s11, $0x7;
	[tilespmem:v5+s30+$0x0] =	vst.idx.msk $0xffff, v4;
	v4 =	vmov s12  }
0x331: {  	s11 =	sor.u32 s1, s11;
	v5 =	vld.idx.msk [tilespmem:v6+s19+$0x0], $0xffff;
	v4 =	vbroadcast v4, $0x0  }
0x332: {  	v6 =	vor.u32 s11, v2  }
0x333: {  	v4 =	vor.u32 v3, v4;
	_ =	sdelay $0x2  }
0x334: {  	s11 =	sor.u32 $0xA, s10  }
0x335: {  	s12 =	sshll.u32 s12, $0x7;
	[tilespmem:v6+s30+$0x0] =	vst.idx.msk $0xffff, v5;
	v5 =	vmov s11  }
0x336: {  	s12 =	sor.u32 s1, s12;
	v4 =	vld.idx.msk [tilespmem:v4+s19+$0x0], $0xffff;
	v5 =	vbroadcast v5, $0x0  }
0x337: {  	v6 =	vor.u32 s12, v2  }
0x338: {  	v5 =	vor.u32 v3, v5;
	_ =	sdelay $0x2  }
0x339: {  	s12 =	sor.u32 $0xB, s10  }
0x33a: {  	s11 =	sshll.u32 s11, $0x7;
	[tilespmem:v6+s30+$0x0] =	vst.idx.msk $0xffff, v4;
	v4 =	vmov s12  }
0x33b: {  	s11 =	sor.u32 s1, s11;
	v5 =	vld.idx.msk [tilespmem:v5+s19+$0x0], $0xffff;
	v4 =	vbroadcast v4, $0x0  }
0x33c: {  	v6 =	vor.u32 s11, v2  }
0x33d: {  	v4 =	vor.u32 v3, v4;
	_ =	sdelay $0x2  }
0x33e: {  	s11 =	sor.u32 $0xC, s10  }
0x33f: {  	s12 =	sshll.u32 s12, $0x7;
	[tilespmem:v6+s30+$0x0] =	vst.idx.msk $0xffff, v5;
	v5 =	vmov s11  }
0x340: {  	s12 =	sor.u32 s1, s12;
	v4 =	vld.idx.msk [tilespmem:v4+s19+$0x0], $0xffff;
	v5 =	vbroadcast v5, $0x0  }
0x341: {  	v6 =	vor.u32 s12, v2  }
0x342: {  	v5 =	vor.u32 v3, v5;
	_ =	sdelay $0x2  }
0x343: {  	s12 =	sor.u32 $0xD, s10  }
0x344: {  	s11 =	sshll.u32 s11, $0x7;
	[tilespmem:v6+s30+$0x0] =	vst.idx.msk $0xffff, v4;
	v4 =	vmov s12  }
0x345: {  	s11 =	sor.u32 s1, s11;
	v5 =	vld.idx.msk [tilespmem:v5+s19+$0x0], $0xffff;
	v4 =	vbroadcast v4, $0x0  }
0x346: {  	v6 =	vor.u32 s11, v2  }
0x347: {  	v4 =	vor.u32 v3, v4;
	_ =	sdelay $0x2  }
0x348: {  	s11 =	sor.u32 $0xE, s10  }
0x349: {  	s12 =	sshll.u32 s12, $0x7;
	[tilespmem:v6+s30+$0x0] =	vst.idx.msk $0xffff, v5;
	v5 =	vmov s11  }
0x34a: {  	s12 =	sor.u32 s1, s12;
	v4 =	vld.idx.msk [tilespmem:v4+s19+$0x0], $0xffff;
	v5 =	vbroadcast v5, $0x0  }
0x34b: {  	v6 =	vor.u32 s12, v2  }
0x34c: {  	v5 =	vor.u32 v3, v5;
	_ =	sdelay $0x3  }
0x34d: {  	s11 =	sshll.u32 s11, $0x7;
	[tilespmem:v6+s30+$0x0] =	vst.idx.msk $0xffff, v4  }
0x34e: {  	s11 =	sor.u32 s1, s11;
	v4 =	vld.idx.msk [tilespmem:v5+s19+$0x0], $0xffff  }
.Ltmp3:
0x34f: {  	s10 =	sor.u32 $0xF, s10;
	v5 =	vor.u32 s11, v2;
	(pc) =	sbr.rel @p0 .LBB2_9-.Ltmp3, $2  }
0x350: {  	v3 =	vor.u32 s10, v3;
	_ =	sdelay $0x2  }
0x351: {  	s11 =	sand.u32 $0x70, s9;
	s9 =	sadd.s32 $0x10, s9  }
0x352: {  	_ =	sdelay $0x2  }
0x353: {  	v6 =	vor.u32 s11, v0;
	s10 =	sshll.u32 s10, $0x7;
	s9 =	sadd.s32 $0x100, s31  }
0x354: {  	[tilespmem:v5+s30+$0x0] =	vst.idx.msk $0xffff, v4;
	s8 =	sadd.s32 $0x2, s8;
	v30 =	vshll.u32 v6, $0x6;
	s9 =	sand.u32 $0x2000, s9;
	s10 =	sor.u32 s1, s10  }
0x355: {  	v3 =	vld.idx.msk [tilespmem:v3+s19+$0x0], $0xffff;
	s1 =	sand.u32 $0x30, s8;
	v4 =	vor.u32 s9, v30;
	v2 =	vor.u32 s10, v2  }
0x356: {  	v31 =	vor.u32 s1, v4;
	_ =	sdelay $0x1  }
0x357: {  	v7 =	vmov s1  }
0x358: {  	s10 =	sshll.u32 s1, $0x7;
	v8 =	vor.u32 $0x1, v7  }
0x359: {  	s8 =	sor.u32 s9, s10;
	[tilespmem:v2+s30+$0x0] =	vst.idx.msk $0xffff, v3;
	v2 =	vand.u32 v1, v6;
	v3 =	vbroadcast v8, $0x0  }
0x35a: {  	v5 =	vld.idx.msk [tilespmem:v31+s19+$0x0], $0xffff;
	v6 =	vor.u32 s8, v2  }
0x35b: {  	v3 =	vor.u32 v4, v3;
	_ =	sdelay $0x2  }
0x35c: {  	v32 =	vor.u32 $0x2, v7  }
0x35d: {  	s11 =	sor.u32 $0x80, s8;
	v33 =	vbroadcast v32, $0x0;
	[tilespmem:v6+s30+$0x0] =	vst.idx.msk $0xffff, v5  }
0x35e: {  	v34 =	vor.u32 s11, v2;
	v3 =	vld.idx.msk [tilespmem:v3+s19+$0x0], $0xffff  }
0x35f: {  	v5 =	vor.u32 v4, v33;
	_ =	sdelay $0x2  }
0x360: {  	v35 =	vor.u32 $0x3, v7  }
0x361: {  	s12 =	sor.u32 $0x100, s8;
	[tilespmem:v34+s30+$0x0] =	vst.idx.msk $0xffff, v3;
	v3 =	vbroadcast v35, $0x0  }
0x362: {  	v36 =	vor.u32 s12, v2;
	v5 =	vld.idx.msk [tilespmem:v5+s19+$0x0], $0xffff  }
0x363: {  	v3 =	vor.u32 v4, v3;
	_ =	sdelay $0x2  }
0x364: {  	v37 =	vor.u32 $0x4, v7  }
0x365: {  	s31 =	sor.u32 $0x180, s8;
	v38 =	vbroadcast v37, $0x0;
	[tilespmem:v36+s30+$0x0] =	vst.idx.msk $0xffff, v5  }
0x366: {  	v39 =	vor.u32 s31, v2;
	v3 =	vld.idx.msk [tilespmem:v3+s19+$0x0], $0xffff  }
0x367: {  	v5 =	vor.u32 v4, v38;
	_ =	sdelay $0x2  }
0x368: {  	v40 =	vor.u32 $0x5, v7  }
0x369: {  	s11 =	sor.u32 $0x200, s8;
	[tilespmem:v39+s30+$0x0] =	vst.idx.msk $0xffff, v3;
	v3 =	vbroadcast v40, $0x0  }
0x36a: {  	v41 =	vor.u32 s11, v2;
	v5 =	vld.idx.msk [tilespmem:v5+s19+$0x0], $0xffff  }
0x36b: {  	v3 =	vor.u32 v4, v3;
	_ =	sdelay $0x2  }
0x36c: {  	v42 =	vor.u32 $0x6, v7  }
0x36d: {  	v43 =	vbroadcast v42, $0x0;
	s12 =	sor.u32 $0x280, s8;
	[tilespmem:v41+s30+$0x0] =	vst.idx.msk $0xffff, v5  }
0x36e: {  	v44 =	vor.u32 s12, v2;
	v3 =	vld.idx.msk [tilespmem:v3+s19+$0x0], $0xffff  }
0x36f: {  	v5 =	vor.u32 v4, v43;
	_ =	sdelay $0x2  }
0x370: {  	v7 =	vor.u32 $0x7, v7  }
0x371: {  	s31 =	sor.u32 $0x300, s8;
	[tilespmem:v44+s30+$0x0] =	vst.idx.msk $0xffff, v3;
	v3 =	vbroadcast v7, $0x0  }
0x372: {  	v45 =	vor.u32 s31, v2;
	v5 =	vld.idx.msk [tilespmem:v5+s19+$0x0], $0xffff  }
0x373: {  	v3 =	vor.u32 v4, v3;
	_ =	sdelay $0x3  }
0x374: {  	s8 =	sor.u32 $0x380, s8;
	[tilespmem:v45+s30+$0x0] =	vst.idx.msk $0xffff, v5  }
0x375: {  	v46 =	vor.u32 s8, v2;
	s11 =	sor.u32 $0x8, s1;
	v3 =	vld.idx.msk [tilespmem:v3+s19+$0x0], $0xffff  }
0x376: {  	v47 =	vor.u32 s11, v4;
	_ =	sdelay $0x1  }
0x377: {  	s12 =	sor.u32 $0x9, s1  }
0x378: {  	s8 =	sshll.u32 s11, $0x7;
	v48 =	vmov s12  }
0x379: {  	s8 =	sor.u32 s9, s8;
	[tilespmem:v46+s30+$0x0] =	vst.idx.msk $0xffff, v3;
	v3 =	vbroadcast v48, $0x0  }
0x37a: {  	v49 =	vor.u32 s8, v2;
	v5 =	vld.idx.msk [tilespmem:v47+s19+$0x0], $0xffff  }
0x37b: {  	v3 =	vor.u32 v4, v3;
	_ =	sdelay $0x1  }
0x37c: {  	s31 =	sor.u32 $0xA, s1  }
0x37d: {  	s10 =	sshll.u32 s12, $0x7;
	v50 =	vmov s31  }
0x37e: {  	s10 =	sor.u32 s9, s10;
	v51 =	vbroadcast v50, $0x0;
	[tilespmem:v49+s30+$0x0] =	vst.idx.msk $0xffff, v5  }
0x37f: {  	v52 =	vor.u32 s10, v2;
	v3 =	vld.idx.msk [tilespmem:v3+s19+$0x0], $0xffff  }
0x380: {  	v5 =	vor.u32 v4, v51;
	_ =	sdelay $0x1  }
0x381: {  	s11 =	sor.u32 $0xB, s1  }
0x382: {  	v53 =	vmov s11;
	s8 =	sshll.u32 s31, $0x7  }
0x383: {  	s8 =	sor.u32 s9, s8;
	[tilespmem:v52+s30+$0x0] =	vst.idx.msk $0xffff, v3;
	v3 =	vbroadcast v53, $0x0  }
0x384: {  	v54 =	vor.u32 s8, v2;
	v5 =	vld.idx.msk [tilespmem:v5+s19+$0x0], $0xffff  }
0x385: {  	v3 =	vor.u32 v4, v3;
	_ =	sdelay $0x1  }
0x386: {  	s12 =	sor.u32 $0xC, s1  }
0x387: {  	v55 =	vmov s12;
	s10 =	sshll.u32 s11, $0x7  }
0x388: {  	v56 =	vbroadcast v55, $0x0;
	s10 =	sor.u32 s9, s10;
	[tilespmem:v54+s30+$0x0] =	vst.idx.msk $0xffff, v5  }
0x389: {  	v57 =	vor.u32 s10, v2;
	v3 =	vld.idx.msk [tilespmem:v3+s19+$0x0], $0xffff  }
0x38a: {  	v5 =	vor.u32 v4, v56;
	_ =	sdelay $0x1  }
0x38b: {  	s31 =	sor.u32 $0xD, s1  }
0x38c: {  	v58 =	vmov s31;
	s8 =	sshll.u32 s12, $0x7  }
0x38d: {  	s8 =	sor.u32 s9, s8;
	[tilespmem:v57+s30+$0x0] =	vst.idx.msk $0xffff, v3;
	v3 =	vbroadcast v58, $0x0  }
0x38e: {  	v59 =	vor.u32 s8, v2;
	v5 =	vld.idx.msk [tilespmem:v5+s19+$0x0], $0xffff  }
0x38f: {  	v3 =	vor.u32 v4, v3;
	_ =	sdelay $0x1  }
0x390: {  	s11 =	sor.u32 $0xE, s1  }
0x391: {  	v60 =	vmov s11;
	s10 =	sshll.u32 s31, $0x7  }
0x392: {  	v61 =	vbroadcast v60, $0x0;
	s10 =	sor.u32 s9, s10;
	[tilespmem:v59+s30+$0x0] =	vst.idx.msk $0xffff, v5  }
0x393: {  	v62 =	vor.u32 s10, v2;
	v3 =	vld.idx.msk [tilespmem:v3+s19+$0x0], $0xffff  }
0x394: {  	v5 =	vor.u32 v4, v61;
	_ =	sdelay $0x2  }
0x395: {  	s8 =	sshll.u32 s11, $0x7  }
0x396: {  	s8 =	sor.u32 s9, s8;
	[tilespmem:v62+s30+$0x0] =	vst.idx.msk $0xffff, v3  }
0x397: {  	s1 =	sor.u32 $0xF, s1;
	v63 =	vor.u32 s8, v2;
	v3 =	vld.idx.msk [tilespmem:v5+s19+$0x0], $0xffff  }
0x398: {  	v4 =	vor.u32 s1, v4;
	_ =	sdelay $0x2  }
0x399: {  	s1 =	sshll.u32 s1, $0x7  }
0x39a: {  	s1 =	sor.u32 s9, s1;
	[tilespmem:v63+s30+$0x0] =	vst.idx.msk $0xffff, v3  }
0x39b: {  	v2 =	vor.u32 s1, v2;
	v3 =	vld.idx.msk [tilespmem:v4+s19+$0x0], $0xffff;
	_ =	sdelay $0x3  }
0x39c: {  	s20 =	sadd.s32 $0x1, s20  }
0x39d: {  	p0 =	sne.s32 s20, $0x31;
	s12 =	sadd.s32 s26, s7;
	[tilespmem:v2+s30+$0x0] =	vst.idx.msk $0xffff, v3  }
0x39e: {  	[hbm4b:s12+s24] =	stream.strided.scatter [tilespmem:s30], [sflag:$0x4], $0x4000, s25, s24, $0x38;
	[tilespmem:$0x16400] =	vst v63  }
.Ltmp4:
0x39f: {  	_ = 	snop;
	(pc) =	sbr.rel @p0 .LBB2_6-.Ltmp4, $4  }
0x3a0: {  	s26 =	sadd.s32 $0x300, s28  }
0x3a1: {  	[tilespmem:s19], [sflag:$0x2] =	stream.indirect.gather [hbm4b:s4+s13], $0x40, s26, s13, $0xb8;
	[tilespmem:$0x16400] =	vst v63  }
0x3a2: {  	s31 =	sadd.s32 $0x380, s28  }
0x3a3: {  	[tilespmem:s21], [sflag:$0x2] =	stream.indirect.gather [hbm4b:s4+s13], $0x40, s31, s13, $0xb8;
	[tilespmem:$0x16400] =	vst v63  }
0x3a4: {  	s20 =	simm.s32 $0x0  }
0x3a5: {  	_ =	swait.ge [sflag:s22], $0x2000;
	s1 =	sand.u32 $0x70, s20  }
0x3a6: {  	[sflag:s22] =	ssyncset.done $0x0;
	v2 =	vor.u32 s1, v0  }
0x3a7: {  	[sflag:s22] =	ssyncadd.s32 $0xFFFFE000;
	s1 =	sand.u32 $0x2000, s20;
	v3 =	vshll.u32 v2, $0x6  }
0x3a8: {  	s8 =	sand.u32 $0x30, s20;
	_ =	swait.ge [sflag:s22], $0x2000;
	v3 =	vor.u32 s1, v3  }
0x3a9: {  	[sflag:s22] =	ssyncset.done $0x0;
	v4 =	vor.u32 s8, v3  }
0x3aa: {  	[sflag:s22] =	ssyncadd.s32 $0xFFFFE000  }
0x3ab: {  	v5 =	vmov s8;
	_ =	swait.ge [sflag:s0], $0x4000  }
0x3ac: {  	s9 =	sshll.u32 s8, $0x7;
	v6 =	vor.u32 $0x1, v5;
	[sflag:s0] =	ssyncset.done $0x0  }
0x3ad: {  	s9 =	sor.u32 s1, s9;
	v2 =	vand.u32 v1, v2;
	v6 =	vbroadcast v6, $0x0;
	[sflag:s0] =	ssyncadd.s32 $0xFFFFC000  }
0x3ae: {  	v7 =	vor.u32 s9, v2;
	v4 =	vld.idx.msk [tilespmem:v4+s16+$0x0], $0xffff  }
0x3af: {  	v6 =	vor.u32 v3, v6;
	_ =	sdelay $0x2  }
0x3b0: {  	v8 =	vor.u32 $0x2, v5  }
0x3b1: {  	s10 =	sor.u32 $0x80, s9;
	[tilespmem:v7+s23+$0x0] =	vst.idx.msk $0xffff, v4;
	v4 =	vbroadcast v8, $0x0  }
0x3b2: {  	v7 =	vor.u32 s10, v2;
	v6 =	vld.idx.msk [tilespmem:v6+s16+$0x0], $0xffff  }
0x3b3: {  	v4 =	vor.u32 v3, v4;
	_ =	sdelay $0x2  }
0x3b4: {  	v60 =	vor.u32 $0x3, v5  }
0x3b5: {  	s28 =	sor.u32 $0x100, s9;
	[tilespmem:v7+s23+$0x0] =	vst.idx.msk $0xffff, v6;
	v6 =	vbroadcast v60, $0x0  }
0x3b6: {  	v7 =	vor.u32 s28, v2;
	v4 =	vld.idx.msk [tilespmem:v4+s16+$0x0], $0xffff  }
0x3b7: {  	v6 =	vor.u32 v3, v6;
	_ =	sdelay $0x2  }
0x3b8: {  	v61 =	vor.u32 $0x4, v5  }
0x3b9: {  	s31 =	sor.u32 $0x180, s9;
	[tilespmem:v7+s23+$0x0] =	vst.idx.msk $0xffff, v4;
	v4 =	vbroadcast v61, $0x0  }
0x3ba: {  	v7 =	vor.u32 s31, v2;
	v6 =	vld.idx.msk [tilespmem:v6+s16+$0x0], $0xffff  }
0x3bb: {  	v4 =	vor.u32 v3, v4;
	_ =	sdelay $0x2  }
0x3bc: {  	v62 =	vor.u32 $0x5, v5  }
0x3bd: {  	s11 =	sor.u32 $0x200, s9;
	[tilespmem:v7+s23+$0x0] =	vst.idx.msk $0xffff, v6;
	v6 =	vbroadcast v62, $0x0  }
0x3be: {  	v7 =	vor.u32 s11, v2;
	v4 =	vld.idx.msk [tilespmem:v4+s16+$0x0], $0xffff  }
0x3bf: {  	v6 =	vor.u32 v3, v6;
	_ =	sdelay $0x2  }
0x3c0: {  	v63 =	vor.u32 $0x6, v5  }
0x3c1: {  	s12 =	sor.u32 $0x280, s9;
	[tilespmem:v7+s23+$0x0] =	vst.idx.msk $0xffff, v4;
	v4 =	vbroadcast v63, $0x0  }
0x3c2: {  	v7 =	vor.u32 s12, v2;
	v6 =	vld.idx.msk [tilespmem:v6+s16+$0x0], $0xffff  }
0x3c3: {  	v4 =	vor.u32 v3, v4;
	_ =	sdelay $0x2  }
0x3c4: {  	v5 =	vor.u32 $0x7, v5  }
0x3c5: {  	s26 =	sor.u32 $0x300, s9;
	v5 =	vbroadcast v5, $0x0;
	[tilespmem:v7+s23+$0x0] =	vst.idx.msk $0xffff, v6  }
0x3c6: {  	v6 =	vor.u32 s26, v2;
	v4 =	vld.idx.msk [tilespmem:v4+s16+$0x0], $0xffff  }
0x3c7: {  	v5 =	vor.u32 v3, v5;
	_ =	sdelay $0x3  }
0x3c8: {  	s9 =	sor.u32 $0x380, s9;
	[tilespmem:v6+s23+$0x0] =	vst.idx.msk $0xffff, v4  }
0x3c9: {  	s28 =	sor.u32 $0x8, s8;
	v4 =	vld.idx.msk [tilespmem:v5+s16+$0x0], $0xffff;
	v5 =	vor.u32 s9, v2  }
0x3ca: {  	v6 =	vor.u32 s28, v3;
	_ =	sdelay $0x1  }
0x3cb: {  	s31 =	sor.u32 $0x9, s8  }
0x3cc: {  	v7 =	vmov s31;
	s9 =	sshll.u32 s28, $0x7  }
0x3cd: {  	s9 =	sor.u32 s1, s9;
	[tilespmem:v5+s23+$0x0] =	vst.idx.msk $0xffff, v4;
	v4 =	vbroadcast v7, $0x0  }
0x3ce: {  	v5 =	vld.idx.msk [tilespmem:v6+s16+$0x0], $0xffff;
	v6 =	vor.u32 s9, v2  }
0x3cf: {  	v4 =	vor.u32 v3, v4;
	_ =	sdelay $0x1  }
0x3d0: {  	s11 =	sor.u32 $0xA, s8  }
0x3d1: {  	s10 =	sshll.u32 s31, $0x7;
	v7 =	vmov s11  }
0x3d2: {  	s10 =	sor.u32 s1, s10;
	[tilespmem:v6+s23+$0x0] =	vst.idx.msk $0xffff, v5;
	v5 =	vbroadcast v7, $0x0  }
0x3d3: {  	v6 =	vor.u32 s10, v2;
	v4 =	vld.idx.msk [tilespmem:v4+s16+$0x0], $0xffff  }
0x3d4: {  	v5 =	vor.u32 v3, v5;
	_ =	sdelay $0x1  }
0x3d5: {  	s12 =	sor.u32 $0xB, s8  }
0x3d6: {  	s9 =	sshll.u32 s11, $0x7;
	v7 =	vmov s12  }
0x3d7: {  	s9 =	sor.u32 s1, s9;
	[tilespmem:v6+s23+$0x0] =	vst.idx.msk $0xffff, v4;
	v4 =	vbroadcast v7, $0x0  }
0x3d8: {  	v6 =	vor.u32 s9, v2;
	v5 =	vld.idx.msk [tilespmem:v5+s16+$0x0], $0xffff  }
0x3d9: {  	v4 =	vor.u32 v3, v4;
	_ =	sdelay $0x1  }
0x3da: {  	s26 =	sor.u32 $0xC, s8  }
0x3db: {  	s10 =	sshll.u32 s12, $0x7;
	v7 =	vmov s26  }
0x3dc: {  	s10 =	sor.u32 s1, s10;
	[tilespmem:v6+s23+$0x0] =	vst.idx.msk $0xffff, v5;
	v5 =	vbroadcast v7, $0x0  }
0x3dd: {  	v6 =	vor.u32 s10, v2;
	v4 =	vld.idx.msk [tilespmem:v4+s16+$0x0], $0xffff  }
0x3de: {  	v5 =	vor.u32 v3, v5;
	_ =	sdelay $0x1  }
0x3df: {  	s28 =	sor.u32 $0xD, s8  }
0x3e0: {  	s9 =	sshll.u32 s26, $0x7;
	v7 =	vmov s28  }
0x3e1: {  	s9 =	sor.u32 s1, s9;
	[tilespmem:v6+s23+$0x0] =	vst.idx.msk $0xffff, v4;
	v4 =	vbroadcast v7, $0x0  }
0x3e2: {  	v6 =	vor.u32 s9, v2;
	v5 =	vld.idx.msk [tilespmem:v5+s16+$0x0], $0xffff  }
0x3e3: {  	v4 =	vor.u32 v3, v4;
	_ =	sdelay $0x1  }
0x3e4: {  	s31 =	sor.u32 $0xE, s8  }
0x3e5: {  	s10 =	sshll.u32 s28, $0x7;
	v7 =	vmov s31  }
0x3e6: {  	s10 =	sor.u32 s1, s10;
	[tilespmem:v6+s23+$0x0] =	vst.idx.msk $0xffff, v5;
	v5 =	vbroadcast v7, $0x0  }
0x3e7: {  	v6 =	vor.u32 s10, v2;
	v4 =	vld.idx.msk [tilespmem:v4+s16+$0x0], $0xffff  }
0x3e8: {  	v5 =	vor.u32 v3, v5;
	_ =	sdelay $0x2  }
0x3e9: {  	s9 =	sshll.u32 s31, $0x7  }
0x3ea: {  	s9 =	sor.u32 s1, s9;
	[tilespmem:v6+s23+$0x0] =	vst.idx.msk $0xffff, v4  }
0x3eb: {  	s10 =	sor.u32 $0xF, s8;
	v4 =	vld.idx.msk [tilespmem:v5+s16+$0x0], $0xffff;
	v5 =	vor.u32 s9, v2  }
0x3ec: {  	v3 =	vor.u32 s10, v3;
	_ =	sdelay $0x1  }
0x3ed: {  	s11 =	simm.s32 $0x10  }
0x3ee: {  	s11 =	sand.u32 $0x70, s11;
	s8 =	simm.s32 $0x0;
	s9 =	simm.s32 $0x20  }
.LBB2_12:
0x3ef: {  	p0 =	sne.s32 s9, $0x3F0;
	v6 =	vor.u32 s11, v0;
	[tilespmem:v5+s23+$0x0] =	vst.idx.msk $0xffff, v4;
	s10 =	sshll.u32 s10, $0x7;
	s20 =	sadd.s32 $0x100, s20  }
0x3f0: {  	s8 =	sadd.s32 $0x2, s8;
	v4 =	vshll.u32 v6, $0x6;
	s11 =	sor.u32 s1, s10;
	s1 =	sand.u32 $0x2000, s20;
	v5 =	vld.idx.msk [tilespmem:v3+s16+$0x0], $0xffff  }
0x3f1: {  	s10 =	sand.u32 $0x30, s8;
	v3 =	vor.u32 s1, v4;
	v2 =	vor.u32 s11, v2  }
0x3f2: {  	v4 =	vor.u32 s10, v3;
	_ =	sdelay $0x2  }
0x3f3: {  	v7 =	vmov s10  }
0x3f4: {  	s11 =	sshll.u32 s10, $0x7;
	v8 =	vor.u32 $0x1, v7;
	[tilespmem:v2+s23+$0x0] =	vst.idx.msk $0xffff, v5  }
0x3f5: {  	s11 =	sor.u32 s1, s11;
	v2 =	vand.u32 v1, v6;
	v5 =	vbroadcast v8, $0x0;
	v4 =	vld.idx.msk [tilespmem:v4+s16+$0x0], $0xffff  }
0x3f6: {  	v6 =	vor.u32 s11, v2  }
0x3f7: {  	v5 =	vor.u32 v3, v5;
	_ =	sdelay $0x3  }
0x3f8: {  	[tilespmem:v6+s23+$0x0] =	vst.idx.msk $0xffff, v4;
	v4 =	vor.u32 $0x2, v7  }
0x3f9: {  	s12 =	sor.u32 $0x80, s11;
	v5 =	vld.idx.msk [tilespmem:v5+s16+$0x0], $0xffff;
	v4 =	vbroadcast v4, $0x0  }
0x3fa: {  	v6 =	vor.u32 s12, v2  }
0x3fb: {  	v4 =	vor.u32 v3, v4;
	_ =	sdelay $0x3  }
0x3fc: {  	[tilespmem:v6+s23+$0x0] =	vst.idx.msk $0xffff, v5;
	v5 =	vor.u32 $0x3, v7  }
0x3fd: {  	s12 =	sor.u32 $0x100, s11;
	v4 =	vld.idx.msk [tilespmem:v4+s16+$0x0], $0xffff;
	v5 =	vbroadcast v5, $0x0  }
0x3fe: {  	v6 =	vor.u32 s12, v2  }
0x3ff: {  	v5 =	vor.u32 v3, v5;
	_ =	sdelay $0x3  }
0x400: {  	[tilespmem:v6+s23+$0x0] =	vst.idx.msk $0xffff, v4;
	v4 =	vor.u32 $0x4, v7  }
0x401: {  	s12 =	sor.u32 $0x180, s11;
	v5 =	vld.idx.msk [tilespmem:v5+s16+$0x0], $0xffff;
	v4 =	vbroadcast v4, $0x0  }
0x402: {  	v6 =	vor.u32 s12, v2  }
0x403: {  	v4 =	vor.u32 v3, v4;
	_ =	sdelay $0x3  }
0x404: {  	[tilespmem:v6+s23+$0x0] =	vst.idx.msk $0xffff, v5;
	v5 =	vor.u32 $0x5, v7  }
0x405: {  	s12 =	sor.u32 $0x200, s11;
	v4 =	vld.idx.msk [tilespmem:v4+s16+$0x0], $0xffff;
	v5 =	vbroadcast v5, $0x0  }
0x406: {  	v6 =	vor.u32 s12, v2  }
0x407: {  	v5 =	vor.u32 v3, v5;
	_ =	sdelay $0x3  }
0x408: {  	[tilespmem:v6+s23+$0x0] =	vst.idx.msk $0xffff, v4;
	v4 =	vor.u32 $0x6, v7  }
0x409: {  	s12 =	sor.u32 $0x280, s11;
	v5 =	vld.idx.msk [tilespmem:v5+s16+$0x0], $0xffff;
	v4 =	vbroadcast v4, $0x0  }
0x40a: {  	v6 =	vor.u32 s12, v2  }
0x40b: {  	v4 =	vor.u32 v3, v4;
	_ =	sdelay $0x3  }
0x40c: {  	[tilespmem:v6+s23+$0x0] =	vst.idx.msk $0xffff, v5;
	v5 =	vor.u32 $0x7, v7  }
0x40d: {  	s12 =	sor.u32 $0x300, s11;
	v4 =	vld.idx.msk [tilespmem:v4+s16+$0x0], $0xffff;
	v5 =	vbroadcast v5, $0x0  }
0x40e: {  	v6 =	vor.u32 s12, v2  }
0x40f: {  	v5 =	vor.u32 v3, v5;
	_ =	sdelay $0x3  }
0x410: {  	[tilespmem:v6+s23+$0x0] =	vst.idx.msk $0xffff, v4  }
0x411: {  	s11 =	sor.u32 $0x380, s11;
	v4 =	vld.idx.msk [tilespmem:v5+s16+$0x0], $0xffff  }
0x412: {  	v5 =	vor.u32 s11, v2;
	s11 =	sor.u32 $0x8, s10  }
0x413: {  	v6 =	vor.u32 s11, v3;
	_ =	sdelay $0x2  }
0x414: {  	s12 =	sor.u32 $0x9, s10  }
0x415: {  	s11 =	sshll.u32 s11, $0x7;
	[tilespmem:v5+s23+$0x0] =	vst.idx.msk $0xffff, v4;
	v4 =	vmov s12  }
0x416: {  	s11 =	sor.u32 s1, s11;
	v5 =	vld.idx.msk [tilespmem:v6+s16+$0x0], $0xffff;
	v4 =	vbroadcast v4, $0x0  }
0x417: {  	v6 =	vor.u32 s11, v2  }
0x418: {  	v4 =	vor.u32 v3, v4;
	_ =	sdelay $0x2  }
0x419: {  	s11 =	sor.u32 $0xA, s10  }
0x41a: {  	s12 =	sshll.u32 s12, $0x7;
	[tilespmem:v6+s23+$0x0] =	vst.idx.msk $0xffff, v5;
	v5 =	vmov s11  }
0x41b: {  	s12 =	sor.u32 s1, s12;
	v4 =	vld.idx.msk [tilespmem:v4+s16+$0x0], $0xffff;
	v5 =	vbroadcast v5, $0x0  }
0x41c: {  	v6 =	vor.u32 s12, v2  }
0x41d: {  	v5 =	vor.u32 v3, v5;
	_ =	sdelay $0x2  }
0x41e: {  	s12 =	sor.u32 $0xB, s10  }
0x41f: {  	s11 =	sshll.u32 s11, $0x7;
	[tilespmem:v6+s23+$0x0] =	vst.idx.msk $0xffff, v4;
	v4 =	vmov s12  }
0x420: {  	s11 =	sor.u32 s1, s11;
	v5 =	vld.idx.msk [tilespmem:v5+s16+$0x0], $0xffff;
	v4 =	vbroadcast v4, $0x0  }
0x421: {  	v6 =	vor.u32 s11, v2  }
0x422: {  	v4 =	vor.u32 v3, v4;
	_ =	sdelay $0x2  }
0x423: {  	s11 =	sor.u32 $0xC, s10  }
0x424: {  	s12 =	sshll.u32 s12, $0x7;
	[tilespmem:v6+s23+$0x0] =	vst.idx.msk $0xffff, v5;
	v5 =	vmov s11  }
0x425: {  	s12 =	sor.u32 s1, s12;
	v4 =	vld.idx.msk [tilespmem:v4+s16+$0x0], $0xffff;
	v5 =	vbroadcast v5, $0x0  }
0x426: {  	v6 =	vor.u32 s12, v2  }
0x427: {  	v5 =	vor.u32 v3, v5;
	_ =	sdelay $0x2  }
0x428: {  	s12 =	sor.u32 $0xD, s10  }
0x429: {  	s11 =	sshll.u32 s11, $0x7;
	[tilespmem:v6+s23+$0x0] =	vst.idx.msk $0xffff, v4;
	v4 =	vmov s12  }
0x42a: {  	s11 =	sor.u32 s1, s11;
	v5 =	vld.idx.msk [tilespmem:v5+s16+$0x0], $0xffff;
	v4 =	vbroadcast v4, $0x0  }
0x42b: {  	v6 =	vor.u32 s11, v2  }
0x42c: {  	v4 =	vor.u32 v3, v4;
	_ =	sdelay $0x2  }
0x42d: {  	s11 =	sor.u32 $0xE, s10  }
0x42e: {  	s12 =	sshll.u32 s12, $0x7;
	[tilespmem:v6+s23+$0x0] =	vst.idx.msk $0xffff, v5;
	v5 =	vmov s11  }
0x42f: {  	s12 =	sor.u32 s1, s12;
	v4 =	vld.idx.msk [tilespmem:v4+s16+$0x0], $0xffff;
	v5 =	vbroadcast v5, $0x0  }
0x430: {  	v6 =	vor.u32 s12, v2  }
0x431: {  	v5 =	vor.u32 v3, v5;
	_ =	sdelay $0x3  }
0x432: {  	s11 =	sshll.u32 s11, $0x7;
	[tilespmem:v6+s23+$0x0] =	vst.idx.msk $0xffff, v4  }
0x433: {  	s11 =	sor.u32 s1, s11;
	v4 =	vld.idx.msk [tilespmem:v5+s16+$0x0], $0xffff  }
.Ltmp5:
0x434: {  	s10 =	sor.u32 $0xF, s10;
	v5 =	vor.u32 s11, v2;
	(pc) =	sbr.rel @p0 .LBB2_12-.Ltmp5, $2  }
0x435: {  	v3 =	vor.u32 s10, v3;
	_ =	sdelay $0x2  }
0x436: {  	s11 =	sand.u32 $0x70, s9;
	s9 =	sadd.s32 $0x10, s9  }
0x437: {  	_ =	sdelay $0x2  }
0x438: {  	v6 =	vor.u32 s11, v0;
	s10 =	sshll.u32 s10, $0x7;
	s9 =	sadd.s32 $0x100, s20  }
0x439: {  	[tilespmem:v5+s23+$0x0] =	vst.idx.msk $0xffff, v4;
	s8 =	sadd.s32 $0x2, s8;
	v4 =	vshll.u32 v6, $0x6;
	s9 =	sand.u32 $0x2000, s9;
	s10 =	sor.u32 s1, s10  }
0x43a: {  	v3 =	vld.idx.msk [tilespmem:v3+s16+$0x0], $0xffff;
	s1 =	sand.u32 $0x30, s8;
	v4 =	vor.u32 s9, v4;
	v2 =	vor.u32 s10, v2  }
0x43b: {  	v5 =	vor.u32 s1, v4;
	_ =	sdelay $0x1  }
0x43c: {  	v7 =	vmov s1  }
0x43d: {  	s10 =	sshll.u32 s1, $0x7;
	v8 =	vor.u32 $0x1, v7  }
0x43e: {  	s8 =	sor.u32 s9, s10;
	[tilespmem:v2+s23+$0x0] =	vst.idx.msk $0xffff, v3;
	v2 =	vand.u32 v1, v6;
	v3 =	vbroadcast v8, $0x0  }
0x43f: {  	v5 =	vld.idx.msk [tilespmem:v5+s16+$0x0], $0xffff;
	v6 =	vor.u32 s8, v2  }
0x440: {  	v3 =	vor.u32 v4, v3;
	_ =	sdelay $0x2  }
0x441: {  	v54 =	vor.u32 $0x2, v7  }
0x442: {  	s11 =	sor.u32 $0x80, s8;
	[tilespmem:v6+s23+$0x0] =	vst.idx.msk $0xffff, v5;
	v5 =	vbroadcast v54, $0x0  }
0x443: {  	v6 =	vor.u32 s11, v2;
	v3 =	vld.idx.msk [tilespmem:v3+s16+$0x0], $0xffff  }
0x444: {  	v5 =	vor.u32 v4, v5;
	_ =	sdelay $0x2  }
0x445: {  	v55 =	vor.u32 $0x3, v7  }
0x446: {  	s12 =	sor.u32 $0x100, s8;
	[tilespmem:v6+s23+$0x0] =	vst.idx.msk $0xffff, v3;
	v3 =	vbroadcast v55, $0x0  }
0x447: {  	v6 =	vor.u32 s12, v2;
	v5 =	vld.idx.msk [tilespmem:v5+s16+$0x0], $0xffff  }
0x448: {  	v3 =	vor.u32 v4, v3;
	_ =	sdelay $0x2  }
0x449: {  	v56 =	vor.u32 $0x4, v7  }
0x44a: {  	s20 =	sor.u32 $0x180, s8;
	[tilespmem:v6+s23+$0x0] =	vst.idx.msk $0xffff, v5;
	v5 =	vbroadcast v56, $0x0  }
0x44b: {  	v6 =	vor.u32 s20, v2;
	v3 =	vld.idx.msk [tilespmem:v3+s16+$0x0], $0xffff  }
0x44c: {  	v5 =	vor.u32 v4, v5;
	_ =	sdelay $0x2  }
0x44d: {  	v57 =	vor.u32 $0x5, v7  }
0x44e: {  	s26 =	sor.u32 $0x200, s8;
	[tilespmem:v6+s23+$0x0] =	vst.idx.msk $0xffff, v3;
	v3 =	vbroadcast v57, $0x0  }
0x44f: {  	v6 =	vor.u32 s26, v2;
	v5 =	vld.idx.msk [tilespmem:v5+s16+$0x0], $0xffff  }
0x450: {  	v3 =	vor.u32 v4, v3;
	_ =	sdelay $0x2  }
0x451: {  	v58 =	vor.u32 $0x6, v7  }
0x452: {  	s28 =	sor.u32 $0x280, s8;
	[tilespmem:v6+s23+$0x0] =	vst.idx.msk $0xffff, v5;
	v5 =	vbroadcast v58, $0x0  }
0x453: {  	v6 =	vor.u32 s28, v2;
	v3 =	vld.idx.msk [tilespmem:v3+s16+$0x0], $0xffff  }
0x454: {  	v5 =	vor.u32 v4, v5;
	_ =	sdelay $0x2  }
0x455: {  	v7 =	vor.u32 $0x7, v7  }
0x456: {  	s31 =	sor.u32 $0x300, s8;
	[tilespmem:v6+s23+$0x0] =	vst.idx.msk $0xffff, v3;
	v3 =	vbroadcast v7, $0x0  }
0x457: {  	v6 =	vor.u32 s31, v2;
	v5 =	vld.idx.msk [tilespmem:v5+s16+$0x0], $0xffff  }
0x458: {  	v3 =	vor.u32 v4, v3;
	_ =	sdelay $0x3  }
0x459: {  	s8 =	sor.u32 $0x380, s8;
	[tilespmem:v6+s23+$0x0] =	vst.idx.msk $0xffff, v5  }
0x45a: {  	s10 =	sor.u32 $0x8, s1;
	v5 =	vor.u32 s8, v2;
	v3 =	vld.idx.msk [tilespmem:v3+s16+$0x0], $0xffff  }
0x45b: {  	v6 =	vor.u32 s10, v4;
	_ =	sdelay $0x1  }
0x45c: {  	s11 =	sor.u32 $0x9, s1  }
0x45d: {  	v7 =	vmov s11;
	s8 =	sshll.u32 s10, $0x7  }
0x45e: {  	s8 =	sor.u32 s9, s8;
	[tilespmem:v5+s23+$0x0] =	vst.idx.msk $0xffff, v3;
	v3 =	vbroadcast v7, $0x0  }
0x45f: {  	v5 =	vld.idx.msk [tilespmem:v6+s16+$0x0], $0xffff;
	v6 =	vor.u32 s8, v2  }
0x460: {  	v3 =	vor.u32 v4, v3;
	_ =	sdelay $0x1  }
0x461: {  	s12 =	sor.u32 $0xA, s1  }
0x462: {  	s10 =	sshll.u32 s11, $0x7;
	v7 =	vmov s12  }
0x463: {  	s10 =	sor.u32 s9, s10;
	[tilespmem:v6+s23+$0x0] =	vst.idx.msk $0xffff, v5;
	v5 =	vbroadcast v7, $0x0  }
0x464: {  	v6 =	vor.u32 s10, v2;
	v3 =	vld.idx.msk [tilespmem:v3+s16+$0x0], $0xffff  }
0x465: {  	v5 =	vor.u32 v4, v5;
	_ =	sdelay $0x1  }
0x466: {  	s20 =	sor.u32 $0xB, s1  }
0x467: {  	s8 =	sshll.u32 s12, $0x7;
	v7 =	vmov s20  }
0x468: {  	s8 =	sor.u32 s9, s8;
	[tilespmem:v6+s23+$0x0] =	vst.idx.msk $0xffff, v3;
	v3 =	vbroadcast v7, $0x0  }
0x469: {  	v6 =	vor.u32 s8, v2;
	v5 =	vld.idx.msk [tilespmem:v5+s16+$0x0], $0xffff  }
0x46a: {  	v3 =	vor.u32 v4, v3;
	_ =	sdelay $0x1  }
0x46b: {  	s26 =	sor.u32 $0xC, s1  }
0x46c: {  	s10 =	sshll.u32 s20, $0x7;
	v7 =	vmov s26  }
0x46d: {  	s10 =	sor.u32 s9, s10;
	[tilespmem:v6+s23+$0x0] =	vst.idx.msk $0xffff, v5;
	v5 =	vbroadcast v7, $0x0  }
0x46e: {  	v6 =	vor.u32 s10, v2;
	v3 =	vld.idx.msk [tilespmem:v3+s16+$0x0], $0xffff  }
0x46f: {  	v5 =	vor.u32 v4, v5;
	_ =	sdelay $0x1  }
0x470: {  	s28 =	sor.u32 $0xD, s1  }
0x471: {  	s8 =	sshll.u32 s26, $0x7;
	v7 =	vmov s28  }
0x472: {  	s8 =	sor.u32 s9, s8;
	[tilespmem:v6+s23+$0x0] =	vst.idx.msk $0xffff, v3;
	v3 =	vbroadcast v7, $0x0  }
0x473: {  	v6 =	vor.u32 s8, v2;
	v5 =	vld.idx.msk [tilespmem:v5+s16+$0x0], $0xffff  }
0x474: {  	v3 =	vor.u32 v4, v3;
	_ =	sdelay $0x1  }
0x475: {  	s31 =	sor.u32 $0xE, s1  }
0x476: {  	s10 =	sshll.u32 s28, $0x7;
	v7 =	vmov s31  }
0x477: {  	s10 =	sor.u32 s9, s10;
	[tilespmem:v6+s23+$0x0] =	vst.idx.msk $0xffff, v5;
	v5 =	vbroadcast v7, $0x0  }
0x478: {  	v6 =	vor.u32 s10, v2;
	v3 =	vld.idx.msk [tilespmem:v3+s16+$0x0], $0xffff  }
0x479: {  	v5 =	vor.u32 v4, v5;
	_ =	sdelay $0x2  }
0x47a: {  	s8 =	sshll.u32 s31, $0x7  }
0x47b: {  	s8 =	sor.u32 s9, s8;
	[tilespmem:v6+s23+$0x0] =	vst.idx.msk $0xffff, v3  }
0x47c: {  	s1 =	sor.u32 $0xF, s1;
	v3 =	vld.idx.msk [tilespmem:v5+s16+$0x0], $0xffff;
	v5 =	vor.u32 s8, v2  }
0x47d: {  	v4 =	vor.u32 s1, v4;
	_ =	sdelay $0x2  }
0x47e: {  	s1 =	sshll.u32 s1, $0x7  }
0x47f: {  	s1 =	sor.u32 s9, s1;
	[tilespmem:v5+s23+$0x0] =	vst.idx.msk $0xffff, v3  }
0x480: {  	v2 =	vor.u32 s1, v2;
	v3 =	vld.idx.msk [tilespmem:v4+s16+$0x0], $0xffff;
	_ =	sdelay $0x4  }
0x481: {  	s20 =	simm.s32 $0x0;
	s9 =	rddreg [dreg:$0x5];
	[tilespmem:v2+s23+$0x0] =	vst.idx.msk $0xffff, v3  }
0x482: {  	[hbm4b:s9+s24] =	stream.strided.scatter [tilespmem:s23], [sflag:$0x3], $0x4000, s25, s24, $0x38;
	[tilespmem:$0x16400] =	vst v63  }
0x483: {  	s10 =	sand.u32 $0x70, s20;
	_ =	swait.ge [sflag:s29], $0x2000  }
0x484: {  	v2 =	vor.u32 s10, v0;
	[sflag:s29] =	ssyncset.done $0x0  }
0x485: {  	s1 =	sand.u32 $0x2000, s20;
	v3 =	vshll.u32 v2, $0x6;
	[sflag:s29] =	ssyncadd.s32 $0xFFFFE000  }
0x486: {  	s8 =	sand.u32 $0x30, s20;
	v3 =	vor.u32 s1, v3;
	_ =	swait.ge [sflag:s29], $0x2000  }
0x487: {  	v4 =	vor.u32 s8, v3;
	[sflag:s29] =	ssyncset.done $0x0  }
0x488: {  	[sflag:s29] =	ssyncadd.s32 $0xFFFFE000  }
0x489: {  	v5 =	vmov s8;
	_ =	swait.ge [sflag:s14], $0x4000  }
0x48a: {  	s11 =	sshll.u32 s8, $0x7;
	v6 =	vor.u32 $0x1, v5;
	[sflag:s14] =	ssyncset.done $0x0  }
0x48b: {  	v6 =	vbroadcast v6, $0x0;
	s9 =	sor.u32 s1, s11;
	v2 =	vand.u32 v1, v2;
	[sflag:s14] =	ssyncadd.s32 $0xFFFFC000  }
0x48c: {  	v7 =	vor.u32 s9, v2;
	v4 =	vld.idx.msk [tilespmem:v4+s19+$0x0], $0xffff  }
0x48d: {  	v6 =	vor.u32 v3, v6;
	_ =	sdelay $0x2  }
0x48e: {  	v59 =	vor.u32 $0x2, v5  }
0x48f: {  	s12 =	sor.u32 $0x80, s9;
	[tilespmem:v7+s30+$0x0] =	vst.idx.msk $0xffff, v4;
	v4 =	vbroadcast v59, $0x0  }
0x490: {  	v7 =	vor.u32 s12, v2;
	v6 =	vld.idx.msk [tilespmem:v6+s19+$0x0], $0xffff  }
0x491: {  	v4 =	vor.u32 v3, v4;
	_ =	sdelay $0x2  }
0x492: {  	v60 =	vor.u32 $0x3, v5  }
0x493: {  	s26 =	sor.u32 $0x100, s9;
	[tilespmem:v7+s30+$0x0] =	vst.idx.msk $0xffff, v6;
	v6 =	vbroadcast v60, $0x0  }
0x494: {  	v7 =	vor.u32 s26, v2;
	v4 =	vld.idx.msk [tilespmem:v4+s19+$0x0], $0xffff  }
0x495: {  	v6 =	vor.u32 v3, v6;
	_ =	sdelay $0x2  }
0x496: {  	v61 =	vor.u32 $0x4, v5  }
0x497: {  	s28 =	sor.u32 $0x180, s9;
	[tilespmem:v7+s30+$0x0] =	vst.idx.msk $0xffff, v4;
	v4 =	vbroadcast v61, $0x0  }
0x498: {  	v7 =	vor.u32 s28, v2;
	v6 =	vld.idx.msk [tilespmem:v6+s19+$0x0], $0xffff  }
0x499: {  	v4 =	vor.u32 v3, v4;
	_ =	sdelay $0x2  }
0x49a: {  	v62 =	vor.u32 $0x5, v5  }
0x49b: {  	s31 =	sor.u32 $0x200, s9;
	[tilespmem:v7+s30+$0x0] =	vst.idx.msk $0xffff, v6;
	v6 =	vbroadcast v62, $0x0  }
0x49c: {  	v7 =	vor.u32 s31, v2;
	v4 =	vld.idx.msk [tilespmem:v4+s19+$0x0], $0xffff  }
0x49d: {  	v6 =	vor.u32 v3, v6;
	_ =	sdelay $0x2  }
0x49e: {  	v63 =	vor.u32 $0x6, v5  }
0x49f: {  	s11 =	sor.u32 $0x280, s9;
	[tilespmem:v7+s30+$0x0] =	vst.idx.msk $0xffff, v4;
	v4 =	vbroadcast v63, $0x0  }
0x4a0: {  	v7 =	vor.u32 s11, v2;
	v6 =	vld.idx.msk [tilespmem:v6+s19+$0x0], $0xffff  }
0x4a1: {  	v4 =	vor.u32 v3, v4;
	_ =	sdelay $0x2  }
0x4a2: {  	v5 =	vor.u32 $0x7, v5  }
0x4a3: {  	v5 =	vbroadcast v5, $0x0;
	s12 =	sor.u32 $0x300, s9;
	[tilespmem:v7+s30+$0x0] =	vst.idx.msk $0xffff, v6  }
0x4a4: {  	v6 =	vor.u32 s12, v2;
	v4 =	vld.idx.msk [tilespmem:v4+s19+$0x0], $0xffff  }
0x4a5: {  	v5 =	vor.u32 v3, v5;
	_ =	sdelay $0x3  }
0x4a6: {  	s9 =	sor.u32 $0x380, s9;
	[tilespmem:v6+s30+$0x0] =	vst.idx.msk $0xffff, v4  }
0x4a7: {  	s26 =	sor.u32 $0x8, s8;
	v4 =	vld.idx.msk [tilespmem:v5+s19+$0x0], $0xffff;
	v5 =	vor.u32 s9, v2  }
0x4a8: {  	v6 =	vor.u32 s26, v3;
	_ =	sdelay $0x1  }
0x4a9: {  	s28 =	sor.u32 $0x9, s8  }
0x4aa: {  	v7 =	vmov s28;
	s9 =	sshll.u32 s26, $0x7  }
0x4ab: {  	s9 =	sor.u32 s1, s9;
	[tilespmem:v5+s30+$0x0] =	vst.idx.msk $0xffff, v4;
	v4 =	vbroadcast v7, $0x0  }
0x4ac: {  	v5 =	vld.idx.msk [tilespmem:v6+s19+$0x0], $0xffff;
	v6 =	vor.u32 s9, v2  }
0x4ad: {  	v4 =	vor.u32 v3, v4;
	_ =	sdelay $0x1  }
0x4ae: {  	s31 =	sor.u32 $0xA, s8  }
0x4af: {  	s10 =	sshll.u32 s28, $0x7;
	v7 =	vmov s31  }
0x4b0: {  	s10 =	sor.u32 s1, s10;
	[tilespmem:v6+s30+$0x0] =	vst.idx.msk $0xffff, v5;
	v5 =	vbroadcast v7, $0x0  }
0x4b1: {  	v6 =	vor.u32 s10, v2;
	v4 =	vld.idx.msk [tilespmem:v4+s19+$0x0], $0xffff  }
0x4b2: {  	v5 =	vor.u32 v3, v5;
	_ =	sdelay $0x1  }
0x4b3: {  	s11 =	sor.u32 $0xB, s8  }
0x4b4: {  	s9 =	sshll.u32 s31, $0x7;
	v7 =	vmov s11  }
0x4b5: {  	s9 =	sor.u32 s1, s9;
	[tilespmem:v6+s30+$0x0] =	vst.idx.msk $0xffff, v4;
	v4 =	vbroadcast v7, $0x0  }
0x4b6: {  	v6 =	vor.u32 s9, v2;
	v5 =	vld.idx.msk [tilespmem:v5+s19+$0x0], $0xffff  }
0x4b7: {  	v4 =	vor.u32 v3, v4;
	_ =	sdelay $0x1  }
0x4b8: {  	s12 =	sor.u32 $0xC, s8  }
0x4b9: {  	s10 =	sshll.u32 s11, $0x7;
	v7 =	vmov s12  }
0x4ba: {  	s10 =	sor.u32 s1, s10;
	[tilespmem:v6+s30+$0x0] =	vst.idx.msk $0xffff, v5;
	v5 =	vbroadcast v7, $0x0  }
0x4bb: {  	v6 =	vor.u32 s10, v2;
	v4 =	vld.idx.msk [tilespmem:v4+s19+$0x0], $0xffff  }
0x4bc: {  	v5 =	vor.u32 v3, v5;
	_ =	sdelay $0x1  }
0x4bd: {  	s26 =	sor.u32 $0xD, s8  }
0x4be: {  	s9 =	sshll.u32 s12, $0x7;
	v7 =	vmov s26  }
0x4bf: {  	s9 =	sor.u32 s1, s9;
	[tilespmem:v6+s30+$0x0] =	vst.idx.msk $0xffff, v4;
	v4 =	vbroadcast v7, $0x0  }
0x4c0: {  	v6 =	vor.u32 s9, v2;
	v5 =	vld.idx.msk [tilespmem:v5+s19+$0x0], $0xffff  }
0x4c1: {  	v4 =	vor.u32 v3, v4;
	_ =	sdelay $0x1  }
0x4c2: {  	s28 =	sor.u32 $0xE, s8  }
0x4c3: {  	s10 =	sshll.u32 s26, $0x7;
	v7 =	vmov s28  }
0x4c4: {  	s10 =	sor.u32 s1, s10;
	[tilespmem:v6+s30+$0x0] =	vst.idx.msk $0xffff, v5;
	v5 =	vbroadcast v7, $0x0  }
0x4c5: {  	v6 =	vor.u32 s10, v2;
	v4 =	vld.idx.msk [tilespmem:v4+s19+$0x0], $0xffff  }
0x4c6: {  	v5 =	vor.u32 v3, v5;
	_ =	sdelay $0x2  }
0x4c7: {  	s9 =	sshll.u32 s28, $0x7  }
0x4c8: {  	s9 =	sor.u32 s1, s9;
	[tilespmem:v6+s30+$0x0] =	vst.idx.msk $0xffff, v4  }
0x4c9: {  	s10 =	sor.u32 $0xF, s8;
	v4 =	vld.idx.msk [tilespmem:v5+s19+$0x0], $0xffff;
	v5 =	vor.u32 s9, v2  }
0x4ca: {  	v3 =	vor.u32 s10, v3;
	_ =	sdelay $0x1  }
0x4cb: {  	s31 =	simm.s32 $0x10  }
0x4cc: {  	s11 =	sand.u32 $0x70, s31;
	s8 =	simm.s32 $0x0;
	s9 =	simm.s32 $0x20  }
.LBB2_14:
0x4cd: {  	p0 =	sne.s32 s9, $0x3F0;
	v6 =	vor.u32 s11, v0;
	[tilespmem:v5+s30+$0x0] =	vst.idx.msk $0xffff, v4;
	s10 =	sshll.u32 s10, $0x7;
	s20 =	sadd.s32 $0x100, s20  }
0x4ce: {  	s8 =	sadd.s32 $0x2, s8;
	v4 =	vshll.u32 v6, $0x6;
	s11 =	sor.u32 s1, s10;
	s1 =	sand.u32 $0x2000, s20;
	v5 =	vld.idx.msk [tilespmem:v3+s19+$0x0], $0xffff  }
0x4cf: {  	s10 =	sand.u32 $0x30, s8;
	v3 =	vor.u32 s1, v4;
	v2 =	vor.u32 s11, v2  }
0x4d0: {  	v4 =	vor.u32 s10, v3;
	_ =	sdelay $0x2  }
0x4d1: {  	v7 =	vmov s10  }
0x4d2: {  	s11 =	sshll.u32 s10, $0x7;
	v8 =	vor.u32 $0x1, v7;
	[tilespmem:v2+s30+$0x0] =	vst.idx.msk $0xffff, v5  }
0x4d3: {  	s11 =	sor.u32 s1, s11;
	v2 =	vand.u32 v1, v6;
	v5 =	vbroadcast v8, $0x0;
	v4 =	vld.idx.msk [tilespmem:v4+s19+$0x0], $0xffff  }
0x4d4: {  	v6 =	vor.u32 s11, v2  }
0x4d5: {  	v5 =	vor.u32 v3, v5;
	_ =	sdelay $0x3  }
0x4d6: {  	[tilespmem:v6+s30+$0x0] =	vst.idx.msk $0xffff, v4;
	v4 =	vor.u32 $0x2, v7  }
0x4d7: {  	s12 =	sor.u32 $0x80, s11;
	v5 =	vld.idx.msk [tilespmem:v5+s19+$0x0], $0xffff;
	v4 =	vbroadcast v4, $0x0  }
0x4d8: {  	v6 =	vor.u32 s12, v2  }
0x4d9: {  	v4 =	vor.u32 v3, v4;
	_ =	sdelay $0x3  }
0x4da: {  	[tilespmem:v6+s30+$0x0] =	vst.idx.msk $0xffff, v5;
	v5 =	vor.u32 $0x3, v7  }
0x4db: {  	s12 =	sor.u32 $0x100, s11;
	v4 =	vld.idx.msk [tilespmem:v4+s19+$0x0], $0xffff;
	v5 =	vbroadcast v5, $0x0  }
0x4dc: {  	v6 =	vor.u32 s12, v2  }
0x4dd: {  	v5 =	vor.u32 v3, v5;
	_ =	sdelay $0x3  }
0x4de: {  	[tilespmem:v6+s30+$0x0] =	vst.idx.msk $0xffff, v4;
	v4 =	vor.u32 $0x4, v7  }
0x4df: {  	s12 =	sor.u32 $0x180, s11;
	v5 =	vld.idx.msk [tilespmem:v5+s19+$0x0], $0xffff;
	v4 =	vbroadcast v4, $0x0  }
0x4e0: {  	v6 =	vor.u32 s12, v2  }
0x4e1: {  	v4 =	vor.u32 v3, v4;
	_ =	sdelay $0x3  }
0x4e2: {  	[tilespmem:v6+s30+$0x0] =	vst.idx.msk $0xffff, v5;
	v5 =	vor.u32 $0x5, v7  }
0x4e3: {  	s12 =	sor.u32 $0x200, s11;
	v4 =	vld.idx.msk [tilespmem:v4+s19+$0x0], $0xffff;
	v5 =	vbroadcast v5, $0x0  }
0x4e4: {  	v6 =	vor.u32 s12, v2  }
0x4e5: {  	v5 =	vor.u32 v3, v5;
	_ =	sdelay $0x3  }
0x4e6: {  	[tilespmem:v6+s30+$0x0] =	vst.idx.msk $0xffff, v4;
	v4 =	vor.u32 $0x6, v7  }
0x4e7: {  	s12 =	sor.u32 $0x280, s11;
	v5 =	vld.idx.msk [tilespmem:v5+s19+$0x0], $0xffff;
	v4 =	vbroadcast v4, $0x0  }
0x4e8: {  	v6 =	vor.u32 s12, v2  }
0x4e9: {  	v4 =	vor.u32 v3, v4;
	_ =	sdelay $0x3  }
0x4ea: {  	[tilespmem:v6+s30+$0x0] =	vst.idx.msk $0xffff, v5;
	v5 =	vor.u32 $0x7, v7  }
0x4eb: {  	s12 =	sor.u32 $0x300, s11;
	v4 =	vld.idx.msk [tilespmem:v4+s19+$0x0], $0xffff;
	v5 =	vbroadcast v5, $0x0  }
0x4ec: {  	v6 =	vor.u32 s12, v2  }
0x4ed: {  	v5 =	vor.u32 v3, v5;
	_ =	sdelay $0x3  }
0x4ee: {  	[tilespmem:v6+s30+$0x0] =	vst.idx.msk $0xffff, v4  }
0x4ef: {  	s11 =	sor.u32 $0x380, s11;
	v4 =	vld.idx.msk [tilespmem:v5+s19+$0x0], $0xffff  }
0x4f0: {  	v5 =	vor.u32 s11, v2;
	s11 =	sor.u32 $0x8, s10  }
0x4f1: {  	v6 =	vor.u32 s11, v3;
	_ =	sdelay $0x2  }
0x4f2: {  	s12 =	sor.u32 $0x9, s10  }
0x4f3: {  	s11 =	sshll.u32 s11, $0x7;
	[tilespmem:v5+s30+$0x0] =	vst.idx.msk $0xffff, v4;
	v4 =	vmov s12  }
0x4f4: {  	s11 =	sor.u32 s1, s11;
	v5 =	vld.idx.msk [tilespmem:v6+s19+$0x0], $0xffff;
	v4 =	vbroadcast v4, $0x0  }
0x4f5: {  	v6 =	vor.u32 s11, v2  }
0x4f6: {  	v4 =	vor.u32 v3, v4;
	_ =	sdelay $0x2  }
0x4f7: {  	s11 =	sor.u32 $0xA, s10  }
0x4f8: {  	s12 =	sshll.u32 s12, $0x7;
	[tilespmem:v6+s30+$0x0] =	vst.idx.msk $0xffff, v5;
	v5 =	vmov s11  }
0x4f9: {  	s12 =	sor.u32 s1, s12;
	v4 =	vld.idx.msk [tilespmem:v4+s19+$0x0], $0xffff;
	v5 =	vbroadcast v5, $0x0  }
0x4fa: {  	v6 =	vor.u32 s12, v2  }
0x4fb: {  	v5 =	vor.u32 v3, v5;
	_ =	sdelay $0x2  }
0x4fc: {  	s12 =	sor.u32 $0xB, s10  }
0x4fd: {  	s11 =	sshll.u32 s11, $0x7;
	[tilespmem:v6+s30+$0x0] =	vst.idx.msk $0xffff, v4;
	v4 =	vmov s12  }
0x4fe: {  	s11 =	sor.u32 s1, s11;
	v5 =	vld.idx.msk [tilespmem:v5+s19+$0x0], $0xffff;
	v4 =	vbroadcast v4, $0x0  }
0x4ff: {  	v6 =	vor.u32 s11, v2  }
0x500: {  	v4 =	vor.u32 v3, v4;
	_ =	sdelay $0x2  }
0x501: {  	s11 =	sor.u32 $0xC, s10  }
0x502: {  	s12 =	sshll.u32 s12, $0x7;
	[tilespmem:v6+s30+$0x0] =	vst.idx.msk $0xffff, v5;
	v5 =	vmov s11  }
0x503: {  	s12 =	sor.u32 s1, s12;
	v4 =	vld.idx.msk [tilespmem:v4+s19+$0x0], $0xffff;
	v5 =	vbroadcast v5, $0x0  }
0x504: {  	v6 =	vor.u32 s12, v2  }
0x505: {  	v5 =	vor.u32 v3, v5;
	_ =	sdelay $0x2  }
0x506: {  	s12 =	sor.u32 $0xD, s10  }
0x507: {  	s11 =	sshll.u32 s11, $0x7;
	[tilespmem:v6+s30+$0x0] =	vst.idx.msk $0xffff, v4;
	v4 =	vmov s12  }
0x508: {  	s11 =	sor.u32 s1, s11;
	v5 =	vld.idx.msk [tilespmem:v5+s19+$0x0], $0xffff;
	v4 =	vbroadcast v4, $0x0  }
0x509: {  	v6 =	vor.u32 s11, v2  }
0x50a: {  	v4 =	vor.u32 v3, v4;
	_ =	sdelay $0x2  }
0x50b: {  	s11 =	sor.u32 $0xE, s10  }
0x50c: {  	s12 =	sshll.u32 s12, $0x7;
	[tilespmem:v6+s30+$0x0] =	vst.idx.msk $0xffff, v5;
	v5 =	vmov s11  }
0x50d: {  	s12 =	sor.u32 s1, s12;
	v4 =	vld.idx.msk [tilespmem:v4+s19+$0x0], $0xffff;
	v5 =	vbroadcast v5, $0x0  }
0x50e: {  	v6 =	vor.u32 s12, v2  }
0x50f: {  	v5 =	vor.u32 v3, v5;
	_ =	sdelay $0x3  }
0x510: {  	s11 =	sshll.u32 s11, $0x7;
	[tilespmem:v6+s30+$0x0] =	vst.idx.msk $0xffff, v4  }
0x511: {  	s11 =	sor.u32 s1, s11;
	v4 =	vld.idx.msk [tilespmem:v5+s19+$0x0], $0xffff  }
.Ltmp6:
0x512: {  	s10 =	sor.u32 $0xF, s10;
	v5 =	vor.u32 s11, v2;
	(pc) =	sbr.rel @p0 .LBB2_14-.Ltmp6, $2  }
0x513: {  	v3 =	vor.u32 s10, v3;
	_ =	sdelay $0x2  }
0x514: {  	s11 =	sand.u32 $0x70, s9;
	s9 =	sadd.s32 $0x10, s9  }
0x515: {  	_ =	sdelay $0x2  }
0x516: {  	v6 =	vor.u32 s11, v0;
	s10 =	sshll.u32 s10, $0x7;
	s9 =	sadd.s32 $0x100, s20  }
0x517: {  	[tilespmem:v5+s30+$0x0] =	vst.idx.msk $0xffff, v4;
	s12 =	sadd.s32 $0x2, s8;
	v30 =	vshll.u32 v6, $0x6;
	s9 =	sand.u32 $0x2000, s9;
	s10 =	sor.u32 s1, s10  }
0x518: {  	v3 =	vld.idx.msk [tilespmem:v3+s19+$0x0], $0xffff;
	s1 =	sand.u32 $0x30, s12;
	v4 =	vor.u32 s9, v30;
	v2 =	vor.u32 s10, v2  }
0x519: {  	v31 =	vor.u32 s1, v4;
	_ =	sdelay $0x1  }
0x51a: {  	v7 =	vmov s1  }
0x51b: {  	s20 =	sshll.u32 s1, $0x7;
	v8 =	vor.u32 $0x1, v7  }
0x51c: {  	s8 =	sor.u32 s9, s20;
	[tilespmem:v2+s30+$0x0] =	vst.idx.msk $0xffff, v3;
	v2 =	vand.u32 v1, v6;
	v3 =	vbroadcast v8, $0x0  }
0x51d: {  	v5 =	vld.idx.msk [tilespmem:v31+s19+$0x0], $0xffff;
	v6 =	vor.u32 s8, v2  }
0x51e: {  	v3 =	vor.u32 v4, v3;
	_ =	sdelay $0x2  }
0x51f: {  	v32 =	vor.u32 $0x2, v7  }
0x520: {  	s26 =	sor.u32 $0x80, s8;
	v33 =	vbroadcast v32, $0x0;
	[tilespmem:v6+s30+$0x0] =	vst.idx.msk $0xffff, v5  }
0x521: {  	v34 =	vor.u32 s26, v2;
	v3 =	vld.idx.msk [tilespmem:v3+s19+$0x0], $0xffff  }
0x522: {  	v5 =	vor.u32 v4, v33;
	_ =	sdelay $0x2  }
0x523: {  	v35 =	vor.u32 $0x3, v7  }
0x524: {  	s28 =	sor.u32 $0x100, s8;
	[tilespmem:v34+s30+$0x0] =	vst.idx.msk $0xffff, v3;
	v3 =	vbroadcast v35, $0x0  }
0x525: {  	v36 =	vor.u32 s28, v2;
	v5 =	vld.idx.msk [tilespmem:v5+s19+$0x0], $0xffff  }
0x526: {  	v3 =	vor.u32 v4, v3;
	_ =	sdelay $0x2  }
0x527: {  	v37 =	vor.u32 $0x4, v7  }
0x528: {  	s31 =	sor.u32 $0x180, s8;
	v38 =	vbroadcast v37, $0x0;
	[tilespmem:v36+s30+$0x0] =	vst.idx.msk $0xffff, v5  }
0x529: {  	v39 =	vor.u32 s31, v2;
	v3 =	vld.idx.msk [tilespmem:v3+s19+$0x0], $0xffff  }
0x52a: {  	v5 =	vor.u32 v4, v38;
	_ =	sdelay $0x2  }
0x52b: {  	v40 =	vor.u32 $0x5, v7  }
0x52c: {  	s11 =	sor.u32 $0x200, s8;
	[tilespmem:v39+s30+$0x0] =	vst.idx.msk $0xffff, v3;
	v3 =	vbroadcast v40, $0x0  }
0x52d: {  	v41 =	vor.u32 s11, v2;
	v5 =	vld.idx.msk [tilespmem:v5+s19+$0x0], $0xffff  }
0x52e: {  	v3 =	vor.u32 v4, v3;
	_ =	sdelay $0x2  }
0x52f: {  	v42 =	vor.u32 $0x6, v7  }
0x530: {  	s12 =	sor.u32 $0x280, s8;
	v43 =	vbroadcast v42, $0x0;
	[tilespmem:v41+s30+$0x0] =	vst.idx.msk $0xffff, v5  }
0x531: {  	v44 =	vor.u32 s12, v2;
	v3 =	vld.idx.msk [tilespmem:v3+s19+$0x0], $0xffff  }
0x532: {  	v5 =	vor.u32 v4, v43;
	_ =	sdelay $0x2  }
0x533: {  	v7 =	vor.u32 $0x7, v7  }
0x534: {  	s20 =	sor.u32 $0x300, s8;
	[tilespmem:v44+s30+$0x0] =	vst.idx.msk $0xffff, v3;
	v3 =	vbroadcast v7, $0x0  }
0x535: {  	v45 =	vor.u32 s20, v2;
	v5 =	vld.idx.msk [tilespmem:v5+s19+$0x0], $0xffff  }
0x536: {  	v3 =	vor.u32 v4, v3;
	_ =	sdelay $0x3  }
0x537: {  	s8 =	sor.u32 $0x380, s8;
	[tilespmem:v45+s30+$0x0] =	vst.idx.msk $0xffff, v5  }
0x538: {  	s26 =	sor.u32 $0x8, s1;
	v46 =	vor.u32 s8, v2;
	v3 =	vld.idx.msk [tilespmem:v3+s19+$0x0], $0xffff  }
0x539: {  	v47 =	vor.u32 s26, v4;
	_ =	sdelay $0x1  }
0x53a: {  	s28 =	sor.u32 $0x9, s1  }
0x53b: {  	s8 =	sshll.u32 s26, $0x7;
	v48 =	vmov s28  }
0x53c: {  	s8 =	sor.u32 s9, s8;
	[tilespmem:v46+s30+$0x0] =	vst.idx.msk $0xffff, v3;
	v3 =	vbroadcast v48, $0x0  }
0x53d: {  	v49 =	vor.u32 s8, v2;
	v5 =	vld.idx.msk [tilespmem:v47+s19+$0x0], $0xffff  }
0x53e: {  	v3 =	vor.u32 v4, v3;
	_ =	sdelay $0x1  }
0x53f: {  	s31 =	sor.u32 $0xA, s1  }
0x540: {  	s10 =	sshll.u32 s28, $0x7;
	v50 =	vmov s31  }
0x541: {  	s10 =	sor.u32 s9, s10;
	v51 =	vbroadcast v50, $0x0;
	[tilespmem:v49+s30+$0x0] =	vst.idx.msk $0xffff, v5  }
0x542: {  	v52 =	vor.u32 s10, v2;
	v3 =	vld.idx.msk [tilespmem:v3+s19+$0x0], $0xffff  }
0x543: {  	v5 =	vor.u32 v4, v51;
	_ =	sdelay $0x1  }
0x544: {  	s11 =	sor.u32 $0xB, s1  }
0x545: {  	v53 =	vmov s11;
	s8 =	sshll.u32 s31, $0x7  }
0x546: {  	s8 =	sor.u32 s9, s8;
	[tilespmem:v52+s30+$0x0] =	vst.idx.msk $0xffff, v3;
	v3 =	vbroadcast v53, $0x0  }
0x547: {  	v54 =	vor.u32 s8, v2;
	v5 =	vld.idx.msk [tilespmem:v5+s19+$0x0], $0xffff  }
0x548: {  	v3 =	vor.u32 v4, v3;
	_ =	sdelay $0x1  }
0x549: {  	s12 =	sor.u32 $0xC, s1  }
0x54a: {  	v55 =	vmov s12;
	s10 =	sshll.u32 s11, $0x7  }
0x54b: {  	v56 =	vbroadcast v55, $0x0;
	s10 =	sor.u32 s9, s10;
	[tilespmem:v54+s30+$0x0] =	vst.idx.msk $0xffff, v5  }
0x54c: {  	v57 =	vor.u32 s10, v2;
	v3 =	vld.idx.msk [tilespmem:v3+s19+$0x0], $0xffff  }
0x54d: {  	v5 =	vor.u32 v4, v56;
	_ =	sdelay $0x1  }
0x54e: {  	s20 =	sor.u32 $0xD, s1  }
0x54f: {  	v58 =	vmov s20;
	s8 =	sshll.u32 s12, $0x7  }
0x550: {  	s8 =	sor.u32 s9, s8;
	[tilespmem:v57+s30+$0x0] =	vst.idx.msk $0xffff, v3;
	v3 =	vbroadcast v58, $0x0  }
0x551: {  	v59 =	vor.u32 s8, v2;
	v5 =	vld.idx.msk [tilespmem:v5+s19+$0x0], $0xffff  }
0x552: {  	v3 =	vor.u32 v4, v3;
	_ =	sdelay $0x1  }
0x553: {  	s26 =	sor.u32 $0xE, s1  }
0x554: {  	v60 =	vmov s26;
	s10 =	sshll.u32 s20, $0x7  }
0x555: {  	v61 =	vbroadcast v60, $0x0;
	s10 =	sor.u32 s9, s10;
	[tilespmem:v59+s30+$0x0] =	vst.idx.msk $0xffff, v5  }
0x556: {  	v62 =	vor.u32 s10, v2;
	v3 =	vld.idx.msk [tilespmem:v3+s19+$0x0], $0xffff  }
0x557: {  	v5 =	vor.u32 v4, v61;
	_ =	sdelay $0x2  }
0x558: {  	s8 =	sshll.u32 s26, $0x7  }
0x559: {  	s8 =	sor.u32 s9, s8;
	[tilespmem:v62+s30+$0x0] =	vst.idx.msk $0xffff, v3  }
0x55a: {  	s1 =	sor.u32 $0xF, s1;
	v63 =	vor.u32 s8, v2;
	v3 =	vld.idx.msk [tilespmem:v5+s19+$0x0], $0xffff  }
0x55b: {  	v4 =	vor.u32 s1, v4;
	_ =	sdelay $0x2  }
0x55c: {  	s1 =	sshll.u32 s1, $0x7  }
0x55d: {  	s1 =	sor.u32 s9, s1;
	[tilespmem:v63+s30+$0x0] =	vst.idx.msk $0xffff, v3  }
0x55e: {  	v2 =	vor.u32 s1, v2;
	v3 =	vld.idx.msk [tilespmem:v4+s19+$0x0], $0xffff;
	_ =	sdelay $0x4  }
0x55f: {  	s28 =	rddreg [dreg:$0x6];
	[tilespmem:v2+s30+$0x0] =	vst.idx.msk $0xffff, v3  }
0x560: {  	[hbm4b:s28+s24] =	stream.strided.scatter [tilespmem:s30], [sflag:$0x4], $0x4000, s25, s24, $0x38;
	[tilespmem:$0x16400] =	vst v63  }
0x561: {  	_ =	swait.ge [sflag:s0], $0x4000  }
0x562: {  	[sflag:s0] =	ssyncset.done $0x0  }
0x563: {  	[sflag:s0] =	ssyncadd.s32 $0xFFFFC000  }
0x564: {  	_ =	swait.ge [sflag:s14], $0x4000  }
0x565: {  	s18 =	sadd.s32 $0x1, s18;
	s31 =	rddreg [dreg:$0x7]  }
0x566: {  	p0 =	sne.s32 s18, s31  }
.Ltmp7:
0x567: {  	_ = 	snop;
	(pc) =	sbr.rel @p0 .LBB2_1-.Ltmp7, $3  }
0x568: {  	_ =	sdelay $0x1  }
0x569: {  	[sflag:s14] =	ssyncset.done $0x0  }
0x56a: {  	[sflag:s14] =	ssyncadd.s32 $0xFFFFC000  }
0x56b: {  	_ =	sfence.sel $0x180000  }
0x56c: {  	[bflag:$0x0] =	sbarrier.arrive $0xFFFF  }
0x56d: {  	_ =	strace $0x90000047  }
0x56e: {  	s0 =	stileid.u32;
	[bflag:$0x2] =	sbarrier.arrive $0xFFFF  }
0x56f: {  	p0 =	sne.s32 s0, $0x0;
	s0 =	rddreg [dreg:$0x2]  }
0x570: {  	s0 =	sadd.s32 @!p0 $0x100000, s0  }
0x571: {  	[sflag:s0] =	ssyncadd.tile.s32 @!p0 $0x1;
	_ =	shalt  }
.Lfunc_end2:
_tile_overlayer_lowered:
.L_overlay_start_2:
0x572: {  	(tag) =	ssettag $0x2  }
0x573: {  	s0 =	rddreg [dreg:$0x0];
	s2 =	stileid.u32  }
0x574: {  	s1 =	rddreg [dreg:$0x1];
	p0 =	sne.s32 s2, $0x0  }
0x575: {  	s3 =	rddreg [dreg:$0x2];
	[bflag:$0x3] =	sbarrier.arrive $0xFFFF;
	s2 =	simm.s32 @!p0 $0x1C05  }
0x576: {  	[timem:s3], [sflag:s2] =	dma.local @!p0 [hbm:s0], s1  }
0x577: {  	s0 =	simm.s32 @!p0 $0x5  }
0x578: {  	_ =	swait.ge @!p0 [sflag:s0], s1  }
0x579: {  	s1 =	ssub.s32 @!p0 $0x0, s1;
	[sflag:s0] =	ssyncset.done @!p0 $0x0  }
0x57a: {  	[sflag:s0] =	ssyncadd.s32 @!p0 s1  }
0x57b: {  	[bflag:$0x3] =	sbarrier.arrive $0xFFFF  }
0x57c: {  	_ =	shalt  }

</sc_bundles>
